<compile_context>
chip_gen: v7x
topology: tpu7x:2x2x1
jax: 0.10.2.dev20260603
libtpu: 0.0.44.dev20260713+nightly
codegen_flags: <defaults>
</compile_context>

<pallas_src>
import numpy as np
import jax
import jax.numpy as jnp
from jax import lax
from jax.experimental import pallas as pl
from jax.experimental.pallas import tpu as pltpu
from jax.experimental.pallas import tpu_sc as plsc

_NUM_ACT = 96
_NUM_KNOTS = 64
_X_MIN = -4.0
_X_MAX = 4.0
_STEP = (_X_MAX - _X_MIN) / (_NUM_KNOTS - 1)
_INV_STEP = (_NUM_KNOTS - 1) / (_X_MAX - _X_MIN)
_XS_TOP = float(np.float32(np.float32(_X_MAX - _STEP) - np.float32(_X_MIN)))
_T_TOP = float(np.float32(np.float32(_XS_TOP) / np.float32(_STEP)))

_NC, _NS, _L = 2, 16, 16
_NW = _NC * _NS

_B, _C, _H, _W = 4, 96, 384, 384
_IMGS = _B * _C
_IMGS_PER = _IMGS // _NW
_HCHUNK = 64
_NCHUNK = _H // _HCHUNK
_WVECS = _W // _L
_NTOT = _IMGS_PER * _NCHUNK


def _project_body(cs_ref, c_ref, d_ref):
    cs = cs_ref[...]
    i2 = lax.broadcasted_iota(jnp.int32, (_NUM_KNOTS, _NUM_KNOTS), 0)
    j2 = lax.broadcasted_iota(jnp.int32, (_NUM_KNOTS, _NUM_KNOTS), 1)
    col = lax.broadcasted_iota(jnp.int32, (_NUM_ACT, _NUM_KNOTS), 1)

    hi = jax.lax.Precision.HIGHEST
    m_prev = (i2 == (j2 - 1)).astype(jnp.float32)
    prev = jnp.dot(cs, m_prev, precision=hi, preferred_element_type=jnp.float32)
    s = (cs - prev) * jnp.float32(1.0 / _STEP)
    s = jnp.where((col >= 2) & (col <= _NUM_KNOTS - 2), s, 0.0)
    tri = (i2 <= j2).astype(jnp.float32)
    new_cs = jnp.dot(s, tri, precision=hi, preferred_element_type=jnp.float32) * jnp.float32(_STEP)
    adj = jnp.mean(cs - new_cs, axis=1, keepdims=True)
    c = new_cs + adj
    m_next = (i2 == (j2 + 1)).astype(jnp.float32)
    nxt = jnp.dot(c, m_next, precision=hi, preferred_element_type=jnp.float32)
    d = jnp.where(col <= _NUM_KNOTS - 2, nxt - c, 0.0)
    c_ref[...] = c
    d_ref[...] = d


def _project_tables(coefficients):
    return pl.pallas_call(
        _project_body,
        out_shape=[
            jax.ShapeDtypeStruct((_NUM_ACT, _NUM_KNOTS), jnp.float32),
            jax.ShapeDtypeStruct((_NUM_ACT, _NUM_KNOTS), jnp.float32),
        ],
    )(coefficients)


def _sc_body(x_hbm, c_hbm, d_hbm, out_hbm,
             in0, in1, out0, out1, crow, drow,
             sin0, sin1, sout0, sout1):
    wid = lax.axis_index("s") * _NC + lax.axis_index("c")
    inbufs = (in0, in1)
    outbufs = (out0, out1)
    sins = (sin0, sin1)
    souts = (sout0, sout1)

    def x_slice(k):
        img = wid * _IMGS_PER + k // _NCHUNK
        ck = lax.rem(k, _NCHUNK)
        return x_hbm.at[img, pl.ds(ck * _HCHUNK, _HCHUNK), :]

    def o_slice(k):
        img = wid * _IMGS_PER + k // _NCHUNK
        ck = lax.rem(k, _NCHUNK)
        return out_hbm.at[img, pl.ds(ck * _HCHUNK, _HCHUNK), :]

    pltpu.async_copy(x_slice(0), inbufs[0], sins[0])

    def do_chunk(k, carry):
        b = lax.rem(k, 2)
        ck = lax.rem(k, _NCHUNK)

        @pl.when(ck == 0)
        def _():
            img = wid * _IMGS_PER + k // _NCHUNK
            chan = lax.rem(img, _NUM_ACT)
            pltpu.sync_copy(c_hbm.at[chan], crow)
            pltpu.sync_copy(d_hbm.at[chan], drow)

        for bb in range(2):
            @pl.when(b == bb)
            def _():
                ib = inbufs[bb]
                ob = outbufs[bb]

                @pl.when(k + 1 < _NTOT)
                def _():
                    pltpu.async_copy(
                        x_slice(k + 1), inbufs[1 - bb], sins[1 - bb])

                pltpu.make_async_copy(x_slice(k), ib, sins[bb]).wait()
                @pl.when(k >= 2)
                def _():
                    pltpu.make_async_copy(
                        ob, o_slice(k - 2), souts[bb]).wait()

                @plsc.parallel_loop(0, _HCHUNK, step=1, unroll=1)
                def _compute(rr):
                    for u in range(_WVECS):
                        off = u * _L
                        xv = ib[rr, pl.ds(off, _L)]
                        t = (xv - jnp.float32(_X_MIN)) * jnp.float32(_INV_STEP)
                        tcl = jnp.minimum(jnp.maximum(t, 0.0),
                                          jnp.float32(_T_TOP))
                        idx = tcl.astype(jnp.int32)
                        fr = t - idx.astype(jnp.float32)
                        c0 = plsc.load_gather(crow, [idx])
                        dd = plsc.load_gather(drow, [idx])
                        ob[rr, pl.ds(off, _L)] = c0 + dd * fr

                pltpu.async_copy(ob, o_slice(k), souts[bb])
        return carry

    lax.fori_loop(0, _NTOT, do_chunk, 0)
    pltpu.make_async_copy(outbufs[0], o_slice(_NTOT - 2), souts[0]).wait()
    pltpu.make_async_copy(outbufs[1], o_slice(_NTOT - 1), souts[1]).wait()


@jax.jit
def kernel(x, coefficients):
    ctab, dtab = _project_tables(coefficients)
    xf = x.reshape(_IMGS, _H, _W)

    mesh = plsc.VectorSubcoreMesh(core_axis_name="c", subcore_axis_name="s")
    run = pl.kernel(
        _sc_body,
        out_type=jax.ShapeDtypeStruct((_IMGS, _H, _W), jnp.float32),
        mesh=mesh,
        compiler_params=pltpu.CompilerParams(needs_layout_passes=False),
        scratch_types=[
            pltpu.VMEM((_HCHUNK, _W), jnp.float32),
            pltpu.VMEM((_HCHUNK, _W), jnp.float32),
            pltpu.VMEM((_HCHUNK, _W), jnp.float32),
            pltpu.VMEM((_HCHUNK, _W), jnp.float32),
            pltpu.VMEM((_NUM_KNOTS,), jnp.float32),
            pltpu.VMEM((_NUM_KNOTS,), jnp.float32),
            pltpu.SemaphoreType.DMA,
            pltpu.SemaphoreType.DMA,
            pltpu.SemaphoreType.DMA,
            pltpu.SemaphoreType.DMA,
        ],
    )
    out = run(xf, ctab, dtab)
    return out.reshape(x.shape)

# --- scband reference (transcript-rebuilt; emitter-appended) ---
"""Pipeline reference for scband-linear-spline-44306882626161 (READ-ONLY COPY).

The authoritative reference and input builder live on the scoring server;
editing this copy changes nothing except your own understanding.
"""

import jax, jax.numpy as jnp
import numpy as np

NUM_ACT = 96
NUM_KNOTS = 64
X_MIN = -4.0
X_MAX = 4.0


def setup_inputs(seed: int = 0) -> dict:
    key = jax.random.key(seed)
    x = jax.random.normal(key, (4, 96, 384, 384), dtype=jnp.float32)
    # 'identity' init: coefficients equal the knot positions
    grid = jnp.linspace(X_MIN, X_MAX, NUM_KNOTS, dtype=jnp.float32)
    coefficients = jnp.broadcast_to(grid, (NUM_ACT, NUM_KNOTS))
    return {"x": x, "coefficients": coefficients}


def _project(cs, step):
    # clipped_coefficients with slope_min=slope_max=None, clamp=True
    new_slopes = (cs[:, 1:] - cs[:, :-1]) / step
    new_slopes = new_slopes.at[:, 0].set(0.0)
    new_slopes = new_slopes.at[:, -1].set(0.0)
    new_cs = jnp.zeros_like(cs)
    new_cs = new_cs.at[:, 1:].set(jnp.cumsum(new_slopes, axis=1) * step)
    new_cs = new_cs + jnp.mean(cs - new_cs, axis=1, keepdims=True)
    return new_cs


def reference(x, coefficients):
    step = (X_MAX - X_MIN) / (NUM_KNOTS - 1)
    coeff = _project(coefficients, step)
    in_shape = x.shape
    B, C = in_shape[0], in_shape[1]
    xr = x.reshape(B, NUM_ACT, C // NUM_ACT, *in_shape[2:])
    zero_knot_indexes = jnp.arange(NUM_ACT, dtype=jnp.int32) * NUM_KNOTS
    x_clamped = jnp.clip(xr, X_MIN, X_MAX - step)
    floored_x = jnp.floor((x_clamped - X_MIN) / step)
    fracs = (xr - X_MIN) / step - floored_x
    indexes = (zero_knot_indexes.reshape(1, -1, 1, 1, 1) + floored_x).astype(jnp.int32)
    coefficients_vect = coeff.reshape(-1)
    out = coefficients_vect[indexes + 1] * fracs + coefficients_vect[indexes] * (1.0 - fracs)
    return out.reshape(in_shape)

if __name__ == "__main__":
    import jax
    _d = setup_inputs()
    print(jax.jit(kernel)(*tuple(_d.values())))

</pallas_src>

<mosaic_0001>
#map = affine_map<(d0, d1) -> (0, 0, 0)>
#map1 = affine_map<(d0, d1) -> (0, 0)>
module attributes {stable_mosaic.version = 14 : i64} {
  func.func @_sc_body(%arg0: i32, %arg1: i32, %arg2: memref<384x384x384xf32, #tpu.memory_space<hbm>>, %arg3: memref<96x64xf32, #tpu.memory_space<hbm>>, %arg4: memref<96x64xf32, #tpu.memory_space<hbm>>, %arg5: memref<384x384x384xf32, #tpu.memory_space<hbm>>, %arg6: memref<64x384xf32, #tpu.memory_space<vmem>>, %arg7: memref<64x384xf32, #tpu.memory_space<vmem>>, %arg8: memref<64x384xf32, #tpu.memory_space<vmem>>, %arg9: memref<64x384xf32, #tpu.memory_space<vmem>>, %arg10: memref<64xf32, #tpu.memory_space<vmem>>, %arg11: memref<64xf32, #tpu.memory_space<vmem>>, %arg12: memref<!tpu.dma_semaphore, #tpu.memory_space<semaphore_mem>>, %arg13: memref<!tpu.dma_semaphore, #tpu.memory_space<semaphore_mem>>, %arg14: memref<!tpu.dma_semaphore, #tpu.memory_space<semaphore_mem>>, %arg15: memref<!tpu.dma_semaphore, #tpu.memory_space<semaphore_mem>>) attributes {dimension_semantics = [#tpu.dimension_semantics<core_parallel>, #tpu.dimension_semantics<subcore_parallel>], iteration_bounds = array<i64: 2, 16>, scalar_prefetch = 0 : i64, scratch_operands = 10 : i64, tpu.core_type = #tpu.core_type<sc_vector_subcore>, window_params = [{transform_indices = #map}, {transform_indices = #map1}, {transform_indices = #map1}, {transform_indices = #map}]} {
    %mul3A = arith.constant 2 : i32
    %mul3A_0 = arith.muli %arg1, %mul3A : i32
    %add3A = arith.addi %mul3A_0, %arg0 : i32
    %mul3A_1 = arith.constant 12 : i32
    %mul3A_2 = arith.muli %add3A, %mul3A_1 : i32
    %add3A_3 = arith.constant 0 : i32
    %add3A_4 = arith.addi %mul3A_2, %add3A_3 : i32
    %rem3A = arith.constant 0 : i32
    %rem3A_5 = arith.constant 6 : i32
    %rem3A_6 = arith.remsi %rem3A, %rem3A_5 : i32
    %mul3A_7 = arith.constant 64 : i32
    %mul3A_8 = arith.muli %rem3A_6, %mul3A_7 : i32
    %dma_start3A = arith.constant 0 : i32
    %dma_start3A_9 = tpu.memref_slice %arg2[%add3A_4, %mul3A_8, %dma_start3A] : memref<384x384x384xf32, #tpu.memory_space<hbm>> -> memref<1x64x384xf32, #tpu.memory_space<hbm>>
    %dma_start3A_10 = tpu.memref_squeeze %dma_start3A_9 : memref<1x64x384xf32, #tpu.memory_space<hbm>> -> memref<64x384xf32, #tpu.memory_space<hbm>>
    %dma_start3A_11 = arith.constant 0 : i32
    %dma_start3A_12 = tpu.memref_slice %arg2[%add3A_4, %mul3A_8, %dma_start3A_11] : memref<384x384x384xf32, #tpu.memory_space<hbm>> -> memref<1x64x384xf32, #tpu.memory_space<hbm>>
    %dma_start3A_13 = tpu.memref_squeeze %dma_start3A_12 : memref<1x64x384xf32, #tpu.memory_space<hbm>> -> memref<64x384xf32, #tpu.memory_space<hbm>>
    tpu.enqueue_dma source(%dma_start3A_13 : memref<64x384xf32, #tpu.memory_space<hbm>>) target(%arg6 : memref<64x384xf32, #tpu.memory_space<vmem>>) target_semaphore(%arg12 : memref<!tpu.dma_semaphore, #tpu.memory_space<semaphore_mem>>)
    %scan3A = arith.constant 0 : i32
    %scan3A_14 = arith.constant 0 : i32
    %scan3A_15 = arith.constant 72 : i32
    %scan3A_16 = arith.addi %scan3A_14, %scan3A_15 : i32
    %scan3A_17 = arith.constant 1 : i32
    scf.for %scan3A_48 = %scan3A_14 to %scan3A_16 step %scan3A_17  : i32 {
      %rem3A_49 = arith.constant 2 : i32
      %rem3A_50 = arith.remsi %scan3A_48, %rem3A_49 : i32
      %rem3A_51 = arith.constant 6 : i32
      %rem3A_52 = arith.remsi %scan3A_48, %rem3A_51 : i32
      %eq3A = arith.constant 0 : i32
      %eq3A_53 = arith.cmpi eq, %rem3A_52, %eq3A : i32
      %convert_element_type3A = arith.extui %eq3A_53 : i1 to i32
      %cond3A = arith.constant 0 : i32
      %cond3A_54 = arith.cmpi ne, %convert_element_type3A, %cond3A : i32
      scf.if %cond3A_54 {
        %mul3A_65 = arith.constant 12 : i32
        %mul3A_66 = arith.muli %add3A, %mul3A_65 : i32
        %jit3A = arith.constant 6 : i32
        %div3A = arith.divsi %scan3A_48, %jit3A : i32
        %sign3A = arith.constant 0 : i32
        %sign3A_67 = arith.cmpi sgt, %scan3A_48, %sign3A : i32
        %sign3A_68 = arith.extui %sign3A_67 : i1 to i32
        %sign3A_69 = arith.constant 0 : i32
        %sign3A_70 = arith.cmpi slt, %scan3A_48, %sign3A_69 : i32
        %sign3A_71 = arith.extui %sign3A_70 : i1 to i32
        %sign3A_72 = arith.subi %sign3A_68, %sign3A_71 : i32
        %sign3A_73 = arith.constant 0 : i32
        %sign3A_74 = arith.cmpi sgt, %jit3A, %sign3A_73 : i32
        %sign3A_75 = arith.extui %sign3A_74 : i1 to i32
        %sign3A_76 = arith.constant 0 : i32
        %sign3A_77 = arith.cmpi slt, %jit3A, %sign3A_76 : i32
        %sign3A_78 = arith.extui %sign3A_77 : i1 to i32
        %sign3A_79 = arith.subi %sign3A_75, %sign3A_78 : i32
        %ne3A = arith.cmpi ne, %sign3A_72, %sign3A_79 : i32
        %rem3A_80 = arith.remsi %scan3A_48, %jit3A : i32
        %ne3A_81 = arith.constant 0 : i32
        %ne3A_82 = arith.cmpi ne, %rem3A_80, %ne3A_81 : i32
        %and3A = arith.andi %ne3A, %ne3A_82 : i1
        %sub3A = arith.constant 1 : i32
        %sub3A_83 = arith.subi %div3A, %sub3A : i32
        %select_n3A = arith.select %and3A, %sub3A_83, %div3A : i32
        %add3A_84 = arith.addi %mul3A_66, %select_n3A : i32
        %rem3A_85 = arith.constant 96 : i32
        %rem3A_86 = arith.remsi %add3A_84, %rem3A_85 : i32
        "tpu.region"() ({
          %run_scoped3A = tpu.sem_alloc : memref<!tpu.dma_semaphore, #tpu.memory_space<semaphore_mem>>
          %dma_start3A_87 = arith.constant 0 : i32
          %dma_start3A_88 = tpu.memref_slice %arg3[%rem3A_86, %dma_start3A_87] : memref<96x64xf32, #tpu.memory_space<hbm>> -> memref<1x64xf32, #tpu.memory_space<hbm>>
          %dma_start3A_89 = tpu.memref_squeeze %dma_start3A_88 : memref<1x64xf32, #tpu.memory_space<hbm>> -> memref<64xf32, #tpu.memory_space<hbm>>
          %dma_start3A_90 = arith.constant 0 : i32
          %dma_start3A_91 = tpu.memref_slice %arg3[%rem3A_86, %dma_start3A_90] : memref<96x64xf32, #tpu.memory_space<hbm>> -> memref<1x64xf32, #tpu.memory_space<hbm>>
          %dma_start3A_92 = tpu.memref_squeeze %dma_start3A_91 : memref<1x64xf32, #tpu.memory_space<hbm>> -> memref<64xf32, #tpu.memory_space<hbm>>
          tpu.enqueue_dma source(%dma_start3A_92 : memref<64xf32, #tpu.memory_space<hbm>>) target(%arg10 : memref<64xf32, #tpu.memory_space<vmem>>) target_semaphore(%run_scoped3A : memref<!tpu.dma_semaphore, #tpu.memory_space<semaphore_mem>>)
          %dma_wait3A_93 = arith.constant 0 : i32
          %dma_wait3A_94 = tpu.memref_slice %arg3[%rem3A_86, %dma_wait3A_93] : memref<96x64xf32, #tpu.memory_space<hbm>> -> memref<1x64xf32, #tpu.memory_space<hbm>>
          %dma_wait3A_95 = tpu.memref_squeeze %dma_wait3A_94 : memref<1x64xf32, #tpu.memory_space<hbm>> -> memref<64xf32, #tpu.memory_space<hbm>>
          %dma_wait3A_96 = arith.constant 0 : i32
          %dma_wait3A_97 = tpu.memref_slice %arg3[%rem3A_86, %dma_wait3A_96] : memref<96x64xf32, #tpu.memory_space<hbm>> -> memref<1x64xf32, #tpu.memory_space<hbm>>
          %dma_wait3A_98 = tpu.memref_squeeze %dma_wait3A_97 : memref<1x64xf32, #tpu.memory_space<hbm>> -> memref<64xf32, #tpu.memory_space<hbm>>
          tpu.wait_dma2 semaphore(%run_scoped3A : memref<!tpu.dma_semaphore, #tpu.memory_space<semaphore_mem>>) src(%dma_wait3A_98 : memref<64xf32, #tpu.memory_space<hbm>>) dst(%arg10 : memref<64xf32, #tpu.memory_space<vmem>>)
          tpu.yield
        }) : () -> ()
        "tpu.region"() ({
          %run_scoped3A = tpu.sem_alloc : memref<!tpu.dma_semaphore, #tpu.memory_space<semaphore_mem>>
          %dma_start3A_87 = arith.constant 0 : i32
          %dma_start3A_88 = tpu.memref_slice %arg4[%rem3A_86, %dma_start3A_87] : memref<96x64xf32, #tpu.memory_space<hbm>> -> memref<1x64xf32, #tpu.memory_space<hbm>>
          %dma_start3A_89 = tpu.memref_squeeze %dma_start3A_88 : memref<1x64xf32, #tpu.memory_space<hbm>> -> memref<64xf32, #tpu.memory_space<hbm>>
          %dma_start3A_90 = arith.constant 0 : i32
          %dma_start3A_91 = tpu.memref_slice %arg4[%rem3A_86, %dma_start3A_90] : memref<96x64xf32, #tpu.memory_space<hbm>> -> memref<1x64xf32, #tpu.memory_space<hbm>>
          %dma_start3A_92 = tpu.memref_squeeze %dma_start3A_91 : memref<1x64xf32, #tpu.memory_space<hbm>> -> memref<64xf32, #tpu.memory_space<hbm>>
          tpu.enqueue_dma source(%dma_start3A_92 : memref<64xf32, #tpu.memory_space<hbm>>) target(%arg11 : memref<64xf32, #tpu.memory_space<vmem>>) target_semaphore(%run_scoped3A : memref<!tpu.dma_semaphore, #tpu.memory_space<semaphore_mem>>)
          %dma_wait3A_93 = arith.constant 0 : i32
          %dma_wait3A_94 = tpu.memref_slice %arg4[%rem3A_86, %dma_wait3A_93] : memref<96x64xf32, #tpu.memory_space<hbm>> -> memref<1x64xf32, #tpu.memory_space<hbm>>
          %dma_wait3A_95 = tpu.memref_squeeze %dma_wait3A_94 : memref<1x64xf32, #tpu.memory_space<hbm>> -> memref<64xf32, #tpu.memory_space<hbm>>
          %dma_wait3A_96 = arith.constant 0 : i32
          %dma_wait3A_97 = tpu.memref_slice %arg4[%rem3A_86, %dma_wait3A_96] : memref<96x64xf32, #tpu.memory_space<hbm>> -> memref<1x64xf32, #tpu.memory_space<hbm>>
          %dma_wait3A_98 = tpu.memref_squeeze %dma_wait3A_97 : memref<1x64xf32, #tpu.memory_space<hbm>> -> memref<64xf32, #tpu.memory_space<hbm>>
          tpu.wait_dma2 semaphore(%run_scoped3A : memref<!tpu.dma_semaphore, #tpu.memory_space<semaphore_mem>>) src(%dma_wait3A_98 : memref<64xf32, #tpu.memory_space<hbm>>) dst(%arg11 : memref<64xf32, #tpu.memory_space<vmem>>)
          tpu.yield
        }) : () -> ()
      } else {
      }
      %eq3A_55 = arith.constant 0 : i32
      %eq3A_56 = arith.cmpi eq, %rem3A_50, %eq3A_55 : i32
      %convert_element_type3A_57 = arith.extui %eq3A_56 : i1 to i32
      %cond3A_58 = arith.constant 0 : i32
      %cond3A_59 = arith.cmpi ne, %convert_element_type3A_57, %cond3A_58 : i32
      scf.if %cond3A_59 {
        %add3A_65 = arith.constant 1 : i32
        %add3A_66 = arith.addi %scan3A_48, %add3A_65 : i32
        %lt3A = arith.constant 72 : i32
        %lt3A_67 = arith.cmpi slt, %add3A_66, %lt3A : i32
        %convert_element_type3A_68 = arith.extui %lt3A_67 : i1 to i32
        %cond3A_69 = arith.constant 0 : i32
        %cond3A_70 = arith.cmpi ne, %convert_element_type3A_68, %cond3A_69 : i32
        scf.if %cond3A_70 {
          %add3A_144 = arith.constant 1 : i32
          %add3A_145 = arith.addi %scan3A_48, %add3A_144 : i32
          %mul3A_146 = arith.constant 12 : i32
          %mul3A_147 = arith.muli %add3A, %mul3A_146 : i32
          %jit3A_148 = arith.constant 6 : i32
          %div3A_149 = arith.divsi %add3A_145, %jit3A_148 : i32
          %sign3A_150 = arith.constant 0 : i32
          %sign3A_151 = arith.cmpi sgt, %add3A_145, %sign3A_150 : i32
          %sign3A_152 = arith.extui %sign3A_151 : i1 to i32
          %sign3A_153 = arith.constant 0 : i32
          %sign3A_154 = arith.cmpi slt, %add3A_145, %sign3A_153 : i32
          %sign3A_155 = arith.extui %sign3A_154 : i1 to i32
          %sign3A_156 = arith.subi %sign3A_152, %sign3A_155 : i32
          %sign3A_157 = arith.constant 0 : i32
          %sign3A_158 = arith.cmpi sgt, %jit3A_148, %sign3A_157 : i32
          %sign3A_159 = arith.extui %sign3A_158 : i1 to i32
          %sign3A_160 = arith.constant 0 : i32
          %sign3A_161 = arith.cmpi slt, %jit3A_148, %sign3A_160 : i32
          %sign3A_162 = arith.extui %sign3A_161 : i1 to i32
          %sign3A_163 = arith.subi %sign3A_159, %sign3A_162 : i32
          %ne3A_164 = arith.cmpi ne, %sign3A_156, %sign3A_163 : i32
          %rem3A_165 = arith.remsi %add3A_145, %jit3A_148 : i32
          %ne3A_166 = arith.constant 0 : i32
          %ne3A_167 = arith.cmpi ne, %rem3A_165, %ne3A_166 : i32
          %and3A_168 = arith.andi %ne3A_164, %ne3A_167 : i1
          %sub3A_169 = arith.constant 1 : i32
          %sub3A_170 = arith.subi %div3A_149, %sub3A_169 : i32
          %select_n3A_171 = arith.select %and3A_168, %sub3A_170, %div3A_149 : i32
          %add3A_172 = arith.addi %mul3A_147, %select_n3A_171 : i32
          %rem3A_173 = arith.constant 6 : i32
          %rem3A_174 = arith.remsi %add3A_145, %rem3A_173 : i32
          %mul3A_175 = arith.constant 64 : i32
          %mul3A_176 = arith.muli %rem3A_174, %mul3A_175 : i32
          %dma_start3A_177 = arith.constant 0 : i32
          %dma_start3A_178 = tpu.memref_slice %arg2[%add3A_172, %mul3A_176, %dma_start3A_177] : memref<384x384x384xf32, #tpu.memory_space<hbm>> -> memref<1x64x384xf32, #tpu.memory_space<hbm>>
          %dma_start3A_179 = tpu.memref_squeeze %dma_start3A_178 : memref<1x64x384xf32, #tpu.memory_space<hbm>> -> memref<64x384xf32, #tpu.memory_space<hbm>>
          %dma_start3A_180 = arith.constant 0 : i32
          %dma_start3A_181 = tpu.memref_slice %arg2[%add3A_172, %mul3A_176, %dma_start3A_180] : memref<384x384x384xf32, #tpu.memory_space<hbm>> -> memref<1x64x384xf32, #tpu.memory_space<hbm>>
          %dma_start3A_182 = tpu.memref_squeeze %dma_start3A_181 : memref<1x64x384xf32, #tpu.memory_space<hbm>> -> memref<64x384xf32, #tpu.memory_space<hbm>>
          tpu.enqueue_dma source(%dma_start3A_182 : memref<64x384xf32, #tpu.memory_space<hbm>>) target(%arg7 : memref<64x384xf32, #tpu.memory_space<vmem>>) target_semaphore(%arg13 : memref<!tpu.dma_semaphore, #tpu.memory_space<semaphore_mem>>)
        } else {
        }
        %mul3A_71 = arith.constant 12 : i32
        %mul3A_72 = arith.muli %add3A, %mul3A_71 : i32
        %jit3A = arith.constant 6 : i32
        %div3A = arith.divsi %scan3A_48, %jit3A : i32
        %sign3A = arith.constant 0 : i32
        %sign3A_73 = arith.cmpi sgt, %scan3A_48, %sign3A : i32
        %sign3A_74 = arith.extui %sign3A_73 : i1 to i32
        %sign3A_75 = arith.constant 0 : i32
        %sign3A_76 = arith.cmpi slt, %scan3A_48, %sign3A_75 : i32
        %sign3A_77 = arith.extui %sign3A_76 : i1 to i32
        %sign3A_78 = arith.subi %sign3A_74, %sign3A_77 : i32
        %sign3A_79 = arith.constant 0 : i32
        %sign3A_80 = arith.cmpi sgt, %jit3A, %sign3A_79 : i32
        %sign3A_81 = arith.extui %sign3A_80 : i1 to i32
        %sign3A_82 = arith.constant 0 : i32
        %sign3A_83 = arith.cmpi slt, %jit3A, %sign3A_82 : i32
        %sign3A_84 = arith.extui %sign3A_83 : i1 to i32
        %sign3A_85 = arith.subi %sign3A_81, %sign3A_84 : i32
        %ne3A = arith.cmpi ne, %sign3A_78, %sign3A_85 : i32
        %rem3A_86 = arith.remsi %scan3A_48, %jit3A : i32
        %ne3A_87 = arith.constant 0 : i32
        %ne3A_88 = arith.cmpi ne, %rem3A_86, %ne3A_87 : i32
        %and3A = arith.andi %ne3A, %ne3A_88 : i1
        %sub3A = arith.constant 1 : i32
        %sub3A_89 = arith.subi %div3A, %sub3A : i32
        %select_n3A = arith.select %and3A, %sub3A_89, %div3A : i32
        %add3A_90 = arith.addi %mul3A_72, %select_n3A : i32
        %rem3A_91 = arith.constant 6 : i32
        %rem3A_92 = arith.remsi %scan3A_48, %rem3A_91 : i32
        %mul3A_93 = arith.constant 64 : i32
        %mul3A_94 = arith.muli %rem3A_92, %mul3A_93 : i32
        %dma_wait3A_95 = arith.constant 0 : i32
        %dma_wait3A_96 = tpu.memref_slice %arg2[%add3A_90, %mul3A_94, %dma_wait3A_95] : memref<384x384x384xf32, #tpu.memory_space<hbm>> -> memref<1x64x384xf32, #tpu.memory_space<hbm>>
        %dma_wait3A_97 = tpu.memref_squeeze %dma_wait3A_96 : memref<1x64x384xf32, #tpu.memory_space<hbm>> -> memref<64x384xf32, #tpu.memory_space<hbm>>
        %dma_wait3A_98 = arith.constant 0 : i32
        %dma_wait3A_99 = tpu.memref_slice %arg2[%add3A_90, %mul3A_94, %dma_wait3A_98] : memref<384x384x384xf32, #tpu.memory_space<hbm>> -> memref<1x64x384xf32, #tpu.memory_space<hbm>>
        %dma_wait3A_100 = tpu.memref_squeeze %dma_wait3A_99 : memref<1x64x384xf32, #tpu.memory_space<hbm>> -> memref<64x384xf32, #tpu.memory_space<hbm>>
        tpu.wait_dma2 semaphore(%arg12 : memref<!tpu.dma_semaphore, #tpu.memory_space<semaphore_mem>>) src(%dma_wait3A_100 : memref<64x384xf32, #tpu.memory_space<hbm>>) dst(%arg6 : memref<64x384xf32, #tpu.memory_space<vmem>>)
        %ge3A = arith.constant 2 : i32
        %ge3A_101 = arith.cmpi sge, %scan3A_48, %ge3A : i32
        %convert_element_type3A_102 = arith.extui %ge3A_101 : i1 to i32
        %cond3A_103 = arith.constant 0 : i32
        %cond3A_104 = arith.cmpi ne, %convert_element_type3A_102, %cond3A_103 : i32
        scf.if %cond3A_104 {
          %sub3A_144 = arith.constant 2 : i32
          %sub3A_145 = arith.subi %scan3A_48, %sub3A_144 : i32
          %mul3A_146 = arith.constant 12 : i32
          %mul3A_147 = arith.muli %add3A, %mul3A_146 : i32
          %jit3A_148 = arith.constant 6 : i32
          %div3A_149 = arith.divsi %sub3A_145, %jit3A_148 : i32
          %sign3A_150 = arith.constant 0 : i32
          %sign3A_151 = arith.cmpi sgt, %sub3A_145, %sign3A_150 : i32
          %sign3A_152 = arith.extui %sign3A_151 : i1 to i32
          %sign3A_153 = arith.constant 0 : i32
          %sign3A_154 = arith.cmpi slt, %sub3A_145, %sign3A_153 : i32
          %sign3A_155 = arith.extui %sign3A_154 : i1 to i32
          %sign3A_156 = arith.subi %sign3A_152, %sign3A_155 : i32
          %sign3A_157 = arith.constant 0 : i32
          %sign3A_158 = arith.cmpi sgt, %jit3A_148, %sign3A_157 : i32
          %sign3A_159 = arith.extui %sign3A_158 : i1 to i32
          %sign3A_160 = arith.constant 0 : i32
          %sign3A_161 = arith.cmpi slt, %jit3A_148, %sign3A_160 : i32
          %sign3A_162 = arith.extui %sign3A_161 : i1 to i32
          %sign3A_163 = arith.subi %sign3A_159, %sign3A_162 : i32
          %ne3A_164 = arith.cmpi ne, %sign3A_156, %sign3A_163 : i32
          %rem3A_165 = arith.remsi %sub3A_145, %jit3A_148 : i32
          %ne3A_166 = arith.constant 0 : i32
          %ne3A_167 = arith.cmpi ne, %rem3A_165, %ne3A_166 : i32
          %and3A_168 = arith.andi %ne3A_164, %ne3A_167 : i1
          %sub3A_169 = arith.constant 1 : i32
          %sub3A_170 = arith.subi %div3A_149, %sub3A_169 : i32
          %select_n3A_171 = arith.select %and3A_168, %sub3A_170, %div3A_149 : i32
          %add3A_172 = arith.addi %mul3A_147, %select_n3A_171 : i32
          %rem3A_173 = arith.constant 6 : i32
          %rem3A_174 = arith.remsi %sub3A_145, %rem3A_173 : i32
          %mul3A_175 = arith.constant 64 : i32
          %mul3A_176 = arith.muli %rem3A_174, %mul3A_175 : i32
          %dma_wait3A_177 = arith.constant 0 : i32
          %dma_wait3A_178 = tpu.memref_slice %arg5[%add3A_172, %mul3A_176, %dma_wait3A_177] : memref<384x384x384xf32, #tpu.memory_space<hbm>> -> memref<1x64x384xf32, #tpu.memory_space<hbm>>
          %dma_wait3A_179 = tpu.memref_squeeze %dma_wait3A_178 : memref<1x64x384xf32, #tpu.memory_space<hbm>> -> memref<64x384xf32, #tpu.memory_space<hbm>>
          %dma_wait3A_180 = arith.constant 0 : i32
          %dma_wait3A_181 = tpu.memref_slice %arg5[%add3A_172, %mul3A_176, %dma_wait3A_180] : memref<384x384x384xf32, #tpu.memory_space<hbm>> -> memref<1x64x384xf32, #tpu.memory_space<hbm>>
          %dma_wait3A_182 = tpu.memref_squeeze %dma_wait3A_181 : memref<1x64x384xf32, #tpu.memory_space<hbm>> -> memref<64x384xf32, #tpu.memory_space<hbm>>
          tpu.wait_dma2 semaphore(%arg14 : memref<!tpu.dma_semaphore, #tpu.memory_space<semaphore_mem>>) src(%arg8 : memref<64x384xf32, #tpu.memory_space<vmem>>) dst(%dma_wait3A_182 : memref<64x384xf32, #tpu.memory_space<hbm>>)
        } else {
        }
        %parallel_loop3A = arith.constant 0 : i32
        %parallel_loop3A_105 = arith.constant 64 : i32
        %parallel_loop3A_106 = arith.constant 1 : i32
        scf.for %parallel_loop3A_144 = %parallel_loop3A to %parallel_loop3A_105 step %parallel_loop3A_106  : i32 {
          %parallel_loop3A_145 = arith.index_cast %parallel_loop3A_144 : i32 to index
          %parallel_loop3A_146 = arith.constant 0 : index
          %parallel_loop3A_147 = tpu.vector_load %arg6[%parallel_loop3A_145, %parallel_loop3A_146] {strides = array<i32>} : memref<64x384xf32, #tpu.memory_space<vmem>>, vector<16xf32>,
          %parallel_loop3A_148 = arith.constant -4.000000e+00 : f32
          %parallel_loop3A_149 = vector.broadcast %parallel_loop3A_148 : f32 to vector<16xf32>
          %parallel_loop3A_150 = arith.subf %parallel_loop3A_147, %parallel_loop3A_149 : vector<16xf32>
          %parallel_loop3A_151 = arith.constant 7.875000e+00 : f32
          %parallel_loop3A_152 = vector.broadcast %parallel_loop3A_151 : f32 to vector<16xf32>
          %parallel_loop3A_153 = arith.mulf %parallel_loop3A_150, %parallel_loop3A_152 : vector<16xf32>
          %parallel_loop3A_154 = arith.constant 0.000000e+00 : f32
          %parallel_loop3A_155 = vector.broadcast %parallel_loop3A_154 : f32 to vector<16xf32>
          %parallel_loop3A_156 = arith.maximumf %parallel_loop3A_153, %parallel_loop3A_155 : vector<16xf32>
          %parallel_loop3A_157 = arith.constant 61.9999962 : f32
          %parallel_loop3A_158 = vector.broadcast %parallel_loop3A_157 : f32 to vector<16xf32>
          %parallel_loop3A_159 = arith.minimumf %parallel_loop3A_156, %parallel_loop3A_158 : vector<16xf32>
          %parallel_loop3A_160 = arith.fptosi %parallel_loop3A_159 : vector<16xf32> to vector<16xi32>
          %parallel_loop3A_161 = arith.sitofp %parallel_loop3A_160 : vector<16xi32> to vector<16xf32>
          %parallel_loop3A_162 = arith.subf %parallel_loop3A_153, %parallel_loop3A_161 : vector<16xf32>
          %parallel_loop3A_163 = tpu.vector_load_idx %arg10[%parallel_loop3A_160] : memref<64xf32, #tpu.memory_space<vmem>>[vector<16xi32>], vector<16xf32>,
          %parallel_loop3A_164 = tpu.vector_load_idx %arg11[%parallel_loop3A_160] : memref<64xf32, #tpu.memory_space<vmem>>[vector<16xi32>], vector<16xf32>,
          %parallel_loop3A_165 = arith.mulf %parallel_loop3A_164, %parallel_loop3A_162 : vector<16xf32>
          %parallel_loop3A_166 = arith.addf %parallel_loop3A_163, %parallel_loop3A_165 : vector<16xf32>
          %parallel_loop3A_167 = arith.index_cast %parallel_loop3A_144 : i32 to index
          %parallel_loop3A_168 = arith.constant 0 : index
          %parallel_loop3A_169 = tpu.vector_load %arg8[%parallel_loop3A_167, %parallel_loop3A_168] {strides = array<i32>} : memref<64x384xf32, #tpu.memory_space<vmem>>, vector<16xf32>,
          tpu.vector_store %arg8[%parallel_loop3A_167, %parallel_loop3A_168], %parallel_loop3A_166 {strides = array<i32>} : memref<64x384xf32, #tpu.memory_space<vmem>>, vector<16xf32>,
          %parallel_loop3A_170 = arith.index_cast %parallel_loop3A_144 : i32 to index
          %parallel_loop3A_171 = arith.constant 16 : index
          %parallel_loop3A_172 = tpu.vector_load %arg6[%parallel_loop3A_170, %parallel_loop3A_171] {strides = array<i32>} : memref<64x384xf32, #tpu.memory_space<vmem>>, vector<16xf32>,
          %parallel_loop3A_173 = arith.constant -4.000000e+00 : f32
          %parallel_loop3A_174 = vector.broadcast %parallel_loop3A_173 : f32 to vector<16xf32>
          %parallel_loop3A_175 = arith.subf %parallel_loop3A_172, %parallel_loop3A_174 : vector<16xf32>
          %parallel_loop3A_176 = arith.constant 7.875000e+00 : f32
          %parallel_loop3A_177 = vector.broadcast %parallel_loop3A_176 : f32 to vector<16xf32>
          %parallel_loop3A_178 = arith.mulf %parallel_loop3A_175, %parallel_loop3A_177 : vector<16xf32>
          %parallel_loop3A_179 = arith.constant 0.000000e+00 : f32
          %parallel_loop3A_180 = vector.broadcast %parallel_loop3A_179 : f32 to vector<16xf32>
          %parallel_loop3A_181 = arith.maximumf %parallel_loop3A_178, %parallel_loop3A_180 : vector<16xf32>
          %parallel_loop3A_182 = arith.constant 61.9999962 : f32
          %parallel_loop3A_183 = vector.broadcast %parallel_loop3A_182 : f32 to vector<16xf32>
          %parallel_loop3A_184 = arith.minimumf %parallel_loop3A_181, %parallel_loop3A_183 : vector<16xf32>
          %parallel_loop3A_185 = arith.fptosi %parallel_loop3A_184 : vector<16xf32> to vector<16xi32>
          %parallel_loop3A_186 = arith.sitofp %parallel_loop3A_185 : vector<16xi32> to vector<16xf32>
          %parallel_loop3A_187 = arith.subf %parallel_loop3A_178, %parallel_loop3A_186 : vector<16xf32>
          %parallel_loop3A_188 = tpu.vector_load_idx %arg10[%parallel_loop3A_185] : memref<64xf32, #tpu.memory_space<vmem>>[vector<16xi32>], vector<16xf32>,
          %parallel_loop3A_189 = tpu.vector_load_idx %arg11[%parallel_loop3A_185] : memref<64xf32, #tpu.memory_space<vmem>>[vector<16xi32>], vector<16xf32>,
          %parallel_loop3A_190 = arith.mulf %parallel_loop3A_189, %parallel_loop3A_187 : vector<16xf32>
          %parallel_loop3A_191 = arith.addf %parallel_loop3A_188, %parallel_loop3A_190 : vector<16xf32>
          %parallel_loop3A_192 = arith.index_cast %parallel_loop3A_144 : i32 to index
          %parallel_loop3A_193 = arith.constant 16 : index
          %parallel_loop3A_194 = tpu.vector_load %arg8[%parallel_loop3A_192, %parallel_loop3A_193] {strides = array<i32>} : memref<64x384xf32, #tpu.memory_space<vmem>>, vector<16xf32>,
          tpu.vector_store %arg8[%parallel_loop3A_192, %parallel_loop3A_193], %parallel_loop3A_191 {strides = array<i32>} : memref<64x384xf32, #tpu.memory_space<vmem>>, vector<16xf32>,
          %parallel_loop3A_195 = arith.index_cast %parallel_loop3A_144 : i32 to index
          %parallel_loop3A_196 = arith.constant 32 : index
          %parallel_loop3A_197 = tpu.vector_load %arg6[%parallel_loop3A_195, %parallel_loop3A_196] {strides = array<i32>} : memref<64x384xf32, #tpu.memory_space<vmem>>, vector<16xf32>,
          %parallel_loop3A_198 = arith.constant -4.000000e+00 : f32
          %parallel_loop3A_199 = vector.broadcast %parallel_loop3A_198 : f32 to vector<16xf32>
          %parallel_loop3A_200 = arith.subf %parallel_loop3A_197, %parallel_loop3A_199 : vector<16xf32>
          %parallel_loop3A_201 = arith.constant 7.875000e+00 : f32
          %parallel_loop3A_202 = vector.broadcast %parallel_loop3A_201 : f32 to vector<16xf32>
          %parallel_loop3A_203 = arith.mulf %parallel_loop3A_200, %parallel_loop3A_202 : vector<16xf32>
          %parallel_loop3A_204 = arith.constant 0.000000e+00 : f32
          %parallel_loop3A_205 = vector.broadcast %parallel_loop3A_204 : f32 to vector<16xf32>
          %parallel_loop3A_206 = arith.maximumf %parallel_loop3A_203, %parallel_loop3A_205 : vector<16xf32>
          %parallel_loop3A_207 = arith.constant 61.9999962 : f32
          %parallel_loop3A_208 = vector.broadcast %parallel_loop3A_207 : f32 to vector<16xf32>
          %parallel_loop3A_209 = arith.minimumf %parallel_loop3A_206, %parallel_loop3A_208 : vector<16xf32>
          %parallel_loop3A_210 = arith.fptosi %parallel_loop3A_209 : vector<16xf32> to vector<16xi32>
          %parallel_loop3A_211 = arith.sitofp %parallel_loop3A_210 : vector<16xi32> to vector<16xf32>
          %parallel_loop3A_212 = arith.subf %parallel_loop3A_203, %parallel_loop3A_211 : vector<16xf32>
          %parallel_loop3A_213 = tpu.vector_load_idx %arg10[%parallel_loop3A_210] : memref<64xf32, #tpu.memory_space<vmem>>[vector<16xi32>], vector<16xf32>,
          %parallel_loop3A_214 = tpu.vector_load_idx %arg11[%parallel_loop3A_210] : memref<64xf32, #tpu.memory_space<vmem>>[vector<16xi32>], vector<16xf32>,
          %parallel_loop3A_215 = arith.mulf %parallel_loop3A_214, %parallel_loop3A_212 : vector<16xf32>
          %parallel_loop3A_216 = arith.addf %parallel_loop3A_213, %parallel_loop3A_215 : vector<16xf32>
          %parallel_loop3A_217 = arith.index_cast %parallel_loop3A_144 : i32 to index
          %parallel_loop3A_218 = arith.constant 32 : index
          %parallel_loop3A_219 = tpu.vector_load %arg8[%parallel_loop3A_217, %parallel_loop3A_218] {strides = array<i32>} : memref<64x384xf32, #tpu.memory_space<vmem>>, vector<16xf32>,
          tpu.vector_store %arg8[%parallel_loop3A_217, %parallel_loop3A_218], %parallel_loop3A_216 {strides = array<i32>} : memref<64x384xf32, #tpu.memory_space<vmem>>, vector<16xf32>,
          %parallel_loop3A_220 = arith.index_cast %parallel_loop3A_144 : i32 to index
          %parallel_loop3A_221 = arith.constant 48 : index
          %parallel_loop3A_222 = tpu.vector_load %arg6[%parallel_loop3A_220, %parallel_loop3A_221] {strides = array<i32>} : memref<64x384xf32, #tpu.memory_space<vmem>>, vector<16xf32>,
          %parallel_loop3A_223 = arith.constant -4.000000e+00 : f32
          %parallel_loop3A_224 = vector.broadcast %parallel_loop3A_223 : f32 to vector<16xf32>
          %parallel_loop3A_225 = arith.subf %parallel_loop3A_222, %parallel_loop3A_224 : vector<16xf32>
          %parallel_loop3A_226 = arith.constant 7.875000e+00 : f32
          %parallel_loop3A_227 = vector.broadcast %parallel_loop3A_226 : f32 to vector<16xf32>
          %parallel_loop3A_228 = arith.mulf %parallel_loop3A_225, %parallel_loop3A_227 : vector<16xf32>
          %parallel_loop3A_229 = arith.constant 0.000000e+00 : f32
          %parallel_loop3A_230 = vector.broadcast %parallel_loop3A_229 : f32 to vector<16xf32>
          %parallel_loop3A_231 = arith.maximumf %parallel_loop3A_228, %parallel_loop3A_230 : vector<16xf32>
          %parallel_loop3A_232 = arith.constant 61.9999962 : f32
          %parallel_loop3A_233 = vector.broadcast %parallel_loop3A_232 : f32 to vector<16xf32>
          %parallel_loop3A_234 = arith.minimumf %parallel_loop3A_231, %parallel_loop3A_233 : vector<16xf32>
          %parallel_loop3A_235 = arith.fptosi %parallel_loop3A_234 : vector<16xf32> to vector<16xi32>
          %parallel_loop3A_236 = arith.sitofp %parallel_loop3A_235 : vector<16xi32> to vector<16xf32>
          %parallel_loop3A_237 = arith.subf %parallel_loop3A_228, %parallel_loop3A_236 : vector<16xf32>
          %parallel_loop3A_238 = tpu.vector_load_idx %arg10[%parallel_loop3A_235] : memref<64xf32, #tpu.memory_space<vmem>>[vector<16xi32>], vector<16xf32>,
          %parallel_loop3A_239 = tpu.vector_load_idx %arg11[%parallel_loop3A_235] : memref<64xf32, #tpu.memory_space<vmem>>[vector<16xi32>], vector<16xf32>,
          %parallel_loop3A_240 = arith.mulf %parallel_loop3A_239, %parallel_loop3A_237 : vector<16xf32>
          %parallel_loop3A_241 = arith.addf %parallel_loop3A_238, %parallel_loop3A_240 : vector<16xf32>
          %parallel_loop3A_242 = arith.index_cast %parallel_loop3A_144 : i32 to index
          %parallel_loop3A_243 = arith.constant 48 : index
          %parallel_loop3A_244 = tpu.vector_load %arg8[%parallel_loop3A_242, %parallel_loop3A_243] {strides = array<i32>} : memref<64x384xf32, #tpu.memory_space<vmem>>, vector<16xf32>,
          tpu.vector_store %arg8[%parallel_loop3A_242, %parallel_loop3A_243], %parallel_loop3A_241 {strides = array<i32>} : memref<64x384xf32, #tpu.memory_space<vmem>>, vector<16xf32>,
          %parallel_loop3A_245 = arith.index_cast %parallel_loop3A_144 : i32 to index
          %parallel_loop3A_246 = arith.constant 64 : index
          %parallel_loop3A_247 = tpu.vector_load %arg6[%parallel_loop3A_245, %parallel_loop3A_246] {strides = array<i32>} : memref<64x384xf32, #tpu.memory_space<vmem>>, vector<16xf32>,
          %parallel_loop3A_248 = arith.constant -4.000000e+00 : f32
          %parallel_loop3A_249 = vector.broadcast %parallel_loop3A_248 : f32 to vector<16xf32>
          %parallel_loop3A_250 = arith.subf %parallel_loop3A_247, %parallel_loop3A_249 : vector<16xf32>
          %parallel_loop3A_251 = arith.constant 7.875000e+00 : f32
          %parallel_loop3A_252 = vector.broadcast %parallel_loop3A_251 : f32 to vector<16xf32>
          %parallel_loop3A_253 = arith.mulf %parallel_loop3A_250, %parallel_loop3A_252 : vector<16xf32>
          %parallel_loop3A_254 = arith.constant 0.000000e+00 : f32
          %parallel_loop3A_255 = vector.broadcast %parallel_loop3A_254 : f32 to vector<16xf32>
          %parallel_loop3A_256 = arith.maximumf %parallel_loop3A_253, %parallel_loop3A_255 : vector<16xf32>
          %parallel_loop3A_257 = arith.constant 61.9999962 : f32
          %parallel_loop3A_258 = vector.broadcast %parallel_loop3A_257 : f32 to vector<16xf32>
          %parallel_loop3A_259 = arith.minimumf %parallel_loop3A_256, %parallel_loop3A_258 : vector<16xf32>
          %parallel_loop3A_260 = arith.fptosi %parallel_loop3A_259 : vector<16xf32> to vector<16xi32>
          %parallel_loop3A_261 = arith.sitofp %parallel_loop3A_260 : vector<16xi32> to vector<16xf32>
          %parallel_loop3A_262 = arith.subf %parallel_loop3A_253, %parallel_loop3A_261 : vector<16xf32>
          %parallel_loop3A_263 = tpu.vector_load_idx %arg10[%parallel_loop3A_260] : memref<64xf32, #tpu.memory_space<vmem>>[vector<16xi32>], vector<16xf32>,
          %parallel_loop3A_264 = tpu.vector_load_idx %arg11[%parallel_loop3A_260] : memref<64xf32, #tpu.memory_space<vmem>>[vector<16xi32>], vector<16xf32>,
          %parallel_loop3A_265 = arith.mulf %parallel_loop3A_264, %parallel_loop3A_262 : vector<16xf32>
          %parallel_loop3A_266 = arith.addf %parallel_loop3A_263, %parallel_loop3A_265 : vector<16xf32>
          %parallel_loop3A_267 = arith.index_cast %parallel_loop3A_144 : i32 to index
          %parallel_loop3A_268 = arith.constant 64 : index
          %parallel_loop3A_269 = tpu.vector_load %arg8[%parallel_loop3A_267, %parallel_loop3A_268] {strides = array<i32>} : memref<64x384xf32, #tpu.memory_space<vmem>>, vector<16xf32>,
          tpu.vector_store %arg8[%parallel_loop3A_267, %parallel_loop3A_268], %parallel_loop3A_266 {strides = array<i32>} : memref<64x384xf32, #tpu.memory_space<vmem>>, vector<16xf32>,
          %parallel_loop3A_270 = arith.index_cast %parallel_loop3A_144 : i32 to index
          %parallel_loop3A_271 = arith.constant 80 : index
          %parallel_loop3A_272 = tpu.vector_load %arg6[%parallel_loop3A_270, %parallel_loop3A_271] {strides = array<i32>} : memref<64x384xf32, #tpu.memory_space<vmem>>, vector<16xf32>,
          %parallel_loop3A_273 = arith.constant -4.000000e+00 : f32
          %parallel_loop3A_274 = vector.broadcast %parallel_loop3A_273 : f32 to vector<16xf32>
          %parallel_loop3A_275 = arith.subf %parallel_loop3A_272, %parallel_loop3A_274 : vector<16xf32>
          %parallel_loop3A_276 = arith.constant 7.875000e+00 : f32
          %parallel_loop3A_277 = vector.broadcast %parallel_loop3A_276 : f32 to vector<16xf32>
          %parallel_loop3A_278 = arith.mulf %parallel_loop3A_275, %parallel_loop3A_277 : vector<16xf32>
          %parallel_loop3A_279 = arith.constant 0.000000e+00 : f32
          %parallel_loop3A_280 = vector.broadcast %parallel_loop3A_279 : f32 to vector<16xf32>
          %parallel_loop3A_281 = arith.maximumf %parallel_loop3A_278, %parallel_loop3A_280 : vector<16xf32>
          %parallel_loop3A_282 = arith.constant 61.9999962 : f32
          %parallel_loop3A_283 = vector.broadcast %parallel_loop3A_282 : f32 to vector<16xf32>
          %parallel_loop3A_284 = arith.minimumf %parallel_loop3A_281, %parallel_loop3A_283 : vector<16xf32>
          %parallel_loop3A_285 = arith.fptosi %parallel_loop3A_284 : vector<16xf32> to vector<16xi32>
          %parallel_loop3A_286 = arith.sitofp %parallel_loop3A_285 : vector<16xi32> to vector<16xf32>
          %parallel_loop3A_287 = arith.subf %parallel_loop3A_278, %parallel_loop3A_286 : vector<16xf32>
          %parallel_loop3A_288 = tpu.vector_load_idx %arg10[%parallel_loop3A_285] : memref<64xf32, #tpu.memory_space<vmem>>[vector<16xi32>], vector<16xf32>,
          %parallel_loop3A_289 = tpu.vector_load_idx %arg11[%parallel_loop3A_285] : memref<64xf32, #tpu.memory_space<vmem>>[vector<16xi32>], vector<16xf32>,
          %parallel_loop3A_290 = arith.mulf %parallel_loop3A_289, %parallel_loop3A_287 : vector<16xf32>
          %parallel_loop3A_291 = arith.addf %parallel_loop3A_288, %parallel_loop3A_290 : vector<16xf32>
          %parallel_loop3A_292 = arith.index_cast %parallel_loop3A_144 : i32 to index
          %parallel_loop3A_293 = arith.constant 80 : index
          %parallel_loop3A_294 = tpu.vector_load %arg8[%parallel_loop3A_292, %parallel_loop3A_293] {strides = array<i32>} : memref<64x384xf32, #tpu.memory_space<vmem>>, vector<16xf32>,
          tpu.vector_store %arg8[%parallel_loop3A_292, %parallel_loop3A_293], %parallel_loop3A_291 {strides = array<i32>} : memref<64x384xf32, #tpu.memory_space<vmem>>, vector<16xf32>,
          %parallel_loop3A_295 = arith.index_cast %parallel_loop3A_144 : i32 to index
          %parallel_loop3A_296 = arith.constant 96 : index
          %parallel_loop3A_297 = tpu.vector_load %arg6[%parallel_loop3A_295, %parallel_loop3A_296] {strides = array<i32>} : memref<64x384xf32, #tpu.memory_space<vmem>>, vector<16xf32>,
          %parallel_loop3A_298 = arith.constant -4.000000e+00 : f32
          %parallel_loop3A_299 = vector.broadcast %parallel_loop3A_298 : f32 to vector<16xf32>
          %parallel_loop3A_300 = arith.subf %parallel_loop3A_297, %parallel_loop3A_299 : vector<16xf32>
          %parallel_loop3A_301 = arith.constant 7.875000e+00 : f32
          %parallel_loop3A_302 = vector.broadcast %parallel_loop3A_301 : f32 to vector<16xf32>
          %parallel_loop3A_303 = arith.mulf %parallel_loop3A_300, %parallel_loop3A_302 : vector<16xf32>
          %parallel_loop3A_304 = arith.constant 0.000000e+00 : f32
          %parallel_loop3A_305 = vector.broadcast %parallel_loop3A_304 : f32 to vector<16xf32>
          %parallel_loop3A_306 = arith.maximumf %parallel_loop3A_303, %parallel_loop3A_305 : vector<16xf32>
          %parallel_loop3A_307 = arith.constant 61.9999962 : f32
          %parallel_loop3A_308 = vector.broadcast %parallel_loop3A_307 : f32 to vector<16xf32>
          %parallel_loop3A_309 = arith.minimumf %parallel_loop3A_306, %parallel_loop3A_308 : vector<16xf32>
          %parallel_loop3A_310 = arith.fptosi %parallel_loop3A_309 : vector<16xf32> to vector<16xi32>
          %parallel_loop3A_311 = arith.sitofp %parallel_loop3A_310 : vector<16xi32> to vector<16xf32>
          %parallel_loop3A_312 = arith.subf %parallel_loop3A_303, %parallel_loop3A_311 : vector<16xf32>
          %parallel_loop3A_313 = tpu.vector_load_idx %arg10[%parallel_loop3A_310] : memref<64xf32, #tpu.memory_space<vmem>>[vector<16xi32>], vector<16xf32>,
          %parallel_loop3A_314 = tpu.vector_load_idx %arg11[%parallel_loop3A_310] : memref<64xf32, #tpu.memory_space<vmem>>[vector<16xi32>], vector<16xf32>,
          %parallel_loop3A_315 = arith.mulf %parallel_loop3A_314, %parallel_loop3A_312 : vector<16xf32>
          %parallel_loop3A_316 = arith.addf %parallel_loop3A_313, %parallel_loop3A_315 : vector<16xf32>
          %parallel_loop3A_317 = arith.index_cast %parallel_loop3A_144 : i32 to index
          %parallel_loop3A_318 = arith.constant 96 : index
          %parallel_loop3A_319 = tpu.vector_load %arg8[%parallel_loop3A_317, %parallel_loop3A_318] {strides = array<i32>} : memref<64x384xf32, #tpu.memory_space<vmem>>, vector<16xf32>,
          tpu.vector_store %arg8[%parallel_loop3A_317, %parallel_loop3A_318], %parallel_loop3A_316 {strides = array<i32>} : memref<64x384xf32, #tpu.memory_space<vmem>>, vector<16xf32>,
          %parallel_loop3A_320 = arith.index_cast %parallel_loop3A_144 : i32 to index
          %parallel_loop3A_321 = arith.constant 112 : index
          %parallel_loop3A_322 = tpu.vector_load %arg6[%parallel_loop3A_320, %parallel_loop3A_321] {strides = array<i32>} : memref<64x384xf32, #tpu.memory_space<vmem>>, vector<16xf32>,
          %parallel_loop3A_323 = arith.constant -4.000000e+00 : f32
          %parallel_loop3A_324 = vector.broadcast %parallel_loop3A_323 : f32 to vector<16xf32>
          %parallel_loop3A_325 = arith.subf %parallel_loop3A_322, %parallel_loop3A_324 : vector<16xf32>
          %parallel_loop3A_326 = arith.constant 7.875000e+00 : f32
          %parallel_loop3A_327 = vector.broadcast %parallel_loop3A_326 : f32 to vector<16xf32>
          %parallel_loop3A_328 = arith.mulf %parallel_loop3A_325, %parallel_loop3A_327 : vector<16xf32>
          %parallel_loop3A_329 = arith.constant 0.000000e+00 : f32
          %parallel_loop3A_330 = vector.broadcast %parallel_loop3A_329 : f32 to vector<16xf32>
          %parallel_loop3A_331 = arith.maximumf %parallel_loop3A_328, %parallel_loop3A_330 : vector<16xf32>
          %parallel_loop3A_332 = arith.constant 61.9999962 : f32
          %parallel_loop3A_333 = vector.broadcast %parallel_loop3A_332 : f32 to vector<16xf32>
          %parallel_loop3A_334 = arith.minimumf %parallel_loop3A_331, %parallel_loop3A_333 : vector<16xf32>
          %parallel_loop3A_335 = arith.fptosi %parallel_loop3A_334 : vector<16xf32> to vector<16xi32>
          %parallel_loop3A_336 = arith.sitofp %parallel_loop3A_335 : vector<16xi32> to vector<16xf32>
          %parallel_loop3A_337 = arith.subf %parallel_loop3A_328, %parallel_loop3A_336 : vector<16xf32>
          %parallel_loop3A_338 = tpu.vector_load_idx %arg10[%parallel_loop3A_335] : memref<64xf32, #tpu.memory_space<vmem>>[vector<16xi32>], vector<16xf32>,
          %parallel_loop3A_339 = tpu.vector_load_idx %arg11[%parallel_loop3A_335] : memref<64xf32, #tpu.memory_space<vmem>>[vector<16xi32>], vector<16xf32>,
          %parallel_loop3A_340 = arith.mulf %parallel_loop3A_339, %parallel_loop3A_337 : vector<16xf32>
          %parallel_loop3A_341 = arith.addf %parallel_loop3A_338, %parallel_loop3A_340 : vector<16xf32>
          %parallel_loop3A_342 = arith.index_cast %parallel_loop3A_144 : i32 to index
          %parallel_loop3A_343 = arith.constant 112 : index
          %parallel_loop3A_344 = tpu.vector_load %arg8[%parallel_loop3A_342, %parallel_loop3A_343] {strides = array<i32>} : memref<64x384xf32, #tpu.memory_space<vmem>>, vector<16xf32>,
          tpu.vector_store %arg8[%parallel_loop3A_342, %parallel_loop3A_343], %parallel_loop3A_341 {strides = array<i32>} : memref<64x384xf32, #tpu.memory_space<vmem>>, vector<16xf32>,
          %parallel_loop3A_345 = arith.index_cast %parallel_loop3A_144 : i32 to index
          %parallel_loop3A_346 = arith.constant 128 : index
          %parallel_loop3A_347 = tpu.vector_load %arg6[%parallel_loop3A_345, %parallel_loop3A_346] {strides = array<i32>} : memref<64x384xf32, #tpu.memory_space<vmem>>, vector<16xf32>,
          %parallel_loop3A_348 = arith.constant -4.000000e+00 : f32
          %parallel_loop3A_349 = vector.broadcast %parallel_loop3A_348 : f32 to vector<16xf32>
          %parallel_loop3A_350 = arith.subf %parallel_loop3A_347, %parallel_loop3A_349 : vector<16xf32>
          %parallel_loop3A_351 = arith.constant 7.875000e+00 : f32
          %parallel_loop3A_352 = vector.broadcast %parallel_loop3A_351 : f32 to vector<16xf32>
          %parallel_loop3A_353 = arith.mulf %parallel_loop3A_350, %parallel_loop3A_352 : vector<16xf32>
          %parallel_loop3A_354 = arith.constant 0.000000e+00 : f32
          %parallel_loop3A_355 = vector.broadcast %parallel_loop3A_354 : f32 to vector<16xf32>
          %parallel_loop3A_356 = arith.maximumf %parallel_loop3A_353, %parallel_loop3A_355 : vector<16xf32>
          %parallel_loop3A_357 = arith.constant 61.9999962 : f32
          %parallel_loop3A_358 = vector.broadcast %parallel_loop3A_357 : f32 to vector<16xf32>
          %parallel_loop3A_359 = arith.minimumf %parallel_loop3A_356, %parallel_loop3A_358 : vector<16xf32>
          %parallel_loop3A_360 = arith.fptosi %parallel_loop3A_359 : vector<16xf32> to vector<16xi32>
          %parallel_loop3A_361 = arith.sitofp %parallel_loop3A_360 : vector<16xi32> to vector<16xf32>
          %parallel_loop3A_362 = arith.subf %parallel_loop3A_353, %parallel_loop3A_361 : vector<16xf32>
          %parallel_loop3A_363 = tpu.vector_load_idx %arg10[%parallel_loop3A_360] : memref<64xf32, #tpu.memory_space<vmem>>[vector<16xi32>], vector<16xf32>,
          %parallel_loop3A_364 = tpu.vector_load_idx %arg11[%parallel_loop3A_360] : memref<64xf32, #tpu.memory_space<vmem>>[vector<16xi32>], vector<16xf32>,
          %parallel_loop3A_365 = arith.mulf %parallel_loop3A_364, %parallel_loop3A_362 : vector<16xf32>
          %parallel_loop3A_366 = arith.addf %parallel_loop3A_363, %parallel_loop3A_365 : vector<16xf32>
          %parallel_loop3A_367 = arith.index_cast %parallel_loop3A_144 : i32 to index
          %parallel_loop3A_368 = arith.constant 128 : index
          %parallel_loop3A_369 = tpu.vector_load %arg8[%parallel_loop3A_367, %parallel_loop3A_368] {strides = array<i32>} : memref<64x384xf32, #tpu.memory_space<vmem>>, vector<16xf32>,
          tpu.vector_store %arg8[%parallel_loop3A_367, %parallel_loop3A_368], %parallel_loop3A_366 {strides = array<i32>} : memref<64x384xf32, #tpu.memory_space<vmem>>, vector<16xf32>,
          %parallel_loop3A_370 = arith.index_cast %parallel_loop3A_144 : i32 to index
          %parallel_loop3A_371 = arith.constant 144 : index
          %parallel_loop3A_372 = tpu.vector_load %arg6[%parallel_loop3A_370, %parallel_loop3A_371] {strides = array<i32>} : memref<64x384xf32, #tpu.memory_space<vmem>>, vector<16xf32>,
          %parallel_loop3A_373 = arith.constant -4.000000e+00 : f32
          %parallel_loop3A_374 = vector.broadcast %parallel_loop3A_373 : f32 to vector<16xf32>
          %parallel_loop3A_375 = arith.subf %parallel_loop3A_372, %parallel_loop3A_374 : vector<16xf32>
          %parallel_loop3A_376 = arith.constant 7.875000e+00 : f32
          %parallel_loop3A_377 = vector.broadcast %parallel_loop3A_376 : f32 to vector<16xf32>
          %parallel_loop3A_378 = arith.mulf %parallel_loop3A_375, %parallel_loop3A_377 : vector<16xf32>
          %parallel_loop3A_379 = arith.constant 0.000000e+00 : f32
          %parallel_loop3A_380 = vector.broadcast %parallel_loop3A_379 : f32 to vector<16xf32>
          %parallel_loop3A_381 = arith.maximumf %parallel_loop3A_378, %parallel_loop3A_380 : vector<16xf32>
          %parallel_loop3A_382 = arith.constant 61.9999962 : f32
          %parallel_loop3A_383 = vector.broadcast %parallel_loop3A_382 : f32 to vector<16xf32>
          %parallel_loop3A_384 = arith.minimumf %parallel_loop3A_381, %parallel_loop3A_383 : vector<16xf32>
          %parallel_loop3A_385 = arith.fptosi %parallel_loop3A_384 : vector<16xf32> to vector<16xi32>
          %parallel_loop3A_386 = arith.sitofp %parallel_loop3A_385 : vector<16xi32> to vector<16xf32>
          %parallel_loop3A_387 = arith.subf %parallel_loop3A_378, %parallel_loop3A_386 : vector<16xf32>
          %parallel_loop3A_388 = tpu.vector_load_idx %arg10[%parallel_loop3A_385] : memref<64xf32, #tpu.memory_space<vmem>>[vector<16xi32>], vector<16xf32>,
          %parallel_loop3A_389 = tpu.vector_load_idx %arg11[%parallel_loop3A_385] : memref<64xf32, #tpu.memory_space<vmem>>[vector<16xi32>], vector<16xf32>,
          %parallel_loop3A_390 = arith.mulf %parallel_loop3A_389, %parallel_loop3A_387 : vector<16xf32>
          %parallel_loop3A_391 = arith.addf %parallel_loop3A_388, %parallel_loop3A_390 : vector<16xf32>
          %parallel_loop3A_392 = arith.index_cast %parallel_loop3A_144 : i32 to index
          %parallel_loop3A_393 = arith.constant 144 : index
          %parallel_loop3A_394 = tpu.vector_load %arg8[%parallel_loop3A_392, %parallel_loop3A_393] {strides = array<i32>} : memref<64x384xf32, #tpu.memory_space<vmem>>, vector<16xf32>,
          tpu.vector_store %arg8[%parallel_loop3A_392, %parallel_loop3A_393], %parallel_loop3A_391 {strides = array<i32>} : memref<64x384xf32, #tpu.memory_space<vmem>>, vector<16xf32>,
          %parallel_loop3A_395 = arith.index_cast %parallel_loop3A_144 : i32 to index
          %parallel_loop3A_396 = arith.constant 160 : index
          %parallel_loop3A_397 = tpu.vector_load %arg6[%parallel_loop3A_395, %parallel_loop3A_396] {strides = array<i32>} : memref<64x384xf32, #tpu.memory_space<vmem>>, vector<16xf32>,
          %parallel_loop3A_398 = arith.constant -4.000000e+00 : f32
          %parallel_loop3A_399 = vector.broadcast %parallel_loop3A_398 : f32 to vector<16xf32>
          %parallel_loop3A_400 = arith.subf %parallel_loop3A_397, %parallel_loop3A_399 : vector<16xf32>
          %parallel_loop3A_401 = arith.constant 7.875000e+00 : f32
          %parallel_loop3A_402 = vector.broadcast %parallel_loop3A_401 : f32 to vector<16xf32>
          %parallel_loop3A_403 = arith.mulf %parallel_loop3A_400, %parallel_loop3A_402 : vector<16xf32>
          %parallel_loop3A_404 = arith.constant 0.000000e+00 : f32
          %parallel_loop3A_405 = vector.broadcast %parallel_loop3A_404 : f32 to vector<16xf32>
          %parallel_loop3A_406 = arith.maximumf %parallel_loop3A_403, %parallel_loop3A_405 : vector<16xf32>
          %parallel_loop3A_407 = arith.constant 61.9999962 : f32
          %parallel_loop3A_408 = vector.broadcast %parallel_loop3A_407 : f32 to vector<16xf32>
          %parallel_loop3A_409 = arith.minimumf %parallel_loop3A_406, %parallel_loop3A_408 : vector<16xf32>
          %parallel_loop3A_410 = arith.fptosi %parallel_loop3A_409 : vector<16xf32> to vector<16xi32>
          %parallel_loop3A_411 = arith.sitofp %parallel_loop3A_410 : vector<16xi32> to vector<16xf32>
          %parallel_loop3A_412 = arith.subf %parallel_loop3A_403, %parallel_loop3A_411 : vector<16xf32>
          %parallel_loop3A_413 = tpu.vector_load_idx %arg10[%parallel_loop3A_410] : memref<64xf32, #tpu.memory_space<vmem>>[vector<16xi32>], vector<16xf32>,
          %parallel_loop3A_414 = tpu.vector_load_idx %arg11[%parallel_loop3A_410] : memref<64xf32, #tpu.memory_space<vmem>>[vector<16xi32>], vector<16xf32>,
          %parallel_loop3A_415 = arith.mulf %parallel_loop3A_414, %parallel_loop3A_412 : vector<16xf32>
          %parallel_loop3A_416 = arith.addf %parallel_loop3A_413, %parallel_loop3A_415 : vector<16xf32>
          %parallel_loop3A_417 = arith.index_cast %parallel_loop3A_144 : i32 to index
          %parallel_loop3A_418 = arith.constant 160 : index
          %parallel_loop3A_419 = tpu.vector_load %arg8[%parallel_loop3A_417, %parallel_loop3A_418] {strides = array<i32>} : memref<64x384xf32, #tpu.memory_space<vmem>>, vector<16xf32>,
          tpu.vector_store %arg8[%parallel_loop3A_417, %parallel_loop3A_418], %parallel_loop3A_416 {strides = array<i32>} : memref<64x384xf32, #tpu.memory_space<vmem>>, vector<16xf32>,
          %parallel_loop3A_420 = arith.index_cast %parallel_loop3A_144 : i32 to index
          %parallel_loop3A_421 = arith.constant 176 : index
          %parallel_loop3A_422 = tpu.vector_load %arg6[%parallel_loop3A_420, %parallel_loop3A_421] {strides = array<i32>} : memref<64x384xf32, #tpu.memory_space<vmem>>, vector<16xf32>,
          %parallel_loop3A_423 = arith.constant -4.000000e+00 : f32
          %parallel_loop3A_424 = vector.broadcast %parallel_loop3A_423 : f32 to vector<16xf32>
          %parallel_loop3A_425 = arith.subf %parallel_loop3A_422, %parallel_loop3A_424 : vector<16xf32>
          %parallel_loop3A_426 = arith.constant 7.875000e+00 : f32
          %parallel_loop3A_427 = vector.broadcast %parallel_loop3A_426 : f32 to vector<16xf32>
          %parallel_loop3A_428 = arith.mulf %parallel_loop3A_425, %parallel_loop3A_427 : vector<16xf32>
          %parallel_loop3A_429 = arith.constant 0.000000e+00 : f32
          %parallel_loop3A_430 = vector.broadcast %parallel_loop3A_429 : f32 to vector<16xf32>
          %parallel_loop3A_431 = arith.maximumf %parallel_loop3A_428, %parallel_loop3A_430 : vector<16xf32>
          %parallel_loop3A_432 = arith.constant 61.9999962 : f32
          %parallel_loop3A_433 = vector.broadcast %parallel_loop3A_432 : f32 to vector<16xf32>
          %parallel_loop3A_434 = arith.minimumf %parallel_loop3A_431, %parallel_loop3A_433 : vector<16xf32>
          %parallel_loop3A_435 = arith.fptosi %parallel_loop3A_434 : vector<16xf32> to vector<16xi32>
          %parallel_loop3A_436 = arith.sitofp %parallel_loop3A_435 : vector<16xi32> to vector<16xf32>
          %parallel_loop3A_437 = arith.subf %parallel_loop3A_428, %parallel_loop3A_436 : vector<16xf32>
          %parallel_loop3A_438 = tpu.vector_load_idx %arg10[%parallel_loop3A_435] : memref<64xf32, #tpu.memory_space<vmem>>[vector<16xi32>], vector<16xf32>,
          %parallel_loop3A_439 = tpu.vector_load_idx %arg11[%parallel_loop3A_435] : memref<64xf32, #tpu.memory_space<vmem>>[vector<16xi32>], vector<16xf32>,
          %parallel_loop3A_440 = arith.mulf %parallel_loop3A_439, %parallel_loop3A_437 : vector<16xf32>
          %parallel_loop3A_441 = arith.addf %parallel_loop3A_438, %parallel_loop3A_440 : vector<16xf32>
          %parallel_loop3A_442 = arith.index_cast %parallel_loop3A_144 : i32 to index
          %parallel_loop3A_443 = arith.constant 176 : index
          %parallel_loop3A_444 = tpu.vector_load %arg8[%parallel_loop3A_442, %parallel_loop3A_443] {strides = array<i32>} : memref<64x384xf32, #tpu.memory_space<vmem>>, vector<16xf32>,
          tpu.vector_store %arg8[%parallel_loop3A_442, %parallel_loop3A_443], %parallel_loop3A_441 {strides = array<i32>} : memref<64x384xf32, #tpu.memory_space<vmem>>, vector<16xf32>,
          %parallel_loop3A_445 = arith.index_cast %parallel_loop3A_144 : i32 to index
          %parallel_loop3A_446 = arith.constant 192 : index
          %parallel_loop3A_447 = tpu.vector_load %arg6[%parallel_loop3A_445, %parallel_loop3A_446] {strides = array<i32>} : memref<64x384xf32, #tpu.memory_space<vmem>>, vector<16xf32>,
          %parallel_loop3A_448 = arith.constant -4.000000e+00 : f32
          %parallel_loop3A_449 = vector.broadcast %parallel_loop3A_448 : f32 to vector<16xf32>
          %parallel_loop3A_450 = arith.subf %parallel_loop3A_447, %parallel_loop3A_449 : vector<16xf32>
          %parallel_loop3A_451 = arith.constant 7.875000e+00 : f32
          %parallel_loop3A_452 = vector.broadcast %parallel_loop3A_451 : f32 to vector<16xf32>
          %parallel_loop3A_453 = arith.mulf %parallel_loop3A_450, %parallel_loop3A_452 : vector<16xf32>
          %parallel_loop3A_454 = arith.constant 0.000000e+00 : f32
          %parallel_loop3A_455 = vector.broadcast %parallel_loop3A_454 : f32 to vector<16xf32>
          %parallel_loop3A_456 = arith.maximumf %parallel_loop3A_453, %parallel_loop3A_455 : vector<16xf32>
          %parallel_loop3A_457 = arith.constant 61.9999962 : f32
          %parallel_loop3A_458 = vector.broadcast %parallel_loop3A_457 : f32 to vector<16xf32>
          %parallel_loop3A_459 = arith.minimumf %parallel_loop3A_456, %parallel_loop3A_458 : vector<16xf32>
          %parallel_loop3A_460 = arith.fptosi %parallel_loop3A_459 : vector<16xf32> to vector<16xi32>
          %parallel_loop3A_461 = arith.sitofp %parallel_loop3A_460 : vector<16xi32> to vector<16xf32>
          %parallel_loop3A_462 = arith.subf %parallel_loop3A_453, %parallel_loop3A_461 : vector<16xf32>
          %parallel_loop3A_463 = tpu.vector_load_idx %arg10[%parallel_loop3A_460] : memref<64xf32, #tpu.memory_space<vmem>>[vector<16xi32>], vector<16xf32>,
          %parallel_loop3A_464 = tpu.vector_load_idx %arg11[%parallel_loop3A_460] : memref<64xf32, #tpu.memory_space<vmem>>[vector<16xi32>], vector<16xf32>,
          %parallel_loop3A_465 = arith.mulf %parallel_loop3A_464, %parallel_loop3A_462 : vector<16xf32>
          %parallel_loop3A_466 = arith.addf %parallel_loop3A_463, %parallel_loop3A_465 : vector<16xf32>
          %parallel_loop3A_467 = arith.index_cast %parallel_loop3A_144 : i32 to index
          %parallel_loop3A_468 = arith.constant 192 : index
          %parallel_loop3A_469 = tpu.vector_load %arg8[%parallel_loop3A_467, %parallel_loop3A_468] {strides = array<i32>} : memref<64x384xf32, #tpu.memory_space<vmem>>, vector<16xf32>,
          tpu.vector_store %arg8[%parallel_loop3A_467, %parallel_loop3A_468], %parallel_loop3A_466 {strides = array<i32>} : memref<64x384xf32, #tpu.memory_space<vmem>>, vector<16xf32>,
          %parallel_loop3A_470 = arith.index_cast %parallel_loop3A_144 : i32 to index
          %parallel_loop3A_471 = arith.constant 208 : index
          %parallel_loop3A_472 = tpu.vector_load %arg6[%parallel_loop3A_470, %parallel_loop3A_471] {strides = array<i32>} : memref<64x384xf32, #tpu.memory_space<vmem>>, vector<16xf32>,
          %parallel_loop3A_473 = arith.constant -4.000000e+00 : f32
          %parallel_loop3A_474 = vector.broadcast %parallel_loop3A_473 : f32 to vector<16xf32>
          %parallel_loop3A_475 = arith.subf %parallel_loop3A_472, %parallel_loop3A_474 : vector<16xf32>
          %parallel_loop3A_476 = arith.constant 7.875000e+00 : f32
          %parallel_loop3A_477 = vector.broadcast %parallel_loop3A_476 : f32 to vector<16xf32>
          %parallel_loop3A_478 = arith.mulf %parallel_loop3A_475, %parallel_loop3A_477 : vector<16xf32>
          %parallel_loop3A_479 = arith.constant 0.000000e+00 : f32
          %parallel_loop3A_480 = vector.broadcast %parallel_loop3A_479 : f32 to vector<16xf32>
          %parallel_loop3A_481 = arith.maximumf %parallel_loop3A_478, %parallel_loop3A_480 : vector<16xf32>
          %parallel_loop3A_482 = arith.constant 61.9999962 : f32
          %parallel_loop3A_483 = vector.broadcast %parallel_loop3A_482 : f32 to vector<16xf32>
          %parallel_loop3A_484 = arith.minimumf %parallel_loop3A_481, %parallel_loop3A_483 : vector<16xf32>
          %parallel_loop3A_485 = arith.fptosi %parallel_loop3A_484 : vector<16xf32> to vector<16xi32>
          %parallel_loop3A_486 = arith.sitofp %parallel_loop3A_485 : vector<16xi32> to vector<16xf32>
          %parallel_loop3A_487 = arith.subf %parallel_loop3A_478, %parallel_loop3A_486 : vector<16xf32>
          %parallel_loop3A_488 = tpu.vector_load_idx %arg10[%parallel_loop3A_485] : memref<64xf32, #tpu.memory_space<vmem>>[vector<16xi32>], vector<16xf32>,
          %parallel_loop3A_489 = tpu.vector_load_idx %arg11[%parallel_loop3A_485] : memref<64xf32, #tpu.memory_space<vmem>>[vector<16xi32>], vector<16xf32>,
          %parallel_loop3A_490 = arith.mulf %parallel_loop3A_489, %parallel_loop3A_487 : vector<16xf32>
          %parallel_loop3A_491 = arith.addf %parallel_loop3A_488, %parallel_loop3A_490 : vector<16xf32>
          %parallel_loop3A_492 = arith.index_cast %parallel_loop3A_144 : i32 to index
          %parallel_loop3A_493 = arith.constant 208 : index
          %parallel_loop3A_494 = tpu.vector_load %arg8[%parallel_loop3A_492, %parallel_loop3A_493] {strides = array<i32>} : memref<64x384xf32, #tpu.memory_space<vmem>>, vector<16xf32>,
          tpu.vector_store %arg8[%parallel_loop3A_492, %parallel_loop3A_493], %parallel_loop3A_491 {strides = array<i32>} : memref<64x384xf32, #tpu.memory_space<vmem>>, vector<16xf32>,
          %parallel_loop3A_495 = arith.index_cast %parallel_loop3A_144 : i32 to index
          %parallel_loop3A_496 = arith.constant 224 : index
          %parallel_loop3A_497 = tpu.vector_load %arg6[%parallel_loop3A_495, %parallel_loop3A_496] {strides = array<i32>} : memref<64x384xf32, #tpu.memory_space<vmem>>, vector<16xf32>,
          %parallel_loop3A_498 = arith.constant -4.000000e+00 : f32
          %parallel_loop3A_499 = vector.broadcast %parallel_loop3A_498 : f32 to vector<16xf32>
          %parallel_loop3A_500 = arith.subf %parallel_loop3A_497, %parallel_loop3A_499 : vector<16xf32>
          %parallel_loop3A_501 = arith.constant 7.875000e+00 : f32
          %parallel_loop3A_502 = vector.broadcast %parallel_loop3A_501 : f32 to vector<16xf32>
          %parallel_loop3A_503 = arith.mulf %parallel_loop3A_500, %parallel_loop3A_502 : vector<16xf32>
          %parallel_loop3A_504 = arith.constant 0.000000e+00 : f32
          %parallel_loop3A_505 = vector.broadcast %parallel_loop3A_504 : f32 to vector<16xf32>
          %parallel_loop3A_506 = arith.maximumf %parallel_loop3A_503, %parallel_loop3A_505 : vector<16xf32>
          %parallel_loop3A_507 = arith.constant 61.9999962 : f32
          %parallel_loop3A_508 = vector.broadcast %parallel_loop3A_507 : f32 to vector<16xf32>
          %parallel_loop3A_509 = arith.minimumf %parallel_loop3A_506, %parallel_loop3A_508 : vector<16xf32>
          %parallel_loop3A_510 = arith.fptosi %parallel_loop3A_509 : vector<16xf32> to vector<16xi32>
          %parallel_loop3A_511 = arith.sitofp %parallel_loop3A_510 : vector<16xi32> to vector<16xf32>
          %parallel_loop3A_512 = arith.subf %parallel_loop3A_503, %parallel_loop3A_511 : vector<16xf32>
          %parallel_loop3A_513 = tpu.vector_load_idx %arg10[%parallel_loop3A_510] : memref<64xf32, #tpu.memory_space<vmem>>[vector<16xi32>], vector<16xf32>,
          %parallel_loop3A_514 = tpu.vector_load_idx %arg11[%parallel_loop3A_510] : memref<64xf32, #tpu.memory_space<vmem>>[vector<16xi32>], vector<16xf32>,
          %parallel_loop3A_515 = arith.mulf %parallel_loop3A_514, %parallel_loop3A_512 : vector<16xf32>
          %parallel_loop3A_516 = arith.addf %parallel_loop3A_513, %parallel_loop3A_515 : vector<16xf32>
          %parallel_loop3A_517 = arith.index_cast %parallel_loop3A_144 : i32 to index
          %parallel_loop3A_518 = arith.constant 224 : index
          %parallel_loop3A_519 = tpu.vector_load %arg8[%parallel_loop3A_517, %parallel_loop3A_518] {strides = array<i32>} : memref<64x384xf32, #tpu.memory_space<vmem>>, vector<16xf32>,
          tpu.vector_store %arg8[%parallel_loop3A_517, %parallel_loop3A_518], %parallel_loop3A_516 {strides = array<i32>} : memref<64x384xf32, #tpu.memory_space<vmem>>, vector<16xf32>,
          %parallel_loop3A_520 = arith.index_cast %parallel_loop3A_144 : i32 to index
          %parallel_loop3A_521 = arith.constant 240 : index
          %parallel_loop3A_522 = tpu.vector_load %arg6[%parallel_loop3A_520, %parallel_loop3A_521] {strides = array<i32>} : memref<64x384xf32, #tpu.memory_space<vmem>>, vector<16xf32>,
          %parallel_loop3A_523 = arith.constant -4.000000e+00 : f32
          %parallel_loop3A_524 = vector.broadcast %parallel_loop3A_523 : f32 to vector<16xf32>
          %parallel_loop3A_525 = arith.subf %parallel_loop3A_522, %parallel_loop3A_524 : vector<16xf32>
          %parallel_loop3A_526 = arith.constant 7.875000e+00 : f32
          %parallel_loop3A_527 = vector.broadcast %parallel_loop3A_526 : f32 to vector<16xf32>
          %parallel_loop3A_528 = arith.mulf %parallel_loop3A_525, %parallel_loop3A_527 : vector<16xf32>
          %parallel_loop3A_529 = arith.constant 0.000000e+00 : f32
          %parallel_loop3A_530 = vector.broadcast %parallel_loop3A_529 : f32 to vector<16xf32>
          %parallel_loop3A_531 = arith.maximumf %parallel_loop3A_528, %parallel_loop3A_530 : vector<16xf32>
          %parallel_loop3A_532 = arith.constant 61.9999962 : f32
          %parallel_loop3A_533 = vector.broadcast %parallel_loop3A_532 : f32 to vector<16xf32>
          %parallel_loop3A_534 = arith.minimumf %parallel_loop3A_531, %parallel_loop3A_533 : vector<16xf32>
          %parallel_loop3A_535 = arith.fptosi %parallel_loop3A_534 : vector<16xf32> to vector<16xi32>
          %parallel_loop3A_536 = arith.sitofp %parallel_loop3A_535 : vector<16xi32> to vector<16xf32>
          %parallel_loop3A_537 = arith.subf %parallel_loop3A_528, %parallel_loop3A_536 : vector<16xf32>
          %parallel_loop3A_538 = tpu.vector_load_idx %arg10[%parallel_loop3A_535] : memref<64xf32, #tpu.memory_space<vmem>>[vector<16xi32>], vector<16xf32>,
          %parallel_loop3A_539 = tpu.vector_load_idx %arg11[%parallel_loop3A_535] : memref<64xf32, #tpu.memory_space<vmem>>[vector<16xi32>], vector<16xf32>,
          %parallel_loop3A_540 = arith.mulf %parallel_loop3A_539, %parallel_loop3A_537 : vector<16xf32>
          %parallel_loop3A_541 = arith.addf %parallel_loop3A_538, %parallel_loop3A_540 : vector<16xf32>
          %parallel_loop3A_542 = arith.index_cast %parallel_loop3A_144 : i32 to index
          %parallel_loop3A_543 = arith.constant 240 : index
          %parallel_loop3A_544 = tpu.vector_load %arg8[%parallel_loop3A_542, %parallel_loop3A_543] {strides = array<i32>} : memref<64x384xf32, #tpu.memory_space<vmem>>, vector<16xf32>,
          tpu.vector_store %arg8[%parallel_loop3A_542, %parallel_loop3A_543], %parallel_loop3A_541 {strides = array<i32>} : memref<64x384xf32, #tpu.memory_space<vmem>>, vector<16xf32>,
          %parallel_loop3A_545 = arith.index_cast %parallel_loop3A_144 : i32 to index
          %parallel_loop3A_546 = arith.constant 256 : index
          %parallel_loop3A_547 = tpu.vector_load %arg6[%parallel_loop3A_545, %parallel_loop3A_546] {strides = array<i32>} : memref<64x384xf32, #tpu.memory_space<vmem>>, vector<16xf32>,
          %parallel_loop3A_548 = arith.constant -4.000000e+00 : f32
          %parallel_loop3A_549 = vector.broadcast %parallel_loop3A_548 : f32 to vector<16xf32>
          %parallel_loop3A_550 = arith.subf %parallel_loop3A_547, %parallel_loop3A_549 : vector<16xf32>
          %parallel_loop3A_551 = arith.constant 7.875000e+00 : f32
          %parallel_loop3A_552 = vector.broadcast %parallel_loop3A_551 : f32 to vector<16xf32>
          %parallel_loop3A_553 = arith.mulf %parallel_loop3A_550, %parallel_loop3A_552 : vector<16xf32>
          %parallel_loop3A_554 = arith.constant 0.000000e+00 : f32
          %parallel_loop3A_555 = vector.broadcast %parallel_loop3A_554 : f32 to vector<16xf32>
          %parallel_loop3A_556 = arith.maximumf %parallel_loop3A_553, %parallel_loop3A_555 : vector<16xf32>
          %parallel_loop3A_557 = arith.constant 61.9999962 : f32
          %parallel_loop3A_558 = vector.broadcast %parallel_loop3A_557 : f32 to vector<16xf32>
          %parallel_loop3A_559 = arith.minimumf %parallel_loop3A_556, %parallel_loop3A_558 : vector<16xf32>
          %parallel_loop3A_560 = arith.fptosi %parallel_loop3A_559 : vector<16xf32> to vector<16xi32>
          %parallel_loop3A_561 = arith.sitofp %parallel_loop3A_560 : vector<16xi32> to vector<16xf32>
          %parallel_loop3A_562 = arith.subf %parallel_loop3A_553, %parallel_loop3A_561 : vector<16xf32>
          %parallel_loop3A_563 = tpu.vector_load_idx %arg10[%parallel_loop3A_560] : memref<64xf32, #tpu.memory_space<vmem>>[vector<16xi32>], vector<16xf32>,
          %parallel_loop3A_564 = tpu.vector_load_idx %arg11[%parallel_loop3A_560] : memref<64xf32, #tpu.memory_space<vmem>>[vector<16xi32>], vector<16xf32>,
          %parallel_loop3A_565 = arith.mulf %parallel_loop3A_564, %parallel_loop3A_562 : vector<16xf32>
          %parallel_loop3A_566 = arith.addf %parallel_loop3A_563, %parallel_loop3A_565 : vector<16xf32>
          %parallel_loop3A_567 = arith.index_cast %parallel_loop3A_144 : i32 to index
          %parallel_loop3A_568 = arith.constant 256 : index
          %parallel_loop3A_569 = tpu.vector_load %arg8[%parallel_loop3A_567, %parallel_loop3A_568] {strides = array<i32>} : memref<64x384xf32, #tpu.memory_space<vmem>>, vector<16xf32>,
          tpu.vector_store %arg8[%parallel_loop3A_567, %parallel_loop3A_568], %parallel_loop3A_566 {strides = array<i32>} : memref<64x384xf32, #tpu.memory_space<vmem>>, vector<16xf32>,
          %parallel_loop3A_570 = arith.index_cast %parallel_loop3A_144 : i32 to index
          %parallel_loop3A_571 = arith.constant 272 : index
          %parallel_loop3A_572 = tpu.vector_load %arg6[%parallel_loop3A_570, %parallel_loop3A_571] {strides = array<i32>} : memref<64x384xf32, #tpu.memory_space<vmem>>, vector<16xf32>,
          %parallel_loop3A_573 = arith.constant -4.000000e+00 : f32
          %parallel_loop3A_574 = vector.broadcast %parallel_loop3A_573 : f32 to vector<16xf32>
          %parallel_loop3A_575 = arith.subf %parallel_loop3A_572, %parallel_loop3A_574 : vector<16xf32>
          %parallel_loop3A_576 = arith.constant 7.875000e+00 : f32
          %parallel_loop3A_577 = vector.broadcast %parallel_loop3A_576 : f32 to vector<16xf32>
          %parallel_loop3A_578 = arith.mulf %parallel_loop3A_575, %parallel_loop3A_577 : vector<16xf32>
          %parallel_loop3A_579 = arith.constant 0.000000e+00 : f32
          %parallel_loop3A_580 = vector.broadcast %parallel_loop3A_579 : f32 to vector<16xf32>
          %parallel_loop3A_581 = arith.maximumf %parallel_loop3A_578, %parallel_loop3A_580 : vector<16xf32>
          %parallel_loop3A_582 = arith.constant 61.9999962 : f32
          %parallel_loop3A_583 = vector.broadcast %parallel_loop3A_582 : f32 to vector<16xf32>
          %parallel_loop3A_584 = arith.minimumf %parallel_loop3A_581, %parallel_loop3A_583 : vector<16xf32>
          %parallel_loop3A_585 = arith.fptosi %parallel_loop3A_584 : vector<16xf32> to vector<16xi32>
          %parallel_loop3A_586 = arith.sitofp %parallel_loop3A_585 : vector<16xi32> to vector<16xf32>
          %parallel_loop3A_587 = arith.subf %parallel_loop3A_578, %parallel_loop3A_586 : vector<16xf32>
          %parallel_loop3A_588 = tpu.vector_load_idx %arg10[%parallel_loop3A_585] : memref<64xf32, #tpu.memory_space<vmem>>[vector<16xi32>], vector<16xf32>,
          %parallel_loop3A_589 = tpu.vector_load_idx %arg11[%parallel_loop3A_585] : memref<64xf32, #tpu.memory_space<vmem>>[vector<16xi32>], vector<16xf32>,
          %parallel_loop3A_590 = arith.mulf %parallel_loop3A_589, %parallel_loop3A_587 : vector<16xf32>
          %parallel_loop3A_591 = arith.addf %parallel_loop3A_588, %parallel_loop3A_590 : vector<16xf32>
          %parallel_loop3A_592 = arith.index_cast %parallel_loop3A_144 : i32 to index
          %parallel_loop3A_593 = arith.constant 272 : index
          %parallel_loop3A_594 = tpu.vector_load %arg8[%parallel_loop3A_592, %parallel_loop3A_593] {strides = array<i32>} : memref<64x384xf32, #tpu.memory_space<vmem>>, vector<16xf32>,
          tpu.vector_store %arg8[%parallel_loop3A_592, %parallel_loop3A_593], %parallel_loop3A_591 {strides = array<i32>} : memref<64x384xf32, #tpu.memory_space<vmem>>, vector<16xf32>,
          %parallel_loop3A_595 = arith.index_cast %parallel_loop3A_144 : i32 to index
          %parallel_loop3A_596 = arith.constant 288 : index
          %parallel_loop3A_597 = tpu.vector_load %arg6[%parallel_loop3A_595, %parallel_loop3A_596] {strides = array<i32>} : memref<64x384xf32, #tpu.memory_space<vmem>>, vector<16xf32>,
          %parallel_loop3A_598 = arith.constant -4.000000e+00 : f32
          %parallel_loop3A_599 = vector.broadcast %parallel_loop3A_598 : f32 to vector<16xf32>
          %parallel_loop3A_600 = arith.subf %parallel_loop3A_597, %parallel_loop3A_599 : vector<16xf32>
          %parallel_loop3A_601 = arith.constant 7.875000e+00 : f32
          %parallel_loop3A_602 = vector.broadcast %parallel_loop3A_601 : f32 to vector<16xf32>
          %parallel_loop3A_603 = arith.mulf %parallel_loop3A_600, %parallel_loop3A_602 : vector<16xf32>
          %parallel_loop3A_604 = arith.constant 0.000000e+00 : f32
          %parallel_loop3A_605 = vector.broadcast %parallel_loop3A_604 : f32 to vector<16xf32>
          %parallel_loop3A_606 = arith.maximumf %parallel_loop3A_603, %parallel_loop3A_605 : vector<16xf32>
          %parallel_loop3A_607 = arith.constant 61.9999962 : f32
          %parallel_loop3A_608 = vector.broadcast %parallel_loop3A_607 : f32 to vector<16xf32>
          %parallel_loop3A_609 = arith.minimumf %parallel_loop3A_606, %parallel_loop3A_608 : vector<16xf32>
          %parallel_loop3A_610 = arith.fptosi %parallel_loop3A_609 : vector<16xf32> to vector<16xi32>
          %parallel_loop3A_611 = arith.sitofp %parallel_loop3A_610 : vector<16xi32> to vector<16xf32>
          %parallel_loop3A_612 = arith.subf %parallel_loop3A_603, %parallel_loop3A_611 : vector<16xf32>
          %parallel_loop3A_613 = tpu.vector_load_idx %arg10[%parallel_loop3A_610] : memref<64xf32, #tpu.memory_space<vmem>>[vector<16xi32>], vector<16xf32>,
          %parallel_loop3A_614 = tpu.vector_load_idx %arg11[%parallel_loop3A_610] : memref<64xf32, #tpu.memory_space<vmem>>[vector<16xi32>], vector<16xf32>,
          %parallel_loop3A_615 = arith.mulf %parallel_loop3A_614, %parallel_loop3A_612 : vector<16xf32>
          %parallel_loop3A_616 = arith.addf %parallel_loop3A_613, %parallel_loop3A_615 : vector<16xf32>
          %parallel_loop3A_617 = arith.index_cast %parallel_loop3A_144 : i32 to index
          %parallel_loop3A_618 = arith.constant 288 : index
          %parallel_loop3A_619 = tpu.vector_load %arg8[%parallel_loop3A_617, %parallel_loop3A_618] {strides = array<i32>} : memref<64x384xf32, #tpu.memory_space<vmem>>, vector<16xf32>,
          tpu.vector_store %arg8[%parallel_loop3A_617, %parallel_loop3A_618], %parallel_loop3A_616 {strides = array<i32>} : memref<64x384xf32, #tpu.memory_space<vmem>>, vector<16xf32>,
          %parallel_loop3A_620 = arith.index_cast %parallel_loop3A_144 : i32 to index
          %parallel_loop3A_621 = arith.constant 304 : index
          %parallel_loop3A_622 = tpu.vector_load %arg6[%parallel_loop3A_620, %parallel_loop3A_621] {strides = array<i32>} : memref<64x384xf32, #tpu.memory_space<vmem>>, vector<16xf32>,
          %parallel_loop3A_623 = arith.constant -4.000000e+00 : f32
          %parallel_loop3A_624 = vector.broadcast %parallel_loop3A_623 : f32 to vector<16xf32>
          %parallel_loop3A_625 = arith.subf %parallel_loop3A_622, %parallel_loop3A_624 : vector<16xf32>
          %parallel_loop3A_626 = arith.constant 7.875000e+00 : f32
          %parallel_loop3A_627 = vector.broadcast %parallel_loop3A_626 : f32 to vector<16xf32>
          %parallel_loop3A_628 = arith.mulf %parallel_loop3A_625, %parallel_loop3A_627 : vector<16xf32>
          %parallel_loop3A_629 = arith.constant 0.000000e+00 : f32
          %parallel_loop3A_630 = vector.broadcast %parallel_loop3A_629 : f32 to vector<16xf32>
          %parallel_loop3A_631 = arith.maximumf %parallel_loop3A_628, %parallel_loop3A_630 : vector<16xf32>
          %parallel_loop3A_632 = arith.constant 61.9999962 : f32
          %parallel_loop3A_633 = vector.broadcast %parallel_loop3A_632 : f32 to vector<16xf32>
          %parallel_loop3A_634 = arith.minimumf %parallel_loop3A_631, %parallel_loop3A_633 : vector<16xf32>
          %parallel_loop3A_635 = arith.fptosi %parallel_loop3A_634 : vector<16xf32> to vector<16xi32>
          %parallel_loop3A_636 = arith.sitofp %parallel_loop3A_635 : vector<16xi32> to vector<16xf32>
          %parallel_loop3A_637 = arith.subf %parallel_loop3A_628, %parallel_loop3A_636 : vector<16xf32>
          %parallel_loop3A_638 = tpu.vector_load_idx %arg10[%parallel_loop3A_635] : memref<64xf32, #tpu.memory_space<vmem>>[vector<16xi32>], vector<16xf32>,
          %parallel_loop3A_639 = tpu.vector_load_idx %arg11[%parallel_loop3A_635] : memref<64xf32, #tpu.memory_space<vmem>>[vector<16xi32>], vector<16xf32>,
          %parallel_loop3A_640 = arith.mulf %parallel_loop3A_639, %parallel_loop3A_637 : vector<16xf32>
          %parallel_loop3A_641 = arith.addf %parallel_loop3A_638, %parallel_loop3A_640 : vector<16xf32>
          %parallel_loop3A_642 = arith.index_cast %parallel_loop3A_144 : i32 to index
          %parallel_loop3A_643 = arith.constant 304 : index
          %parallel_loop3A_644 = tpu.vector_load %arg8[%parallel_loop3A_642, %parallel_loop3A_643] {strides = array<i32>} : memref<64x384xf32, #tpu.memory_space<vmem>>, vector<16xf32>,
          tpu.vector_store %arg8[%parallel_loop3A_642, %parallel_loop3A_643], %parallel_loop3A_641 {strides = array<i32>} : memref<64x384xf32, #tpu.memory_space<vmem>>, vector<16xf32>,
          %parallel_loop3A_645 = arith.index_cast %parallel_loop3A_144 : i32 to index
          %parallel_loop3A_646 = arith.constant 320 : index
          %parallel_loop3A_647 = tpu.vector_load %arg6[%parallel_loop3A_645, %parallel_loop3A_646] {strides = array<i32>} : memref<64x384xf32, #tpu.memory_space<vmem>>, vector<16xf32>,
          %parallel_loop3A_648 = arith.constant -4.000000e+00 : f32
          %parallel_loop3A_649 = vector.broadcast %parallel_loop3A_648 : f32 to vector<16xf32>
          %parallel_loop3A_650 = arith.subf %parallel_loop3A_647, %parallel_loop3A_649 : vector<16xf32>
          %parallel_loop3A_651 = arith.constant 7.875000e+00 : f32
          %parallel_loop3A_652 = vector.broadcast %parallel_loop3A_651 : f32 to vector<16xf32>
          %parallel_loop3A_653 = arith.mulf %parallel_loop3A_650, %parallel_loop3A_652 : vector<16xf32>
          %parallel_loop3A_654 = arith.constant 0.000000e+00 : f32
          %parallel_loop3A_655 = vector.broadcast %parallel_loop3A_654 : f32 to vector<16xf32>
          %parallel_loop3A_656 = arith.maximumf %parallel_loop3A_653, %parallel_loop3A_655 : vector<16xf32>
          %parallel_loop3A_657 = arith.constant 61.9999962 : f32
          %parallel_loop3A_658 = vector.broadcast %parallel_loop3A_657 : f32 to vector<16xf32>
          %parallel_loop3A_659 = arith.minimumf %parallel_loop3A_656, %parallel_loop3A_658 : vector<16xf32>
          %parallel_loop3A_660 = arith.fptosi %parallel_loop3A_659 : vector<16xf32> to vector<16xi32>
          %parallel_loop3A_661 = arith.sitofp %parallel_loop3A_660 : vector<16xi32> to vector<16xf32>
          %parallel_loop3A_662 = arith.subf %parallel_loop3A_653, %parallel_loop3A_661 : vector<16xf32>
          %parallel_loop3A_663 = tpu.vector_load_idx %arg10[%parallel_loop3A_660] : memref<64xf32, #tpu.memory_space<vmem>>[vector<16xi32>], vector<16xf32>,
          %parallel_loop3A_664 = tpu.vector_load_idx %arg11[%parallel_loop3A_660] : memref<64xf32, #tpu.memory_space<vmem>>[vector<16xi32>], vector<16xf32>,
          %parallel_loop3A_665 = arith.mulf %parallel_loop3A_664, %parallel_loop3A_662 : vector<16xf32>
          %parallel_loop3A_666 = arith.addf %parallel_loop3A_663, %parallel_loop3A_665 : vector<16xf32>
          %parallel_loop3A_667 = arith.index_cast %parallel_loop3A_144 : i32 to index
          %parallel_loop3A_668 = arith.constant 320 : index
          %parallel_loop3A_669 = tpu.vector_load %arg8[%parallel_loop3A_667, %parallel_loop3A_668] {strides = array<i32>} : memref<64x384xf32, #tpu.memory_space<vmem>>, vector<16xf32>,
          tpu.vector_store %arg8[%parallel_loop3A_667, %parallel_loop3A_668], %parallel_loop3A_666 {strides = array<i32>} : memref<64x384xf32, #tpu.memory_space<vmem>>, vector<16xf32>,
          %parallel_loop3A_670 = arith.index_cast %parallel_loop3A_144 : i32 to index
          %parallel_loop3A_671 = arith.constant 336 : index
          %parallel_loop3A_672 = tpu.vector_load %arg6[%parallel_loop3A_670, %parallel_loop3A_671] {strides = array<i32>} : memref<64x384xf32, #tpu.memory_space<vmem>>, vector<16xf32>,
          %parallel_loop3A_673 = arith.constant -4.000000e+00 : f32
          %parallel_loop3A_674 = vector.broadcast %parallel_loop3A_673 : f32 to vector<16xf32>
          %parallel_loop3A_675 = arith.subf %parallel_loop3A_672, %parallel_loop3A_674 : vector<16xf32>
          %parallel_loop3A_676 = arith.constant 7.875000e+00 : f32
          %parallel_loop3A_677 = vector.broadcast %parallel_loop3A_676 : f32 to vector<16xf32>
          %parallel_loop3A_678 = arith.mulf %parallel_loop3A_675, %parallel_loop3A_677 : vector<16xf32>
          %parallel_loop3A_679 = arith.constant 0.000000e+00 : f32
          %parallel_loop3A_680 = vector.broadcast %parallel_loop3A_679 : f32 to vector<16xf32>
          %parallel_loop3A_681 = arith.maximumf %parallel_loop3A_678, %parallel_loop3A_680 : vector<16xf32>
          %parallel_loop3A_682 = arith.constant 61.9999962 : f32
          %parallel_loop3A_683 = vector.broadcast %parallel_loop3A_682 : f32 to vector<16xf32>
          %parallel_loop3A_684 = arith.minimumf %parallel_loop3A_681, %parallel_loop3A_683 : vector<16xf32>
          %parallel_loop3A_685 = arith.fptosi %parallel_loop3A_684 : vector<16xf32> to vector<16xi32>
          %parallel_loop3A_686 = arith.sitofp %parallel_loop3A_685 : vector<16xi32> to vector<16xf32>
          %parallel_loop3A_687 = arith.subf %parallel_loop3A_678, %parallel_loop3A_686 : vector<16xf32>
          %parallel_loop3A_688 = tpu.vector_load_idx %arg10[%parallel_loop3A_685] : memref<64xf32, #tpu.memory_space<vmem>>[vector<16xi32>], vector<16xf32>,
          %parallel_loop3A_689 = tpu.vector_load_idx %arg11[%parallel_loop3A_685] : memref<64xf32, #tpu.memory_space<vmem>>[vector<16xi32>], vector<16xf32>,
          %parallel_loop3A_690 = arith.mulf %parallel_loop3A_689, %parallel_loop3A_687 : vector<16xf32>
          %parallel_loop3A_691 = arith.addf %parallel_loop3A_688, %parallel_loop3A_690 : vector<16xf32>
          %parallel_loop3A_692 = arith.index_cast %parallel_loop3A_144 : i32 to index
          %parallel_loop3A_693 = arith.constant 336 : index
          %parallel_loop3A_694 = tpu.vector_load %arg8[%parallel_loop3A_692, %parallel_loop3A_693] {strides = array<i32>} : memref<64x384xf32, #tpu.memory_space<vmem>>, vector<16xf32>,
          tpu.vector_store %arg8[%parallel_loop3A_692, %parallel_loop3A_693], %parallel_loop3A_691 {strides = array<i32>} : memref<64x384xf32, #tpu.memory_space<vmem>>, vector<16xf32>,
          %parallel_loop3A_695 = arith.index_cast %parallel_loop3A_144 : i32 to index
          %parallel_loop3A_696 = arith.constant 352 : index
          %parallel_loop3A_697 = tpu.vector_load %arg6[%parallel_loop3A_695, %parallel_loop3A_696] {strides = array<i32>} : memref<64x384xf32, #tpu.memory_space<vmem>>, vector<16xf32>,
          %parallel_loop3A_698 = arith.constant -4.000000e+00 : f32
          %parallel_loop3A_699 = vector.broadcast %parallel_loop3A_698 : f32 to vector<16xf32>
          %parallel_loop3A_700 = arith.subf %parallel_loop3A_697, %parallel_loop3A_699 : vector<16xf32>
          %parallel_loop3A_701 = arith.constant 7.875000e+00 : f32
          %parallel_loop3A_702 = vector.broadcast %parallel_loop3A_701 : f32 to vector<16xf32>
          %parallel_loop3A_703 = arith.mulf %parallel_loop3A_700, %parallel_loop3A_702 : vector<16xf32>
          %parallel_loop3A_704 = arith.constant 0.000000e+00 : f32
          %parallel_loop3A_705 = vector.broadcast %parallel_loop3A_704 : f32 to vector<16xf32>
          %parallel_loop3A_706 = arith.maximumf %parallel_loop3A_703, %parallel_loop3A_705 : vector<16xf32>
          %parallel_loop3A_707 = arith.constant 61.9999962 : f32
          %parallel_loop3A_708 = vector.broadcast %parallel_loop3A_707 : f32 to vector<16xf32>
          %parallel_loop3A_709 = arith.minimumf %parallel_loop3A_706, %parallel_loop3A_708 : vector<16xf32>
          %parallel_loop3A_710 = arith.fptosi %parallel_loop3A_709 : vector<16xf32> to vector<16xi32>
          %parallel_loop3A_711 = arith.sitofp %parallel_loop3A_710 : vector<16xi32> to vector<16xf32>
          %parallel_loop3A_712 = arith.subf %parallel_loop3A_703, %parallel_loop3A_711 : vector<16xf32>
          %parallel_loop3A_713 = tpu.vector_load_idx %arg10[%parallel_loop3A_710] : memref<64xf32, #tpu.memory_space<vmem>>[vector<16xi32>], vector<16xf32>,
          %parallel_loop3A_714 = tpu.vector_load_idx %arg11[%parallel_loop3A_710] : memref<64xf32, #tpu.memory_space<vmem>>[vector<16xi32>], vector<16xf32>,
          %parallel_loop3A_715 = arith.mulf %parallel_loop3A_714, %parallel_loop3A_712 : vector<16xf32>
          %parallel_loop3A_716 = arith.addf %parallel_loop3A_713, %parallel_loop3A_715 : vector<16xf32>
          %parallel_loop3A_717 = arith.index_cast %parallel_loop3A_144 : i32 to index
          %parallel_loop3A_718 = arith.constant 352 : index
          %parallel_loop3A_719 = tpu.vector_load %arg8[%parallel_loop3A_717, %parallel_loop3A_718] {strides = array<i32>} : memref<64x384xf32, #tpu.memory_space<vmem>>, vector<16xf32>,
          tpu.vector_store %arg8[%parallel_loop3A_717, %parallel_loop3A_718], %parallel_loop3A_716 {strides = array<i32>} : memref<64x384xf32, #tpu.memory_space<vmem>>, vector<16xf32>,
          %parallel_loop3A_720 = arith.index_cast %parallel_loop3A_144 : i32 to index
          %parallel_loop3A_721 = arith.constant 368 : index
          %parallel_loop3A_722 = tpu.vector_load %arg6[%parallel_loop3A_720, %parallel_loop3A_721] {strides = array<i32>} : memref<64x384xf32, #tpu.memory_space<vmem>>, vector<16xf32>,
          %parallel_loop3A_723 = arith.constant -4.000000e+00 : f32
          %parallel_loop3A_724 = vector.broadcast %parallel_loop3A_723 : f32 to vector<16xf32>
          %parallel_loop3A_725 = arith.subf %parallel_loop3A_722, %parallel_loop3A_724 : vector<16xf32>
          %parallel_loop3A_726 = arith.constant 7.875000e+00 : f32
          %parallel_loop3A_727 = vector.broadcast %parallel_loop3A_726 : f32 to vector<16xf32>
          %parallel_loop3A_728 = arith.mulf %parallel_loop3A_725, %parallel_loop3A_727 : vector<16xf32>
          %parallel_loop3A_729 = arith.constant 0.000000e+00 : f32
          %parallel_loop3A_730 = vector.broadcast %parallel_loop3A_729 : f32 to vector<16xf32>
          %parallel_loop3A_731 = arith.maximumf %parallel_loop3A_728, %parallel_loop3A_730 : vector<16xf32>
          %parallel_loop3A_732 = arith.constant 61.9999962 : f32
          %parallel_loop3A_733 = vector.broadcast %parallel_loop3A_732 : f32 to vector<16xf32>
          %parallel_loop3A_734 = arith.minimumf %parallel_loop3A_731, %parallel_loop3A_733 : vector<16xf32>
          %parallel_loop3A_735 = arith.fptosi %parallel_loop3A_734 : vector<16xf32> to vector<16xi32>
          %parallel_loop3A_736 = arith.sitofp %parallel_loop3A_735 : vector<16xi32> to vector<16xf32>
          %parallel_loop3A_737 = arith.subf %parallel_loop3A_728, %parallel_loop3A_736 : vector<16xf32>
          %parallel_loop3A_738 = tpu.vector_load_idx %arg10[%parallel_loop3A_735] : memref<64xf32, #tpu.memory_space<vmem>>[vector<16xi32>], vector<16xf32>,
          %parallel_loop3A_739 = tpu.vector_load_idx %arg11[%parallel_loop3A_735] : memref<64xf32, #tpu.memory_space<vmem>>[vector<16xi32>], vector<16xf32>,
          %parallel_loop3A_740 = arith.mulf %parallel_loop3A_739, %parallel_loop3A_737 : vector<16xf32>
          %parallel_loop3A_741 = arith.addf %parallel_loop3A_738, %parallel_loop3A_740 : vector<16xf32>
          %parallel_loop3A_742 = arith.index_cast %parallel_loop3A_144 : i32 to index
          %parallel_loop3A_743 = arith.constant 368 : index
          %parallel_loop3A_744 = tpu.vector_load %arg8[%parallel_loop3A_742, %parallel_loop3A_743] {strides = array<i32>} : memref<64x384xf32, #tpu.memory_space<vmem>>, vector<16xf32>,
          tpu.vector_store %arg8[%parallel_loop3A_742, %parallel_loop3A_743], %parallel_loop3A_741 {strides = array<i32>} : memref<64x384xf32, #tpu.memory_space<vmem>>, vector<16xf32>,
        } {sc.loop_unroll_factor = 1 : i64, sc.parallel_access}
        %mul3A_107 = arith.constant 12 : i32
        %mul3A_108 = arith.muli %add3A, %mul3A_107 : i32
        %jit3A_109 = arith.constant 6 : i32
        %div3A_110 = arith.divsi %scan3A_48, %jit3A_109 : i32
        %sign3A_111 = arith.constant 0 : i32
        %sign3A_112 = arith.cmpi sgt, %scan3A_48, %sign3A_111 : i32
        %sign3A_113 = arith.extui %sign3A_112 : i1 to i32
        %sign3A_114 = arith.constant 0 : i32
        %sign3A_115 = arith.cmpi slt, %scan3A_48, %sign3A_114 : i32
        %sign3A_116 = arith.extui %sign3A_115 : i1 to i32
        %sign3A_117 = arith.subi %sign3A_113, %sign3A_116 : i32
        %sign3A_118 = arith.constant 0 : i32
        %sign3A_119 = arith.cmpi sgt, %jit3A_109, %sign3A_118 : i32
        %sign3A_120 = arith.extui %sign3A_119 : i1 to i32
        %sign3A_121 = arith.constant 0 : i32
        %sign3A_122 = arith.cmpi slt, %jit3A_109, %sign3A_121 : i32
        %sign3A_123 = arith.extui %sign3A_122 : i1 to i32
        %sign3A_124 = arith.subi %sign3A_120, %sign3A_123 : i32
        %ne3A_125 = arith.cmpi ne, %sign3A_117, %sign3A_124 : i32
        %rem3A_126 = arith.remsi %scan3A_48, %jit3A_109 : i32
        %ne3A_127 = arith.constant 0 : i32
        %ne3A_128 = arith.cmpi ne, %rem3A_126, %ne3A_127 : i32
        %and3A_129 = arith.andi %ne3A_125, %ne3A_128 : i1
        %sub3A_130 = arith.constant 1 : i32
        %sub3A_131 = arith.subi %div3A_110, %sub3A_130 : i32
        %select_n3A_132 = arith.select %and3A_129, %sub3A_131, %div3A_110 : i32
        %add3A_133 = arith.addi %mul3A_108, %select_n3A_132 : i32
        %rem3A_134 = arith.constant 6 : i32
        %rem3A_135 = arith.remsi %scan3A_48, %rem3A_134 : i32
        %mul3A_136 = arith.constant 64 : i32
        %mul3A_137 = arith.muli %rem3A_135, %mul3A_136 : i32
        %dma_start3A_138 = arith.constant 0 : i32
        %dma_start3A_139 = tpu.memref_slice %arg5[%add3A_133, %mul3A_137, %dma_start3A_138] : memref<384x384x384xf32, #tpu.memory_space<hbm>> -> memref<1x64x384xf32, #tpu.memory_space<hbm>>
        %dma_start3A_140 = tpu.memref_squeeze %dma_start3A_139 : memref<1x64x384xf32, #tpu.memory_space<hbm>> -> memref<64x384xf32, #tpu.memory_space<hbm>>
        %dma_start3A_141 = arith.constant 0 : i32
        %dma_start3A_142 = tpu.memref_slice %arg5[%add3A_133, %mul3A_137, %dma_start3A_141] : memref<384x384x384xf32, #tpu.memory_space<hbm>> -> memref<1x64x384xf32, #tpu.memory_space<hbm>>
        %dma_start3A_143 = tpu.memref_squeeze %dma_start3A_142 : memref<1x64x384xf32, #tpu.memory_space<hbm>> -> memref<64x384xf32, #tpu.memory_space<hbm>>
        tpu.enqueue_dma source(%arg8 : memref<64x384xf32, #tpu.memory_space<vmem>>) target(%dma_start3A_143 : memref<64x384xf32, #tpu.memory_space<hbm>>) target_semaphore(%arg14 : memref<!tpu.dma_semaphore, #tpu.memory_space<semaphore_mem>>)
      } else {
      }
      %eq3A_60 = arith.constant 1 : i32
      %eq3A_61 = arith.cmpi eq, %rem3A_50, %eq3A_60 : i32
      %convert_element_type3A_62 = arith.extui %eq3A_61 : i1 to i32
      %cond3A_63 = arith.constant 0 : i32
      %cond3A_64 = arith.cmpi ne, %convert_element_type3A_62, %cond3A_63 : i32
      scf.if %cond3A_64 {
        %add3A_65 = arith.constant 1 : i32
        %add3A_66 = arith.addi %scan3A_48, %add3A_65 : i32
        %lt3A = arith.constant 72 : i32
        %lt3A_67 = arith.cmpi slt, %add3A_66, %lt3A : i32
        %convert_element_type3A_68 = arith.extui %lt3A_67 : i1 to i32
        %cond3A_69 = arith.constant 0 : i32
        %cond3A_70 = arith.cmpi ne, %convert_element_type3A_68, %cond3A_69 : i32
        scf.if %cond3A_70 {
          %add3A_144 = arith.constant 1 : i32
          %add3A_145 = arith.addi %scan3A_48, %add3A_144 : i32
          %mul3A_146 = arith.constant 12 : i32
          %mul3A_147 = arith.muli %add3A, %mul3A_146 : i32
          %jit3A_148 = arith.constant 6 : i32
          %div3A_149 = arith.divsi %add3A_145, %jit3A_148 : i32
          %sign3A_150 = arith.constant 0 : i32
          %sign3A_151 = arith.cmpi sgt, %add3A_145, %sign3A_150 : i32
          %sign3A_152 = arith.extui %sign3A_151 : i1 to i32
          %sign3A_153 = arith.constant 0 : i32
          %sign3A_154 = arith.cmpi slt, %add3A_145, %sign3A_153 : i32
          %sign3A_155 = arith.extui %sign3A_154 : i1 to i32
          %sign3A_156 = arith.subi %sign3A_152, %sign3A_155 : i32
          %sign3A_157 = arith.constant 0 : i32
          %sign3A_158 = arith.cmpi sgt, %jit3A_148, %sign3A_157 : i32
          %sign3A_159 = arith.extui %sign3A_158 : i1 to i32
          %sign3A_160 = arith.constant 0 : i32
          %sign3A_161 = arith.cmpi slt, %jit3A_148, %sign3A_160 : i32
          %sign3A_162 = arith.extui %sign3A_161 : i1 to i32
          %sign3A_163 = arith.subi %sign3A_159, %sign3A_162 : i32
          %ne3A_164 = arith.cmpi ne, %sign3A_156, %sign3A_163 : i32
          %rem3A_165 = arith.remsi %add3A_145, %jit3A_148 : i32
          %ne3A_166 = arith.constant 0 : i32
          %ne3A_167 = arith.cmpi ne, %rem3A_165, %ne3A_166 : i32
          %and3A_168 = arith.andi %ne3A_164, %ne3A_167 : i1
          %sub3A_169 = arith.constant 1 : i32
          %sub3A_170 = arith.subi %div3A_149, %sub3A_169 : i32
          %select_n3A_171 = arith.select %and3A_168, %sub3A_170, %div3A_149 : i32
          %add3A_172 = arith.addi %mul3A_147, %select_n3A_171 : i32
          %rem3A_173 = arith.constant 6 : i32
          %rem3A_174 = arith.remsi %add3A_145, %rem3A_173 : i32
          %mul3A_175 = arith.constant 64 : i32
          %mul3A_176 = arith.muli %rem3A_174, %mul3A_175 : i32
          %dma_start3A_177 = arith.constant 0 : i32
          %dma_start3A_178 = tpu.memref_slice %arg2[%add3A_172, %mul3A_176, %dma_start3A_177] : memref<384x384x384xf32, #tpu.memory_space<hbm>> -> memref<1x64x384xf32, #tpu.memory_space<hbm>>
          %dma_start3A_179 = tpu.memref_squeeze %dma_start3A_178 : memref<1x64x384xf32, #tpu.memory_space<hbm>> -> memref<64x384xf32, #tpu.memory_space<hbm>>
          %dma_start3A_180 = arith.constant 0 : i32
          %dma_start3A_181 = tpu.memref_slice %arg2[%add3A_172, %mul3A_176, %dma_start3A_180] : memref<384x384x384xf32, #tpu.memory_space<hbm>> -> memref<1x64x384xf32, #tpu.memory_space<hbm>>
          %dma_start3A_182 = tpu.memref_squeeze %dma_start3A_181 : memref<1x64x384xf32, #tpu.memory_space<hbm>> -> memref<64x384xf32, #tpu.memory_space<hbm>>
          tpu.enqueue_dma source(%dma_start3A_182 : memref<64x384xf32, #tpu.memory_space<hbm>>) target(%arg6 : memref<64x384xf32, #tpu.memory_space<vmem>>) target_semaphore(%arg12 : memref<!tpu.dma_semaphore, #tpu.memory_space<semaphore_mem>>)
        } else {
        }
        %mul3A_71 = arith.constant 12 : i32
        %mul3A_72 = arith.muli %add3A, %mul3A_71 : i32
        %jit3A = arith.constant 6 : i32
        %div3A = arith.divsi %scan3A_48, %jit3A : i32
        %sign3A = arith.constant 0 : i32
        %sign3A_73 = arith.cmpi sgt, %scan3A_48, %sign3A : i32
        %sign3A_74 = arith.extui %sign3A_73 : i1 to i32
        %sign3A_75 = arith.constant 0 : i32
        %sign3A_76 = arith.cmpi slt, %scan3A_48, %sign3A_75 : i32
        %sign3A_77 = arith.extui %sign3A_76 : i1 to i32
        %sign3A_78 = arith.subi %sign3A_74, %sign3A_77 : i32
        %sign3A_79 = arith.constant 0 : i32
        %sign3A_80 = arith.cmpi sgt, %jit3A, %sign3A_79 : i32
        %sign3A_81 = arith.extui %sign3A_80 : i1 to i32
        %sign3A_82 = arith.constant 0 : i32
        %sign3A_83 = arith.cmpi slt, %jit3A, %sign3A_82 : i32
        %sign3A_84 = arith.extui %sign3A_83 : i1 to i32
        %sign3A_85 = arith.subi %sign3A_81, %sign3A_84 : i32
        %ne3A = arith.cmpi ne, %sign3A_78, %sign3A_85 : i32
        %rem3A_86 = arith.remsi %scan3A_48, %jit3A : i32
        %ne3A_87 = arith.constant 0 : i32
        %ne3A_88 = arith.cmpi ne, %rem3A_86, %ne3A_87 : i32
        %and3A = arith.andi %ne3A, %ne3A_88 : i1
        %sub3A = arith.constant 1 : i32
        %sub3A_89 = arith.subi %div3A, %sub3A : i32
        %select_n3A = arith.select %and3A, %sub3A_89, %div3A : i32
        %add3A_90 = arith.addi %mul3A_72, %select_n3A : i32
        %rem3A_91 = arith.constant 6 : i32
        %rem3A_92 = arith.remsi %scan3A_48, %rem3A_91 : i32
        %mul3A_93 = arith.constant 64 : i32
        %mul3A_94 = arith.muli %rem3A_92, %mul3A_93 : i32
        %dma_wait3A_95 = arith.constant 0 : i32
        %dma_wait3A_96 = tpu.memref_slice %arg2[%add3A_90, %mul3A_94, %dma_wait3A_95] : memref<384x384x384xf32, #tpu.memory_space<hbm>> -> memref<1x64x384xf32, #tpu.memory_space<hbm>>
        %dma_wait3A_97 = tpu.memref_squeeze %dma_wait3A_96 : memref<1x64x384xf32, #tpu.memory_space<hbm>> -> memref<64x384xf32, #tpu.memory_space<hbm>>
        %dma_wait3A_98 = arith.constant 0 : i32
        %dma_wait3A_99 = tpu.memref_slice %arg2[%add3A_90, %mul3A_94, %dma_wait3A_98] : memref<384x384x384xf32, #tpu.memory_space<hbm>> -> memref<1x64x384xf32, #tpu.memory_space<hbm>>
        %dma_wait3A_100 = tpu.memref_squeeze %dma_wait3A_99 : memref<1x64x384xf32, #tpu.memory_space<hbm>> -> memref<64x384xf32, #tpu.memory_space<hbm>>
        tpu.wait_dma2 semaphore(%arg13 : memref<!tpu.dma_semaphore, #tpu.memory_space<semaphore_mem>>) src(%dma_wait3A_100 : memref<64x384xf32, #tpu.memory_space<hbm>>) dst(%arg7 : memref<64x384xf32, #tpu.memory_space<vmem>>)
        %ge3A = arith.constant 2 : i32
        %ge3A_101 = arith.cmpi sge, %scan3A_48, %ge3A : i32
        %convert_element_type3A_102 = arith.extui %ge3A_101 : i1 to i32
        %cond3A_103 = arith.constant 0 : i32
        %cond3A_104 = arith.cmpi ne, %convert_element_type3A_102, %cond3A_103 : i32
        scf.if %cond3A_104 {
          %sub3A_144 = arith.constant 2 : i32
          %sub3A_145 = arith.subi %scan3A_48, %sub3A_144 : i32
          %mul3A_146 = arith.constant 12 : i32
          %mul3A_147 = arith.muli %add3A, %mul3A_146 : i32
          %jit3A_148 = arith.constant 6 : i32
          %div3A_149 = arith.divsi %sub3A_145, %jit3A_148 : i32
          %sign3A_150 = arith.constant 0 : i32
          %sign3A_151 = arith.cmpi sgt, %sub3A_145, %sign3A_150 : i32
          %sign3A_152 = arith.extui %sign3A_151 : i1 to i32
          %sign3A_153 = arith.constant 0 : i32
          %sign3A_154 = arith.cmpi slt, %sub3A_145, %sign3A_153 : i32
          %sign3A_155 = arith.extui %sign3A_154 : i1 to i32
          %sign3A_156 = arith.subi %sign3A_152, %sign3A_155 : i32
          %sign3A_157 = arith.constant 0 : i32
          %sign3A_158 = arith.cmpi sgt, %jit3A_148, %sign3A_157 : i32
          %sign3A_159 = arith.extui %sign3A_158 : i1 to i32
          %sign3A_160 = arith.constant 0 : i32
          %sign3A_161 = arith.cmpi slt, %jit3A_148, %sign3A_160 : i32
          %sign3A_162 = arith.extui %sign3A_161 : i1 to i32
          %sign3A_163 = arith.subi %sign3A_159, %sign3A_162 : i32
          %ne3A_164 = arith.cmpi ne, %sign3A_156, %sign3A_163 : i32
          %rem3A_165 = arith.remsi %sub3A_145, %jit3A_148 : i32
          %ne3A_166 = arith.constant 0 : i32
          %ne3A_167 = arith.cmpi ne, %rem3A_165, %ne3A_166 : i32
          %and3A_168 = arith.andi %ne3A_164, %ne3A_167 : i1
          %sub3A_169 = arith.constant 1 : i32
          %sub3A_170 = arith.subi %div3A_149, %sub3A_169 : i32
          %select_n3A_171 = arith.select %and3A_168, %sub3A_170, %div3A_149 : i32
          %add3A_172 = arith.addi %mul3A_147, %select_n3A_171 : i32
          %rem3A_173 = arith.constant 6 : i32
          %rem3A_174 = arith.remsi %sub3A_145, %rem3A_173 : i32
          %mul3A_175 = arith.constant 64 : i32
          %mul3A_176 = arith.muli %rem3A_174, %mul3A_175 : i32
          %dma_wait3A_177 = arith.constant 0 : i32
          %dma_wait3A_178 = tpu.memref_slice %arg5[%add3A_172, %mul3A_176, %dma_wait3A_177] : memref<384x384x384xf32, #tpu.memory_space<hbm>> -> memref<1x64x384xf32, #tpu.memory_space<hbm>>
          %dma_wait3A_179 = tpu.memref_squeeze %dma_wait3A_178 : memref<1x64x384xf32, #tpu.memory_space<hbm>> -> memref<64x384xf32, #tpu.memory_space<hbm>>
          %dma_wait3A_180 = arith.constant 0 : i32
          %dma_wait3A_181 = tpu.memref_slice %arg5[%add3A_172, %mul3A_176, %dma_wait3A_180] : memref<384x384x384xf32, #tpu.memory_space<hbm>> -> memref<1x64x384xf32, #tpu.memory_space<hbm>>
          %dma_wait3A_182 = tpu.memref_squeeze %dma_wait3A_181 : memref<1x64x384xf32, #tpu.memory_space<hbm>> -> memref<64x384xf32, #tpu.memory_space<hbm>>
          tpu.wait_dma2 semaphore(%arg15 : memref<!tpu.dma_semaphore, #tpu.memory_space<semaphore_mem>>) src(%arg9 : memref<64x384xf32, #tpu.memory_space<vmem>>) dst(%dma_wait3A_182 : memref<64x384xf32, #tpu.memory_space<hbm>>)
        } else {
        }
        %parallel_loop3A = arith.constant 0 : i32
        %parallel_loop3A_105 = arith.constant 64 : i32
        %parallel_loop3A_106 = arith.constant 1 : i32
        scf.for %parallel_loop3A_144 = %parallel_loop3A to %parallel_loop3A_105 step %parallel_loop3A_106  : i32 {
          %parallel_loop3A_145 = arith.index_cast %parallel_loop3A_144 : i32 to index
          %parallel_loop3A_146 = arith.constant 0 : index
          %parallel_loop3A_147 = tpu.vector_load %arg7[%parallel_loop3A_145, %parallel_loop3A_146] {strides = array<i32>} : memref<64x384xf32, #tpu.memory_space<vmem>>, vector<16xf32>,
          %parallel_loop3A_148 = arith.constant -4.000000e+00 : f32
          %parallel_loop3A_149 = vector.broadcast %parallel_loop3A_148 : f32 to vector<16xf32>
          %parallel_loop3A_150 = arith.subf %parallel_loop3A_147, %parallel_loop3A_149 : vector<16xf32>
          %parallel_loop3A_151 = arith.constant 7.875000e+00 : f32
          %parallel_loop3A_152 = vector.broadcast %parallel_loop3A_151 : f32 to vector<16xf32>
          %parallel_loop3A_153 = arith.mulf %parallel_loop3A_150, %parallel_loop3A_152 : vector<16xf32>
          %parallel_loop3A_154 = arith.constant 0.000000e+00 : f32
          %parallel_loop3A_155 = vector.broadcast %parallel_loop3A_154 : f32 to vector<16xf32>
          %parallel_loop3A_156 = arith.maximumf %parallel_loop3A_153, %parallel_loop3A_155 : vector<16xf32>
          %parallel_loop3A_157 = arith.constant 61.9999962 : f32
          %parallel_loop3A_158 = vector.broadcast %parallel_loop3A_157 : f32 to vector<16xf32>
          %parallel_loop3A_159 = arith.minimumf %parallel_loop3A_156, %parallel_loop3A_158 : vector<16xf32>
          %parallel_loop3A_160 = arith.fptosi %parallel_loop3A_159 : vector<16xf32> to vector<16xi32>
          %parallel_loop3A_161 = arith.sitofp %parallel_loop3A_160 : vector<16xi32> to vector<16xf32>
          %parallel_loop3A_162 = arith.subf %parallel_loop3A_153, %parallel_loop3A_161 : vector<16xf32>
          %parallel_loop3A_163 = tpu.vector_load_idx %arg10[%parallel_loop3A_160] : memref<64xf32, #tpu.memory_space<vmem>>[vector<16xi32>], vector<16xf32>,
          %parallel_loop3A_164 = tpu.vector_load_idx %arg11[%parallel_loop3A_160] : memref<64xf32, #tpu.memory_space<vmem>>[vector<16xi32>], vector<16xf32>,
          %parallel_loop3A_165 = arith.mulf %parallel_loop3A_164, %parallel_loop3A_162 : vector<16xf32>
          %parallel_loop3A_166 = arith.addf %parallel_loop3A_163, %parallel_loop3A_165 : vector<16xf32>
          %parallel_loop3A_167 = arith.index_cast %parallel_loop3A_144 : i32 to index
          %parallel_loop3A_168 = arith.constant 0 : index
          %parallel_loop3A_169 = tpu.vector_load %arg9[%parallel_loop3A_167, %parallel_loop3A_168] {strides = array<i32>} : memref<64x384xf32, #tpu.memory_space<vmem>>, vector<16xf32>,
          tpu.vector_store %arg9[%parallel_loop3A_167, %parallel_loop3A_168], %parallel_loop3A_166 {strides = array<i32>} : memref<64x384xf32, #tpu.memory_space<vmem>>, vector<16xf32>,
          %parallel_loop3A_170 = arith.index_cast %parallel_loop3A_144 : i32 to index
          %parallel_loop3A_171 = arith.constant 16 : index
          %parallel_loop3A_172 = tpu.vector_load %arg7[%parallel_loop3A_170, %parallel_loop3A_171] {strides = array<i32>} : memref<64x384xf32, #tpu.memory_space<vmem>>, vector<16xf32>,
          %parallel_loop3A_173 = arith.constant -4.000000e+00 : f32
          %parallel_loop3A_174 = vector.broadcast %parallel_loop3A_173 : f32 to vector<16xf32>
          %parallel_loop3A_175 = arith.subf %parallel_loop3A_172, %parallel_loop3A_174 : vector<16xf32>
          %parallel_loop3A_176 = arith.constant 7.875000e+00 : f32
          %parallel_loop3A_177 = vector.broadcast %parallel_loop3A_176 : f32 to vector<16xf32>
          %parallel_loop3A_178 = arith.mulf %parallel_loop3A_175, %parallel_loop3A_177 : vector<16xf32>
          %parallel_loop3A_179 = arith.constant 0.000000e+00 : f32
          %parallel_loop3A_180 = vector.broadcast %parallel_loop3A_179 : f32 to vector<16xf32>
          %parallel_loop3A_181 = arith.maximumf %parallel_loop3A_178, %parallel_loop3A_180 : vector<16xf32>
          %parallel_loop3A_182 = arith.constant 61.9999962 : f32
          %parallel_loop3A_183 = vector.broadcast %parallel_loop3A_182 : f32 to vector<16xf32>
          %parallel_loop3A_184 = arith.minimumf %parallel_loop3A_181, %parallel_loop3A_183 : vector<16xf32>
          %parallel_loop3A_185 = arith.fptosi %parallel_loop3A_184 : vector<16xf32> to vector<16xi32>
          %parallel_loop3A_186 = arith.sitofp %parallel_loop3A_185 : vector<16xi32> to vector<16xf32>
          %parallel_loop3A_187 = arith.subf %parallel_loop3A_178, %parallel_loop3A_186 : vector<16xf32>
          %parallel_loop3A_188 = tpu.vector_load_idx %arg10[%parallel_loop3A_185] : memref<64xf32, #tpu.memory_space<vmem>>[vector<16xi32>], vector<16xf32>,
          %parallel_loop3A_189 = tpu.vector_load_idx %arg11[%parallel_loop3A_185] : memref<64xf32, #tpu.memory_space<vmem>>[vector<16xi32>], vector<16xf32>,
          %parallel_loop3A_190 = arith.mulf %parallel_loop3A_189, %parallel_loop3A_187 : vector<16xf32>
          %parallel_loop3A_191 = arith.addf %parallel_loop3A_188, %parallel_loop3A_190 : vector<16xf32>
          %parallel_loop3A_192 = arith.index_cast %parallel_loop3A_144 : i32 to index
          %parallel_loop3A_193 = arith.constant 16 : index
          %parallel_loop3A_194 = tpu.vector_load %arg9[%parallel_loop3A_192, %parallel_loop3A_193] {strides = array<i32>} : memref<64x384xf32, #tpu.memory_space<vmem>>, vector<16xf32>,
          tpu.vector_store %arg9[%parallel_loop3A_192, %parallel_loop3A_193], %parallel_loop3A_191 {strides = array<i32>} : memref<64x384xf32, #tpu.memory_space<vmem>>, vector<16xf32>,
          %parallel_loop3A_195 = arith.index_cast %parallel_loop3A_144 : i32 to index
          %parallel_loop3A_196 = arith.constant 32 : index
          %parallel_loop3A_197 = tpu.vector_load %arg7[%parallel_loop3A_195, %parallel_loop3A_196] {strides = array<i32>} : memref<64x384xf32, #tpu.memory_space<vmem>>, vector<16xf32>,
          %parallel_loop3A_198 = arith.constant -4.000000e+00 : f32
          %parallel_loop3A_199 = vector.broadcast %parallel_loop3A_198 : f32 to vector<16xf32>
          %parallel_loop3A_200 = arith.subf %parallel_loop3A_197, %parallel_loop3A_199 : vector<16xf32>
          %parallel_loop3A_201 = arith.constant 7.875000e+00 : f32
          %parallel_loop3A_202 = vector.broadcast %parallel_loop3A_201 : f32 to vector<16xf32>
          %parallel_loop3A_203 = arith.mulf %parallel_loop3A_200, %parallel_loop3A_202 : vector<16xf32>
          %parallel_loop3A_204 = arith.constant 0.000000e+00 : f32
          %parallel_loop3A_205 = vector.broadcast %parallel_loop3A_204 : f32 to vector<16xf32>
          %parallel_loop3A_206 = arith.maximumf %parallel_loop3A_203, %parallel_loop3A_205 : vector<16xf32>
          %parallel_loop3A_207 = arith.constant 61.9999962 : f32
          %parallel_loop3A_208 = vector.broadcast %parallel_loop3A_207 : f32 to vector<16xf32>
          %parallel_loop3A_209 = arith.minimumf %parallel_loop3A_206, %parallel_loop3A_208 : vector<16xf32>
          %parallel_loop3A_210 = arith.fptosi %parallel_loop3A_209 : vector<16xf32> to vector<16xi32>
          %parallel_loop3A_211 = arith.sitofp %parallel_loop3A_210 : vector<16xi32> to vector<16xf32>
          %parallel_loop3A_212 = arith.subf %parallel_loop3A_203, %parallel_loop3A_211 : vector<16xf32>
          %parallel_loop3A_213 = tpu.vector_load_idx %arg10[%parallel_loop3A_210] : memref<64xf32, #tpu.memory_space<vmem>>[vector<16xi32>], vector<16xf32>,
          %parallel_loop3A_214 = tpu.vector_load_idx %arg11[%parallel_loop3A_210] : memref<64xf32, #tpu.memory_space<vmem>>[vector<16xi32>], vector<16xf32>,
          %parallel_loop3A_215 = arith.mulf %parallel_loop3A_214, %parallel_loop3A_212 : vector<16xf32>
          %parallel_loop3A_216 = arith.addf %parallel_loop3A_213, %parallel_loop3A_215 : vector<16xf32>
          %parallel_loop3A_217 = arith.index_cast %parallel_loop3A_144 : i32 to index
          %parallel_loop3A_218 = arith.constant 32 : index
          %parallel_loop3A_219 = tpu.vector_load %arg9[%parallel_loop3A_217, %parallel_loop3A_218] {strides = array<i32>} : memref<64x384xf32, #tpu.memory_space<vmem>>, vector<16xf32>,
          tpu.vector_store %arg9[%parallel_loop3A_217, %parallel_loop3A_218], %parallel_loop3A_216 {strides = array<i32>} : memref<64x384xf32, #tpu.memory_space<vmem>>, vector<16xf32>,
          %parallel_loop3A_220 = arith.index_cast %parallel_loop3A_144 : i32 to index
          %parallel_loop3A_221 = arith.constant 48 : index
          %parallel_loop3A_222 = tpu.vector_load %arg7[%parallel_loop3A_220, %parallel_loop3A_221] {strides = array<i32>} : memref<64x384xf32, #tpu.memory_space<vmem>>, vector<16xf32>,
          %parallel_loop3A_223 = arith.constant -4.000000e+00 : f32
          %parallel_loop3A_224 = vector.broadcast %parallel_loop3A_223 : f32 to vector<16xf32>
          %parallel_loop3A_225 = arith.subf %parallel_loop3A_222, %parallel_loop3A_224 : vector<16xf32>
          %parallel_loop3A_226 = arith.constant 7.875000e+00 : f32
          %parallel_loop3A_227 = vector.broadcast %parallel_loop3A_226 : f32 to vector<16xf32>
          %parallel_loop3A_228 = arith.mulf %parallel_loop3A_225, %parallel_loop3A_227 : vector<16xf32>
          %parallel_loop3A_229 = arith.constant 0.000000e+00 : f32
          %parallel_loop3A_230 = vector.broadcast %parallel_loop3A_229 : f32 to vector<16xf32>
          %parallel_loop3A_231 = arith.maximumf %parallel_loop3A_228, %parallel_loop3A_230 : vector<16xf32>
          %parallel_loop3A_232 = arith.constant 61.9999962 : f32
          %parallel_loop3A_233 = vector.broadcast %parallel_loop3A_232 : f32 to vector<16xf32>
          %parallel_loop3A_234 = arith.minimumf %parallel_loop3A_231, %parallel_loop3A_233 : vector<16xf32>
          %parallel_loop3A_235 = arith.fptosi %parallel_loop3A_234 : vector<16xf32> to vector<16xi32>
          %parallel_loop3A_236 = arith.sitofp %parallel_loop3A_235 : vector<16xi32> to vector<16xf32>
          %parallel_loop3A_237 = arith.subf %parallel_loop3A_228, %parallel_loop3A_236 : vector<16xf32>
          %parallel_loop3A_238 = tpu.vector_load_idx %arg10[%parallel_loop3A_235] : memref<64xf32, #tpu.memory_space<vmem>>[vector<16xi32>], vector<16xf32>,
          %parallel_loop3A_239 = tpu.vector_load_idx %arg11[%parallel_loop3A_235] : memref<64xf32, #tpu.memory_space<vmem>>[vector<16xi32>], vector<16xf32>,
          %parallel_loop3A_240 = arith.mulf %parallel_loop3A_239, %parallel_loop3A_237 : vector<16xf32>
          %parallel_loop3A_241 = arith.addf %parallel_loop3A_238, %parallel_loop3A_240 : vector<16xf32>
          %parallel_loop3A_242 = arith.index_cast %parallel_loop3A_144 : i32 to index
          %parallel_loop3A_243 = arith.constant 48 : index
          %parallel_loop3A_244 = tpu.vector_load %arg9[%parallel_loop3A_242, %parallel_loop3A_243] {strides = array<i32>} : memref<64x384xf32, #tpu.memory_space<vmem>>, vector<16xf32>,
          tpu.vector_store %arg9[%parallel_loop3A_242, %parallel_loop3A_243], %parallel_loop3A_241 {strides = array<i32>} : memref<64x384xf32, #tpu.memory_space<vmem>>, vector<16xf32>,
          %parallel_loop3A_245 = arith.index_cast %parallel_loop3A_144 : i32 to index
          %parallel_loop3A_246 = arith.constant 64 : index
          %parallel_loop3A_247 = tpu.vector_load %arg7[%parallel_loop3A_245, %parallel_loop3A_246] {strides = array<i32>} : memref<64x384xf32, #tpu.memory_space<vmem>>, vector<16xf32>,
          %parallel_loop3A_248 = arith.constant -4.000000e+00 : f32
          %parallel_loop3A_249 = vector.broadcast %parallel_loop3A_248 : f32 to vector<16xf32>
          %parallel_loop3A_250 = arith.subf %parallel_loop3A_247, %parallel_loop3A_249 : vector<16xf32>
          %parallel_loop3A_251 = arith.constant 7.875000e+00 : f32
          %parallel_loop3A_252 = vector.broadcast %parallel_loop3A_251 : f32 to vector<16xf32>
          %parallel_loop3A_253 = arith.mulf %parallel_loop3A_250, %parallel_loop3A_252 : vector<16xf32>
          %parallel_loop3A_254 = arith.constant 0.000000e+00 : f32
          %parallel_loop3A_255 = vector.broadcast %parallel_loop3A_254 : f32 to vector<16xf32>
          %parallel_loop3A_256 = arith.maximumf %parallel_loop3A_253, %parallel_loop3A_255 : vector<16xf32>
          %parallel_loop3A_257 = arith.constant 61.9999962 : f32
          %parallel_loop3A_258 = vector.broadcast %parallel_loop3A_257 : f32 to vector<16xf32>
          %parallel_loop3A_259 = arith.minimumf %parallel_loop3A_256, %parallel_loop3A_258 : vector<16xf32>
          %parallel_loop3A_260 = arith.fptosi %parallel_loop3A_259 : vector<16xf32> to vector<16xi32>
          %parallel_loop3A_261 = arith.sitofp %parallel_loop3A_260 : vector<16xi32> to vector<16xf32>
          %parallel_loop3A_262 = arith.subf %parallel_loop3A_253, %parallel_loop3A_261 : vector<16xf32>
          %parallel_loop3A_263 = tpu.vector_load_idx %arg10[%parallel_loop3A_260] : memref<64xf32, #tpu.memory_space<vmem>>[vector<16xi32>], vector<16xf32>,
          %parallel_loop3A_264 = tpu.vector_load_idx %arg11[%parallel_loop3A_260] : memref<64xf32, #tpu.memory_space<vmem>>[vector<16xi32>], vector<16xf32>,
          %parallel_loop3A_265 = arith.mulf %parallel_loop3A_264, %parallel_loop3A_262 : vector<16xf32>
          %parallel_loop3A_266 = arith.addf %parallel_loop3A_263, %parallel_loop3A_265 : vector<16xf32>
          %parallel_loop3A_267 = arith.index_cast %parallel_loop3A_144 : i32 to index
          %parallel_loop3A_268 = arith.constant 64 : index
          %parallel_loop3A_269 = tpu.vector_load %arg9[%parallel_loop3A_267, %parallel_loop3A_268] {strides = array<i32>} : memref<64x384xf32, #tpu.memory_space<vmem>>, vector<16xf32>,
          tpu.vector_store %arg9[%parallel_loop3A_267, %parallel_loop3A_268], %parallel_loop3A_266 {strides = array<i32>} : memref<64x384xf32, #tpu.memory_space<vmem>>, vector<16xf32>,
          %parallel_loop3A_270 = arith.index_cast %parallel_loop3A_144 : i32 to index
          %parallel_loop3A_271 = arith.constant 80 : index
          %parallel_loop3A_272 = tpu.vector_load %arg7[%parallel_loop3A_270, %parallel_loop3A_271] {strides = array<i32>} : memref<64x384xf32, #tpu.memory_space<vmem>>, vector<16xf32>,
          %parallel_loop3A_273 = arith.constant -4.000000e+00 : f32
          %parallel_loop3A_274 = vector.broadcast %parallel_loop3A_273 : f32 to vector<16xf32>
          %parallel_loop3A_275 = arith.subf %parallel_loop3A_272, %parallel_loop3A_274 : vector<16xf32>
          %parallel_loop3A_276 = arith.constant 7.875000e+00 : f32
          %parallel_loop3A_277 = vector.broadcast %parallel_loop3A_276 : f32 to vector<16xf32>
          %parallel_loop3A_278 = arith.mulf %parallel_loop3A_275, %parallel_loop3A_277 : vector<16xf32>
          %parallel_loop3A_279 = arith.constant 0.000000e+00 : f32
          %parallel_loop3A_280 = vector.broadcast %parallel_loop3A_279 : f32 to vector<16xf32>
          %parallel_loop3A_281 = arith.maximumf %parallel_loop3A_278, %parallel_loop3A_280 : vector<16xf32>
          %parallel_loop3A_282 = arith.constant 61.9999962 : f32
          %parallel_loop3A_283 = vector.broadcast %parallel_loop3A_282 : f32 to vector<16xf32>
          %parallel_loop3A_284 = arith.minimumf %parallel_loop3A_281, %parallel_loop3A_283 : vector<16xf32>
          %parallel_loop3A_285 = arith.fptosi %parallel_loop3A_284 : vector<16xf32> to vector<16xi32>
          %parallel_loop3A_286 = arith.sitofp %parallel_loop3A_285 : vector<16xi32> to vector<16xf32>
          %parallel_loop3A_287 = arith.subf %parallel_loop3A_278, %parallel_loop3A_286 : vector<16xf32>
          %parallel_loop3A_288 = tpu.vector_load_idx %arg10[%parallel_loop3A_285] : memref<64xf32, #tpu.memory_space<vmem>>[vector<16xi32>], vector<16xf32>,
          %parallel_loop3A_289 = tpu.vector_load_idx %arg11[%parallel_loop3A_285] : memref<64xf32, #tpu.memory_space<vmem>>[vector<16xi32>], vector<16xf32>,
          %parallel_loop3A_290 = arith.mulf %parallel_loop3A_289, %parallel_loop3A_287 : vector<16xf32>
          %parallel_loop3A_291 = arith.addf %parallel_loop3A_288, %parallel_loop3A_290 : vector<16xf32>
          %parallel_loop3A_292 = arith.index_cast %parallel_loop3A_144 : i32 to index
          %parallel_loop3A_293 = arith.constant 80 : index
          %parallel_loop3A_294 = tpu.vector_load %arg9[%parallel_loop3A_292, %parallel_loop3A_293] {strides = array<i32>} : memref<64x384xf32, #tpu.memory_space<vmem>>, vector<16xf32>,
          tpu.vector_store %arg9[%parallel_loop3A_292, %parallel_loop3A_293], %parallel_loop3A_291 {strides = array<i32>} : memref<64x384xf32, #tpu.memory_space<vmem>>, vector<16xf32>,
          %parallel_loop3A_295 = arith.index_cast %parallel_loop3A_144 : i32 to index
          %parallel_loop3A_296 = arith.constant 96 : index
          %parallel_loop3A_297 = tpu.vector_load %arg7[%parallel_loop3A_295, %parallel_loop3A_296] {strides = array<i32>} : memref<64x384xf32, #tpu.memory_space<vmem>>, vector<16xf32>,
          %parallel_loop3A_298 = arith.constant -4.000000e+00 : f32
          %parallel_loop3A_299 = vector.broadcast %parallel_loop3A_298 : f32 to vector<16xf32>
          %parallel_loop3A_300 = arith.subf %parallel_loop3A_297, %parallel_loop3A_299 : vector<16xf32>
          %parallel_loop3A_301 = arith.constant 7.875000e+00 : f32
          %parallel_loop3A_302 = vector.broadcast %parallel_loop3A_301 : f32 to vector<16xf32>
          %parallel_loop3A_303 = arith.mulf %parallel_loop3A_300, %parallel_loop3A_302 : vector<16xf32>
          %parallel_loop3A_304 = arith.constant 0.000000e+00 : f32
          %parallel_loop3A_305 = vector.broadcast %parallel_loop3A_304 : f32 to vector<16xf32>
          %parallel_loop3A_306 = arith.maximumf %parallel_loop3A_303, %parallel_loop3A_305 : vector<16xf32>
          %parallel_loop3A_307 = arith.constant 61.9999962 : f32
          %parallel_loop3A_308 = vector.broadcast %parallel_loop3A_307 : f32 to vector<16xf32>
          %parallel_loop3A_309 = arith.minimumf %parallel_loop3A_306, %parallel_loop3A_308 : vector<16xf32>
          %parallel_loop3A_310 = arith.fptosi %parallel_loop3A_309 : vector<16xf32> to vector<16xi32>
          %parallel_loop3A_311 = arith.sitofp %parallel_loop3A_310 : vector<16xi32> to vector<16xf32>
          %parallel_loop3A_312 = arith.subf %parallel_loop3A_303, %parallel_loop3A_311 : vector<16xf32>
          %parallel_loop3A_313 = tpu.vector_load_idx %arg10[%parallel_loop3A_310] : memref<64xf32, #tpu.memory_space<vmem>>[vector<16xi32>], vector<16xf32>,
          %parallel_loop3A_314 = tpu.vector_load_idx %arg11[%parallel_loop3A_310] : memref<64xf32, #tpu.memory_space<vmem>>[vector<16xi32>], vector<16xf32>,
          %parallel_loop3A_315 = arith.mulf %parallel_loop3A_314, %parallel_loop3A_312 : vector<16xf32>
          %parallel_loop3A_316 = arith.addf %parallel_loop3A_313, %parallel_loop3A_315 : vector<16xf32>
          %parallel_loop3A_317 = arith.index_cast %parallel_loop3A_144 : i32 to index
          %parallel_loop3A_318 = arith.constant 96 : index
          %parallel_loop3A_319 = tpu.vector_load %arg9[%parallel_loop3A_317, %parallel_loop3A_318] {strides = array<i32>} : memref<64x384xf32, #tpu.memory_space<vmem>>, vector<16xf32>,
          tpu.vector_store %arg9[%parallel_loop3A_317, %parallel_loop3A_318], %parallel_loop3A_316 {strides = array<i32>} : memref<64x384xf32, #tpu.memory_space<vmem>>, vector<16xf32>,
          %parallel_loop3A_320 = arith.index_cast %parallel_loop3A_144 : i32 to index
          %parallel_loop3A_321 = arith.constant 112 : index
          %parallel_loop3A_322 = tpu.vector_load %arg7[%parallel_loop3A_320, %parallel_loop3A_321] {strides = array<i32>} : memref<64x384xf32, #tpu.memory_space<vmem>>, vector<16xf32>,
          %parallel_loop3A_323 = arith.constant -4.000000e+00 : f32
          %parallel_loop3A_324 = vector.broadcast %parallel_loop3A_323 : f32 to vector<16xf32>
          %parallel_loop3A_325 = arith.subf %parallel_loop3A_322, %parallel_loop3A_324 : vector<16xf32>
          %parallel_loop3A_326 = arith.constant 7.875000e+00 : f32
          %parallel_loop3A_327 = vector.broadcast %parallel_loop3A_326 : f32 to vector<16xf32>
          %parallel_loop3A_328 = arith.mulf %parallel_loop3A_325, %parallel_loop3A_327 : vector<16xf32>
          %parallel_loop3A_329 = arith.constant 0.000000e+00 : f32
          %parallel_loop3A_330 = vector.broadcast %parallel_loop3A_329 : f32 to vector<16xf32>
          %parallel_loop3A_331 = arith.maximumf %parallel_loop3A_328, %parallel_loop3A_330 : vector<16xf32>
          %parallel_loop3A_332 = arith.constant 61.9999962 : f32
          %parallel_loop3A_333 = vector.broadcast %parallel_loop3A_332 : f32 to vector<16xf32>
          %parallel_loop3A_334 = arith.minimumf %parallel_loop3A_331, %parallel_loop3A_333 : vector<16xf32>
          %parallel_loop3A_335 = arith.fptosi %parallel_loop3A_334 : vector<16xf32> to vector<16xi32>
          %parallel_loop3A_336 = arith.sitofp %parallel_loop3A_335 : vector<16xi32> to vector<16xf32>
          %parallel_loop3A_337 = arith.subf %parallel_loop3A_328, %parallel_loop3A_336 : vector<16xf32>
          %parallel_loop3A_338 = tpu.vector_load_idx %arg10[%parallel_loop3A_335] : memref<64xf32, #tpu.memory_space<vmem>>[vector<16xi32>], vector<16xf32>,
          %parallel_loop3A_339 = tpu.vector_load_idx %arg11[%parallel_loop3A_335] : memref<64xf32, #tpu.memory_space<vmem>>[vector<16xi32>], vector<16xf32>,
          %parallel_loop3A_340 = arith.mulf %parallel_loop3A_339, %parallel_loop3A_337 : vector<16xf32>
          %parallel_loop3A_341 = arith.addf %parallel_loop3A_338, %parallel_loop3A_340 : vector<16xf32>
          %parallel_loop3A_342 = arith.index_cast %parallel_loop3A_144 : i32 to index
          %parallel_loop3A_343 = arith.constant 112 : index
          %parallel_loop3A_344 = tpu.vector_load %arg9[%parallel_loop3A_342, %parallel_loop3A_343] {strides = array<i32>} : memref<64x384xf32, #tpu.memory_space<vmem>>, vector<16xf32>,
          tpu.vector_store %arg9[%parallel_loop3A_342, %parallel_loop3A_343], %parallel_loop3A_341 {strides = array<i32>} : memref<64x384xf32, #tpu.memory_space<vmem>>, vector<16xf32>,
          %parallel_loop3A_345 = arith.index_cast %parallel_loop3A_144 : i32 to index
          %parallel_loop3A_346 = arith.constant 128 : index
          %parallel_loop3A_347 = tpu.vector_load %arg7[%parallel_loop3A_345, %parallel_loop3A_346] {strides = array<i32>} : memref<64x384xf32, #tpu.memory_space<vmem>>, vector<16xf32>,
          %parallel_loop3A_348 = arith.constant -4.000000e+00 : f32
          %parallel_loop3A_349 = vector.broadcast %parallel_loop3A_348 : f32 to vector<16xf32>
          %parallel_loop3A_350 = arith.subf %parallel_loop3A_347, %parallel_loop3A_349 : vector<16xf32>
          %parallel_loop3A_351 = arith.constant 7.875000e+00 : f32
          %parallel_loop3A_352 = vector.broadcast %parallel_loop3A_351 : f32 to vector<16xf32>
          %parallel_loop3A_353 = arith.mulf %parallel_loop3A_350, %parallel_loop3A_352 : vector<16xf32>
          %parallel_loop3A_354 = arith.constant 0.000000e+00 : f32
          %parallel_loop3A_355 = vector.broadcast %parallel_loop3A_354 : f32 to vector<16xf32>
          %parallel_loop3A_356 = arith.maximumf %parallel_loop3A_353, %parallel_loop3A_355 : vector<16xf32>
          %parallel_loop3A_357 = arith.constant 61.9999962 : f32
          %parallel_loop3A_358 = vector.broadcast %parallel_loop3A_357 : f32 to vector<16xf32>
          %parallel_loop3A_359 = arith.minimumf %parallel_loop3A_356, %parallel_loop3A_358 : vector<16xf32>
          %parallel_loop3A_360 = arith.fptosi %parallel_loop3A_359 : vector<16xf32> to vector<16xi32>
          %parallel_loop3A_361 = arith.sitofp %parallel_loop3A_360 : vector<16xi32> to vector<16xf32>
          %parallel_loop3A_362 = arith.subf %parallel_loop3A_353, %parallel_loop3A_361 : vector<16xf32>
          %parallel_loop3A_363 = tpu.vector_load_idx %arg10[%parallel_loop3A_360] : memref<64xf32, #tpu.memory_space<vmem>>[vector<16xi32>], vector<16xf32>,
          %parallel_loop3A_364 = tpu.vector_load_idx %arg11[%parallel_loop3A_360] : memref<64xf32, #tpu.memory_space<vmem>>[vector<16xi32>], vector<16xf32>,
          %parallel_loop3A_365 = arith.mulf %parallel_loop3A_364, %parallel_loop3A_362 : vector<16xf32>
          %parallel_loop3A_366 = arith.addf %parallel_loop3A_363, %parallel_loop3A_365 : vector<16xf32>
          %parallel_loop3A_367 = arith.index_cast %parallel_loop3A_144 : i32 to index
          %parallel_loop3A_368 = arith.constant 128 : index
          %parallel_loop3A_369 = tpu.vector_load %arg9[%parallel_loop3A_367, %parallel_loop3A_368] {strides = array<i32>} : memref<64x384xf32, #tpu.memory_space<vmem>>, vector<16xf32>,
          tpu.vector_store %arg9[%parallel_loop3A_367, %parallel_loop3A_368], %parallel_loop3A_366 {strides = array<i32>} : memref<64x384xf32, #tpu.memory_space<vmem>>, vector<16xf32>,
          %parallel_loop3A_370 = arith.index_cast %parallel_loop3A_144 : i32 to index
          %parallel_loop3A_371 = arith.constant 144 : index
          %parallel_loop3A_372 = tpu.vector_load %arg7[%parallel_loop3A_370, %parallel_loop3A_371] {strides = array<i32>} : memref<64x384xf32, #tpu.memory_space<vmem>>, vector<16xf32>,
          %parallel_loop3A_373 = arith.constant -4.000000e+00 : f32
          %parallel_loop3A_374 = vector.broadcast %parallel_loop3A_373 : f32 to vector<16xf32>
          %parallel_loop3A_375 = arith.subf %parallel_loop3A_372, %parallel_loop3A_374 : vector<16xf32>
          %parallel_loop3A_376 = arith.constant 7.875000e+00 : f32
          %parallel_loop3A_377 = vector.broadcast %parallel_loop3A_376 : f32 to vector<16xf32>
          %parallel_loop3A_378 = arith.mulf %parallel_loop3A_375, %parallel_loop3A_377 : vector<16xf32>
          %parallel_loop3A_379 = arith.constant 0.000000e+00 : f32
          %parallel_loop3A_380 = vector.broadcast %parallel_loop3A_379 : f32 to vector<16xf32>
          %parallel_loop3A_381 = arith.maximumf %parallel_loop3A_378, %parallel_loop3A_380 : vector<16xf32>
          %parallel_loop3A_382 = arith.constant 61.9999962 : f32
          %parallel_loop3A_383 = vector.broadcast %parallel_loop3A_382 : f32 to vector<16xf32>
          %parallel_loop3A_384 = arith.minimumf %parallel_loop3A_381, %parallel_loop3A_383 : vector<16xf32>
          %parallel_loop3A_385 = arith.fptosi %parallel_loop3A_384 : vector<16xf32> to vector<16xi32>
          %parallel_loop3A_386 = arith.sitofp %parallel_loop3A_385 : vector<16xi32> to vector<16xf32>
          %parallel_loop3A_387 = arith.subf %parallel_loop3A_378, %parallel_loop3A_386 : vector<16xf32>
          %parallel_loop3A_388 = tpu.vector_load_idx %arg10[%parallel_loop3A_385] : memref<64xf32, #tpu.memory_space<vmem>>[vector<16xi32>], vector<16xf32>,
          %parallel_loop3A_389 = tpu.vector_load_idx %arg11[%parallel_loop3A_385] : memref<64xf32, #tpu.memory_space<vmem>>[vector<16xi32>], vector<16xf32>,
          %parallel_loop3A_390 = arith.mulf %parallel_loop3A_389, %parallel_loop3A_387 : vector<16xf32>
          %parallel_loop3A_391 = arith.addf %parallel_loop3A_388, %parallel_loop3A_390 : vector<16xf32>
          %parallel_loop3A_392 = arith.index_cast %parallel_loop3A_144 : i32 to index
          %parallel_loop3A_393 = arith.constant 144 : index
          %parallel_loop3A_394 = tpu.vector_load %arg9[%parallel_loop3A_392, %parallel_loop3A_393] {strides = array<i32>} : memref<64x384xf32, #tpu.memory_space<vmem>>, vector<16xf32>,
          tpu.vector_store %arg9[%parallel_loop3A_392, %parallel_loop3A_393], %parallel_loop3A_391 {strides = array<i32>} : memref<64x384xf32, #tpu.memory_space<vmem>>, vector<16xf32>,
          %parallel_loop3A_395 = arith.index_cast %parallel_loop3A_144 : i32 to index
          %parallel_loop3A_396 = arith.constant 160 : index
          %parallel_loop3A_397 = tpu.vector_load %arg7[%parallel_loop3A_395, %parallel_loop3A_396] {strides = array<i32>} : memref<64x384xf32, #tpu.memory_space<vmem>>, vector<16xf32>,
          %parallel_loop3A_398 = arith.constant -4.000000e+00 : f32
          %parallel_loop3A_399 = vector.broadcast %parallel_loop3A_398 : f32 to vector<16xf32>
          %parallel_loop3A_400 = arith.subf %parallel_loop3A_397, %parallel_loop3A_399 : vector<16xf32>
          %parallel_loop3A_401 = arith.constant 7.875000e+00 : f32
          %parallel_loop3A_402 = vector.broadcast %parallel_loop3A_401 : f32 to vector<16xf32>
          %parallel_loop3A_403 = arith.mulf %parallel_loop3A_400, %parallel_loop3A_402 : vector<16xf32>
          %parallel_loop3A_404 = arith.constant 0.000000e+00 : f32
          %parallel_loop3A_405 = vector.broadcast %parallel_loop3A_404 : f32 to vector<16xf32>
          %parallel_loop3A_406 = arith.maximumf %parallel_loop3A_403, %parallel_loop3A_405 : vector<16xf32>
          %parallel_loop3A_407 = arith.constant 61.9999962 : f32
          %parallel_loop3A_408 = vector.broadcast %parallel_loop3A_407 : f32 to vector<16xf32>
          %parallel_loop3A_409 = arith.minimumf %parallel_loop3A_406, %parallel_loop3A_408 : vector<16xf32>
          %parallel_loop3A_410 = arith.fptosi %parallel_loop3A_409 : vector<16xf32> to vector<16xi32>
          %parallel_loop3A_411 = arith.sitofp %parallel_loop3A_410 : vector<16xi32> to vector<16xf32>
          %parallel_loop3A_412 = arith.subf %parallel_loop3A_403, %parallel_loop3A_411 : vector<16xf32>
          %parallel_loop3A_413 = tpu.vector_load_idx %arg10[%parallel_loop3A_410] : memref<64xf32, #tpu.memory_space<vmem>>[vector<16xi32>], vector<16xf32>,
          %parallel_loop3A_414 = tpu.vector_load_idx %arg11[%parallel_loop3A_410] : memref<64xf32, #tpu.memory_space<vmem>>[vector<16xi32>], vector<16xf32>,
          %parallel_loop3A_415 = arith.mulf %parallel_loop3A_414, %parallel_loop3A_412 : vector<16xf32>
          %parallel_loop3A_416 = arith.addf %parallel_loop3A_413, %parallel_loop3A_415 : vector<16xf32>
          %parallel_loop3A_417 = arith.index_cast %parallel_loop3A_144 : i32 to index
          %parallel_loop3A_418 = arith.constant 160 : index
          %parallel_loop3A_419 = tpu.vector_load %arg9[%parallel_loop3A_417, %parallel_loop3A_418] {strides = array<i32>} : memref<64x384xf32, #tpu.memory_space<vmem>>, vector<16xf32>,
          tpu.vector_store %arg9[%parallel_loop3A_417, %parallel_loop3A_418], %parallel_loop3A_416 {strides = array<i32>} : memref<64x384xf32, #tpu.memory_space<vmem>>, vector<16xf32>,
          %parallel_loop3A_420 = arith.index_cast %parallel_loop3A_144 : i32 to index
          %parallel_loop3A_421 = arith.constant 176 : index
          %parallel_loop3A_422 = tpu.vector_load %arg7[%parallel_loop3A_420, %parallel_loop3A_421] {strides = array<i32>} : memref<64x384xf32, #tpu.memory_space<vmem>>, vector<16xf32>,
          %parallel_loop3A_423 = arith.constant -4.000000e+00 : f32
          %parallel_loop3A_424 = vector.broadcast %parallel_loop3A_423 : f32 to vector<16xf32>
          %parallel_loop3A_425 = arith.subf %parallel_loop3A_422, %parallel_loop3A_424 : vector<16xf32>
          %parallel_loop3A_426 = arith.constant 7.875000e+00 : f32
          %parallel_loop3A_427 = vector.broadcast %parallel_loop3A_426 : f32 to vector<16xf32>
          %parallel_loop3A_428 = arith.mulf %parallel_loop3A_425, %parallel_loop3A_427 : vector<16xf32>
          %parallel_loop3A_429 = arith.constant 0.000000e+00 : f32
          %parallel_loop3A_430 = vector.broadcast %parallel_loop3A_429 : f32 to vector<16xf32>
          %parallel_loop3A_431 = arith.maximumf %parallel_loop3A_428, %parallel_loop3A_430 : vector<16xf32>
          %parallel_loop3A_432 = arith.constant 61.9999962 : f32
          %parallel_loop3A_433 = vector.broadcast %parallel_loop3A_432 : f32 to vector<16xf32>
          %parallel_loop3A_434 = arith.minimumf %parallel_loop3A_431, %parallel_loop3A_433 : vector<16xf32>
          %parallel_loop3A_435 = arith.fptosi %parallel_loop3A_434 : vector<16xf32> to vector<16xi32>
          %parallel_loop3A_436 = arith.sitofp %parallel_loop3A_435 : vector<16xi32> to vector<16xf32>
          %parallel_loop3A_437 = arith.subf %parallel_loop3A_428, %parallel_loop3A_436 : vector<16xf32>
          %parallel_loop3A_438 = tpu.vector_load_idx %arg10[%parallel_loop3A_435] : memref<64xf32, #tpu.memory_space<vmem>>[vector<16xi32>], vector<16xf32>,
          %parallel_loop3A_439 = tpu.vector_load_idx %arg11[%parallel_loop3A_435] : memref<64xf32, #tpu.memory_space<vmem>>[vector<16xi32>], vector<16xf32>,
          %parallel_loop3A_440 = arith.mulf %parallel_loop3A_439, %parallel_loop3A_437 : vector<16xf32>
          %parallel_loop3A_441 = arith.addf %parallel_loop3A_438, %parallel_loop3A_440 : vector<16xf32>
          %parallel_loop3A_442 = arith.index_cast %parallel_loop3A_144 : i32 to index
          %parallel_loop3A_443 = arith.constant 176 : index
          %parallel_loop3A_444 = tpu.vector_load %arg9[%parallel_loop3A_442, %parallel_loop3A_443] {strides = array<i32>} : memref<64x384xf32, #tpu.memory_space<vmem>>, vector<16xf32>,
          tpu.vector_store %arg9[%parallel_loop3A_442, %parallel_loop3A_443], %parallel_loop3A_441 {strides = array<i32>} : memref<64x384xf32, #tpu.memory_space<vmem>>, vector<16xf32>,
          %parallel_loop3A_445 = arith.index_cast %parallel_loop3A_144 : i32 to index
          %parallel_loop3A_446 = arith.constant 192 : index
          %parallel_loop3A_447 = tpu.vector_load %arg7[%parallel_loop3A_445, %parallel_loop3A_446] {strides = array<i32>} : memref<64x384xf32, #tpu.memory_space<vmem>>, vector<16xf32>,
          %parallel_loop3A_448 = arith.constant -4.000000e+00 : f32
          %parallel_loop3A_449 = vector.broadcast %parallel_loop3A_448 : f32 to vector<16xf32>
          %parallel_loop3A_450 = arith.subf %parallel_loop3A_447, %parallel_loop3A_449 : vector<16xf32>
          %parallel_loop3A_451 = arith.constant 7.875000e+00 : f32
          %parallel_loop3A_452 = vector.broadcast %parallel_loop3A_451 : f32 to vector<16xf32>
          %parallel_loop3A_453 = arith.mulf %parallel_loop3A_450, %parallel_loop3A_452 : vector<16xf32>
          %parallel_loop3A_454 = arith.constant 0.000000e+00 : f32
          %parallel_loop3A_455 = vector.broadcast %parallel_loop3A_454 : f32 to vector<16xf32>
          %parallel_loop3A_456 = arith.maximumf %parallel_loop3A_453, %parallel_loop3A_455 : vector<16xf32>
          %parallel_loop3A_457 = arith.constant 61.9999962 : f32
          %parallel_loop3A_458 = vector.broadcast %parallel_loop3A_457 : f32 to vector<16xf32>
          %parallel_loop3A_459 = arith.minimumf %parallel_loop3A_456, %parallel_loop3A_458 : vector<16xf32>
          %parallel_loop3A_460 = arith.fptosi %parallel_loop3A_459 : vector<16xf32> to vector<16xi32>
          %parallel_loop3A_461 = arith.sitofp %parallel_loop3A_460 : vector<16xi32> to vector<16xf32>
          %parallel_loop3A_462 = arith.subf %parallel_loop3A_453, %parallel_loop3A_461 : vector<16xf32>
          %parallel_loop3A_463 = tpu.vector_load_idx %arg10[%parallel_loop3A_460] : memref<64xf32, #tpu.memory_space<vmem>>[vector<16xi32>], vector<16xf32>,
          %parallel_loop3A_464 = tpu.vector_load_idx %arg11[%parallel_loop3A_460] : memref<64xf32, #tpu.memory_space<vmem>>[vector<16xi32>], vector<16xf32>,
          %parallel_loop3A_465 = arith.mulf %parallel_loop3A_464, %parallel_loop3A_462 : vector<16xf32>
          %parallel_loop3A_466 = arith.addf %parallel_loop3A_463, %parallel_loop3A_465 : vector<16xf32>
          %parallel_loop3A_467 = arith.index_cast %parallel_loop3A_144 : i32 to index
          %parallel_loop3A_468 = arith.constant 192 : index
          %parallel_loop3A_469 = tpu.vector_load %arg9[%parallel_loop3A_467, %parallel_loop3A_468] {strides = array<i32>} : memref<64x384xf32, #tpu.memory_space<vmem>>, vector<16xf32>,
          tpu.vector_store %arg9[%parallel_loop3A_467, %parallel_loop3A_468], %parallel_loop3A_466 {strides = array<i32>} : memref<64x384xf32, #tpu.memory_space<vmem>>, vector<16xf32>,
          %parallel_loop3A_470 = arith.index_cast %parallel_loop3A_144 : i32 to index
          %parallel_loop3A_471 = arith.constant 208 : index
          %parallel_loop3A_472 = tpu.vector_load %arg7[%parallel_loop3A_470, %parallel_loop3A_471] {strides = array<i32>} : memref<64x384xf32, #tpu.memory_space<vmem>>, vector<16xf32>,
          %parallel_loop3A_473 = arith.constant -4.000000e+00 : f32
          %parallel_loop3A_474 = vector.broadcast %parallel_loop3A_473 : f32 to vector<16xf32>
          %parallel_loop3A_475 = arith.subf %parallel_loop3A_472, %parallel_loop3A_474 : vector<16xf32>
          %parallel_loop3A_476 = arith.constant 7.875000e+00 : f32
          %parallel_loop3A_477 = vector.broadcast %parallel_loop3A_476 : f32 to vector<16xf32>
          %parallel_loop3A_478 = arith.mulf %parallel_loop3A_475, %parallel_loop3A_477 : vector<16xf32>
          %parallel_loop3A_479 = arith.constant 0.000000e+00 : f32
          %parallel_loop3A_480 = vector.broadcast %parallel_loop3A_479 : f32 to vector<16xf32>
          %parallel_loop3A_481 = arith.maximumf %parallel_loop3A_478, %parallel_loop3A_480 : vector<16xf32>
          %parallel_loop3A_482 = arith.constant 61.9999962 : f32
          %parallel_loop3A_483 = vector.broadcast %parallel_loop3A_482 : f32 to vector<16xf32>
          %parallel_loop3A_484 = arith.minimumf %parallel_loop3A_481, %parallel_loop3A_483 : vector<16xf32>
          %parallel_loop3A_485 = arith.fptosi %parallel_loop3A_484 : vector<16xf32> to vector<16xi32>
          %parallel_loop3A_486 = arith.sitofp %parallel_loop3A_485 : vector<16xi32> to vector<16xf32>
          %parallel_loop3A_487 = arith.subf %parallel_loop3A_478, %parallel_loop3A_486 : vector<16xf32>
          %parallel_loop3A_488 = tpu.vector_load_idx %arg10[%parallel_loop3A_485] : memref<64xf32, #tpu.memory_space<vmem>>[vector<16xi32>], vector<16xf32>,
          %parallel_loop3A_489 = tpu.vector_load_idx %arg11[%parallel_loop3A_485] : memref<64xf32, #tpu.memory_space<vmem>>[vector<16xi32>], vector<16xf32>,
          %parallel_loop3A_490 = arith.mulf %parallel_loop3A_489, %parallel_loop3A_487 : vector<16xf32>
          %parallel_loop3A_491 = arith.addf %parallel_loop3A_488, %parallel_loop3A_490 : vector<16xf32>
          %parallel_loop3A_492 = arith.index_cast %parallel_loop3A_144 : i32 to index
          %parallel_loop3A_493 = arith.constant 208 : index
          %parallel_loop3A_494 = tpu.vector_load %arg9[%parallel_loop3A_492, %parallel_loop3A_493] {strides = array<i32>} : memref<64x384xf32, #tpu.memory_space<vmem>>, vector<16xf32>,
          tpu.vector_store %arg9[%parallel_loop3A_492, %parallel_loop3A_493], %parallel_loop3A_491 {strides = array<i32>} : memref<64x384xf32, #tpu.memory_space<vmem>>, vector<16xf32>,
          %parallel_loop3A_495 = arith.index_cast %parallel_loop3A_144 : i32 to index
          %parallel_loop3A_496 = arith.constant 224 : index
          %parallel_loop3A_497 = tpu.vector_load %arg7[%parallel_loop3A_495, %parallel_loop3A_496] {strides = array<i32>} : memref<64x384xf32, #tpu.memory_space<vmem>>, vector<16xf32>,
          %parallel_loop3A_498 = arith.constant -4.000000e+00 : f32
          %parallel_loop3A_499 = vector.broadcast %parallel_loop3A_498 : f32 to vector<16xf32>
          %parallel_loop3A_500 = arith.subf %parallel_loop3A_497, %parallel_loop3A_499 : vector<16xf32>
          %parallel_loop3A_501 = arith.constant 7.875000e+00 : f32
          %parallel_loop3A_502 = vector.broadcast %parallel_loop3A_501 : f32 to vector<16xf32>
          %parallel_loop3A_503 = arith.mulf %parallel_loop3A_500, %parallel_loop3A_502 : vector<16xf32>
          %parallel_loop3A_504 = arith.constant 0.000000e+00 : f32
          %parallel_loop3A_505 = vector.broadcast %parallel_loop3A_504 : f32 to vector<16xf32>
          %parallel_loop3A_506 = arith.maximumf %parallel_loop3A_503, %parallel_loop3A_505 : vector<16xf32>
          %parallel_loop3A_507 = arith.constant 61.9999962 : f32
          %parallel_loop3A_508 = vector.broadcast %parallel_loop3A_507 : f32 to vector<16xf32>
          %parallel_loop3A_509 = arith.minimumf %parallel_loop3A_506, %parallel_loop3A_508 : vector<16xf32>
          %parallel_loop3A_510 = arith.fptosi %parallel_loop3A_509 : vector<16xf32> to vector<16xi32>
          %parallel_loop3A_511 = arith.sitofp %parallel_loop3A_510 : vector<16xi32> to vector<16xf32>
          %parallel_loop3A_512 = arith.subf %parallel_loop3A_503, %parallel_loop3A_511 : vector<16xf32>
          %parallel_loop3A_513 = tpu.vector_load_idx %arg10[%parallel_loop3A_510] : memref<64xf32, #tpu.memory_space<vmem>>[vector<16xi32>], vector<16xf32>,
          %parallel_loop3A_514 = tpu.vector_load_idx %arg11[%parallel_loop3A_510] : memref<64xf32, #tpu.memory_space<vmem>>[vector<16xi32>], vector<16xf32>,
          %parallel_loop3A_515 = arith.mulf %parallel_loop3A_514, %parallel_loop3A_512 : vector<16xf32>
          %parallel_loop3A_516 = arith.addf %parallel_loop3A_513, %parallel_loop3A_515 : vector<16xf32>
          %parallel_loop3A_517 = arith.index_cast %parallel_loop3A_144 : i32 to index
          %parallel_loop3A_518 = arith.constant 224 : index
          %parallel_loop3A_519 = tpu.vector_load %arg9[%parallel_loop3A_517, %parallel_loop3A_518] {strides = array<i32>} : memref<64x384xf32, #tpu.memory_space<vmem>>, vector<16xf32>,
          tpu.vector_store %arg9[%parallel_loop3A_517, %parallel_loop3A_518], %parallel_loop3A_516 {strides = array<i32>} : memref<64x384xf32, #tpu.memory_space<vmem>>, vector<16xf32>,
          %parallel_loop3A_520 = arith.index_cast %parallel_loop3A_144 : i32 to index
          %parallel_loop3A_521 = arith.constant 240 : index
          %parallel_loop3A_522 = tpu.vector_load %arg7[%parallel_loop3A_520, %parallel_loop3A_521] {strides = array<i32>} : memref<64x384xf32, #tpu.memory_space<vmem>>, vector<16xf32>,
          %parallel_loop3A_523 = arith.constant -4.000000e+00 : f32
          %parallel_loop3A_524 = vector.broadcast %parallel_loop3A_523 : f32 to vector<16xf32>
          %parallel_loop3A_525 = arith.subf %parallel_loop3A_522, %parallel_loop3A_524 : vector<16xf32>
          %parallel_loop3A_526 = arith.constant 7.875000e+00 : f32
          %parallel_loop3A_527 = vector.broadcast %parallel_loop3A_526 : f32 to vector<16xf32>
          %parallel_loop3A_528 = arith.mulf %parallel_loop3A_525, %parallel_loop3A_527 : vector<16xf32>
          %parallel_loop3A_529 = arith.constant 0.000000e+00 : f32
          %parallel_loop3A_530 = vector.broadcast %parallel_loop3A_529 : f32 to vector<16xf32>
          %parallel_loop3A_531 = arith.maximumf %parallel_loop3A_528, %parallel_loop3A_530 : vector<16xf32>
          %parallel_loop3A_532 = arith.constant 61.9999962 : f32
          %parallel_loop3A_533 = vector.broadcast %parallel_loop3A_532 : f32 to vector<16xf32>
          %parallel_loop3A_534 = arith.minimumf %parallel_loop3A_531, %parallel_loop3A_533 : vector<16xf32>
          %parallel_loop3A_535 = arith.fptosi %parallel_loop3A_534 : vector<16xf32> to vector<16xi32>
          %parallel_loop3A_536 = arith.sitofp %parallel_loop3A_535 : vector<16xi32> to vector<16xf32>
          %parallel_loop3A_537 = arith.subf %parallel_loop3A_528, %parallel_loop3A_536 : vector<16xf32>
          %parallel_loop3A_538 = tpu.vector_load_idx %arg10[%parallel_loop3A_535] : memref<64xf32, #tpu.memory_space<vmem>>[vector<16xi32>], vector<16xf32>,
          %parallel_loop3A_539 = tpu.vector_load_idx %arg11[%parallel_loop3A_535] : memref<64xf32, #tpu.memory_space<vmem>>[vector<16xi32>], vector<16xf32>,
          %parallel_loop3A_540 = arith.mulf %parallel_loop3A_539, %parallel_loop3A_537 : vector<16xf32>
          %parallel_loop3A_541 = arith.addf %parallel_loop3A_538, %parallel_loop3A_540 : vector<16xf32>
          %parallel_loop3A_542 = arith.index_cast %parallel_loop3A_144 : i32 to index
          %parallel_loop3A_543 = arith.constant 240 : index
          %parallel_loop3A_544 = tpu.vector_load %arg9[%parallel_loop3A_542, %parallel_loop3A_543] {strides = array<i32>} : memref<64x384xf32, #tpu.memory_space<vmem>>, vector<16xf32>,
          tpu.vector_store %arg9[%parallel_loop3A_542, %parallel_loop3A_543], %parallel_loop3A_541 {strides = array<i32>} : memref<64x384xf32, #tpu.memory_space<vmem>>, vector<16xf32>,
          %parallel_loop3A_545 = arith.index_cast %parallel_loop3A_144 : i32 to index
          %parallel_loop3A_546 = arith.constant 256 : index
          %parallel_loop3A_547 = tpu.vector_load %arg7[%parallel_loop3A_545, %parallel_loop3A_546] {strides = array<i32>} : memref<64x384xf32, #tpu.memory_space<vmem>>, vector<16xf32>,
          %parallel_loop3A_548 = arith.constant -4.000000e+00 : f32
          %parallel_loop3A_549 = vector.broadcast %parallel_loop3A_548 : f32 to vector<16xf32>
          %parallel_loop3A_550 = arith.subf %parallel_loop3A_547, %parallel_loop3A_549 : vector<16xf32>
          %parallel_loop3A_551 = arith.constant 7.875000e+00 : f32
          %parallel_loop3A_552 = vector.broadcast %parallel_loop3A_551 : f32 to vector<16xf32>
          %parallel_loop3A_553 = arith.mulf %parallel_loop3A_550, %parallel_loop3A_552 : vector<16xf32>
          %parallel_loop3A_554 = arith.constant 0.000000e+00 : f32
          %parallel_loop3A_555 = vector.broadcast %parallel_loop3A_554 : f32 to vector<16xf32>
          %parallel_loop3A_556 = arith.maximumf %parallel_loop3A_553, %parallel_loop3A_555 : vector<16xf32>
          %parallel_loop3A_557 = arith.constant 61.9999962 : f32
          %parallel_loop3A_558 = vector.broadcast %parallel_loop3A_557 : f32 to vector<16xf32>
          %parallel_loop3A_559 = arith.minimumf %parallel_loop3A_556, %parallel_loop3A_558 : vector<16xf32>
          %parallel_loop3A_560 = arith.fptosi %parallel_loop3A_559 : vector<16xf32> to vector<16xi32>
          %parallel_loop3A_561 = arith.sitofp %parallel_loop3A_560 : vector<16xi32> to vector<16xf32>
          %parallel_loop3A_562 = arith.subf %parallel_loop3A_553, %parallel_loop3A_561 : vector<16xf32>
          %parallel_loop3A_563 = tpu.vector_load_idx %arg10[%parallel_loop3A_560] : memref<64xf32, #tpu.memory_space<vmem>>[vector<16xi32>], vector<16xf32>,
          %parallel_loop3A_564 = tpu.vector_load_idx %arg11[%parallel_loop3A_560] : memref<64xf32, #tpu.memory_space<vmem>>[vector<16xi32>], vector<16xf32>,
          %parallel_loop3A_565 = arith.mulf %parallel_loop3A_564, %parallel_loop3A_562 : vector<16xf32>
          %parallel_loop3A_566 = arith.addf %parallel_loop3A_563, %parallel_loop3A_565 : vector<16xf32>
          %parallel_loop3A_567 = arith.index_cast %parallel_loop3A_144 : i32 to index
          %parallel_loop3A_568 = arith.constant 256 : index
          %parallel_loop3A_569 = tpu.vector_load %arg9[%parallel_loop3A_567, %parallel_loop3A_568] {strides = array<i32>} : memref<64x384xf32, #tpu.memory_space<vmem>>, vector<16xf32>,
          tpu.vector_store %arg9[%parallel_loop3A_567, %parallel_loop3A_568], %parallel_loop3A_566 {strides = array<i32>} : memref<64x384xf32, #tpu.memory_space<vmem>>, vector<16xf32>,
          %parallel_loop3A_570 = arith.index_cast %parallel_loop3A_144 : i32 to index
          %parallel_loop3A_571 = arith.constant 272 : index
          %parallel_loop3A_572 = tpu.vector_load %arg7[%parallel_loop3A_570, %parallel_loop3A_571] {strides = array<i32>} : memref<64x384xf32, #tpu.memory_space<vmem>>, vector<16xf32>,
          %parallel_loop3A_573 = arith.constant -4.000000e+00 : f32
          %parallel_loop3A_574 = vector.broadcast %parallel_loop3A_573 : f32 to vector<16xf32>
          %parallel_loop3A_575 = arith.subf %parallel_loop3A_572, %parallel_loop3A_574 : vector<16xf32>
          %parallel_loop3A_576 = arith.constant 7.875000e+00 : f32
          %parallel_loop3A_577 = vector.broadcast %parallel_loop3A_576 : f32 to vector<16xf32>
          %parallel_loop3A_578 = arith.mulf %parallel_loop3A_575, %parallel_loop3A_577 : vector<16xf32>
          %parallel_loop3A_579 = arith.constant 0.000000e+00 : f32
          %parallel_loop3A_580 = vector.broadcast %parallel_loop3A_579 : f32 to vector<16xf32>
          %parallel_loop3A_581 = arith.maximumf %parallel_loop3A_578, %parallel_loop3A_580 : vector<16xf32>
          %parallel_loop3A_582 = arith.constant 61.9999962 : f32
          %parallel_loop3A_583 = vector.broadcast %parallel_loop3A_582 : f32 to vector<16xf32>
          %parallel_loop3A_584 = arith.minimumf %parallel_loop3A_581, %parallel_loop3A_583 : vector<16xf32>
          %parallel_loop3A_585 = arith.fptosi %parallel_loop3A_584 : vector<16xf32> to vector<16xi32>
          %parallel_loop3A_586 = arith.sitofp %parallel_loop3A_585 : vector<16xi32> to vector<16xf32>
          %parallel_loop3A_587 = arith.subf %parallel_loop3A_578, %parallel_loop3A_586 : vector<16xf32>
          %parallel_loop3A_588 = tpu.vector_load_idx %arg10[%parallel_loop3A_585] : memref<64xf32, #tpu.memory_space<vmem>>[vector<16xi32>], vector<16xf32>,
          %parallel_loop3A_589 = tpu.vector_load_idx %arg11[%parallel_loop3A_585] : memref<64xf32, #tpu.memory_space<vmem>>[vector<16xi32>], vector<16xf32>,
          %parallel_loop3A_590 = arith.mulf %parallel_loop3A_589, %parallel_loop3A_587 : vector<16xf32>
          %parallel_loop3A_591 = arith.addf %parallel_loop3A_588, %parallel_loop3A_590 : vector<16xf32>
          %parallel_loop3A_592 = arith.index_cast %parallel_loop3A_144 : i32 to index
          %parallel_loop3A_593 = arith.constant 272 : index
          %parallel_loop3A_594 = tpu.vector_load %arg9[%parallel_loop3A_592, %parallel_loop3A_593] {strides = array<i32>} : memref<64x384xf32, #tpu.memory_space<vmem>>, vector<16xf32>,
          tpu.vector_store %arg9[%parallel_loop3A_592, %parallel_loop3A_593], %parallel_loop3A_591 {strides = array<i32>} : memref<64x384xf32, #tpu.memory_space<vmem>>, vector<16xf32>,
          %parallel_loop3A_595 = arith.index_cast %parallel_loop3A_144 : i32 to index
          %parallel_loop3A_596 = arith.constant 288 : index
          %parallel_loop3A_597 = tpu.vector_load %arg7[%parallel_loop3A_595, %parallel_loop3A_596] {strides = array<i32>} : memref<64x384xf32, #tpu.memory_space<vmem>>, vector<16xf32>,
          %parallel_loop3A_598 = arith.constant -4.000000e+00 : f32
          %parallel_loop3A_599 = vector.broadcast %parallel_loop3A_598 : f32 to vector<16xf32>
          %parallel_loop3A_600 = arith.subf %parallel_loop3A_597, %parallel_loop3A_599 : vector<16xf32>
          %parallel_loop3A_601 = arith.constant 7.875000e+00 : f32
          %parallel_loop3A_602 = vector.broadcast %parallel_loop3A_601 : f32 to vector<16xf32>
          %parallel_loop3A_603 = arith.mulf %parallel_loop3A_600, %parallel_loop3A_602 : vector<16xf32>
          %parallel_loop3A_604 = arith.constant 0.000000e+00 : f32
          %parallel_loop3A_605 = vector.broadcast %parallel_loop3A_604 : f32 to vector<16xf32>
          %parallel_loop3A_606 = arith.maximumf %parallel_loop3A_603, %parallel_loop3A_605 : vector<16xf32>
          %parallel_loop3A_607 = arith.constant 61.9999962 : f32
          %parallel_loop3A_608 = vector.broadcast %parallel_loop3A_607 : f32 to vector<16xf32>
          %parallel_loop3A_609 = arith.minimumf %parallel_loop3A_606, %parallel_loop3A_608 : vector<16xf32>
          %parallel_loop3A_610 = arith.fptosi %parallel_loop3A_609 : vector<16xf32> to vector<16xi32>
          %parallel_loop3A_611 = arith.sitofp %parallel_loop3A_610 : vector<16xi32> to vector<16xf32>
          %parallel_loop3A_612 = arith.subf %parallel_loop3A_603, %parallel_loop3A_611 : vector<16xf32>
          %parallel_loop3A_613 = tpu.vector_load_idx %arg10[%parallel_loop3A_610] : memref<64xf32, #tpu.memory_space<vmem>>[vector<16xi32>], vector<16xf32>,
          %parallel_loop3A_614 = tpu.vector_load_idx %arg11[%parallel_loop3A_610] : memref<64xf32, #tpu.memory_space<vmem>>[vector<16xi32>], vector<16xf32>,
          %parallel_loop3A_615 = arith.mulf %parallel_loop3A_614, %parallel_loop3A_612 : vector<16xf32>
          %parallel_loop3A_616 = arith.addf %parallel_loop3A_613, %parallel_loop3A_615 : vector<16xf32>
          %parallel_loop3A_617 = arith.index_cast %parallel_loop3A_144 : i32 to index
          %parallel_loop3A_618 = arith.constant 288 : index
          %parallel_loop3A_619 = tpu.vector_load %arg9[%parallel_loop3A_617, %parallel_loop3A_618] {strides = array<i32>} : memref<64x384xf32, #tpu.memory_space<vmem>>, vector<16xf32>,
          tpu.vector_store %arg9[%parallel_loop3A_617, %parallel_loop3A_618], %parallel_loop3A_616 {strides = array<i32>} : memref<64x384xf32, #tpu.memory_space<vmem>>, vector<16xf32>,
          %parallel_loop3A_620 = arith.index_cast %parallel_loop3A_144 : i32 to index
          %parallel_loop3A_621 = arith.constant 304 : index
          %parallel_loop3A_622 = tpu.vector_load %arg7[%parallel_loop3A_620, %parallel_loop3A_621] {strides = array<i32>} : memref<64x384xf32, #tpu.memory_space<vmem>>, vector<16xf32>,
          %parallel_loop3A_623 = arith.constant -4.000000e+00 : f32
          %parallel_loop3A_624 = vector.broadcast %parallel_loop3A_623 : f32 to vector<16xf32>
          %parallel_loop3A_625 = arith.subf %parallel_loop3A_622, %parallel_loop3A_624 : vector<16xf32>
          %parallel_loop3A_626 = arith.constant 7.875000e+00 : f32
          %parallel_loop3A_627 = vector.broadcast %parallel_loop3A_626 : f32 to vector<16xf32>
          %parallel_loop3A_628 = arith.mulf %parallel_loop3A_625, %parallel_loop3A_627 : vector<16xf32>
          %parallel_loop3A_629 = arith.constant 0.000000e+00 : f32
          %parallel_loop3A_630 = vector.broadcast %parallel_loop3A_629 : f32 to vector<16xf32>
          %parallel_loop3A_631 = arith.maximumf %parallel_loop3A_628, %parallel_loop3A_630 : vector<16xf32>
          %parallel_loop3A_632 = arith.constant 61.9999962 : f32
          %parallel_loop3A_633 = vector.broadcast %parallel_loop3A_632 : f32 to vector<16xf32>
          %parallel_loop3A_634 = arith.minimumf %parallel_loop3A_631, %parallel_loop3A_633 : vector<16xf32>
          %parallel_loop3A_635 = arith.fptosi %parallel_loop3A_634 : vector<16xf32> to vector<16xi32>
          %parallel_loop3A_636 = arith.sitofp %parallel_loop3A_635 : vector<16xi32> to vector<16xf32>
          %parallel_loop3A_637 = arith.subf %parallel_loop3A_628, %parallel_loop3A_636 : vector<16xf32>
          %parallel_loop3A_638 = tpu.vector_load_idx %arg10[%parallel_loop3A_635] : memref<64xf32, #tpu.memory_space<vmem>>[vector<16xi32>], vector<16xf32>,
          %parallel_loop3A_639 = tpu.vector_load_idx %arg11[%parallel_loop3A_635] : memref<64xf32, #tpu.memory_space<vmem>>[vector<16xi32>], vector<16xf32>,
          %parallel_loop3A_640 = arith.mulf %parallel_loop3A_639, %parallel_loop3A_637 : vector<16xf32>
          %parallel_loop3A_641 = arith.addf %parallel_loop3A_638, %parallel_loop3A_640 : vector<16xf32>
          %parallel_loop3A_642 = arith.index_cast %parallel_loop3A_144 : i32 to index
          %parallel_loop3A_643 = arith.constant 304 : index
          %parallel_loop3A_644 = tpu.vector_load %arg9[%parallel_loop3A_642, %parallel_loop3A_643] {strides = array<i32>} : memref<64x384xf32, #tpu.memory_space<vmem>>, vector<16xf32>,
          tpu.vector_store %arg9[%parallel_loop3A_642, %parallel_loop3A_643], %parallel_loop3A_641 {strides = array<i32>} : memref<64x384xf32, #tpu.memory_space<vmem>>, vector<16xf32>,
          %parallel_loop3A_645 = arith.index_cast %parallel_loop3A_144 : i32 to index
          %parallel_loop3A_646 = arith.constant 320 : index
          %parallel_loop3A_647 = tpu.vector_load %arg7[%parallel_loop3A_645, %parallel_loop3A_646] {strides = array<i32>} : memref<64x384xf32, #tpu.memory_space<vmem>>, vector<16xf32>,
          %parallel_loop3A_648 = arith.constant -4.000000e+00 : f32
          %parallel_loop3A_649 = vector.broadcast %parallel_loop3A_648 : f32 to vector<16xf32>
          %parallel_loop3A_650 = arith.subf %parallel_loop3A_647, %parallel_loop3A_649 : vector<16xf32>
          %parallel_loop3A_651 = arith.constant 7.875000e+00 : f32
          %parallel_loop3A_652 = vector.broadcast %parallel_loop3A_651 : f32 to vector<16xf32>
          %parallel_loop3A_653 = arith.mulf %parallel_loop3A_650, %parallel_loop3A_652 : vector<16xf32>
          %parallel_loop3A_654 = arith.constant 0.000000e+00 : f32
          %parallel_loop3A_655 = vector.broadcast %parallel_loop3A_654 : f32 to vector<16xf32>
          %parallel_loop3A_656 = arith.maximumf %parallel_loop3A_653, %parallel_loop3A_655 : vector<16xf32>
          %parallel_loop3A_657 = arith.constant 61.9999962 : f32
          %parallel_loop3A_658 = vector.broadcast %parallel_loop3A_657 : f32 to vector<16xf32>
          %parallel_loop3A_659 = arith.minimumf %parallel_loop3A_656, %parallel_loop3A_658 : vector<16xf32>
          %parallel_loop3A_660 = arith.fptosi %parallel_loop3A_659 : vector<16xf32> to vector<16xi32>
          %parallel_loop3A_661 = arith.sitofp %parallel_loop3A_660 : vector<16xi32> to vector<16xf32>
          %parallel_loop3A_662 = arith.subf %parallel_loop3A_653, %parallel_loop3A_661 : vector<16xf32>
          %parallel_loop3A_663 = tpu.vector_load_idx %arg10[%parallel_loop3A_660] : memref<64xf32, #tpu.memory_space<vmem>>[vector<16xi32>], vector<16xf32>,
          %parallel_loop3A_664 = tpu.vector_load_idx %arg11[%parallel_loop3A_660] : memref<64xf32, #tpu.memory_space<vmem>>[vector<16xi32>], vector<16xf32>,
          %parallel_loop3A_665 = arith.mulf %parallel_loop3A_664, %parallel_loop3A_662 : vector<16xf32>
          %parallel_loop3A_666 = arith.addf %parallel_loop3A_663, %parallel_loop3A_665 : vector<16xf32>
          %parallel_loop3A_667 = arith.index_cast %parallel_loop3A_144 : i32 to index
          %parallel_loop3A_668 = arith.constant 320 : index
          %parallel_loop3A_669 = tpu.vector_load %arg9[%parallel_loop3A_667, %parallel_loop3A_668] {strides = array<i32>} : memref<64x384xf32, #tpu.memory_space<vmem>>, vector<16xf32>,
          tpu.vector_store %arg9[%parallel_loop3A_667, %parallel_loop3A_668], %parallel_loop3A_666 {strides = array<i32>} : memref<64x384xf32, #tpu.memory_space<vmem>>, vector<16xf32>,
          %parallel_loop3A_670 = arith.index_cast %parallel_loop3A_144 : i32 to index
          %parallel_loop3A_671 = arith.constant 336 : index
          %parallel_loop3A_672 = tpu.vector_load %arg7[%parallel_loop3A_670, %parallel_loop3A_671] {strides = array<i32>} : memref<64x384xf32, #tpu.memory_space<vmem>>, vector<16xf32>,
          %parallel_loop3A_673 = arith.constant -4.000000e+00 : f32
          %parallel_loop3A_674 = vector.broadcast %parallel_loop3A_673 : f32 to vector<16xf32>
          %parallel_loop3A_675 = arith.subf %parallel_loop3A_672, %parallel_loop3A_674 : vector<16xf32>
          %parallel_loop3A_676 = arith.constant 7.875000e+00 : f32
          %parallel_loop3A_677 = vector.broadcast %parallel_loop3A_676 : f32 to vector<16xf32>
          %parallel_loop3A_678 = arith.mulf %parallel_loop3A_675, %parallel_loop3A_677 : vector<16xf32>
          %parallel_loop3A_679 = arith.constant 0.000000e+00 : f32
          %parallel_loop3A_680 = vector.broadcast %parallel_loop3A_679 : f32 to vector<16xf32>
          %parallel_loop3A_681 = arith.maximumf %parallel_loop3A_678, %parallel_loop3A_680 : vector<16xf32>
          %parallel_loop3A_682 = arith.constant 61.9999962 : f32
          %parallel_loop3A_683 = vector.broadcast %parallel_loop3A_682 : f32 to vector<16xf32>
          %parallel_loop3A_684 = arith.minimumf %parallel_loop3A_681, %parallel_loop3A_683 : vector<16xf32>
          %parallel_loop3A_685 = arith.fptosi %parallel_loop3A_684 : vector<16xf32> to vector<16xi32>
          %parallel_loop3A_686 = arith.sitofp %parallel_loop3A_685 : vector<16xi32> to vector<16xf32>
          %parallel_loop3A_687 = arith.subf %parallel_loop3A_678, %parallel_loop3A_686 : vector<16xf32>
          %parallel_loop3A_688 = tpu.vector_load_idx %arg10[%parallel_loop3A_685] : memref<64xf32, #tpu.memory_space<vmem>>[vector<16xi32>], vector<16xf32>,
          %parallel_loop3A_689 = tpu.vector_load_idx %arg11[%parallel_loop3A_685] : memref<64xf32, #tpu.memory_space<vmem>>[vector<16xi32>], vector<16xf32>,
          %parallel_loop3A_690 = arith.mulf %parallel_loop3A_689, %parallel_loop3A_687 : vector<16xf32>
          %parallel_loop3A_691 = arith.addf %parallel_loop3A_688, %parallel_loop3A_690 : vector<16xf32>
          %parallel_loop3A_692 = arith.index_cast %parallel_loop3A_144 : i32 to index
          %parallel_loop3A_693 = arith.constant 336 : index
          %parallel_loop3A_694 = tpu.vector_load %arg9[%parallel_loop3A_692, %parallel_loop3A_693] {strides = array<i32>} : memref<64x384xf32, #tpu.memory_space<vmem>>, vector<16xf32>,
          tpu.vector_store %arg9[%parallel_loop3A_692, %parallel_loop3A_693], %parallel_loop3A_691 {strides = array<i32>} : memref<64x384xf32, #tpu.memory_space<vmem>>, vector<16xf32>,
          %parallel_loop3A_695 = arith.index_cast %parallel_loop3A_144 : i32 to index
          %parallel_loop3A_696 = arith.constant 352 : index
          %parallel_loop3A_697 = tpu.vector_load %arg7[%parallel_loop3A_695, %parallel_loop3A_696] {strides = array<i32>} : memref<64x384xf32, #tpu.memory_space<vmem>>, vector<16xf32>,
          %parallel_loop3A_698 = arith.constant -4.000000e+00 : f32
          %parallel_loop3A_699 = vector.broadcast %parallel_loop3A_698 : f32 to vector<16xf32>
          %parallel_loop3A_700 = arith.subf %parallel_loop3A_697, %parallel_loop3A_699 : vector<16xf32>
          %parallel_loop3A_701 = arith.constant 7.875000e+00 : f32
          %parallel_loop3A_702 = vector.broadcast %parallel_loop3A_701 : f32 to vector<16xf32>
          %parallel_loop3A_703 = arith.mulf %parallel_loop3A_700, %parallel_loop3A_702 : vector<16xf32>
          %parallel_loop3A_704 = arith.constant 0.000000e+00 : f32
          %parallel_loop3A_705 = vector.broadcast %parallel_loop3A_704 : f32 to vector<16xf32>
          %parallel_loop3A_706 = arith.maximumf %parallel_loop3A_703, %parallel_loop3A_705 : vector<16xf32>
          %parallel_loop3A_707 = arith.constant 61.9999962 : f32
          %parallel_loop3A_708 = vector.broadcast %parallel_loop3A_707 : f32 to vector<16xf32>
          %parallel_loop3A_709 = arith.minimumf %parallel_loop3A_706, %parallel_loop3A_708 : vector<16xf32>
          %parallel_loop3A_710 = arith.fptosi %parallel_loop3A_709 : vector<16xf32> to vector<16xi32>
          %parallel_loop3A_711 = arith.sitofp %parallel_loop3A_710 : vector<16xi32> to vector<16xf32>
          %parallel_loop3A_712 = arith.subf %parallel_loop3A_703, %parallel_loop3A_711 : vector<16xf32>
          %parallel_loop3A_713 = tpu.vector_load_idx %arg10[%parallel_loop3A_710] : memref<64xf32, #tpu.memory_space<vmem>>[vector<16xi32>], vector<16xf32>,
          %parallel_loop3A_714 = tpu.vector_load_idx %arg11[%parallel_loop3A_710] : memref<64xf32, #tpu.memory_space<vmem>>[vector<16xi32>], vector<16xf32>,
          %parallel_loop3A_715 = arith.mulf %parallel_loop3A_714, %parallel_loop3A_712 : vector<16xf32>
          %parallel_loop3A_716 = arith.addf %parallel_loop3A_713, %parallel_loop3A_715 : vector<16xf32>
          %parallel_loop3A_717 = arith.index_cast %parallel_loop3A_144 : i32 to index
          %parallel_loop3A_718 = arith.constant 352 : index
          %parallel_loop3A_719 = tpu.vector_load %arg9[%parallel_loop3A_717, %parallel_loop3A_718] {strides = array<i32>} : memref<64x384xf32, #tpu.memory_space<vmem>>, vector<16xf32>,
          tpu.vector_store %arg9[%parallel_loop3A_717, %parallel_loop3A_718], %parallel_loop3A_716 {strides = array<i32>} : memref<64x384xf32, #tpu.memory_space<vmem>>, vector<16xf32>,
          %parallel_loop3A_720 = arith.index_cast %parallel_loop3A_144 : i32 to index
          %parallel_loop3A_721 = arith.constant 368 : index
          %parallel_loop3A_722 = tpu.vector_load %arg7[%parallel_loop3A_720, %parallel_loop3A_721] {strides = array<i32>} : memref<64x384xf32, #tpu.memory_space<vmem>>, vector<16xf32>,
          %parallel_loop3A_723 = arith.constant -4.000000e+00 : f32
          %parallel_loop3A_724 = vector.broadcast %parallel_loop3A_723 : f32 to vector<16xf32>
          %parallel_loop3A_725 = arith.subf %parallel_loop3A_722, %parallel_loop3A_724 : vector<16xf32>
          %parallel_loop3A_726 = arith.constant 7.875000e+00 : f32
          %parallel_loop3A_727 = vector.broadcast %parallel_loop3A_726 : f32 to vector<16xf32>
          %parallel_loop3A_728 = arith.mulf %parallel_loop3A_725, %parallel_loop3A_727 : vector<16xf32>
          %parallel_loop3A_729 = arith.constant 0.000000e+00 : f32
          %parallel_loop3A_730 = vector.broadcast %parallel_loop3A_729 : f32 to vector<16xf32>
          %parallel_loop3A_731 = arith.maximumf %parallel_loop3A_728, %parallel_loop3A_730 : vector<16xf32>
          %parallel_loop3A_732 = arith.constant 61.9999962 : f32
          %parallel_loop3A_733 = vector.broadcast %parallel_loop3A_732 : f32 to vector<16xf32>
          %parallel_loop3A_734 = arith.minimumf %parallel_loop3A_731, %parallel_loop3A_733 : vector<16xf32>
          %parallel_loop3A_735 = arith.fptosi %parallel_loop3A_734 : vector<16xf32> to vector<16xi32>
          %parallel_loop3A_736 = arith.sitofp %parallel_loop3A_735 : vector<16xi32> to vector<16xf32>
          %parallel_loop3A_737 = arith.subf %parallel_loop3A_728, %parallel_loop3A_736 : vector<16xf32>
          %parallel_loop3A_738 = tpu.vector_load_idx %arg10[%parallel_loop3A_735] : memref<64xf32, #tpu.memory_space<vmem>>[vector<16xi32>], vector<16xf32>,
          %parallel_loop3A_739 = tpu.vector_load_idx %arg11[%parallel_loop3A_735] : memref<64xf32, #tpu.memory_space<vmem>>[vector<16xi32>], vector<16xf32>,
          %parallel_loop3A_740 = arith.mulf %parallel_loop3A_739, %parallel_loop3A_737 : vector<16xf32>
          %parallel_loop3A_741 = arith.addf %parallel_loop3A_738, %parallel_loop3A_740 : vector<16xf32>
          %parallel_loop3A_742 = arith.index_cast %parallel_loop3A_144 : i32 to index
          %parallel_loop3A_743 = arith.constant 368 : index
          %parallel_loop3A_744 = tpu.vector_load %arg9[%parallel_loop3A_742, %parallel_loop3A_743] {strides = array<i32>} : memref<64x384xf32, #tpu.memory_space<vmem>>, vector<16xf32>,
          tpu.vector_store %arg9[%parallel_loop3A_742, %parallel_loop3A_743], %parallel_loop3A_741 {strides = array<i32>} : memref<64x384xf32, #tpu.memory_space<vmem>>, vector<16xf32>,
        } {sc.loop_unroll_factor = 1 : i64, sc.parallel_access}
        %mul3A_107 = arith.constant 12 : i32
        %mul3A_108 = arith.muli %add3A, %mul3A_107 : i32
        %jit3A_109 = arith.constant 6 : i32
        %div3A_110 = arith.divsi %scan3A_48, %jit3A_109 : i32
        %sign3A_111 = arith.constant 0 : i32
        %sign3A_112 = arith.cmpi sgt, %scan3A_48, %sign3A_111 : i32
        %sign3A_113 = arith.extui %sign3A_112 : i1 to i32
        %sign3A_114 = arith.constant 0 : i32
        %sign3A_115 = arith.cmpi slt, %scan3A_48, %sign3A_114 : i32
        %sign3A_116 = arith.extui %sign3A_115 : i1 to i32
        %sign3A_117 = arith.subi %sign3A_113, %sign3A_116 : i32
        %sign3A_118 = arith.constant 0 : i32
        %sign3A_119 = arith.cmpi sgt, %jit3A_109, %sign3A_118 : i32
        %sign3A_120 = arith.extui %sign3A_119 : i1 to i32
        %sign3A_121 = arith.constant 0 : i32
        %sign3A_122 = arith.cmpi slt, %jit3A_109, %sign3A_121 : i32
        %sign3A_123 = arith.extui %sign3A_122 : i1 to i32
        %sign3A_124 = arith.subi %sign3A_120, %sign3A_123 : i32
        %ne3A_125 = arith.cmpi ne, %sign3A_117, %sign3A_124 : i32
        %rem3A_126 = arith.remsi %scan3A_48, %jit3A_109 : i32
        %ne3A_127 = arith.constant 0 : i32
        %ne3A_128 = arith.cmpi ne, %rem3A_126, %ne3A_127 : i32
        %and3A_129 = arith.andi %ne3A_125, %ne3A_128 : i1
        %sub3A_130 = arith.constant 1 : i32
        %sub3A_131 = arith.subi %div3A_110, %sub3A_130 : i32
        %select_n3A_132 = arith.select %and3A_129, %sub3A_131, %div3A_110 : i32
        %add3A_133 = arith.addi %mul3A_108, %select_n3A_132 : i32
        %rem3A_134 = arith.constant 6 : i32
        %rem3A_135 = arith.remsi %scan3A_48, %rem3A_134 : i32
        %mul3A_136 = arith.constant 64 : i32
        %mul3A_137 = arith.muli %rem3A_135, %mul3A_136 : i32
        %dma_start3A_138 = arith.constant 0 : i32
        %dma_start3A_139 = tpu.memref_slice %arg5[%add3A_133, %mul3A_137, %dma_start3A_138] : memref<384x384x384xf32, #tpu.memory_space<hbm>> -> memref<1x64x384xf32, #tpu.memory_space<hbm>>
        %dma_start3A_140 = tpu.memref_squeeze %dma_start3A_139 : memref<1x64x384xf32, #tpu.memory_space<hbm>> -> memref<64x384xf32, #tpu.memory_space<hbm>>
        %dma_start3A_141 = arith.constant 0 : i32
        %dma_start3A_142 = tpu.memref_slice %arg5[%add3A_133, %mul3A_137, %dma_start3A_141] : memref<384x384x384xf32, #tpu.memory_space<hbm>> -> memref<1x64x384xf32, #tpu.memory_space<hbm>>
        %dma_start3A_143 = tpu.memref_squeeze %dma_start3A_142 : memref<1x64x384xf32, #tpu.memory_space<hbm>> -> memref<64x384xf32, #tpu.memory_space<hbm>>
        tpu.enqueue_dma source(%arg9 : memref<64x384xf32, #tpu.memory_space<vmem>>) target(%dma_start3A_143 : memref<64x384xf32, #tpu.memory_space<hbm>>) target_semaphore(%arg15 : memref<!tpu.dma_semaphore, #tpu.memory_space<semaphore_mem>>)
      } else {
      }
    }
    %scan3A_18 = arith.constant 72 : i32
    %mul3A_19 = arith.constant 12 : i32
    %mul3A_20 = arith.muli %add3A, %mul3A_19 : i32
    %add3A_21 = arith.constant 11 : i32
    %add3A_22 = arith.addi %mul3A_20, %add3A_21 : i32
    %rem3A_23 = arith.constant 70 : i32
    %rem3A_24 = arith.constant 6 : i32
    %rem3A_25 = arith.remsi %rem3A_23, %rem3A_24 : i32
    %mul3A_26 = arith.constant 64 : i32
    %mul3A_27 = arith.muli %rem3A_25, %mul3A_26 : i32
    %dma_wait3A = arith.constant 0 : i32
    %dma_wait3A_28 = tpu.memref_slice %arg5[%add3A_22, %mul3A_27, %dma_wait3A] : memref<384x384x384xf32, #tpu.memory_space<hbm>> -> memref<1x64x384xf32, #tpu.memory_space<hbm>>
    %dma_wait3A_29 = tpu.memref_squeeze %dma_wait3A_28 : memref<1x64x384xf32, #tpu.memory_space<hbm>> -> memref<64x384xf32, #tpu.memory_space<hbm>>
    %dma_wait3A_30 = arith.constant 0 : i32
    %dma_wait3A_31 = tpu.memref_slice %arg5[%add3A_22, %mul3A_27, %dma_wait3A_30] : memref<384x384x384xf32, #tpu.memory_space<hbm>> -> memref<1x64x384xf32, #tpu.memory_space<hbm>>
    %dma_wait3A_32 = tpu.memref_squeeze %dma_wait3A_31 : memref<1x64x384xf32, #tpu.memory_space<hbm>> -> memref<64x384xf32, #tpu.memory_space<hbm>>
    tpu.wait_dma2 semaphore(%arg14 : memref<!tpu.dma_semaphore, #tpu.memory_space<semaphore_mem>>) src(%arg8 : memref<64x384xf32, #tpu.memory_space<vmem>>) dst(%dma_wait3A_32 : memref<64x384xf32, #tpu.memory_space<hbm>>)
    %mul3A_33 = arith.constant 12 : i32
    %mul3A_34 = arith.muli %add3A, %mul3A_33 : i32
    %add3A_35 = arith.constant 11 : i32
    %add3A_36 = arith.addi %mul3A_34, %add3A_35 : i32
    %rem3A_37 = arith.constant 71 : i32
    %rem3A_38 = arith.constant 6 : i32
    %rem3A_39 = arith.remsi %rem3A_37, %rem3A_38 : i32
    %mul3A_40 = arith.constant 64 : i32
    %mul3A_41 = arith.muli %rem3A_39, %mul3A_40 : i32
    %dma_wait3A_42 = arith.constant 0 : i32
    %dma_wait3A_43 = tpu.memref_slice %arg5[%add3A_36, %mul3A_41, %dma_wait3A_42] : memref<384x384x384xf32, #tpu.memory_space<hbm>> -> memref<1x64x384xf32, #tpu.memory_space<hbm>>
    %dma_wait3A_44 = tpu.memref_squeeze %dma_wait3A_43 : memref<1x64x384xf32, #tpu.memory_space<hbm>> -> memref<64x384xf32, #tpu.memory_space<hbm>>
    %dma_wait3A_45 = arith.constant 0 : i32
    %dma_wait3A_46 = tpu.memref_slice %arg5[%add3A_36, %mul3A_41, %dma_wait3A_45] : memref<384x384x384xf32, #tpu.memory_space<hbm>> -> memref<1x64x384xf32, #tpu.memory_space<hbm>>
    %dma_wait3A_47 = tpu.memref_squeeze %dma_wait3A_46 : memref<1x64x384xf32, #tpu.memory_space<hbm>> -> memref<64x384xf32, #tpu.memory_space<hbm>>
    tpu.wait_dma2 semaphore(%arg15 : memref<!tpu.dma_semaphore, #tpu.memory_space<semaphore_mem>>) src(%arg9 : memref<64x384xf32, #tpu.memory_space<vmem>>) dst(%dma_wait3A_47 : memref<64x384xf32, #tpu.memory_space<hbm>>)
    return
  }
}

module attributes {stable_mosaic.version = 14 : i64} {
  func.func @_project_body(%arg0: memref<96x64xf32, #tpu.memory_space<vmem>>, %arg1: memref<96x64xf32, #tpu.memory_space<vmem>>, %arg2: memref<96x64xf32, #tpu.memory_space<vmem>>) attributes {dimension_semantics = [], scalar_prefetch = 0 : i64, scratch_operands = 0 : i64, tpu.core_type = #tpu.core_type<tc>} {
    %get3A = arith.constant 0 : index
    %get3A_0 = arith.constant 0 : index
    %get3A_1 = vector.load %arg0[%get3A, %get3A_0] : memref<96x64xf32, #tpu.memory_space<vmem>>, vector<96x64xf32>
    %iota3A = tpu.iota {dimensions = array<i32: 0>} : vector<64x64xi32>
    %iota3A_2 = tpu.iota {dimensions = array<i32: 1>} : vector<64x64xi32>
    %iota3A_3 = tpu.iota {dimensions = array<i32: 1>} : vector<96x64xi32>
    %sub3A = arith.constant 1 : i32
    %sub3A_4 = vector.broadcast %sub3A : i32 to vector<64x64xi32>
    %sub3A_5 = arith.subi %iota3A_2, %sub3A_4 : vector<64x64xi32>
    %eq3A = arith.cmpi eq, %iota3A, %sub3A_5 : vector<64x64xi32>
    %convert_element_type3A = arith.extui %eq3A : vector<64x64xi1> to vector<64x64xi32>
    %convert_element_type3A_6 = arith.sitofp %convert_element_type3A : vector<64x64xi32> to vector<64x64xf32>
    %dot_general3A = arith.constant dense<0.000000e+00> : vector<96x64xf32>
    %dot_general3A_7 = tpu.matmul %get3A_1, %convert_element_type3A_6, %dot_general3A {dimension_numbers = #tpu.dot_dimension_numbers<[1], [0], [0], [1], [0, 0, 1, 1], [], []>, precision = #tpu.contract_precision<fp32>, transpose_lhs_hint = false} : vector<96x64xf32>, vector<64x64xf32>, vector<96x64xf32> -> vector<96x64xf32>
    %sub3A_8 = arith.subf %get3A_1, %dot_general3A_7 : vector<96x64xf32>
    %mul3A = arith.constant 7.875000e+00 : f32
    %mul3A_9 = vector.broadcast %mul3A : f32 to vector<96x64xf32>
    %mul3A_10 = arith.mulf %sub3A_8, %mul3A_9 : vector<96x64xf32>
    %ge3A = arith.constant 2 : i32
    %ge3A_11 = vector.broadcast %ge3A : i32 to vector<96x64xi32>
    %ge3A_12 = arith.cmpi sge, %iota3A_3, %ge3A_11 : vector<96x64xi32>
    %le3A = arith.constant 62 : i32
    %le3A_13 = vector.broadcast %le3A : i32 to vector<96x64xi32>
    %le3A_14 = arith.cmpi sle, %iota3A_3, %le3A_13 : vector<96x64xi32>
    %and3A = arith.andi %ge3A_12, %le3A_14 : vector<96x64xi1>
    %jit3A = arith.constant 0.000000e+00 : f32
    %broadcast_in_dim3A = vector.broadcast %jit3A : f32 to vector<96x64xf32>
    %select_n3A = arith.select %and3A, %mul3A_10, %broadcast_in_dim3A : vector<96x64xi1>, vector<96x64xf32>
    %le3A_15 = arith.cmpi sle, %iota3A, %iota3A_2 : vector<64x64xi32>
    %convert_element_type3A_16 = arith.extui %le3A_15 : vector<64x64xi1> to vector<64x64xi32>
    %convert_element_type3A_17 = arith.sitofp %convert_element_type3A_16 : vector<64x64xi32> to vector<64x64xf32>
    %dot_general3A_18 = arith.constant dense<0.000000e+00> : vector<96x64xf32>
    %dot_general3A_19 = tpu.matmul %select_n3A, %convert_element_type3A_17, %dot_general3A_18 {dimension_numbers = #tpu.dot_dimension_numbers<[1], [0], [0], [1], [0, 0, 1, 1], [], []>, precision = #tpu.contract_precision<fp32>, transpose_lhs_hint = false} : vector<96x64xf32>, vector<64x64xf32>, vector<96x64xf32> -> vector<96x64xf32>
    %mul3A_20 = arith.constant 0.126984134 : f32
    %mul3A_21 = vector.broadcast %mul3A_20 : f32 to vector<96x64xf32>
    %mul3A_22 = arith.mulf %dot_general3A_19, %mul3A_21 : vector<96x64xf32>
    %sub3A_23 = arith.subf %get3A_1, %mul3A_22 : vector<96x64xf32>
    %reduce_sum3A = arith.constant dense<0.000000e+00> : vector<96xf32>
    %reduce_sum3A_24 = vector.multi_reduction <add>, %sub3A_23, %reduce_sum3A [1] : vector<96x64xf32> to vector<96xf32>
    %broadcast_in_dim3A_25 = vector.shape_cast %reduce_sum3A_24 : vector<96xf32> to vector<96x1xf32>
    %div3A = arith.constant 6.400000e+01 : f32
    %div3A_26 = vector.broadcast %div3A : f32 to vector<96x1xf32>
    %div3A_27 = arith.divf %broadcast_in_dim3A_25, %div3A_26 : vector<96x1xf32>
    %add3A = vector.broadcast %div3A_27 : vector<96x1xf32> to vector<96x64xf32>
    %add3A_28 = arith.addf %mul3A_22, %add3A : vector<96x64xf32>
    %add3A_29 = arith.constant 1 : i32
    %add3A_30 = vector.broadcast %add3A_29 : i32 to vector<64x64xi32>
    %add3A_31 = arith.addi %iota3A_2, %add3A_30 : vector<64x64xi32>
    %eq3A_32 = arith.cmpi eq, %iota3A, %add3A_31 : vector<64x64xi32>
    %convert_element_type3A_33 = arith.extui %eq3A_32 : vector<64x64xi1> to vector<64x64xi32>
    %convert_element_type3A_34 = arith.sitofp %convert_element_type3A_33 : vector<64x64xi32> to vector<64x64xf32>
    %dot_general3A_35 = arith.constant dense<0.000000e+00> : vector<96x64xf32>
    %dot_general3A_36 = tpu.matmul %add3A_28, %convert_element_type3A_34, %dot_general3A_35 {dimension_numbers = #tpu.dot_dimension_numbers<[1], [0], [0], [1], [0, 0, 1, 1], [], []>, precision = #tpu.contract_precision<fp32>, transpose_lhs_hint = false} : vector<96x64xf32>, vector<64x64xf32>, vector<96x64xf32> -> vector<96x64xf32>
    %le3A_37 = arith.constant 62 : i32
    %le3A_38 = vector.broadcast %le3A_37 : i32 to vector<96x64xi32>
    %le3A_39 = arith.cmpi sle, %iota3A_3, %le3A_38 : vector<96x64xi32>
    %sub3A_40 = arith.subf %dot_general3A_36, %add3A_28 : vector<96x64xf32>
    %jit3A_41 = arith.constant 0.000000e+00 : f32
    %broadcast_in_dim3A_42 = vector.broadcast %jit3A_41 : f32 to vector<96x64xf32>
    %select_n3A_43 = arith.select %le3A_39, %sub3A_40, %broadcast_in_dim3A_42 : vector<96x64xi1>, vector<96x64xf32>
    %swap3A = arith.constant 0 : index
    %swap3A_44 = arith.constant 0 : index
    %swap3A_45 = vector.load %arg1[%swap3A, %swap3A_44] : memref<96x64xf32, #tpu.memory_space<vmem>>, vector<96x64xf32>
    tpu.vector_store %arg1[%swap3A, %swap3A_44], %add3A_28 {strides = array<i32>} : memref<96x64xf32, #tpu.memory_space<vmem>>, vector<96x64xf32>,
    %swap3A_46 = arith.constant 0 : index
    %swap3A_47 = arith.constant 0 : index
    %swap3A_48 = vector.load %arg2[%swap3A_46, %swap3A_47] : memref<96x64xf32, #tpu.memory_space<vmem>>, vector<96x64xf32>
    tpu.vector_store %arg2[%swap3A_46, %swap3A_47], %select_n3A_43 {strides = array<i32>} : memref<96x64xf32, #tpu.memory_space<vmem>>, vector<96x64xf32>,
    return
  }
}

</mosaic_0001>

<sc_bundles>
// kernel: kernel.4.cloned.1.call-start
scs
__scs_entry_jumppad:
0x0: {  	(pc) =	sbr.rel $0x88, $3  }
0x1: {  	(tag) =	ssettag $0x0;
	lr =	simm.s32 $0x1  }
0x2: {  	[smem:$0x3F9F] =	sst lr;
	_ =	strace $0xD0000000  }
0x3: {  	_ = 	snop  }
0x4: {  	_ = 	snop  }
0x5: {  	_ = 	snop  }
0x6: {  	_ = 	snop  }
0x7: {  	_ = 	snop  }
__scs_overlays_trampoline_lowered:
0x8: {  	[smem:$0x3FAE] =	sst s0  }
0x9: {  	[smem:$0x3FAF] =	sst s1  }
0xa: {  	[smem:$0x3FB0] =	sst s2  }
0xb: {  	[smem:$0x3FB1] =	sst s3  }
0xc: {  	[smem:$0x3FB2] =	sst s4  }
0xd: {  	[smem:$0x3FB3] =	sst s5  }
0xe: {  	[smem:$0x3FB4] =	sst s6  }
0xf: {  	[smem:$0x3FB5] =	sst s7  }
0x10: {  	[smem:$0x3FB6] =	sst s8  }
0x11: {  	[smem:$0x3FB7] =	sst s9;
	s0 =	simm.s32 @!p0 $0x0  }
0x12: {  	s1 =	sld [smem:$0x3F9D];
	s0 =	simm.s32 @p0 $0x1  }
0x13: {  	[smem:$0x3FB8] =	sst s0;
	s0 =	simm.s32 @!p1 $0x0  }
0x14: {  	s2 =	sld [smem:$0x3F9C];
	s0 =	simm.s32 @p1 $0x1  }
0x15: {  	[smem:$0x3FB9] =	sst s0;
	s0 =	simm.s32 @!p2 $0x0  }
0x16: {  	s3 =	sld [smem:$0x3FDB];
	s0 =	simm.s32 @p2 $0x1  }
0x17: {  	s4 =	simm.s32 $0x1BF5;
	[smem:$0x3FBB] =	sst s0  }
0x18: {  	s0 =	sld [smem:$0x3F9E];
	_ =	swait.ge [sflag:s4], $0x0  }
0x19: {  	s7 =	sld [smem:$0x3F9F]  }
0x1a: {  	s8 =	sadd.s32 $0xFFFFE003, lr  }
0x1b: {  	s9 =	sadd.s32 $0xFFFFFEF7, lr;
	s5 =	simm.s32 $0xFFFFFFFF;
	p2 =	slt.u32 s8, $0xFFFFF086  }
0x1c: {  	p1 =	slt.u32 s9, $0xF7A;
	s5 =	simm.s32 @!p2 $0x0  }
0x1d: {  	s5 =	simm.s32 @p1 $0x1;
	p0 =	seq.s32 s7, s2  }
0x1e: {  	s7 =	smul.u32 @!p0 $0xF7A, s2;
	p2 =	seq.s32 @!p0 s5, $0x0  }
0x1f: {  	s9 =	smul.u32 $0xF7A, s1;
	s8 =	simm.s32 @!p0 $0x1BF5;
	p2 =	por !p2, p0  }
0x20: {  	[sflag:s8] =	ssyncset.s32 @!p0 $0xFFFFF086;
	s6 =	sadd.s32 @!p0 s3, s7;
	s7 =	simm.s32 @!p0 $0x108  }
0x21: {  	s3 =	sadd.s32 s3, s9;
	s6 =	sadd.s32 @!p0 $0x88, s6;
	s7 =	simm.s32 @p2 $0x1082  }
0x22: {  	[simem:s7], [sflag:s8] =	dma.local @!p0 [hbm:s6], $0xF7A  }
0x23: {  	s9 =	sor.u32 $0xD0000000, s2;
	s6 =	simm.s32 $0x108;
	_ =	swait.ge @!p0 [sflag:s8], $0x0  }
0x24: {  	s3 =	sadd.s32 $0x88, s3;
	s6 =	simm.s32 @!p1 $0x1082;
	[sflag:s4] =	ssyncset.s32 $0xFFFFF086  }
0x25: {  	[simem:s6], [sflag:s4] =	dma.local [hbm:s3], $0xF7A  }
0x26: {  	[smem:$0x3F9F] =	sst s1;
	(tag) =	ssettag s2;
	_ =	strace s9  }
0x27: {  	s1 =	sld [smem:$0x3FAF]  }
0x28: {  	s2 =	sld [smem:$0x3FB0]  }
0x29: {  	s4 =	sld [smem:$0x3FB2]  }
0x2a: {  	p0 =	seq.s32 s5, $0x0;
	s5 =	sld [smem:$0x3FB3]  }
0x2b: {  	s6 =	sld [smem:$0x3FB4]  }
0x2c: {  	s7 =	sld [smem:$0x3FB5]  }
0x2d: {  	s3 =	simm.s32 $0x108;
	s8 =	sld [smem:$0x3FB6]  }
0x2e: {  	s3 =	simm.s32 @!p0 $0x1082;
	s9 =	sld [smem:$0x3FB7]  }
0x2f: {  	lr =	sadd.s32 s0, s3;
	s0 =	sld [smem:$0x3FAE]  }
0x30: {  	s3 =	sld [smem:$0x3FB1]  }
0x31: {  	[smem:$0x3FBA] =	sst s10  }
0x32: {  	s10 =	sld [smem:$0x3FB8];
	_ =	sdelay $0x3  }
0x33: {  	p0 =	seq.s32 s10, $0x1;
	s10 =	sld [smem:$0x3FBA];
	_ =	sdelay $0x3  }
0x34: {  	[smem:$0x3FBA] =	sst s10  }
0x35: {  	s10 =	sld [smem:$0x3FB9];
	_ =	sdelay $0x3  }
0x36: {  	p1 =	seq.s32 s10, $0x1;
	s10 =	sld [smem:$0x3FBA];
	_ =	sdelay $0x3  }
0x37: {  	[smem:$0x3FBA] =	sst s10  }
0x38: {  	s10 =	sld [smem:$0x3FBB]  }
0x39: {  	_ = 	snop;
	(pc) =	sbr.ind lr, $3  }
0x3a: {  	_ = 	snop  }
0x3b: {  	_ = 	snop  }
0x3c: {  	p2 =	seq.s32 s10, $0x1;
	s10 =	sld [smem:$0x3FBA]  }
0x3d: {  	_ =	shalt  }
0x3e: {  	_ =	shalt  }
0x3f: {  	_ =	shalt  }
0x40: {  	_ =	shalt  }
0x41: {  	_ =	shalt  }
0x42: {  	_ =	shalt  }
0x43: {  	_ =	shalt  }
0x44: {  	_ =	shalt  }
0x45: {  	_ =	shalt  }
0x46: {  	_ =	shalt  }
0x47: {  	_ =	shalt  }
0x48: {  	_ =	shalt  }
0x49: {  	_ =	shalt  }
0x4a: {  	_ =	shalt  }
0x4b: {  	_ =	shalt  }
0x4c: {  	_ =	shalt  }
0x4d: {  	_ =	shalt  }
0x4e: {  	_ =	shalt  }
0x4f: {  	_ =	shalt  }
0x50: {  	_ =	shalt  }
0x51: {  	_ =	shalt  }
0x52: {  	_ =	shalt  }
0x53: {  	_ =	shalt  }
0x54: {  	_ =	shalt  }
0x55: {  	_ =	shalt  }
0x56: {  	_ =	shalt  }
0x57: {  	_ =	shalt  }
0x58: {  	_ =	shalt  }
0x59: {  	_ =	shalt  }
0x5a: {  	_ =	shalt  }
0x5b: {  	_ =	shalt  }
0x5c: {  	_ =	shalt  }
0x5d: {  	_ =	shalt  }
0x5e: {  	_ =	shalt  }
0x5f: {  	_ =	shalt  }
0x60: {  	_ =	shalt  }
0x61: {  	_ =	shalt  }
0x62: {  	_ =	shalt  }
0x63: {  	_ =	shalt  }
0x64: {  	_ =	shalt  }
0x65: {  	_ =	shalt  }
0x66: {  	_ =	shalt  }
0x67: {  	_ =	shalt  }
0x68: {  	_ =	shalt  }
0x69: {  	_ =	shalt  }
0x6a: {  	_ =	shalt  }
0x6b: {  	_ =	shalt  }
0x6c: {  	_ =	shalt  }
0x6d: {  	_ =	shalt  }
0x6e: {  	_ =	shalt  }
0x6f: {  	_ =	shalt  }
0x70: {  	_ =	shalt  }
0x71: {  	_ =	shalt  }
0x72: {  	_ =	shalt  }
0x73: {  	_ =	shalt  }
0x74: {  	_ =	shalt  }
0x75: {  	_ =	shalt  }
0x76: {  	_ =	shalt  }
0x77: {  	_ =	shalt  }
0x78: {  	_ =	shalt  }
0x79: {  	_ =	shalt  }
0x7a: {  	_ =	shalt  }
0x7b: {  	_ =	shalt  }
0x7c: {  	_ =	shalt  }
0x7d: {  	_ =	shalt  }
0x7e: {  	_ =	shalt  }
0x7f: {  	_ =	shalt  }
0x80: {  	_ =	shalt  }
0x81: {  	_ =	shalt  }
0x82: {  	_ =	shalt  }
0x83: {  	_ =	shalt  }
0x84: {  	_ =	shalt  }
0x85: {  	_ =	shalt  }
0x86: {  	_ =	shalt  }
0x87: {  	_ =	shalt  }
.Lfunc_end0:
.L_simem_size_0:
called_computation_lowered:
.L_overlay_start_0:
0x88: {  	s2 =	sld [smem:$0x3FD9]  }
0x89: {  	s3 =	sld [smem:$0x3FFE];
	_ =	sdelay $0x1  }
0x8a: {  	s1 =	srdreg.scid  }
0x8b: {  	s0 =	sand.u32 $0x1, s1  }
0x8c: {  	s17 =	sshll.u32 s0, $0xA;
	s2 =	sadd.s32 s3, s2  }
0x8d: {  	s2 =	sadd.s32 s2, s17  }
0x8e: {  	[smem:$0x3FC6] =	sst s2  }
0x8f: {  	_ = 	snop  }
0x90: {  	s2 =	sld [smem:$0x3FC9]  }
0x91: {  	s18 =	sld [smem:$0x3FD0];
	(tm) =	ssettm $0x1  }
0x92: {  	s4 =	sld [smem:$0x3FFB];
	_ =	sdelay $0x3  }
0x93: {  	_ =	strace s4  }
0x94: {  	s4 =	sld [smem:$0x3FFC];
	_ =	sdelay $0x3  }
0x95: {  	_ =	strace s4  }
0x96: {  	s4 =	sld [smem:$0x3FFD];
	_ =	sdelay $0x3  }
0x97: {  	_ =	strace s4  }
0x98: {  	_ =	strace $0x8FFFFFFF  }
0x99: {  	s19 =	sld [smem:$0x3FDB];
	_ =	sdelay $0x1  }
0x9a: {  	s5 =	simm.s32 $_scs_section_size  }
0x9b: {  	s6 =	simm.s32 $_size__tile_overlayer_lowered;
	s7 =	simm.s32 $_tile_overlayer_lowered  }
0x9c: {  	s22 =	simm.s32 $0x1BFF;
	s21 =	sshll.u32 s7, $0x1;
	s4 =	sadd.s32 s5, s19  }
0x9d: {  	s8 =	simm.s32 $0x0;
	s20 =	sshll.u32 s6, $0x1;
	s6 =	sadd.s32 s21, s4  }
0x9e: {  	[timem:s8], [sflag:s22] =	dma.local [hbm:s6], s20  }
0x9f: {  	_ =	swait.ge [sflag:s22], s20  }
0xa0: {  	s5 =	ssub.s32 $0x0, s20;
	[sflag:s22] =	ssyncset.done $0x0  }
0xa1: {  	[sflag:s22] =	ssyncadd.s32 s5;
	_ =	sdelay $0x1  }
0xa2: {  	s23 =	simm.s32 $0x1B8B  }
0xa3: {  	_ =	swait.ge [sflag:s23], $0x1  }
0xa4: {  	[sflag:s23] =	ssyncset.done $0x0  }
0xa5: {  	s25 =	simm.s32 $0x1B8E;
	s24 =	sld [smem:$0x3FFE];
	[sflag:s23] =	ssyncadd.s32 $0xFFFFFFFF  }
0xa6: {  	s26 =	simm.s32 $execute0_lowered;
	[smem:$0x3FD2] =	sst s25  }
0xa7: {  	s6 =	sshll.u32 s26, $0x1;
	_ =	strace $0x80000046;
	[dreg:$0x1] =	wrdreg $0xFFFFFFFF  }
0xa8: {  	s28 =	simm.s32 $_size_execute0_lowered;
	s4 =	sadd.s32 s4, s6;
	[dreg:$0x0] =	wrdreg $0x0  }
0xa9: {  	s6 =	sshll.u32 s28, $0x1;
	[dreg:$0x2] =	wrdreg s4  }
0xaa: {  	[dreg:$0x3] =	wrdreg s6  }
0xab: {  	[dreg:$0x4] =	wrdreg $0xC0  }
0xac: {  	_ =	task [dreg:s8], $0x5FFFF  }
0xad: {  	[dreg:$0x1] =	wrdreg $0xFFFFFFFF  }
0xae: {  	[dreg:$0x0] =	wrdreg $0x60  }
0xaf: {  	[dreg:$0x2] =	wrdreg s2  }
0xb0: {  	[dreg:$0x3] =	wrdreg s24  }
0xb1: {  	[dreg:$0x4] =	wrdreg s18  }
0xb2: {  	[dreg:$0x5] =	wrdreg $0x9  }
0xb3: {  	_ =	task.clear_ibuf [dreg:s8], $0x6FFFF;
	_ =	strace $0x90000046  }
0xb4: {  	s29 =	simm.s32 $0x9;
	_ =	strace $0x80000048  }
0xb5: {  	_ =	swait.ge [sflag:s29], $0x1  }
0xb6: {  	[sflag:s29] =	ssyncadd.s32 $0xFFFFFFFF  }
0xb7: {  	_ =	strace $0x90000048  }
0xb8: {  	_ =	sfence  }
0xb9: {  	s30 =	sld [smem:$0x0];
	_ =	sdelay $0x2  }
0xba: {  	s31 =	sshll.u32 s1, $0xD;
	s1 =	sshrl.u32 s1, $0x2  }
0xbb: {  	s3 =	sand.u32 $0x4000, s31;
	s1 =	sadd.s32 s1, s30  }
0xbc: {  	s0 =	sor.u32 s3, s0;
	s1 =	sshll.u32 s1, $0x11  }
0xbd: {  	s0 =	sor.u32 s1, s0  }
0xbe: {  	s0 =	sadd.s32 $0x8F2B, s0  }
0xbf: {  	[sflag:s0] =	ssyncadd.remote.s32 $0x1  }
0xc0: {  	_ =	sfence.sel $0xFFFF  }
0xc1: {  	[dreg:$0x0] =	wrdreg $0xFFFFFFFF;
	(pc) =	sbr.abs _section_cstart, $3  }
0xc2: {  	[dreg:$0x1] =	wrdreg $0xFFFFFFFF  }
0xc3: {  	_ =	task.clear_ibuf [dreg:s8], $0x2FFFF;
	_ =	strace $0x9FFFFFFF  }
0xc4: {  	(tm) =	ssettm $0x7FFFFFFF  }
0xc5: {  	_ =	shalt  }
tec
execute0_lowered:
.L_overlay_start_1:
0x0: {  	(tag) =	ssettag $0x1  }
0x1: {  	s1 =	rddreg [dreg:$0x0]  }
0x2: {  	s6 =	rddreg [dreg:$0x1]  }
0x3: {  	s3 =	rddreg [dreg:$0x2]  }
0x4: {  	s0 =	rddreg [dreg:$0x3];
	s4 =	simm.s32 $0x0  }
0x5: {  	s5 =	srdreg.scid;
	s2 =	stileid.u32;
	s11 =	simm.s32 $0x18000  }
0x6: {  	s12 =	simm.s32 $0x18080;
	s13 =	simm.s32 $0x12000;
	s14 =	simm.s32 $0x3  }
0x7: {  	s15 =	simm.s32 $0x4;
	s16 =	simm.s32 $0x6000;
	s17 =	simm.s32 $0x1  }
0x8: {  	s18 =	simm.s32 $0xC000;
	s19 =	simm.s32 $0x0;
	[smem:$0x7FF] =	sst s4  }
.Ltmp0:
0x9: {  	s5 =	sand.u32 $0x1, s5;
	s7 =	sshll.u32 s2, $0x1;
	(pc) =	sbr.rel .LBB2_1-.Ltmp0, $4  }
0xa: {  	_ =	strace $0x80000047;
	s8 =	ssub.s32 $0x2, s5;
	s7 =	sor.u32 s5, s7  }
0xb: {  	s5 =	sadd.s32 $0xA00, s6;
	s9 =	sshrl.u32 s8, $0x1;
	s10 =	smul.u32 $0x36000, s7  }
0xc: {  	s6 =	sadd.s32 $0x1000, s6;
	s7 =	smul.u32 $0xC, s7;
	s9 =	ssub.s32 s8, s9  }
0xd: {  	s8 =	sadd.s32 s1, s10;
	s9 =	smax.u32 s9, $0x1;
	s10 =	simm.s32 $0x2  }
.LBB2_10:
0xe: {  	s19 =	sadd.s32 $0x1, s19  }
0xf: {  	_ =	swait.ge [sflag:s14], $0x6000;
	p0 =	sne.s32 s19, s9  }
.Ltmp1:
0x10: {  	[sflag:s14] =	ssyncset.done $0x0;
	(pc) =	sbr.rel @!p0 .LBB2_11-.Ltmp1, $4  }
0x11: {  	[sflag:s14] =	ssyncadd.s32 $0xFFFFA000  }
0x12: {  	_ =	swait.ge [sflag:s15], $0x6000  }
0x13: {  	[sflag:s15] =	ssyncset.done $0x0  }
0x14: {  	[sflag:s15] =	ssyncadd.s32 $0xFFFFA000  }
.LBB2_1:
.Ltmp2:
0x15: {  	(pc) =	sbr.rel .LBB2_2-.Ltmp2, $3  }
0x16: {  	_ =	sdelay $0x1  }
0x17: {  	[tilespmem:s4], [sflag:$0x1] =	stream.linear.gather [hbm4b:s8+s4], $0x6000, $0x38;
	[tilespmem:$0x18100] =	vst v63  }
0x18: {  	s20 =	simm.s32 $0x0  }
.LBB2_5:
0x19: {  	v25 =	vadd.f32 $4.000000000e+00, v25;
	_ =	sdelay $0x1  }
0x1a: {  	v25 =	vmul.f32 $7.875000000e+00, v25;
	_ =	sdelay $0x1  }
0x1b: {  	v26 =	vmax.f32 v25, $0.0e+00  }
0x1c: {  	v26 =	vmin.f32 v26, $6.199999620e+01  }
0x1d: {  	v26 =	vtrunc.f32 v26  }
0x1e: {  	v26 =	vcvt.f32.s32 v26;
	_ =	sdelay $0x2  }
0x1f: {  	v24 =	vadd.f32 $4.000000000e+00, v24;
	_ =	sdelay $0x1  }
0x20: {  	v24 =	vmul.f32 $7.875000000e+00, v24  }
0x21: {  	v27 =	vld.idx.msk [tilespmem:v26+s12+$0x0], $0xffff  }
0x22: {  	v28 =	vmax.f32 v24, $0.0e+00;
	v29 =	vcvt.s32.f32 v26  }
0x23: {  	v28 =	vmin.f32 v28, $6.199999620e+01;
	v26 =	vld.idx.msk [tilespmem:v26+s11+$0x0], $0xffff  }
0x24: {  	v28 =	vtrunc.f32 v28;
	v25 =	vsub.f32 v25, v29  }
0x25: {  	v28 =	vcvt.f32.s32 v28  }
0x26: {  	v25 =	vmul.f32 v25, v27;
	_ =	sdelay $0x1  }
0x27: {  	v25 =	vadd.f32 v25, v26;
	_ =	sdelay $0x1  }
0x28: {  	v19 =	vmul.f32 $7.875000000e+00, v19;
	[tilespmem:s26+$0xC000] =	vst v25  }
0x29: {  	v25 =	vld.idx.msk [tilespmem:v28+s12+$0x0], $0xffff  }
0x2a: {  	v61 =	vld [tilespmem:s26+$0x30];
	v62 =	vmax.f32 v19, $0.0e+00;
	v63 =	vcvt.s32.f32 v28  }
0x2b: {  	v27 =	vmin.f32 v62, $6.199999620e+01;
	v28 =	vld.idx.msk [tilespmem:v28+s11+$0x0], $0xffff  }
0x2c: {  	v24 =	vsub.f32 v24, v63;
	v27 =	vtrunc.f32 v27  }
0x2d: {  	v27 =	vcvt.f32.s32 v27  }
0x2e: {  	v24 =	vmul.f32 v24, v25;
	_ =	sdelay $0x1  }
0x2f: {  	v32 =	vadd.f32 $4.000000000e+00, v61;
	v24 =	vadd.f32 v24, v28;
	_ =	sdelay $0x1  }
0x30: {  	v25 =	vmul.f32 $7.875000000e+00, v32;
	[tilespmem:s26+$0xC010] =	vst v24  }
0x31: {  	v24 =	vld.idx.msk [tilespmem:v27+s12+$0x0], $0xffff  }
0x32: {  	v34 =	vld [tilespmem:s26+$0x40];
	v35 =	vcvt.s32.f32 v27;
	v33 =	vmax.f32 v25, $0.0e+00  }
0x33: {  	v26 =	vmin.f32 v33, $6.199999620e+01;
	v27 =	vld.idx.msk [tilespmem:v27+s11+$0x0], $0xffff  }
0x34: {  	v19 =	vsub.f32 v19, v35;
	v26 =	vtrunc.f32 v26  }
0x35: {  	v26 =	vcvt.f32.s32 v26  }
0x36: {  	v19 =	vmul.f32 v19, v24;
	_ =	sdelay $0x1  }
0x37: {  	v36 =	vadd.f32 $4.000000000e+00, v34;
	v19 =	vadd.f32 v19, v27;
	_ =	sdelay $0x1  }
0x38: {  	v24 =	vmul.f32 $7.875000000e+00, v36;
	[tilespmem:s26+$0xC020] =	vst v19  }
0x39: {  	v19 =	vld.idx.msk [tilespmem:v26+s12+$0x0], $0xffff  }
0x3a: {  	v38 =	vld [tilespmem:s26+$0x50];
	v39 =	vcvt.s32.f32 v26;
	v37 =	vmax.f32 v24, $0.0e+00  }
0x3b: {  	v27 =	vmin.f32 v37, $6.199999620e+01;
	v26 =	vld.idx.msk [tilespmem:v26+s11+$0x0], $0xffff  }
0x3c: {  	v25 =	vsub.f32 v25, v39;
	v27 =	vtrunc.f32 v27  }
0x3d: {  	v27 =	vcvt.f32.s32 v27  }
0x3e: {  	v19 =	vmul.f32 v25, v19;
	_ =	sdelay $0x1  }
0x3f: {  	v28 =	vadd.f32 $4.000000000e+00, v38;
	v19 =	vadd.f32 v19, v26;
	_ =	sdelay $0x1  }
0x40: {  	v28 =	vmul.f32 $7.875000000e+00, v28;
	[tilespmem:s26+$0xC030] =	vst v19  }
0x41: {  	v42 =	vld.idx.msk [tilespmem:v27+s12+$0x0], $0xffff  }
0x42: {  	v44 =	vld [tilespmem:s26+$0x60];
	v43 =	vmax.f32 v28, $0.0e+00;
	v30 =	vcvt.s32.f32 v27  }
0x43: {  	v14 =	vsub.f32 v14, v22;
	v41 =	vtrunc.f32 v23;
	v23 =	vmin.f32 v43, $6.199999620e+01;
	v45 =	vld.idx.msk [tilespmem:v27+s11+$0x0], $0xffff  }
0x44: {  	v23 =	vtrunc.f32 v23;
	v24 =	vsub.f32 v24, v30;
	v19 =	vcvt.f32.s32 v41  }
0x45: {  	v14 =	vmul.f32 v14, v20;
	v46 =	vcvt.f32.s32 v23  }
0x46: {  	v22 =	vmul.f32 v24, v42  }
0x47: {  	v14 =	vadd.f32 v14, v21  }
0x48: {  	v47 =	vadd.f32 $4.000000000e+00, v44;
	v20 =	vadd.f32 v22, v45  }
0x49: {  	v18 =	vmul.f32 $7.875000000e+00, v18;
	v50 =	vld [tilespmem:s26+$0x70];
	[tilespmem:s25+$0xC050] =	vst v14  }
0x4a: {  	v23 =	vmul.f32 $7.875000000e+00, v47;
	v14 =	vld.idx.msk [tilespmem:v19+s12+$0x0], $0xffff;
	[tilespmem:s26+$0xC040] =	vst v20  }
0x4b: {  	v48 =	vmax.f32 v18, $0.0e+00;
	v49 =	vcvt.s32.f32 v19;
	v52 =	vld.idx.msk [tilespmem:v46+s12+$0x0], $0xffff  }
0x4c: {  	v53 =	vmax.f32 v23, $0.0e+00;
	v54 =	vcvt.s32.f32 v46;
	v19 =	vld.idx.msk [tilespmem:v19+s11+$0x0], $0xffff;
	v22 =	vmin.f32 v48, $6.199999620e+01  }
0x4d: {  	v56 =	vmin.f32 v53, $6.199999620e+01;
	v16 =	vsub.f32 v16, v49;
	v51 =	vtrunc.f32 v22;
	v55 =	vld.idx.msk [tilespmem:v46+s11+$0x0], $0xffff  }
0x4e: {  	v57 =	vsub.f32 v28, v54;
	v21 =	vtrunc.f32 v56;
	v20 =	vcvt.f32.s32 v51  }
0x4f: {  	v58 =	vcvt.f32.s32 v21;
	v14 =	vmul.f32 v16, v14  }
0x50: {  	v59 =	vmul.f32 v57, v52  }
0x51: {  	v14 =	vadd.f32 v14, v19  }
0x52: {  	v60 =	vadd.f32 $4.000000000e+00, v50;
	v16 =	vadd.f32 v59, v55  }
0x53: {  	v40 =	vld [tilespmem:s26+$0x400];
	v13 =	vmul.f32 $7.875000000e+00, v13;
	[tilespmem:s25+$0xC060] =	vst v14  }
0x54: {  	v22 =	vmul.f32 $7.875000000e+00, v60;
	v14 =	vld.idx.msk [tilespmem:v20+s12+$0x0], $0xffff;
	[tilespmem:s26+$0xC050] =	vst v16  }
0x55: {  	v61 =	vmax.f32 v13, $0.0e+00;
	v62 =	vcvt.s32.f32 v20;
	v30 =	vld.idx.msk [tilespmem:v58+s12+$0x0], $0xffff  }
0x56: {  	v21 =	vmin.f32 v61, $6.199999620e+01;
	v32 =	vcvt.s32.f32 v58;
	v31 =	vmax.f32 v22, $0.0e+00;
	v20 =	vld.idx.msk [tilespmem:v20+s11+$0x0], $0xffff  }
0x57: {  	v29 =	vtrunc.f32 v21;
	v34 =	vmin.f32 v31, $6.199999620e+01;
	v63 =	vsub.f32 v18, v62;
	v33 =	vld.idx.msk [tilespmem:v58+s11+$0x0], $0xffff  }
0x58: {  	v23 =	vsub.f32 v23, v32;
	v19 =	vtrunc.f32 v34;
	v18 =	vcvt.f32.s32 v29  }
0x59: {  	v19 =	vcvt.f32.s32 v19;
	v14 =	vmul.f32 v63, v14  }
0x5a: {  	v21 =	vmul.f32 v23, v30  }
0x5b: {  	v14 =	vadd.f32 v14, v20  }
0x5c: {  	v35 =	vld [tilespmem:s25+$0x420];
	v36 =	vadd.f32 $4.000000000e+00, v40;
	v16 =	vadd.f32 v21, v33  }
0x5d: {  	v11 =	vmul.f32 $7.875000000e+00, v11;
	v25 =	vld [tilespmem:s26+$0x410];
	[tilespmem:s25+$0xC070] =	vst v14  }
0x5e: {  	v14 =	vld.idx.msk [tilespmem:v18+s12+$0x0], $0xffff;
	v23 =	vmul.f32 $7.875000000e+00, v36;
	[tilespmem:s26+$0xC060] =	vst v16  }
0x5f: {  	v37 =	vmax.f32 v11, $0.0e+00;
	v38 =	vcvt.s32.f32 v18;
	v40 =	vld.idx.msk [tilespmem:v19+s12+$0x0], $0xffff  }
0x60: {  	v42 =	vcvt.s32.f32 v19;
	v18 =	vld.idx.msk [tilespmem:v18+s11+$0x0], $0xffff;
	v21 =	vmin.f32 v37, $6.199999620e+01;
	v41 =	vmax.f32 v23, $0.0e+00  }
0x61: {  	v13 =	vsub.f32 v13, v38;
	v39 =	vtrunc.f32 v21;
	v44 =	vmin.f32 v41, $6.199999620e+01;
	v43 =	vld.idx.msk [tilespmem:v19+s11+$0x0], $0xffff  }
0x62: {  	v22 =	vsub.f32 v22, v42;
	v16 =	vcvt.f32.s32 v39;
	v19 =	vtrunc.f32 v44  }
0x63: {  	v13 =	vmul.f32 v13, v14;
	v45 =	vcvt.f32.s32 v19  }
0x64: {  	v47 =	vmul.f32 v22, v40  }
0x65: {  	v50 =	vadd.f32 $4.000000000e+00, v25;
	v13 =	vadd.f32 v13, v18  }
0x66: {  	v46 =	vadd.f32 $4.000000000e+00, v35;
	v52 =	vld [tilespmem:s26+$0x420];
	v14 =	vadd.f32 v47, v43  }
0x67: {  	v58 =	vld [tilespmem:s25+$0x430];
	[tilespmem:s25+$0xC400] =	vst v13  }
0x68: {  	v48 =	vmul.f32 $7.875000000e+00, v46;
	v21 =	vmul.f32 $7.875000000e+00, v50;
	v49 =	vld.idx.msk [tilespmem:v16+s12+$0x0], $0xffff;
	[tilespmem:s26+$0xC070] =	vst v14  }
0x69: {  	v57 =	vld.idx.msk [tilespmem:v45+s12+$0x0], $0xffff  }
0x6a: {  	v53 =	vmax.f32 v48, $0.0e+00;
	v59 =	vmax.f32 v21, $0.0e+00;
	v60 =	vcvt.s32.f32 v45;
	v54 =	vld.idx.msk [tilespmem:v16+s11+$0x0], $0xffff  }
0x6b: {  	v56 =	vmin.f32 v53, $6.199999620e+01;
	v51 =	vcvt.s32.f32 v16;
	v16 =	vmin.f32 v59, $6.199999620e+01;
	v62 =	vld.idx.msk [tilespmem:v45+s11+$0x0], $0xffff  }
0x6c: {  	v55 =	vadd.f32 v17, v15;
	v34 =	vsub.f32 v23, v60;
	v35 =	vtrunc.f32 v16  }
0x6d: {  	v15 =	vtrunc.f32 v56;
	v11 =	vsub.f32 v11, v51;
	v36 =	vcvt.f32.s32 v35  }
0x6e: {  	v61 =	vcvt.f32.s32 v15;
	v18 =	vmul.f32 v34, v57  }
0x6f: {  	v38 =	vadd.f32 $4.000000000e+00, v58;
	v11 =	vmul.f32 v11, v49  }
0x70: {  	v22 =	vadd.f32 $4.000000000e+00, v52;
	v15 =	vadd.f32 v18, v62  }
0x71: {  	v37 =	vadd.f32 v11, v54  }
0x72: {  	v20 =	vmul.f32 $7.875000000e+00, v38;
	v44 =	vld [tilespmem:s26+$0x430];
	v22 =	vmul.f32 $7.875000000e+00, v22;
	[tilespmem:s26+$0xC400] =	vst v15  }
0x73: {  	v14 =	vcvt.s32.f32 v61;
	[tilespmem:s25+$0xC410] =	vst v37;
	v42 =	vld.idx.msk [tilespmem:v36+s12+$0x0], $0xffff  }
0x74: {  	v41 =	vmax.f32 v20, $0.0e+00;
	v43 =	vmax.f32 v22, $0.0e+00;
	v45 =	vcvt.s32.f32 v36;
	v40 =	vld.idx.msk [tilespmem:v61+s12+$0x0], $0xffff  }
0x75: {  	v13 =	vsub.f32 v48, v14;
	v48 =	vmin.f32 v43, $6.199999620e+01;
	v15 =	vmin.f32 v41, $6.199999620e+01;
	v47 =	vld.idx.msk [tilespmem:v36+s11+$0x0], $0xffff  }
0x76: {  	v50 =	vsub.f32 v21, v45;
	v46 =	vtrunc.f32 v15;
	v15 =	vtrunc.f32 v48  }
0x77: {  	v23 =	vld.idx.msk [tilespmem:v61+s11+$0x0], $0xffff;
	v51 =	vcvt.f32.s32 v15  }
0x78: {  	v52 =	vmul.f32 v50, v42  }
0x79: {  	v31 =	vmul.f32 $7.875000000e+00, v9;
	[tilespmem:s24+$0xC440] =	vst v55;
	v49 =	vld [tilespmem:s25+$0x440]  }
0x7a: {  	v63 =	vld.idx.msk [tilespmem:v12+s12+$0x0], $0xffff;
	v55 =	vadd.f32 $4.000000000e+00, v44;
	v13 =	vmul.f32 v13, v40;
	v9 =	vadd.f32 v52, v47  }
0x7b: {  	v53 =	vcvt.s32.f32 v12;
	v14 =	vcvt.f32.s32 v46  }
0x7c: {  	v39 =	vld.idx.msk [tilespmem:v12+s11+$0x0], $0xffff;
	v13 =	vadd.f32 v13, v23;
	v23 =	vmul.f32 $7.875000000e+00, v55;
	[tilespmem:s26+$0xC410] =	vst v9  }
0x7d: {  	v10 =	vsub.f32 v10, v53;
	v9 =	vld.idx.msk [tilespmem:v51+s12+$0x0], $0xffff  }
0x7e: {  	v59 =	vld [tilespmem:s26+$0x440];
	v27 =	vadd.f32 $4.000000000e+00, v49;
	v60 =	vcvt.s32.f32 v51;
	v61 =	vmax.f32 v23, $0.0e+00  }
0x7f: {  	v10 =	vmul.f32 v10, v63;
	v28 =	vmin.f32 v61, $6.199999620e+01;
	v29 =	vld.idx.msk [tilespmem:v51+s11+$0x0], $0xffff  }
0x80: {  	v58 =	vmul.f32 $7.875000000e+00, v27;
	[tilespmem:s25+$0xC420] =	vst v13;
	v22 =	vsub.f32 v22, v60;
	v63 =	vtrunc.f32 v28  }
0x81: {  	v10 =	vadd.f32 v10, v39;
	v13 =	vld.idx.msk [tilespmem:v14+s12+$0x0], $0xffff;
	v27 =	vcvt.f32.s32 v63  }
0x82: {  	v32 =	vld [tilespmem:s25+$0x450];
	v33 =	vmax.f32 v58, $0.0e+00;
	v62 =	vcvt.s32.f32 v14;
	v22 =	vmul.f32 v22, v9  }
0x83: {  	v35 =	vadd.f32 $4.000000000e+00, v59;
	v54 =	vmax.f32 v31, $0.0e+00;
	v33 =	vmin.f32 v33, $6.199999620e+01;
	v14 =	vld.idx.msk [tilespmem:v14+s11+$0x0], $0xffff  }
0x84: {  	v34 =	vtrunc.f32 v33;
	v20 =	vsub.f32 v20, v62;
	v22 =	vadd.f32 v22, v29  }
0x85: {  	v39 =	vmul.f32 $7.875000000e+00, v35;
	v56 =	vmin.f32 v54, $6.199999620e+01;
	v28 =	vcvt.f32.s32 v34  }
0x86: {  	v21 =	vld [tilespmem:s25+$0x460];
	v57 =	vtrunc.f32 v56;
	v13 =	vmul.f32 v20, v13;
	[tilespmem:s26+$0xC420] =	vst v22  }
0x87: {  	v45 =	vmax.f32 v39, $0.0e+00;
	v12 =	vcvt.f32.s32 v57;
	v41 =	vld.idx.msk [tilespmem:v27+s12+$0x0], $0xffff  }
0x88: {  	v37 =	vld [tilespmem:s26+$0x450];
	v36 =	vadd.f32 $4.000000000e+00, v32;
	v44 =	vcvt.s32.f32 v27;
	v13 =	vadd.f32 v13, v14  }
0x89: {  	[tilespmem:s24+$0xC450] =	vst v10;
	v33 =	vmin.f32 v45, $6.199999620e+01;
	v27 =	vld.idx.msk [tilespmem:v27+s11+$0x0], $0xffff  }
0x8a: {  	v10 =	vmul.f32 $7.875000000e+00, v36;
	v46 =	vtrunc.f32 v33;
	v23 =	vsub.f32 v23, v44;
	[tilespmem:s25+$0xC430] =	vst v13  }
0x8b: {  	v32 =	vcvt.f32.s32 v46;
	v34 =	vcvt.s32.f32 v28;
	v43 =	vld.idx.msk [tilespmem:v28+s12+$0x0], $0xffff  }
0x8c: {  	v26 =	vmul.f32 $7.875000000e+00, v7;
	v35 =	vmax.f32 v10, $0.0e+00;
	v13 =	vmul.f32 v23, v41  }
0x8d: {  	v21 =	vadd.f32 $4.000000000e+00, v21;
	v35 =	vmin.f32 v35, $6.199999620e+01;
	v25 =	vsub.f32 v58, v34;
	v28 =	vld.idx.msk [tilespmem:v28+s11+$0x0], $0xffff  }
0x8e: {  	v38 =	vld.idx.msk [tilespmem:v12+s12+$0x0], $0xffff;
	v47 =	vtrunc.f32 v35;
	v14 =	vadd.f32 $4.000000000e+00, v37;
	v27 =	vadd.f32 v13, v27  }
0x8f: {  	v7 =	vld [tilespmem:s24+$0x860];
	v40 =	vcvt.s32.f32 v12;
	v42 =	vmax.f32 v26, $0.0e+00;
	v50 =	vcvt.f32.s32 v47  }
0x90: {  	v48 =	vld.idx.msk [tilespmem:v12+s11+$0x0], $0xffff;
	v49 =	vmin.f32 v42, $6.199999620e+01;
	v14 =	vmul.f32 $7.875000000e+00, v14;
	v25 =	vmul.f32 v25, v43;
	[tilespmem:s26+$0xC430] =	vst v27  }
0x91: {  	v57 =	vcvt.s32.f32 v32;
	v12 =	vtrunc.f32 v49;
	v51 =	vsub.f32 v31, v40;
	v54 =	vld.idx.msk [tilespmem:v32+s12+$0x0], $0xffff  }
0x92: {  	v52 =	vcvt.f32.s32 v12;
	v20 =	vld [tilespmem:s26+$0x460];
	v58 =	vmax.f32 v14, $0.0e+00;
	v25 =	vadd.f32 v25, v28  }
0x93: {  	v2 =	vmul.f32 $7.875000000e+00, v2;
	v31 =	vmin.f32 v58, $6.199999620e+01;
	v23 =	vmul.f32 v51, v38;
	v32 =	vld.idx.msk [tilespmem:v32+s11+$0x0], $0xffff  }
0x94: {  	v17 =	vld [tilespmem:s25+$0x800];
	v21 =	vmul.f32 $7.875000000e+00, v21;
	v22 =	vsub.f32 v39, v57;
	v62 =	vtrunc.f32 v31;
	[tilespmem:s25+$0xC440] =	vst v25  }
0x95: {  	v33 =	vcvt.s32.f32 v50;
	v29 =	vcvt.f32.s32 v62;
	v53 =	vadd.f32 v23, v48;
	v56 =	vld.idx.msk [tilespmem:v50+s12+$0x0], $0xffff  }
0x96: {  	v1 =	vmul.f32 $7.875000000e+00, v1;
	v11 =	vld [tilespmem:s25+$0x470];
	v59 =	vmax.f32 v21, $0.0e+00;
	v22 =	vmul.f32 v22, v54  }
0x97: {  	v0 =	vmul.f32 $7.875000000e+00, v0;
	v61 =	vmin.f32 v59, $6.199999620e+01;
	v10 =	vsub.f32 v10, v33;
	v60 =	vld.idx.msk [tilespmem:v50+s11+$0x0], $0xffff;
	[tilespmem:s24+$0xC460] =	vst v53  }
0x98: {  	v24 =	vtrunc.f32 v61;
	v40 =	vadd.f32 $4.000000000e+00, v20;
	v63 =	vld.idx.msk [tilespmem:v52+s12+$0x0], $0xffff;
	v22 =	vadd.f32 v22, v32  }
0x99: {  	v7 =	vadd.f32 $4.000000000e+00, v7;
	v16 =	vld [tilespmem:s25+$0x810];
	v24 =	vcvt.f32.s32 v24;
	v55 =	vcvt.s32.f32 v52  }
0x9a: {  	v41 =	vmul.f32 $7.875000000e+00, v40;
	v37 =	vld.idx.msk [tilespmem:v52+s11+$0x0], $0xffff;
	v10 =	vmul.f32 v10, v56;
	[tilespmem:s26+$0xC440] =	vst v22  }
0x9b: {  	v7 =	vmul.f32 $7.875000000e+00, v7;
	v11 =	vadd.f32 $4.000000000e+00, v11;
	v25 =	vsub.f32 v26, v55;
	v43 =	vld.idx.msk [tilespmem:v29+s12+$0x0], $0xffff  }
0x9c: {  	v18 =	vld [tilespmem:s26+$0x470];
	v46 =	vcvt.s32.f32 v29;
	v47 =	vmax.f32 v41, $0.0e+00;
	v10 =	vadd.f32 v10, v60  }
0x9d: {  	v17 =	vadd.f32 $4.000000000e+00, v17;
	v30 =	vmin.f32 v47, $6.199999620e+01;
	v25 =	vmul.f32 v25, v63;
	v29 =	vld.idx.msk [tilespmem:v29+s11+$0x0], $0xffff  }
0x9e: {  	v15 =	vld [tilespmem:s26+$0x810];
	v42 =	vmul.f32 $7.875000000e+00, v11;
	v14 =	vsub.f32 v14, v46;
	v50 =	vtrunc.f32 v30;
	[tilespmem:s25+$0xC450] =	vst v10  }
0x9f: {  	v48 =	vcvt.s32.f32 v24;
	v44 =	vadd.f32 v25, v37;
	v45 =	vld.idx.msk [tilespmem:v24+s12+$0x0], $0xffff;
	v25 =	vcvt.f32.s32 v50  }
0xa0: {  	v16 =	vadd.f32 $4.000000000e+00, v16;
	v11 =	vld [tilespmem:s25+$0x860];
	v49 =	vmax.f32 v42, $0.0e+00;
	v10 =	vmul.f32 v14, v43  }
0xa1: {  	v27 =	vmul.f32 $7.875000000e+00, v6;
	v21 =	vsub.f32 v21, v48;
	v24 =	vld.idx.msk [tilespmem:v24+s11+$0x0], $0xffff;
	v32 =	vmin.f32 v49, $6.199999620e+01  }
0xa2: {  	v54 =	vadd.f32 $4.000000000e+00, v18;
	v51 =	vtrunc.f32 v32;
	v29 =	vadd.f32 v10, v29  }
0xa3: {  	v16 =	vmul.f32 $7.875000000e+00, v16;
	v15 =	vadd.f32 $4.000000000e+00, v15;
	v53 =	vcvt.f32.s32 v51  }
0xa4: {  	v12 =	vld [tilespmem:s24+$0x850];
	v36 =	vmax.f32 v27, $0.0e+00;
	v23 =	vmul.f32 $7.875000000e+00, v54;
	v21 =	vmul.f32 v21, v45;
	[tilespmem:s26+$0xC450] =	vst v29  }
0xa5: {  	v15 =	vmul.f32 $7.875000000e+00, v15;
	v11 =	vadd.f32 $4.000000000e+00, v11;
	v38 =	vmin.f32 v36, $6.199999620e+01;
	v56 =	vld.idx.msk [tilespmem:v25+s12+$0x0], $0xffff  }
0xa6: {  	v19 =	vld [tilespmem:s26+$0x800];
	v58 =	vcvt.s32.f32 v25;
	v59 =	vmax.f32 v23, $0.0e+00;
	v21 =	vadd.f32 v21, v24  }
0xa7: {  	v55 =	vmul.f32 $7.875000000e+00, v17;
	v39 =	vtrunc.f32 v38;
	v33 =	vmin.f32 v59, $6.199999620e+01;
	v25 =	vld.idx.msk [tilespmem:v25+s11+$0x0], $0xffff  }
0xa8: {  	v9 =	vld [tilespmem:s24+$0x870];
	v26 =	vcvt.f32.s32 v39;
	v22 =	vsub.f32 v41, v58;
	v62 =	vtrunc.f32 v33;
	[tilespmem:s25+$0xC460] =	vst v21  }
0xa9: {  	v12 =	vadd.f32 $4.000000000e+00, v12;
	v61 =	vmax.f32 v55, $0.0e+00;
	v32 =	vcvt.f32.s32 v62;
	v21 =	vld.idx.msk [tilespmem:v53+s12+$0x0], $0xffff  }
0xaa: {  	v20 =	vld [tilespmem:s24+$0x830];
	v35 =	vmin.f32 v61, $6.199999620e+01;
	v60 =	vcvt.s32.f32 v53;
	v22 =	vmul.f32 v22, v56  }
0xab: {  	v11 =	vmul.f32 $7.875000000e+00, v11;
	v36 =	vtrunc.f32 v35;
	v39 =	vadd.f32 $4.000000000e+00, v19;
	v31 =	vld.idx.msk [tilespmem:v53+s11+$0x0], $0xffff  }
0xac: {  	v17 =	vld [tilespmem:s26+$0x850];
	v34 =	vcvt.f32.s32 v36;
	v28 =	vsub.f32 v42, v60;
	v22 =	vadd.f32 v22, v25  }
0xad: {  	v63 =	vld [tilespmem:s24+$0x820];
	[tilespmem:s24+$0xC470] =	vst v44;
	v41 =	vmul.f32 $7.875000000e+00, v39;
	v24 =	vmul.f32 $7.875000000e+00, v3  }
0xae: {  	v12 =	vmul.f32 $7.875000000e+00, v12;
	v9 =	vadd.f32 $4.000000000e+00, v9;
	v52 =	vld.idx.msk [tilespmem:v26+s12+$0x0], $0xffff;
	v21 =	vmul.f32 v28, v21;
	[tilespmem:s26+$0xC460] =	vst v22  }
0xaf: {  	v57 =	vcvt.s32.f32 v26;
	v46 =	vmax.f32 v41, $0.0e+00;
	v37 =	vmax.f32 v24, $0.0e+00;
	v43 =	vld.idx.msk [tilespmem:v32+s12+$0x0], $0xffff  }
0xb0: {  	v26 =	vld.idx.msk [tilespmem:v26+s11+$0x0], $0xffff;
	v45 =	vcvt.s32.f32 v32;
	v38 =	vmin.f32 v37, $6.199999620e+01;
	v21 =	vadd.f32 v21, v31  }
0xb1: {  	v27 =	vsub.f32 v27, v57;
	v40 =	vtrunc.f32 v38;
	v31 =	vmin.f32 v46, $6.199999620e+01;
	v32 =	vld.idx.msk [tilespmem:v32+s11+$0x0], $0xffff  }
0xb2: {  	v23 =	vsub.f32 v23, v45;
	v31 =	vtrunc.f32 v31;
	[tilespmem:s25+$0xC470] =	vst v21;
	v25 =	vcvt.f32.s32 v40  }
0xb3: {  	v20 =	vadd.f32 $4.000000000e+00, v20;
	v27 =	vmul.f32 v27, v52;
	v31 =	vcvt.f32.s32 v31;
	v44 =	vld.idx.msk [tilespmem:v34+s12+$0x0], $0xffff  }
0xb4: {  	v13 =	vld [tilespmem:s24+$0x840];
	v17 =	vadd.f32 $4.000000000e+00, v17;
	v47 =	vcvt.s32.f32 v34;
	v21 =	vmul.f32 v23, v43  }
0xb5: {  	v9 =	vmul.f32 $7.875000000e+00, v9;
	v33 =	vadd.f32 $4.000000000e+00, v63;
	v42 =	vadd.f32 v27, v26;
	v50 =	vld.idx.msk [tilespmem:v34+s11+$0x0], $0xffff  }
0xb6: {  	v20 =	vmul.f32 $7.875000000e+00, v20;
	v36 =	vld [tilespmem:s26+$0x820];
	v29 =	vsub.f32 v55, v47;
	v21 =	vadd.f32 v21, v32  }
0xb7: {  	v48 =	vmax.f32 v16, $0.0e+00;
	v17 =	vmul.f32 $7.875000000e+00, v17;
	v57 =	vld [tilespmem:s25+$0x820];
	v49 =	vmul.f32 $7.875000000e+00, v33;
	[tilespmem:s24+$0xC800] =	vst v42  }
0xb8: {  	v62 =	vmax.f32 v15, $0.0e+00;
	v27 =	vmin.f32 v48, $6.199999620e+01;
	v26 =	vmul.f32 v29, v44;
	v51 =	vld.idx.msk [tilespmem:v25+s12+$0x0], $0xffff;
	[tilespmem:s26+$0xC470] =	vst v21  }
0xb9: {  	v54 =	vmax.f32 v49, $0.0e+00;
	v27 =	vtrunc.f32 v27;
	v53 =	vcvt.s32.f32 v25;
	v58 =	vld.idx.msk [tilespmem:v31+s12+$0x0], $0xffff  }
0xba: {  	v27 =	vcvt.f32.s32 v27;
	v59 =	vcvt.s32.f32 v31;
	v25 =	vld.idx.msk [tilespmem:v25+s11+$0x0], $0xffff;
	v26 =	vadd.f32 v26, v50  }
0xbb: {  	[tilespmem:s23+$0xC830] =	vst v8;
	v18 =	vld [tilespmem:s25+$0x840];
	v55 =	vcvt.s32.f32 v5;
	v24 =	vsub.f32 v24, v53;
	v29 =	vmin.f32 v54, $6.199999620e+01  }
0xbc: {  	v29 =	vtrunc.f32 v29;
	[tilespmem:s25+$0xC800] =	vst v26;
	v26 =	vsub.f32 v41, v59;
	v32 =	vmin.f32 v62, $6.199999620e+01;
	v31 =	vld.idx.msk [tilespmem:v31+s11+$0x0], $0xffff  }
0xbd: {  	v52 =	vld.idx.msk [tilespmem:v5+s12+$0x0], $0xffff;
	v8 =	vmul.f32 v24, v51;
	v37 =	vtrunc.f32 v32;
	v21 =	vadd.f32 $4.000000000e+00, v57  }
0xbe: {  	v13 =	vadd.f32 $4.000000000e+00, v13;
	v42 =	vld.idx.msk [tilespmem:v5+s11+$0x0], $0xffff;
	v35 =	vmul.f32 v26, v58;
	v26 =	vcvt.f32.s32 v37  }
0xbf: {  	v28 =	vld [tilespmem:s25+$0x830];
	v29 =	vcvt.f32.s32 v29;
	v8 =	vadd.f32 v8, v25;
	v21 =	vmul.f32 $7.875000000e+00, v21  }
0xc0: {  	v13 =	vmul.f32 $7.875000000e+00, v13;
	v4 =	vsub.f32 v4, v55;
	v63 =	vcvt.s32.f32 v27;
	v60 =	vld.idx.msk [tilespmem:v27+s12+$0x0], $0xffff  }
0xc1: {  	v24 =	vadd.f32 $4.000000000e+00, v36;
	[tilespmem:s24+$0xC810] =	vst v8;
	v40 =	vmax.f32 v21, $0.0e+00;
	v8 =	vadd.f32 v35, v31  }
0xc2: {  	v18 =	vadd.f32 $4.000000000e+00, v18;
	v4 =	vmul.f32 v4, v52;
	v39 =	vld.idx.msk [tilespmem:v27+s11+$0x0], $0xffff;
	v23 =	vmin.f32 v40, $6.199999620e+01  }
0xc3: {  	v16 =	vsub.f32 v16, v63;
	v56 =	vld [tilespmem:s26+$0x830];
	v24 =	vmul.f32 $7.875000000e+00, v24;
	v23 =	vtrunc.f32 v23;
	[tilespmem:s26+$0xC800] =	vst v8  }
0xc4: {  	v4 =	vadd.f32 v4, v42;
	v28 =	vadd.f32 $4.000000000e+00, v28;
	v23 =	vcvt.f32.s32 v23;
	v45 =	vld.idx.msk [tilespmem:v26+s12+$0x0], $0xffff  }
0xc5: {  	v16 =	vmul.f32 v16, v60;
	v47 =	vmax.f32 v24, $0.0e+00;
	v38 =	vld.idx.msk [tilespmem:v29+s12+$0x0], $0xffff;
	v46 =	vcvt.s32.f32 v26  }
0xc6: {  	v28 =	vmul.f32 $7.875000000e+00, v28;
	v61 =	vcvt.s32.f32 v29;
	v25 =	vmin.f32 v47, $6.199999620e+01;
	v26 =	vld.idx.msk [tilespmem:v26+s11+$0x0], $0xffff  }
0xc7: {  	v29 =	vld.idx.msk [tilespmem:v29+s11+$0x0], $0xffff;
	v44 =	vadd.f32 v16, v39;
	v25 =	vtrunc.f32 v25;
	v15 =	vsub.f32 v15, v46  }
0xc8: {  	v55 =	vadd.f32 $4.000000000e+00, v56;
	v22 =	vsub.f32 v49, v61;
	v48 =	vcvt.f32.s32 v25  }
0xc9: {  	v53 =	vmax.f32 v28, $0.0e+00;
	v43 =	vmax.f32 v20, $0.0e+00;
	[tilespmem:s25+$0xC810] =	vst v44;
	v15 =	vmul.f32 v15, v45  }
0xca: {  	v41 =	vmax.f32 v2, $0.0e+00;
	v30 =	vmin.f32 v43, $6.199999620e+01;
	v22 =	vmul.f32 v22, v38;
	v51 =	vld.idx.msk [tilespmem:v23+s12+$0x0], $0xffff  }
0xcb: {  	v30 =	vtrunc.f32 v30;
	v52 =	vcvt.s32.f32 v23;
	v15 =	vadd.f32 v15, v26  }
0xcc: {  	v49 =	vcvt.f32.s32 v30;
	v50 =	vadd.f32 v22, v29;
	v29 =	vmin.f32 v53, $6.199999620e+01;
	v23 =	vld.idx.msk [tilespmem:v23+s11+$0x0], $0xffff  }
0xcd: {  	v14 =	vld [tilespmem:s25+$0x850];
	v60 =	vmul.f32 $7.875000000e+00, v55;
	v56 =	vsub.f32 v21, v52;
	v58 =	vtrunc.f32 v29;
	[tilespmem:s26+$0xC810] =	vst v15  }
0xce: {  	v33 =	vmax.f32 v13, $0.0e+00;
	v27 =	vmin.f32 v41, $6.199999620e+01;
	v25 =	vcvt.f32.s32 v58;
	v61 =	vld.idx.msk [tilespmem:v48+s12+$0x0], $0xffff  }
0xcf: {  	v19 =	vld [tilespmem:s26+$0x840];
	[tilespmem:s23+$0xC840] =	vst v4;
	v30 =	vmax.f32 v60, $0.0e+00;
	v62 =	vcvt.s32.f32 v48;
	v4 =	vmul.f32 v56, v51  }
0xd0: {  	v27 =	vtrunc.f32 v27;
	v57 =	vcvt.s32.f32 v49;
	v21 =	vmin.f32 v30, $6.199999620e+01;
	v8 =	vld.idx.msk [tilespmem:v48+s11+$0x0], $0xffff  }
0xd1: {  	v22 =	vsub.f32 v24, v62;
	v21 =	vtrunc.f32 v21;
	v4 =	vadd.f32 v4, v23  }
0xd2: {  	v6 =	vld [tilespmem:s25+$0x870];
	v14 =	vadd.f32 $4.000000000e+00, v14;
	v39 =	vmul.f32 $7.875000000e+00, v18;
	[tilespmem:s24+$0xC820] =	vst v50;
	v21 =	vcvt.f32.s32 v21  }
0xd3: {  	v34 =	vmin.f32 v33, $6.199999620e+01;
	v27 =	vcvt.f32.s32 v27;
	v63 =	vld.idx.msk [tilespmem:v49+s12+$0x0], $0xffff;
	[tilespmem:s25+$0xC820] =	vst v4;
	v16 =	vmul.f32 v22, v61  }
0xd4: {  	v20 =	vsub.f32 v20, v57;
	v40 =	vadd.f32 $4.000000000e+00, v19;
	v44 =	vmax.f32 v39, $0.0e+00;
	v35 =	vld.idx.msk [tilespmem:v25+s12+$0x0], $0xffff  }
0xd5: {  	v31 =	vmax.f32 v1, $0.0e+00;
	v5 =	vld.idx.msk [tilespmem:v49+s11+$0x0], $0xffff;
	v36 =	vcvt.s32.f32 v25;
	v8 =	vadd.f32 v16, v8  }
0xd6: {  	v18 =	vmul.f32 $7.875000000e+00, v40;
	v23 =	vmin.f32 v31, $6.199999620e+01;
	v15 =	vtrunc.f32 v34;
	v38 =	vld.idx.msk [tilespmem:v25+s11+$0x0], $0xffff  }
0xd7: {  	v3 =	vld [tilespmem:s26+$0x860];
	v32 =	vtrunc.f32 v23;
	v23 =	vsub.f32 v28, v36;
	v15 =	vcvt.f32.s32 v15;
	[tilespmem:s26+$0xC820] =	vst v8  }
0xd8: {  	v47 =	vmax.f32 v18, $0.0e+00;
	v42 =	vcvt.s32.f32 v21;
	v20 =	vmul.f32 v20, v63;
	v41 =	vld.idx.msk [tilespmem:v21+s12+$0x0], $0xffff  }
0xd9: {  	v49 =	vmin.f32 v47, $6.199999620e+01;
	v22 =	vmul.f32 v23, v35;
	v23 =	vmin.f32 v44, $6.199999620e+01  }
0xda: {  	v5 =	vadd.f32 v20, v5;
	v25 =	vsub.f32 v60, v42;
	v46 =	vtrunc.f32 v23;
	v21 =	vld.idx.msk [tilespmem:v21+s11+$0x0], $0xffff  }
0xdb: {  	v59 =	vld.idx.msk [tilespmem:v27+s12+$0x0], $0xffff;
	v48 =	vadd.f32 v22, v38;
	v20 =	vcvt.f32.s32 v46;
	v22 =	vtrunc.f32 v49  }
0xdc: {  	v6 =	vadd.f32 $4.000000000e+00, v6;
	v54 =	vcvt.s32.f32 v27;
	v52 =	vld.idx.msk [tilespmem:v27+s11+$0x0], $0xffff;
	[tilespmem:s24+$0xC830] =	vst v5;
	v22 =	vcvt.f32.s32 v22  }
0xdd: {  	v3 =	vadd.f32 $4.000000000e+00, v3;
	v14 =	vmul.f32 $7.875000000e+00, v14;
	v50 =	vld.idx.msk [tilespmem:v15+s12+$0x0], $0xffff;
	v19 =	vmul.f32 v25, v41  }
0xde: {  	v57 =	vmax.f32 v17, $0.0e+00;
	v2 =	vsub.f32 v2, v54;
	v43 =	vcvt.s32.f32 v15  }
0xdf: {  	v54 =	vmax.f32 v14, $0.0e+00;
	v51 =	vmax.f32 v12, $0.0e+00;
	v15 =	vld.idx.msk [tilespmem:v15+s11+$0x0], $0xffff;
	v19 =	vadd.f32 v19, v21  }
0xe0: {  	v10 =	vld [tilespmem:s26+$0x870];
	v2 =	vmul.f32 v2, v59;
	v24 =	vmin.f32 v51, $6.199999620e+01;
	v13 =	vsub.f32 v13, v43;
	[tilespmem:s25+$0xC830] =	vst v48  }
0xe1: {  	v55 =	vmin.f32 v54, $6.199999620e+01;
	v24 =	vtrunc.f32 v24;
	v53 =	vcvt.s32.f32 v20;
	v5 =	vld.idx.msk [tilespmem:v20+s12+$0x0], $0xffff;
	[tilespmem:s26+$0xC830] =	vst v19  }
0xe2: {  	v2 =	vadd.f32 v2, v52;
	v4 =	vcvt.f32.s32 v32;
	v13 =	vmul.f32 v13, v50;
	v19 =	vld.idx.msk [tilespmem:v22+s12+$0x0], $0xffff  }
0xe3: {  	v24 =	vcvt.f32.s32 v24;
	v56 =	vcvt.s32.f32 v22;
	v8 =	vsub.f32 v39, v53;
	v20 =	vld.idx.msk [tilespmem:v20+s11+$0x0], $0xffff  }
0xe4: {  	v13 =	vadd.f32 v13, v15;
	v15 =	vtrunc.f32 v55;
	v25 =	vmin.f32 v57, $6.199999620e+01;
	v22 =	vld.idx.msk [tilespmem:v22+s11+$0x0], $0xffff  }
0xe5: {  	v18 =	vsub.f32 v18, v56;
	v15 =	vcvt.f32.s32 v15;
	v25 =	vtrunc.f32 v25  }
0xe6: {  	v10 =	vadd.f32 $4.000000000e+00, v10;
	v60 =	vcvt.f32.s32 v25;
	v5 =	vmul.f32 v8, v5  }
0xe7: {  	v6 =	vmul.f32 $7.875000000e+00, v6;
	[tilespmem:s23+$0xC850] =	vst v2;
	v63 =	vmul.f32 v18, v19  }
0xe8: {  	v3 =	vmul.f32 $7.875000000e+00, v3;
	v10 =	vmul.f32 $7.875000000e+00, v10;
	v27 =	vld.idx.msk [tilespmem:v4+s12+$0x0], $0xffff;
	[tilespmem:s24+$0xC840] =	vst v13;
	v5 =	vadd.f32 v5, v20  }
0xe9: {  	v37 =	vmax.f32 v0, $0.0e+00;
	v62 =	vmax.f32 v7, $0.0e+00;
	v59 =	vld.idx.msk [tilespmem:v24+s12+$0x0], $0xffff;
	v13 =	vadd.f32 v63, v22  }
0xea: {  	v29 =	vmax.f32 v11, $0.0e+00;
	v32 =	vmax.f32 v3, $0.0e+00;
	v58 =	vcvt.s32.f32 v24;
	v61 =	vld.idx.msk [tilespmem:v24+s11+$0x0], $0xffff;
	[tilespmem:s25+$0xC840] =	vst v5  }
0xeb: {  	v34 =	vmin.f32 v32, $6.199999620e+01;
	v45 =	vcvt.s32.f32 v4;
	v24 =	vmin.f32 v62, $6.199999620e+01;
	v5 =	vld.idx.msk [tilespmem:v15+s12+$0x0], $0xffff;
	[tilespmem:s26+$0xC840] =	vst v13  }
0xec: {  	v12 =	vsub.f32 v12, v58;
	v28 =	vcvt.s32.f32 v15;
	v25 =	vtrunc.f32 v24;
	v30 =	vld.idx.msk [tilespmem:v60+s12+$0x0], $0xffff  }
0xed: {  	v2 =	vcvt.f32.s32 v25;
	v31 =	vcvt.s32.f32 v60;
	v15 =	vld.idx.msk [tilespmem:v15+s11+$0x0], $0xffff;
	v19 =	vmin.f32 v29, $6.199999620e+01  }
0xee: {  	v12 =	vmul.f32 v12, v59;
	v33 =	vtrunc.f32 v19;
	v13 =	vsub.f32 v14, v28;
	v8 =	vld.idx.msk [tilespmem:v60+s11+$0x0], $0xffff  }
0xef: {  	v17 =	vsub.f32 v17, v31;
	v19 =	vtrunc.f32 v34;
	v14 =	vcvt.f32.s32 v33  }
0xf0: {  	v4 =	vld.idx.msk [tilespmem:v4+s11+$0x0], $0xffff;
	v12 =	vadd.f32 v12, v61;
	v35 =	vcvt.f32.s32 v19;
	v5 =	vmul.f32 v13, v5  }
0xf1: {  	v1 =	vsub.f32 v1, v45;
	v44 =	vmax.f32 v10, $0.0e+00;
	v17 =	vmul.f32 v17, v30  }
0xf2: {  	v16 =	vmin.f32 v37, $6.199999620e+01;
	v37 =	vmax.f32 v9, $0.0e+00;
	[tilespmem:s24+$0xC850] =	vst v12;
	v5 =	vadd.f32 v5, v15  }
0xf3: {  	v16 =	vtrunc.f32 v16;
	v1 =	vmul.f32 v1, v27;
	v36 =	vld.idx.msk [tilespmem:v2+s12+$0x0], $0xffff;
	v8 =	vadd.f32 v17, v8  }
0xf4: {  	v46 =	vmin.f32 v44, $6.199999620e+01;
	v16 =	vcvt.f32.s32 v16;
	v38 =	vcvt.s32.f32 v2;
	v2 =	vld.idx.msk [tilespmem:v2+s11+$0x0], $0xffff;
	[tilespmem:s25+$0xC850] =	vst v5  }
0xf5: {  	v39 =	vmin.f32 v37, $6.199999620e+01;
	v1 =	vadd.f32 v1, v4;
	v41 =	vmax.f32 v6, $0.0e+00;
	v5 =	vld.idx.msk [tilespmem:v14+s12+$0x0], $0xffff;
	[tilespmem:s26+$0xC850] =	vst v8  }
0xf6: {  	v7 =	vsub.f32 v7, v38;
	v42 =	vcvt.s32.f32 v14;
	v15 =	vtrunc.f32 v39;
	v43 =	vld.idx.msk [tilespmem:v35+s12+$0x0], $0xffff  }
0xf7: {  	v45 =	vcvt.s32.f32 v35;
	v40 =	vcvt.f32.s32 v15;
	v14 =	vld.idx.msk [tilespmem:v14+s11+$0x0], $0xffff;
	v8 =	vmin.f32 v41, $6.199999620e+01  }
0xf8: {  	v7 =	vmul.f32 v7, v36;
	v11 =	vsub.f32 v11, v42;
	v8 =	vtrunc.f32 v8;
	v12 =	vld.idx.msk [tilespmem:v35+s11+$0x0], $0xffff  }
0xf9: {  	v3 =	vsub.f32 v3, v45;
	v13 =	vtrunc.f32 v46;
	v8 =	vcvt.f32.s32 v8  }
0xfa: {  	[tilespmem:s23+$0xC860] =	vst v1;
	v49 =	vcvt.f32.s32 v13;
	v47 =	vadd.f32 v7, v2;
	v48 =	vmul.f32 v11, v5  }
0xfb: {  	v50 =	vld.idx.msk [tilespmem:v16+s12+$0x0], $0xffff;
	v3 =	vmul.f32 v3, v43  }
0xfc: {  	v51 =	vld.idx.msk [tilespmem:v16+s11+$0x0], $0xffff;
	[tilespmem:s24+$0xC860] =	vst v47;
	v52 =	vadd.f32 v48, v14  }
0xfd: {  	v53 =	vld.idx.msk [tilespmem:v40+s12+$0x0], $0xffff;
	v3 =	vadd.f32 v3, v12  }
0xfe: {  	v54 =	vcvt.s32.f32 v16;
	v55 =	vld.idx.msk [tilespmem:v40+s11+$0x0], $0xffff;
	[tilespmem:s25+$0xC860] =	vst v52  }
0xff: {  	v56 =	vcvt.s32.f32 v40;
	v57 =	vld.idx.msk [tilespmem:v8+s12+$0x0], $0xffff;
	[tilespmem:s26+$0xC860] =	vst v3  }
0x100: {  	v0 =	vsub.f32 v0, v54;
	v58 =	vcvt.s32.f32 v8;
	v59 =	vld.idx.msk [tilespmem:v49+s12+$0x0], $0xffff  }
0x101: {  	v60 =	vcvt.s32.f32 v49;
	v1 =	vsub.f32 v9, v56;
	v8 =	vld.idx.msk [tilespmem:v8+s11+$0x0], $0xffff  }
0x102: {  	v0 =	vmul.f32 v0, v50;
	v3 =	vsub.f32 v6, v58;
	v5 =	vld.idx.msk [tilespmem:v49+s11+$0x0], $0xffff  }
0x103: {  	v61 =	vsub.f32 v10, v60;
	v1 =	vmul.f32 v1, v53  }
0x104: {  	v0 =	vadd.f32 v0, v51;
	v3 =	vmul.f32 v3, v57  }
0x105: {  	s21 =	smul.u32 $0x6000, s21;
	v1 =	vadd.f32 v1, v55;
	v2 =	vmul.f32 v61, v59  }
0x106: {  	[tilespmem:s23+$0xC870] =	vst v0;
	v62 =	vadd.f32 v3, v8  }
0x107: {  	s21 =	sadd.s32 s21, s22;
	[tilespmem:s24+$0xC870] =	vst v1;
	v63 =	vadd.f32 v2, v5  }
0x108: {  	s21 =	sshrl.u32 s21, $0x3;
	[tilespmem:s25+$0xC870] =	vst v62  }
0x109: {  	s21 =	sadd.s32 s3, s21;
	[tilespmem:s26+$0xC870] =	vst v63  }
0x10a: {  	[hbm4b:s21+s4] =	stream.linear.scatter [tilespmem:s18], [sflag:$0x3], $0x6000, $0x38;
	[tilespmem:$0x18100] =	vst v63  }
.LBB2_9:
0x10b: {  	s20 =	sadd.s32 $0x1, s20  }
0x10c: {  	p0 =	sne.s32 s20, $0x48  }
.Ltmp3:
0x10d: {  	_ = 	snop;
	(pc) =	sbr.rel @!p0 .LBB2_10-.Ltmp3, $1  }
0x10e: {  	_ =	sdelay $0x3  }
.LBB2_2:
0x10f: {  	s21 =	smul.u32 $0xAB, s20;
	_ =	sdelay $0x1  }
0x110: {  	s21 =	sshrl.u32 s21, $0xA  }
0x111: {  	s25 =	sand.u32 $0x3F, s21  }
0x112: {  	s21 =	smul.u32 $0x6, s25;
	_ =	sdelay $0x1  }
0x113: {  	s21 =	ssub.s32 s20, s21  }
0x114: {  	s21 =	sand.u32 $0xFF, s21  }
0x115: {  	p0 =	sne.s32 s21, $0x0  }
0x116: {  	s22 =	sadd.s32 @!p0 s25, s7  }
0x117: {  	s23 =	smulhi.u32 @!p0 $0x2AAAAAB, s22;
	_ =	sdelay $0x1  }
0x118: {  	s23 =	smul.u32 @!p0 $0x60, s23;
	_ =	sdelay $0x1  }
0x119: {  	s22 =	ssub.s32 @!p0 s22, s23  }
0x11a: {  	s22 =	sshll.u32 @!p0 s22, $0x4  }
0x11b: {  	s24 =	simm.s32 @!p0 $0x0;
	s26 =	simm.s32 @!p0 $0x18000;
	s23 =	sadd.s32 @!p0 s5, s22  }
0x11c: {  	[tilespmem:s26], [sflag:$0x5] =	stream.linear.gather @!p0 [hbm4b:s23+s24], $0x80, $0x38;
	[tilespmem:$0x18100] =	vst v63  }
0x11d: {  	s23 =	simm.s32 @!p0 $0x5  }
0x11e: {  	s31 =	sand.u32 $0x1, s20;
	_ =	swait.ge @!p0 [sflag:s23], $0x80  }
0x11f: {  	p1 =	seq.s32 s31, $0x1;
	s22 =	sadd.s32 @!p0 s6, s22;
	[sflag:s23] =	ssyncset.done @!p0 $0x0  }
.Ltmp4:
0x120: {  	s26 =	simm.s32 @!p0 $0x18080;
	[sflag:s23] =	ssyncadd.s32 @!p0 $0xFFFFFF80;
	(pc) =	sbr.rel @!p1 .LBB2_3-.Ltmp4, $4  }
0x121: {  	[tilespmem:s26], [sflag:$0x5] =	stream.linear.gather @!p0 [hbm4b:s22+s24], $0x80, $0x38;
	[tilespmem:$0x18100] =	vst v63  }
0x122: {  	_ =	swait.ge @!p0 [sflag:s23], $0x80  }
0x123: {  	[sflag:s23] =	ssyncset.done @!p0 $0x0  }
0x124: {  	[sflag:s23] =	ssyncadd.s32 @!p0 $0xFFFFFF80  }
0x125: {  	p0 =	seq.s32 s20, $0x47  }
0x126: {  	s22 =	sadd.s32 @!p0 $0x1, s20  }
0x127: {  	s23 =	sand.u32 @!p0 $0xFF, s22  }
0x128: {  	s23 =	smul.u32 @!p0 $0xAB, s23;
	_ =	sdelay $0x1  }
0x129: {  	s23 =	sshrl.u32 @!p0 s23, $0xA  }
0x12a: {  	s24 =	smul.u32 @!p0 $0x6, s23;
	_ =	sdelay $0x1  }
0x12b: {  	s23 =	sadd.s32 @!p0 s23, s7;
	s22 =	ssub.s32 @!p0 s22, s24  }
0x12c: {  	s23 =	smul.u32 @!p0 $0x24000, s23;
	s22 =	sand.u32 @!p0 $0xFF, s22  }
0x12d: {  	s22 =	smul.u32 @!p0 $0x6000, s22;
	_ =	sdelay $0x1  }
0x12e: {  	s22 =	sadd.s32 @!p0 s22, s23  }
0x12f: {  	s22 =	sshrl.u32 @!p0 s22, $0x3  }
0x130: {  	s23 =	simm.s32 @!p0 $0x0;
	s22 =	sadd.s32 @!p0 s1, s22  }
0x131: {  	[tilespmem:s23], [sflag:$0x1] =	stream.linear.gather @!p0 [hbm4b:s22+s23], $0x6000, $0x38;
	[tilespmem:$0x18100] =	vst v63  }
0x132: {  	_ =	swait.ge [sflag:s10], $0x6000  }
0x133: {  	p0 =	slt.u32 s20, $0x2;
	[sflag:s10] =	ssyncset.done $0x0  }
0x134: {  	s30 =	simm.s32 $0x0;
	s22 =	simm.s32 @!p0 $0x4;
	[sflag:s10] =	ssyncadd.s32 $0xFFFFA000  }
0x135: {  	s31 =	simm.s32 $0x0;
	s23 =	smul.u32 $0xC00, s30;
	_ =	swait.ge @!p0 [sflag:s22], $0x6000  }
0x136: {  	s24 =	sand.u32 $0x380, s31;
	[sflag:s22] =	ssyncset.done @!p0 $0x0  }
0x137: {  	[sflag:s22] =	ssyncadd.s32 @!p0 $0xFFFFA000;
	s22 =	sor.u32 s24, s23  }
0x138: {  	v0 =	vld [tilespmem:s22+$0x6000];
	_ =	sdelay $0x4  }
0x139: {  	v0 =	vadd.f32 $4.000000000e+00, v0;
	_ =	sdelay $0x1  }
0x13a: {  	v0 =	vmul.f32 $7.875000000e+00, v0;
	_ =	sdelay $0x1  }
0x13b: {  	v1 =	vmax.f32 v0, $0.0e+00  }
0x13c: {  	v2 =	vld [tilespmem:s22+$0x6010];
	v1 =	vmin.f32 v1, $6.199999620e+01  }
0x13d: {  	v1 =	vtrunc.f32 v1  }
0x13e: {  	v1 =	vcvt.f32.s32 v1;
	_ =	sdelay $0x2  }
0x13f: {  	v2 =	vadd.f32 $4.000000000e+00, v2;
	_ =	sdelay $0x1  }
0x140: {  	v2 =	vmul.f32 $7.875000000e+00, v2  }
0x141: {  	v3 =	vld.idx.msk [tilespmem:v1+s12+$0x0], $0xffff  }
0x142: {  	v4 =	vld [tilespmem:s22+$0x6020];
	v5 =	vmax.f32 v2, $0.0e+00;
	v6 =	vcvt.s32.f32 v1  }
0x143: {  	v5 =	vmin.f32 v5, $6.199999620e+01;
	v1 =	vld.idx.msk [tilespmem:v1+s11+$0x0], $0xffff  }
0x144: {  	v5 =	vtrunc.f32 v5;
	v0 =	vsub.f32 v0, v6  }
0x145: {  	v5 =	vcvt.f32.s32 v5  }
0x146: {  	v0 =	vmul.f32 v0, v3;
	_ =	sdelay $0x1  }
0x147: {  	v3 =	vadd.f32 $4.000000000e+00, v4;
	v0 =	vadd.f32 v0, v1;
	_ =	sdelay $0x1  }
0x148: {  	v3 =	vmul.f32 $7.875000000e+00, v3;
	[tilespmem:s22+$0x12000] =	vst v0  }
0x149: {  	v0 =	vld.idx.msk [tilespmem:v5+s12+$0x0], $0xffff  }
0x14a: {  	v6 =	vcvt.s32.f32 v5;
	v1 =	vld [tilespmem:s22+$0x6030];
	v4 =	vmax.f32 v3, $0.0e+00  }
0x14b: {  	v5 =	vld.idx.msk [tilespmem:v5+s11+$0x0], $0xffff;
	v4 =	vmin.f32 v4, $6.199999620e+01  }
0x14c: {  	v2 =	vsub.f32 v2, v6;
	v4 =	vtrunc.f32 v4  }
0x14d: {  	v4 =	vcvt.f32.s32 v4  }
0x14e: {  	v0 =	vmul.f32 v2, v0;
	_ =	sdelay $0x1  }
0x14f: {  	v1 =	vadd.f32 $4.000000000e+00, v1;
	v0 =	vadd.f32 v0, v5;
	_ =	sdelay $0x1  }
0x150: {  	v1 =	vmul.f32 $7.875000000e+00, v1;
	[tilespmem:s22+$0x12010] =	vst v0  }
0x151: {  	v0 =	vld.idx.msk [tilespmem:v4+s12+$0x0], $0xffff  }
0x152: {  	v6 =	vcvt.s32.f32 v4;
	v2 =	vmax.f32 v1, $0.0e+00;
	v5 =	vld [tilespmem:s22+$0x6040]  }
0x153: {  	v2 =	vmin.f32 v2, $6.199999620e+01;
	v4 =	vld.idx.msk [tilespmem:v4+s11+$0x0], $0xffff  }
0x154: {  	v3 =	vsub.f32 v3, v6;
	v2 =	vtrunc.f32 v2  }
0x155: {  	v2 =	vcvt.f32.s32 v2  }
0x156: {  	v0 =	vmul.f32 v3, v0;
	_ =	sdelay $0x1  }
0x157: {  	v3 =	vadd.f32 $4.000000000e+00, v5;
	v0 =	vadd.f32 v0, v4;
	_ =	sdelay $0x1  }
0x158: {  	v3 =	vmul.f32 $7.875000000e+00, v3;
	[tilespmem:s22+$0x12020] =	vst v0  }
0x159: {  	v0 =	vld.idx.msk [tilespmem:v2+s12+$0x0], $0xffff  }
0x15a: {  	v6 =	vcvt.s32.f32 v2;
	v5 =	vld [tilespmem:s22+$0x6050];
	v4 =	vmax.f32 v3, $0.0e+00  }
0x15b: {  	v2 =	vld.idx.msk [tilespmem:v2+s11+$0x0], $0xffff;
	v4 =	vmin.f32 v4, $6.199999620e+01  }
0x15c: {  	v1 =	vsub.f32 v1, v6;
	v4 =	vtrunc.f32 v4  }
0x15d: {  	v4 =	vcvt.f32.s32 v4  }
0x15e: {  	v0 =	vmul.f32 v1, v0;
	_ =	sdelay $0x1  }
0x15f: {  	v5 =	vadd.f32 $4.000000000e+00, v5;
	v0 =	vadd.f32 v0, v2;
	_ =	sdelay $0x1  }
0x160: {  	v5 =	vmul.f32 $7.875000000e+00, v5;
	[tilespmem:s22+$0x12030] =	vst v0  }
0x161: {  	v0 =	vld.idx.msk [tilespmem:v4+s12+$0x0], $0xffff  }
0x162: {  	v7 =	vld [tilespmem:s22+$0x6060];
	v6 =	vmax.f32 v5, $0.0e+00;
	v8 =	vcvt.s32.f32 v4  }
0x163: {  	v6 =	vmin.f32 v6, $6.199999620e+01;
	v4 =	vld.idx.msk [tilespmem:v4+s11+$0x0], $0xffff  }
0x164: {  	v3 =	vsub.f32 v3, v8;
	v6 =	vtrunc.f32 v6  }
0x165: {  	v6 =	vcvt.f32.s32 v6  }
0x166: {  	v0 =	vmul.f32 v3, v0;
	_ =	sdelay $0x1  }
0x167: {  	v3 =	vadd.f32 $4.000000000e+00, v7;
	v0 =	vadd.f32 v0, v4;
	_ =	sdelay $0x1  }
0x168: {  	v3 =	vmul.f32 $7.875000000e+00, v3;
	[tilespmem:s22+$0x12040] =	vst v0  }
0x169: {  	v0 =	vld.idx.msk [tilespmem:v6+s12+$0x0], $0xffff  }
0x16a: {  	s24 =	simm.s32 $0x0;
	v8 =	vcvt.s32.f32 v6;
	v4 =	vld [tilespmem:s22+$0x6070];
	v7 =	vmax.f32 v3, $0.0e+00  }
0x16b: {  	s26 =	simm.s32 $0x80;
	s23 =	smul.u32 $0xC00, s24;
	v6 =	vld.idx.msk [tilespmem:v6+s11+$0x0], $0xffff;
	v7 =	vmin.f32 v7, $6.199999620e+01  }
0x16c: {  	s24 =	sand.u32 $0x380, s26;
	v5 =	vsub.f32 v5, v8;
	v7 =	vtrunc.f32 v7  }
0x16d: {  	s23 =	sor.u32 s24, s23;
	v7 =	vcvt.f32.s32 v7  }
0x16e: {  	v8 =	vld [tilespmem:s23+$0x6000];
	v0 =	vmul.f32 v5, v0;
	_ =	sdelay $0x1  }
0x16f: {  	v4 =	vadd.f32 $4.000000000e+00, v4;
	v0 =	vadd.f32 v0, v6;
	_ =	sdelay $0x1  }
0x170: {  	v4 =	vmul.f32 $7.875000000e+00, v4;
	[tilespmem:s22+$0x12050] =	vst v0  }
0x171: {  	v0 =	vadd.f32 $4.000000000e+00, v8;
	v5 =	vld.idx.msk [tilespmem:v7+s12+$0x0], $0xffff  }
0x172: {  	v2 =	vld [tilespmem:s22+$0x6400];
	v6 =	vmax.f32 v4, $0.0e+00;
	v8 =	vcvt.s32.f32 v7  }
0x173: {  	v6 =	vmin.f32 v6, $6.199999620e+01;
	v7 =	vld.idx.msk [tilespmem:v7+s11+$0x0], $0xffff;
	v0 =	vmul.f32 $7.875000000e+00, v0  }
0x174: {  	v6 =	vtrunc.f32 v6;
	v3 =	vsub.f32 v3, v8  }
0x175: {  	v6 =	vcvt.f32.s32 v6;
	v8 =	vmax.f32 v0, $0.0e+00  }
0x176: {  	v9 =	vld [tilespmem:s23+$0x6010];
	v8 =	vmin.f32 v8, $6.199999620e+01;
	v3 =	vmul.f32 v3, v5  }
0x177: {  	v5 =	vtrunc.f32 v8  }
0x178: {  	v2 =	vadd.f32 $4.000000000e+00, v2;
	v5 =	vcvt.f32.s32 v5;
	v3 =	vadd.f32 v3, v7;
	_ =	sdelay $0x1  }
0x179: {  	v2 =	vmul.f32 $7.875000000e+00, v2;
	[tilespmem:s22+$0x12060] =	vst v3  }
0x17a: {  	v3 =	vadd.f32 $4.000000000e+00, v9;
	v7 =	vld.idx.msk [tilespmem:v6+s12+$0x0], $0xffff  }
0x17b: {  	v1 =	vld [tilespmem:s22+$0x6410];
	v8 =	vmax.f32 v2, $0.0e+00;
	v9 =	vcvt.s32.f32 v6  }
0x17c: {  	v8 =	vmin.f32 v8, $6.199999620e+01;
	v6 =	vld.idx.msk [tilespmem:v6+s11+$0x0], $0xffff;
	v3 =	vmul.f32 $7.875000000e+00, v3  }
0x17d: {  	v8 =	vtrunc.f32 v8;
	v4 =	vsub.f32 v4, v9;
	v10 =	vld.idx.msk [tilespmem:v5+s12+$0x0], $0xffff  }
0x17e: {  	v12 =	vcvt.s32.f32 v5;
	v8 =	vcvt.f32.s32 v8;
	v9 =	vld [tilespmem:s23+$0x6020];
	v11 =	vmax.f32 v3, $0.0e+00  }
0x17f: {  	v5 =	vld.idx.msk [tilespmem:v5+s11+$0x0], $0xffff;
	v11 =	vmin.f32 v11, $6.199999620e+01;
	v4 =	vmul.f32 v4, v7  }
0x180: {  	v0 =	vsub.f32 v0, v12;
	v7 =	vtrunc.f32 v11  }
0x181: {  	v1 =	vadd.f32 $4.000000000e+00, v1;
	v7 =	vcvt.f32.s32 v7;
	v4 =	vadd.f32 v4, v6  }
0x182: {  	v0 =	vmul.f32 v0, v10  }
0x183: {  	v1 =	vmul.f32 $7.875000000e+00, v1;
	[tilespmem:s22+$0x12070] =	vst v4  }
0x184: {  	v4 =	vadd.f32 $4.000000000e+00, v9;
	v0 =	vadd.f32 v0, v5;
	v5 =	vld.idx.msk [tilespmem:v8+s12+$0x0], $0xffff  }
0x185: {  	v11 =	vcvt.s32.f32 v8;
	v6 =	vld [tilespmem:s22+$0x6420];
	v10 =	vmax.f32 v1, $0.0e+00  }
0x186: {  	v4 =	vmul.f32 $7.875000000e+00, v4;
	[tilespmem:s23+$0x12000] =	vst v0;
	v0 =	vld.idx.msk [tilespmem:v8+s11+$0x0], $0xffff;
	v8 =	vmin.f32 v10, $6.199999620e+01  }
0x187: {  	v2 =	vsub.f32 v2, v11;
	v10 =	vld.idx.msk [tilespmem:v7+s12+$0x0], $0xffff;
	v8 =	vtrunc.f32 v8  }
0x188: {  	v12 =	vcvt.s32.f32 v7;
	v9 =	vld [tilespmem:s23+$0x6030];
	v11 =	vmax.f32 v4, $0.0e+00;
	v8 =	vcvt.f32.s32 v8  }
0x189: {  	v7 =	vld.idx.msk [tilespmem:v7+s11+$0x0], $0xffff;
	v11 =	vmin.f32 v11, $6.199999620e+01;
	v2 =	vmul.f32 v2, v5  }
0x18a: {  	v3 =	vsub.f32 v3, v12;
	v5 =	vtrunc.f32 v11  }
0x18b: {  	v6 =	vadd.f32 $4.000000000e+00, v6;
	v5 =	vcvt.f32.s32 v5;
	v0 =	vadd.f32 v2, v0  }
0x18c: {  	v2 =	vmul.f32 v3, v10  }
0x18d: {  	v3 =	vmul.f32 $7.875000000e+00, v6;
	[tilespmem:s22+$0x12400] =	vst v0  }
0x18e: {  	v0 =	vadd.f32 $4.000000000e+00, v9;
	v2 =	vadd.f32 v2, v7;
	v6 =	vld.idx.msk [tilespmem:v8+s12+$0x0], $0xffff  }
0x18f: {  	v10 =	vcvt.s32.f32 v8;
	v7 =	vmax.f32 v3, $0.0e+00;
	v9 =	vld [tilespmem:s22+$0x6430]  }
0x190: {  	v11 =	vmul.f32 $7.875000000e+00, v0;
	[tilespmem:s23+$0x12010] =	vst v2;
	v2 =	vld.idx.msk [tilespmem:v8+s11+$0x0], $0xffff;
	v0 =	vmin.f32 v7, $6.199999620e+01  }
0x191: {  	v1 =	vsub.f32 v1, v10;
	v7 =	vld.idx.msk [tilespmem:v5+s12+$0x0], $0xffff;
	v0 =	vtrunc.f32 v0  }
0x192: {  	v12 =	vcvt.s32.f32 v5;
	v10 =	vld [tilespmem:s23+$0x6040];
	v8 =	vmax.f32 v11, $0.0e+00;
	v13 =	vcvt.f32.s32 v0  }
0x193: {  	v5 =	vld.idx.msk [tilespmem:v5+s11+$0x0], $0xffff;
	v8 =	vmin.f32 v8, $6.199999620e+01;
	v6 =	vmul.f32 v1, v6  }
0x194: {  	v4 =	vsub.f32 v4, v12;
	v8 =	vtrunc.f32 v8  }
0x195: {  	v8 =	vcvt.f32.s32 v8;
	v2 =	vadd.f32 v6, v2;
	v6 =	vadd.f32 $4.000000000e+00, v9  }
0x196: {  	v4 =	vmul.f32 v4, v7  }
0x197: {  	[tilespmem:s22+$0x12410] =	vst v2;
	v6 =	vmul.f32 $7.875000000e+00, v6  }
0x198: {  	v2 =	vadd.f32 $4.000000000e+00, v10;
	v4 =	vadd.f32 v4, v5;
	v5 =	vld.idx.msk [tilespmem:v13+s12+$0x0], $0xffff  }
0x199: {  	v9 =	vld [tilespmem:s22+$0x6440];
	v10 =	vcvt.s32.f32 v13;
	v12 =	vmax.f32 v6, $0.0e+00  }
0x19a: {  	v14 =	vmul.f32 $7.875000000e+00, v2;
	[tilespmem:s23+$0x12020] =	vst v4;
	v2 =	vld.idx.msk [tilespmem:v13+s11+$0x0], $0xffff;
	v4 =	vmin.f32 v12, $6.199999620e+01  }
0x19b: {  	v3 =	vsub.f32 v3, v10;
	v12 =	vld.idx.msk [tilespmem:v8+s12+$0x0], $0xffff;
	v4 =	vtrunc.f32 v4  }
0x19c: {  	v15 =	vcvt.s32.f32 v8;
	v13 =	vld [tilespmem:s23+$0x6050];
	v10 =	vmax.f32 v14, $0.0e+00;
	v4 =	vcvt.f32.s32 v4  }
0x19d: {  	v8 =	vld.idx.msk [tilespmem:v8+s11+$0x0], $0xffff;
	v10 =	vmin.f32 v10, $6.199999620e+01;
	v3 =	vmul.f32 v3, v5  }
0x19e: {  	v5 =	vsub.f32 v11, v15;
	v10 =	vtrunc.f32 v10  }
0x19f: {  	v9 =	vadd.f32 $4.000000000e+00, v9;
	v10 =	vcvt.f32.s32 v10;
	v3 =	vadd.f32 v3, v2  }
0x1a0: {  	v5 =	vmul.f32 v5, v12  }
0x1a1: {  	[tilespmem:s22+$0x12420] =	vst v3;
	v3 =	vmul.f32 $7.875000000e+00, v9  }
0x1a2: {  	v9 =	vadd.f32 $4.000000000e+00, v13;
	v5 =	vadd.f32 v5, v8;
	v8 =	vld.idx.msk [tilespmem:v4+s12+$0x0], $0xffff  }
0x1a3: {  	v15 =	vld [tilespmem:s22+$0x6450];
	v13 =	vcvt.s32.f32 v4;
	v16 =	vmax.f32 v3, $0.0e+00  }
0x1a4: {  	v4 =	vld.idx.msk [tilespmem:v4+s11+$0x0], $0xffff;
	v9 =	vmul.f32 $7.875000000e+00, v9;
	[tilespmem:s23+$0x12030] =	vst v5;
	v5 =	vmin.f32 v16, $6.199999620e+01  }
0x1a5: {  	v6 =	vsub.f32 v6, v13;
	v16 =	vld.idx.msk [tilespmem:v10+s12+$0x0], $0xffff;
	v5 =	vtrunc.f32 v5  }
0x1a6: {  	v17 =	vld [tilespmem:s23+$0x6060];
	v18 =	vcvt.s32.f32 v10;
	v13 =	vmax.f32 v9, $0.0e+00;
	v5 =	vcvt.f32.s32 v5  }
0x1a7: {  	v10 =	vld.idx.msk [tilespmem:v10+s11+$0x0], $0xffff;
	v13 =	vmin.f32 v13, $6.199999620e+01;
	v6 =	vmul.f32 v6, v8  }
0x1a8: {  	v8 =	vsub.f32 v14, v18;
	v13 =	vtrunc.f32 v13  }
0x1a9: {  	v14 =	vadd.f32 $4.000000000e+00, v15;
	v13 =	vcvt.f32.s32 v13;
	v4 =	vadd.f32 v6, v4  }
0x1aa: {  	v6 =	vmul.f32 v8, v16  }
0x1ab: {  	[tilespmem:s22+$0x12430] =	vst v4;
	v4 =	vmul.f32 $7.875000000e+00, v14  }
0x1ac: {  	v8 =	vadd.f32 $4.000000000e+00, v17;
	v6 =	vadd.f32 v6, v10;
	v10 =	vld.idx.msk [tilespmem:v5+s12+$0x0], $0xffff  }
0x1ad: {  	v11 =	vld [tilespmem:s22+$0x6460];
	v15 =	vcvt.s32.f32 v5;
	v16 =	vmax.f32 v4, $0.0e+00  }
0x1ae: {  	v8 =	vmul.f32 $7.875000000e+00, v8;
	v5 =	vld.idx.msk [tilespmem:v5+s11+$0x0], $0xffff;
	[tilespmem:s23+$0x12040] =	vst v6;
	v6 =	vmin.f32 v16, $6.199999620e+01  }
0x1af: {  	v3 =	vsub.f32 v3, v15;
	v16 =	vld.idx.msk [tilespmem:v13+s12+$0x0], $0xffff;
	v6 =	vtrunc.f32 v6  }
0x1b0: {  	s30 =	simm.s32 $0x0;
	v17 =	vcvt.s32.f32 v13;
	v14 =	vld [tilespmem:s23+$0x6070];
	v15 =	vmax.f32 v8, $0.0e+00;
	v6 =	vcvt.f32.s32 v6  }
0x1b1: {  	s26 =	simm.s32 $0x100;
	s24 =	smul.u32 $0xC00, s30;
	v13 =	vld.idx.msk [tilespmem:v13+s11+$0x0], $0xffff;
	v15 =	vmin.f32 v15, $6.199999620e+01;
	v3 =	vmul.f32 v3, v10  }
0x1b2: {  	s26 =	sand.u32 $0x380, s26;
	v9 =	vsub.f32 v9, v17;
	v10 =	vtrunc.f32 v15  }
0x1b3: {  	s24 =	sor.u32 s26, s24;
	v11 =	vadd.f32 $4.000000000e+00, v11;
	v10 =	vcvt.f32.s32 v10;
	v3 =	vadd.f32 v3, v5  }
0x1b4: {  	v5 =	vld [tilespmem:s24+$0x6000];
	v9 =	vmul.f32 v9, v16  }
0x1b5: {  	[tilespmem:s22+$0x12440] =	vst v3;
	v3 =	vmul.f32 $7.875000000e+00, v11  }
0x1b6: {  	v11 =	vadd.f32 $4.000000000e+00, v14;
	v9 =	vadd.f32 v9, v13;
	v13 =	vld.idx.msk [tilespmem:v6+s12+$0x0], $0xffff  }
0x1b7: {  	v7 =	vld [tilespmem:s22+$0x6470];
	v14 =	vcvt.s32.f32 v6;
	v15 =	vmax.f32 v3, $0.0e+00  }
0x1b8: {  	v6 =	vld.idx.msk [tilespmem:v6+s11+$0x0], $0xffff;
	v11 =	vmul.f32 $7.875000000e+00, v11;
	[tilespmem:s23+$0x12050] =	vst v9;
	v9 =	vmin.f32 v15, $6.199999620e+01  }
0x1b9: {  	v4 =	vsub.f32 v4, v14;
	v5 =	vadd.f32 $4.000000000e+00, v5;
	v15 =	vld.idx.msk [tilespmem:v10+s12+$0x0], $0xffff;
	v9 =	vtrunc.f32 v9  }
0x1ba: {  	v12 =	vld [tilespmem:s23+$0x6400];
	v16 =	vcvt.s32.f32 v10;
	v14 =	vmax.f32 v11, $0.0e+00;
	v9 =	vcvt.f32.s32 v9  }
0x1bb: {  	v10 =	vld.idx.msk [tilespmem:v10+s11+$0x0], $0xffff;
	v5 =	vmul.f32 $7.875000000e+00, v5;
	v14 =	vmin.f32 v14, $6.199999620e+01;
	v4 =	vmul.f32 v4, v13  }
0x1bc: {  	v7 =	vadd.f32 $4.000000000e+00, v7;
	v8 =	vsub.f32 v8, v16;
	v14 =	vtrunc.f32 v14  }
0x1bd: {  	v13 =	vld [tilespmem:s24+$0x6010];
	v16 =	vmax.f32 v5, $0.0e+00;
	v14 =	vcvt.f32.s32 v14;
	v4 =	vadd.f32 v4, v6  }
0x1be: {  	v19 =	vld [tilespmem:s22+$0x6850];
	v6 =	vmin.f32 v16, $6.199999620e+01;
	v8 =	vmul.f32 v8, v15  }
0x1bf: {  	v1 =	vld [tilespmem:s22+$0x6800];
	v7 =	vmul.f32 $7.875000000e+00, v7;
	v6 =	vtrunc.f32 v6;
	[tilespmem:s22+$0x12450] =	vst v4  }
0x1c0: {  	v4 =	vadd.f32 $4.000000000e+00, v12;
	v6 =	vcvt.f32.s32 v6;
	v8 =	vadd.f32 v8, v10;
	v10 =	vld.idx.msk [tilespmem:v9+s12+$0x0], $0xffff  }
0x1c1: {  	v2 =	vld [tilespmem:s23+$0x6410];
	v18 =	vmax.f32 v7, $0.0e+00;
	v17 =	vcvt.s32.f32 v9  }
0x1c2: {  	v12 =	vadd.f32 $4.000000000e+00, v13;
	v4 =	vmul.f32 $7.875000000e+00, v4;
	[tilespmem:s23+$0x12060] =	vst v8;
	v8 =	vld.idx.msk [tilespmem:v9+s11+$0x0], $0xffff;
	v9 =	vmin.f32 v18, $6.199999620e+01  }
0x1c3: {  	v3 =	vsub.f32 v3, v17;
	v20 =	vcvt.s32.f32 v14;
	v18 =	vld.idx.msk [tilespmem:v14+s12+$0x0], $0xffff;
	v9 =	vtrunc.f32 v9  }
0x1c4: {  	v16 =	vld [tilespmem:s24+$0x6020];
	v12 =	vmul.f32 $7.875000000e+00, v12;
	v17 =	vmax.f32 v4, $0.0e+00;
	v9 =	vcvt.f32.s32 v9  }
0x1c5: {  	v1 =	vadd.f32 $4.000000000e+00, v1;
	v14 =	vld.idx.msk [tilespmem:v14+s11+$0x0], $0xffff;
	v17 =	vmin.f32 v17, $6.199999620e+01;
	v3 =	vmul.f32 v3, v10  }
0x1c6: {  	v11 =	vsub.f32 v11, v20;
	v21 =	vmax.f32 v12, $0.0e+00;
	v10 =	vld.idx.msk [tilespmem:v6+s12+$0x0], $0xffff;
	v17 =	vtrunc.f32 v17  }
0x1c7: {  	v20 =	vld.idx.msk [tilespmem:v6+s11+$0x0], $0xffff;
	v6 =	vcvt.s32.f32 v6;
	v17 =	vcvt.f32.s32 v17;
	v3 =	vadd.f32 v3, v8  }
0x1c8: {  	v0 =	vld [tilespmem:s22+$0x6810];
	v1 =	vmul.f32 $7.875000000e+00, v1;
	v8 =	vmin.f32 v21, $6.199999620e+01;
	v11 =	vmul.f32 v11, v18  }
0x1c9: {  	v2 =	vadd.f32 $4.000000000e+00, v2;
	v15 =	vld [tilespmem:s22+$0x6870];
	v5 =	vsub.f32 v5, v6;
	v6 =	vtrunc.f32 v8;
	[tilespmem:s22+$0x12460] =	vst v3  }
0x1ca: {  	v3 =	vadd.f32 $4.000000000e+00, v16;
	v6 =	vcvt.f32.s32 v6;
	v8 =	vadd.f32 v11, v14;
	v11 =	vld.idx.msk [tilespmem:v9+s12+$0x0], $0xffff  }
0x1cb: {  	v14 =	vcvt.s32.f32 v9;
	v16 =	vmax.f32 v1, $0.0e+00;
	v5 =	vmul.f32 v5, v10;
	v10 =	vld [tilespmem:s23+$0x6420]  }
0x1cc: {  	v2 =	vmul.f32 $7.875000000e+00, v2;
	v21 =	vcvt.s32.f32 v17;
	[tilespmem:s23+$0x12070] =	vst v8;
	v8 =	vld.idx.msk [tilespmem:v9+s11+$0x0], $0xffff;
	v9 =	vmin.f32 v16, $6.199999620e+01  }
0x1cd: {  	v7 =	vsub.f32 v7, v14;
	v5 =	vadd.f32 v5, v20;
	v16 =	vld.idx.msk [tilespmem:v17+s12+$0x0], $0xffff;
	v9 =	vtrunc.f32 v9  }
0x1ce: {  	v3 =	vmul.f32 $7.875000000e+00, v3;
	v14 =	vld [tilespmem:s24+$0x6030];
	v20 =	vmax.f32 v2, $0.0e+00;
	v9 =	vcvt.f32.s32 v9  }
0x1cf: {  	v0 =	vadd.f32 $4.000000000e+00, v0;
	[tilespmem:s24+$0x12000] =	vst v5;
	v5 =	vld.idx.msk [tilespmem:v17+s11+$0x0], $0xffff;
	v17 =	vmin.f32 v20, $6.199999620e+01;
	v7 =	vmul.f32 v7, v11  }
0x1d0: {  	v4 =	vsub.f32 v4, v21;
	v20 =	vmax.f32 v3, $0.0e+00;
	v11 =	vld.idx.msk [tilespmem:v6+s12+$0x0], $0xffff;
	v17 =	vtrunc.f32 v17  }
0x1d1: {  	v21 =	vld.idx.msk [tilespmem:v6+s11+$0x0], $0xffff;
	v6 =	vcvt.s32.f32 v6;
	v17 =	vcvt.f32.s32 v17;
	v7 =	vadd.f32 v7, v8  }
0x1d2: {  	v13 =	vld [tilespmem:s22+$0x6860];
	v8 =	vadd.f32 $4.000000000e+00, v10;
	v10 =	vmin.f32 v20, $6.199999620e+01;
	v4 =	vmul.f32 v4, v16  }
0x1d3: {  	v18 =	vld [tilespmem:s22+$0x6840];
	v6 =	vsub.f32 v12, v6;
	v12 =	vcvt.s32.f32 v9;
	v10 =	vtrunc.f32 v10;
	[tilespmem:s22+$0x12470] =	vst v7  }
0x1d4: {  	v7 =	vmul.f32 $7.875000000e+00, v0;
	v10 =	vcvt.f32.s32 v10;
	v4 =	vadd.f32 v4, v5;
	v5 =	vld.idx.msk [tilespmem:v9+s12+$0x0], $0xffff  }
0x1d5: {  	v0 =	vadd.f32 $4.000000000e+00, v14;
	v8 =	vmul.f32 $7.875000000e+00, v8;
	v6 =	vmul.f32 v6, v11;
	v11 =	vld [tilespmem:s22+$0x6820]  }
0x1d6: {  	v1 =	vsub.f32 v1, v12;
	v14 =	vmax.f32 v7, $0.0e+00;
	[tilespmem:s23+$0x12400] =	vst v4;
	v4 =	vld.idx.msk [tilespmem:v9+s11+$0x0], $0xffff  }
0x1d7: {  	v20 =	vmul.f32 $7.875000000e+00, v0;
	v12 =	vmax.f32 v8, $0.0e+00;
	v6 =	vadd.f32 v6, v21;
	v9 =	vld.idx.msk [tilespmem:v17+s12+$0x0], $0xffff  }
0x1d8: {  	v0 =	vmin.f32 v14, $6.199999620e+01;
	v14 =	vld [tilespmem:s23+$0x6430];
	v21 =	vcvt.s32.f32 v17;
	v12 =	vmin.f32 v12, $6.199999620e+01  }
0x1d9: {  	v0 =	vtrunc.f32 v0;
	v12 =	vtrunc.f32 v12;
	[tilespmem:s24+$0x12010] =	vst v6;
	v6 =	vld.idx.msk [tilespmem:v17+s11+$0x0], $0xffff  }
0x1da: {  	v22 =	vcvt.f32.s32 v0;
	v0 =	vadd.f32 $4.000000000e+00, v15;
	v17 =	vld [tilespmem:s24+$0x6040];
	v1 =	vmul.f32 v1, v5  }
0x1db: {  	v15 =	vmax.f32 v20, $0.0e+00;
	v2 =	vsub.f32 v2, v21;
	v21 =	vcvt.s32.f32 v10;
	v5 =	vld.idx.msk [tilespmem:v10+s12+$0x0], $0xffff  }
0x1dc: {  	v16 =	vld [tilespmem:s22+$0x6830];
	v12 =	vcvt.f32.s32 v12;
	v4 =	vadd.f32 v1, v4;
	v1 =	vmin.f32 v15, $6.199999620e+01  }
0x1dd: {  	v10 =	vld.idx.msk [tilespmem:v10+s11+$0x0], $0xffff;
	v2 =	vmul.f32 v2, v9;
	v9 =	vadd.f32 $4.000000000e+00, v11;
	v15 =	vtrunc.f32 v1  }
0x1de: {  	v3 =	vsub.f32 v3, v21;
	v11 =	vld [tilespmem:s23+$0x6810];
	v1 =	vadd.f32 $4.000000000e+00, v13;
	[tilespmem:s22+$0x12800] =	vst v4;
	v4 =	vcvt.f32.s32 v15  }
0x1df: {  	v13 =	vld [tilespmem:s23+$0x6800];
	v6 =	vadd.f32 v2, v6;
	v9 =	vmul.f32 $7.875000000e+00, v9;
	v2 =	vadd.f32 $4.000000000e+00, v19  }
0x1e0: {  	v15 =	vld.idx.msk [tilespmem:v22+s12+$0x0], $0xffff;
	v3 =	vmul.f32 v3, v5;
	v5 =	vadd.f32 $4.000000000e+00, v14;
	v14 =	vadd.f32 $4.000000000e+00, v17  }
0x1e1: {  	v19 =	vld [tilespmem:s23+$0x6470];
	v17 =	vcvt.s32.f32 v22;
	v21 =	vmax.f32 v9, $0.0e+00;
	v24 =	vcvt.s32.f32 v4  }
0x1e2: {  	[tilespmem:s23+$0x12410] =	vst v6;
	v6 =	vld.idx.msk [tilespmem:v22+s11+$0x0], $0xffff;
	v3 =	vadd.f32 v3, v10;
	v5 =	vmul.f32 $7.875000000e+00, v5;
	v10 =	vmin.f32 v21, $6.199999620e+01  }
0x1e3: {  	v21 =	vld.idx.msk [tilespmem:v12+s12+$0x0], $0xffff;
	v22 =	vmul.f32 $7.875000000e+00, v14;
	v7 =	vsub.f32 v7, v17;
	v17 =	vcvt.s32.f32 v12  }
0x1e4: {  	v14 =	vld [tilespmem:s23+$0x6440];
	v10 =	vtrunc.f32 v10;
	v20 =	vsub.f32 v20, v24;
	v23 =	vmax.f32 v5, $0.0e+00  }
0x1e5: {  	v12 =	vld.idx.msk [tilespmem:v12+s11+$0x0], $0xffff;
	v10 =	vcvt.f32.s32 v10;
	[tilespmem:s24+$0x12020] =	vst v3;
	v3 =	vmin.f32 v23, $6.199999620e+01;
	v7 =	vmul.f32 v7, v15  }
0x1e6: {  	v8 =	vsub.f32 v8, v17;
	v17 =	vld [tilespmem:s24+$0x6050];
	v15 =	vadd.f32 $4.000000000e+00, v18;
	v3 =	vtrunc.f32 v3  }
0x1e7: {  	v18 =	vld.idx.msk [tilespmem:v4+s12+$0x0], $0xffff;
	v23 =	vmax.f32 v22, $0.0e+00;
	v25 =	vcvt.f32.s32 v3;
	v6 =	vadd.f32 v7, v6  }
0x1e8: {  	v4 =	vld.idx.msk [tilespmem:v4+s11+$0x0], $0xffff;
	v3 =	vmin.f32 v23, $6.199999620e+01;
	v7 =	vmul.f32 v8, v21;
	v8 =	vadd.f32 $4.000000000e+00, v16  }
0x1e9: {  	v16 =	vld [tilespmem:s23+$0x6460];
	v14 =	vadd.f32 $4.000000000e+00, v14;
	v21 =	vtrunc.f32 v3;
	v3 =	vadd.f32 $4.000000000e+00, v11  }
0x1ea: {  	v11 =	vld [tilespmem:s23+$0x6450];
	[tilespmem:s22+$0x12810] =	vst v6;
	v21 =	vcvt.f32.s32 v21;
	v7 =	vadd.f32 v7, v12;
	v8 =	vmul.f32 $7.875000000e+00, v8  }
0x1eb: {  	v6 =	vadd.f32 $4.000000000e+00, v13;
	v13 =	vadd.f32 $4.000000000e+00, v17;
	v17 =	vcvt.s32.f32 v10;
	v12 =	vld.idx.msk [tilespmem:v10+s12+$0x0], $0xffff  }
0x1ec: {  	v26 =	vmul.f32 $7.875000000e+00, v14;
	v18 =	vmul.f32 v20, v18;
	v10 =	vld.idx.msk [tilespmem:v10+s11+$0x0], $0xffff;
	v23 =	vmax.f32 v8, $0.0e+00  }
0x1ed: {  	[tilespmem:s23+$0x12420] =	vst v7;
	v14 =	vmul.f32 $7.875000000e+00, v13;
	v9 =	vsub.f32 v9, v17;
	v13 =	vld [tilespmem:s24+$0x6400];
	v17 =	vcvt.s32.f32 v25  }
0x1ee: {  	v4 =	vadd.f32 v18, v4;
	v7 =	vmin.f32 v23, $6.199999620e+01;
	v23 =	vmax.f32 v26, $0.0e+00;
	v18 =	vld.idx.msk [tilespmem:v25+s12+$0x0], $0xffff  }
0x1ef: {  	v20 =	vld [tilespmem:s24+$0x6410];
	v7 =	vtrunc.f32 v7;
	v23 =	vmin.f32 v23, $6.199999620e+01  }
0x1f0: {  	s31 =	simm.s32 $0x0;
	v5 =	vsub.f32 v5, v17;
	v24 =	vcvt.f32.s32 v7;
	[tilespmem:s24+$0x12030] =	vst v4;
	v4 =	vld.idx.msk [tilespmem:v25+s11+$0x0], $0xffff;
	v7 =	vadd.f32 $4.000000000e+00, v19  }
0x1f1: {  	s28 =	simm.s32 $0x180;
	s26 =	smul.u32 $0xC00, s31;
	v19 =	vmax.f32 v14, $0.0e+00;
	v17 =	vtrunc.f32 v23;
	v9 =	vmul.f32 v9, v12;
	v12 =	vld.idx.msk [tilespmem:v21+s12+$0x0], $0xffff  }
0x1f2: {  	s29 =	sand.u32 $0x380, s28;
	v23 =	vld [tilespmem:s24+$0x6060];
	v25 =	vcvt.s32.f32 v21;
	v17 =	vcvt.f32.s32 v17;
	v19 =	vmin.f32 v19, $6.199999620e+01  }
0x1f3: {  	s26 =	sor.u32 s29, s26;
	v21 =	vld.idx.msk [tilespmem:v21+s11+$0x0], $0xffff;
	v13 =	vadd.f32 $4.000000000e+00, v13;
	v10 =	vadd.f32 v9, v10;
	v5 =	vmul.f32 v5, v18  }
0x1f4: {  	v28 =	vld [tilespmem:s26+$0x6020];
	v9 =	vadd.f32 $4.000000000e+00, v16;
	v16 =	vsub.f32 v22, v25;
	v18 =	vtrunc.f32 v19  }
0x1f5: {  	v22 =	vld [tilespmem:s24+$0x6070];
	[tilespmem:s22+$0x12820] =	vst v10;
	v27 =	vcvt.f32.s32 v18;
	v5 =	vadd.f32 v5, v4;
	v4 =	vmul.f32 $7.875000000e+00, v15  }
0x1f6: {  	v19 =	vadd.f32 $4.000000000e+00, v11;
	v11 =	vadd.f32 $4.000000000e+00, v20;
	v25 =	vld.idx.msk [tilespmem:v24+s12+$0x0], $0xffff;
	v10 =	vmul.f32 v16, v12  }
0x1f7: {  	v12 =	vadd.f32 $4.000000000e+00, v23;
	v15 =	vcvt.s32.f32 v24;
	v23 =	vld.idx.msk [tilespmem:v24+s11+$0x0], $0xffff;
	v16 =	vmax.f32 v4, $0.0e+00  }
0x1f8: {  	v24 =	vld [tilespmem:s26+$0x6010];
	[tilespmem:s23+$0x12430] =	vst v5;
	v18 =	vadd.f32 v10, v21;
	v10 =	vmul.f32 $7.875000000e+00, v19;
	v5 =	vmin.f32 v16, $6.199999620e+01  }
0x1f9: {  	v8 =	vsub.f32 v8, v15;
	v29 =	vld.idx.msk [tilespmem:v17+s12+$0x0], $0xffff;
	v16 =	vmul.f32 $7.875000000e+00, v12;
	v5 =	vtrunc.f32 v5  }
0x1fa: {  	v12 =	vcvt.s32.f32 v17;
	v15 =	vld.idx.msk [tilespmem:v17+s11+$0x0], $0xffff;
	v19 =	vmax.f32 v10, $0.0e+00;
	[tilespmem:s24+$0x12040] =	vst v18;
	v5 =	vcvt.f32.s32 v5  }
0x1fb: {  	v18 =	vadd.f32 $4.000000000e+00, v22;
	v17 =	vmin.f32 v19, $6.199999620e+01;
	v8 =	vmul.f32 v8, v25;
	v20 =	vld.idx.msk [tilespmem:v27+s12+$0x0], $0xffff  }
0x1fc: {  	v22 =	vcvt.s32.f32 v27;
	v26 =	vsub.f32 v26, v12;
	v25 =	vld [tilespmem:s26+$0x6000];
	v12 =	vtrunc.f32 v17  }
0x1fd: {  	v30 =	vmax.f32 v16, $0.0e+00;
	v12 =	vcvt.f32.s32 v12;
	v8 =	vadd.f32 v8, v23  }
0x1fe: {  	s25 =	sadd.s32 s25, s7;
	s29 =	simm.s32 $0x4;
	v21 =	vld.idx.msk [tilespmem:v27+s11+$0x0], $0xffff;
	v19 =	vadd.f32 $4.000000000e+00, v28;
	v23 =	vmin.f32 v30, $6.199999620e+01;
	v17 =	vmul.f32 v26, v29  }
.LBB2_7:
0x1ff: {  	p0 =	sne.s32 s29, $0x3F;
	v24 =	vadd.f32 $4.000000000e+00, v24;
	v14 =	vsub.f32 v14, v22;
	v22 =	vtrunc.f32 v23;
	[tilespmem:s22+$0x12830] =	vst v8  }
0x200: {  	v8 =	vcvt.f32.s32 v22;
	v15 =	vadd.f32 v17, v15;
	v17 =	vld.idx.msk [tilespmem:v5+s12+$0x0], $0xffff;
	v22 =	vmul.f32 $7.875000000e+00, v2  }
0x201: {  	v0 =	vmul.f32 $7.875000000e+00, v0;
	v2 =	vadd.f32 $4.000000000e+00, v25;
	v14 =	vmul.f32 v14, v20  }
0x202: {  	v23 =	vmul.f32 $7.875000000e+00, v1;
	[tilespmem:s23+$0x12440] =	vst v15;
	v15 =	vcvt.s32.f32 v5;
	v5 =	vld.idx.msk [tilespmem:v5+s11+$0x0], $0xffff;
	v20 =	vmax.f32 v22, $0.0e+00  }
0x203: {  	v9 =	vmul.f32 $7.875000000e+00, v9;
	v1 =	vadd.f32 v14, v21;
	v14 =	vld.idx.msk [tilespmem:v12+s12+$0x0], $0xffff;
	v20 =	vmin.f32 v20, $6.199999620e+01  }
0x204: {  	v18 =	vmul.f32 $7.875000000e+00, v18;
	v4 =	vsub.f32 v4, v15;
	v15 =	vtrunc.f32 v20  }
0x205: {  	v20 =	vcvt.s32.f32 v12;
	[tilespmem:s24+$0x12050] =	vst v1;
	v12 =	vld.idx.msk [tilespmem:v12+s11+$0x0], $0xffff;
	v1 =	vmax.f32 v9, $0.0e+00;
	v15 =	vcvt.f32.s32 v15  }
0x206: {  	v21 =	vld.idx.msk [tilespmem:v8+s12+$0x0], $0xffff;
	v25 =	vmin.f32 v1, $6.199999620e+01;
	v1 =	vmul.f32 $7.875000000e+00, v6;
	v4 =	vmul.f32 v4, v17  }
0x207: {  	v6 =	vmax.f32 v18, $0.0e+00;
	v10 =	vsub.f32 v10, v20;
	v17 =	vtrunc.f32 v25  }
0x208: {  	v20 =	vcvt.s32.f32 v8;
	v8 =	vld.idx.msk [tilespmem:v8+s11+$0x0], $0xffff;
	v17 =	vcvt.f32.s32 v17;
	v4 =	vadd.f32 v4, v5  }
0x209: {  	v25 =	vmul.f32 $7.875000000e+00, v2;
	v2 =	vmin.f32 v6, $6.199999620e+01;
	v5 =	vmul.f32 v10, v14  }
0x20a: {  	v6 =	vsub.f32 v16, v20;
	v2 =	vtrunc.f32 v2;
	v10 =	vmul.f32 $7.875000000e+00, v7;
	[tilespmem:s22+$0x12840] =	vst v4  }
0x20b: {  	v14 =	vcvt.f32.s32 v2;
	v4 =	vmax.f32 v25, $0.0e+00;
	v2 =	vadd.f32 v5, v12;
	v5 =	vld.idx.msk [tilespmem:v15+s12+$0x0], $0xffff  }
0x20c: {  	v12 =	vmin.f32 v4, $6.199999620e+01;
	v6 =	vmul.f32 v6, v21;
	v4 =	vmul.f32 $7.875000000e+00, v11;
	v7 =	vld [tilespmem:s23+$0x6870]  }
0x20d: {  	v11 =	vtrunc.f32 v12;
	v12 =	vcvt.s32.f32 v15;
	[tilespmem:s23+$0x12450] =	vst v2;
	v15 =	vld.idx.msk [tilespmem:v15+s11+$0x0], $0xffff;
	v2 =	vmax.f32 v23, $0.0e+00  }
0x20e: {  	v11 =	vcvt.f32.s32 v11;
	v6 =	vadd.f32 v6, v8;
	v16 =	vld.idx.msk [tilespmem:v17+s12+$0x0], $0xffff;
	v8 =	vmin.f32 v2, $6.199999620e+01  }
0x20f: {  	v13 =	vmul.f32 $7.875000000e+00, v13;
	v12 =	vsub.f32 v22, v12;
	v2 =	vld [tilespmem:s23+$0x6860];
	v8 =	vtrunc.f32 v8  }
0x210: {  	v20 =	vmax.f32 v10, $0.0e+00;
	[tilespmem:s24+$0x12060] =	vst v6;
	v6 =	vcvt.s32.f32 v17;
	v17 =	vld.idx.msk [tilespmem:v17+s11+$0x0], $0xffff;
	v21 =	vcvt.f32.s32 v8  }
0x211: {  	v22 =	vmul.f32 $7.875000000e+00, v24;
	v8 =	vmin.f32 v20, $6.199999620e+01;
	v5 =	vmul.f32 v12, v5;
	v24 =	vld.idx.msk [tilespmem:v14+s12+$0x0], $0xffff  }
0x212: {  	v12 =	vmax.f32 v13, $0.0e+00;
	v8 =	vtrunc.f32 v8;
	v9 =	vsub.f32 v9, v6;
	v6 =	vld [tilespmem:s23+$0x6850]  }
0x213: {  	v20 =	vcvt.s32.f32 v14;
	v26 =	vcvt.f32.s32 v8;
	v5 =	vadd.f32 v5, v15;
	v14 =	vld.idx.msk [tilespmem:v14+s11+$0x0], $0xffff  }
0x214: {  	v12 =	vmin.f32 v12, $6.199999620e+01;
	v8 =	vmul.f32 $7.875000000e+00, v19;
	v15 =	vld.idx.msk [tilespmem:v11+s12+$0x0], $0xffff;
	v9 =	vmul.f32 v9, v16  }
0x215: {  	v19 =	vmax.f32 v22, $0.0e+00;
	v18 =	vsub.f32 v18, v20;
	v12 =	vtrunc.f32 v12;
	v16 =	vld.idx.msk [tilespmem:v11+s11+$0x0], $0xffff;
	[tilespmem:s22+$0x12850] =	vst v5  }
0x216: {  	v12 =	vcvt.f32.s32 v12;
	v11 =	vcvt.s32.f32 v11;
	v9 =	vadd.f32 v9, v17;
	v17 =	vld.idx.msk [tilespmem:v21+s12+$0x0], $0xffff  }
0x217: {  	v20 =	vmax.f32 v0, $0.0e+00;
	v19 =	vmin.f32 v19, $6.199999620e+01;
	v18 =	vmul.f32 v18, v24;
	v5 =	vld [tilespmem:s23+$0x6840]  }
0x218: {  	v19 =	vtrunc.f32 v19;
	v11 =	vsub.f32 v25, v11;
	[tilespmem:s23+$0x12460] =	vst v9;
	v9 =	vcvt.s32.f32 v21;
	v21 =	vld.idx.msk [tilespmem:v21+s11+$0x0], $0xffff  }
0x219: {  	v20 =	vmin.f32 v20, $6.199999620e+01;
	v19 =	vcvt.f32.s32 v19;
	v14 =	vadd.f32 v18, v14;
	v18 =	vld.idx.msk [tilespmem:v26+s12+$0x0], $0xffff  }
0x21a: {  	v20 =	vtrunc.f32 v20;
	v11 =	vmul.f32 v11, v15;
	v15 =	vld [tilespmem:s24+$0x6420];
	v9 =	vsub.f32 v23, v9  }
0x21b: {  	v20 =	vcvt.f32.s32 v20;
	v24 =	vmax.f32 v1, $0.0e+00;
	[tilespmem:s24+$0x12070] =	vst v14;
	v14 =	vcvt.s32.f32 v26;
	v23 =	vld.idx.msk [tilespmem:v26+s11+$0x0], $0xffff  }
0x21c: {  	v24 =	vmin.f32 v24, $6.199999620e+01;
	v11 =	vadd.f32 v11, v16;
	v16 =	vld.idx.msk [tilespmem:v12+s12+$0x0], $0xffff;
	v9 =	vmul.f32 v9, v17  }
0x21d: {  	v25 =	vmax.f32 v4, $0.0e+00;
	v17 =	vld [tilespmem:s26+$0x6030];
	v10 =	vsub.f32 v10, v14;
	v14 =	vtrunc.f32 v24  }
0x21e: {  	[tilespmem:s26+$0x12000] =	vst v11;
	v11 =	vcvt.s32.f32 v12;
	v12 =	vld.idx.msk [tilespmem:v12+s11+$0x0], $0xffff;
	v14 =	vcvt.f32.s32 v14;
	v9 =	vadd.f32 v9, v21  }
0x21f: {  	v24 =	vmin.f32 v25, $6.199999620e+01;
	v21 =	vld.idx.msk [tilespmem:v19+s12+$0x0], $0xffff;
	v15 =	vadd.f32 $4.000000000e+00, v15;
	v10 =	vmul.f32 v10, v18  }
0x220: {  	v25 =	vmax.f32 v8, $0.0e+00;
	v18 =	vld.idx.msk [tilespmem:v19+s11+$0x0], $0xffff;
	v11 =	vsub.f32 v13, v11;
	v13 =	vtrunc.f32 v24;
	[tilespmem:s22+$0x12860] =	vst v9  }
0x221: {  	v9 =	vcvt.s32.f32 v19;
	v13 =	vcvt.f32.s32 v13;
	v10 =	vadd.f32 v10, v23;
	v19 =	vld.idx.msk [tilespmem:v20+s12+$0x0], $0xffff  }
0x222: {  	v23 =	vmin.f32 v25, $6.199999620e+01;
	v17 =	vadd.f32 $4.000000000e+00, v17;
	v11 =	vmul.f32 v11, v16;
	v16 =	vld [tilespmem:s23+$0x6830]  }
0x223: {  	v9 =	vsub.f32 v22, v9;
	v22 =	vtrunc.f32 v23;
	[tilespmem:s23+$0x12470] =	vst v10;
	v10 =	vcvt.s32.f32 v20;
	v20 =	vld.idx.msk [tilespmem:v20+s11+$0x0], $0xffff  }
0x224: {  	v3 =	vmul.f32 $7.875000000e+00, v3;
	v22 =	vcvt.f32.s32 v22;
	v11 =	vadd.f32 v11, v12;
	v12 =	vld.idx.msk [tilespmem:v14+s12+$0x0], $0xffff  }
0x225: {  	v15 =	vmul.f32 $7.875000000e+00, v15;
	v9 =	vmul.f32 v9, v21;
	v21 =	vld [tilespmem:s23+$0x6820];
	v0 =	vsub.f32 v0, v10  }
0x226: {  	v10 =	vmul.f32 $7.875000000e+00, v17;
	v17 =	vmax.f32 v3, $0.0e+00;
	[tilespmem:s24+$0x12400] =	vst v11;
	v11 =	vcvt.s32.f32 v14;
	v14 =	vld.idx.msk [tilespmem:v14+s11+$0x0], $0xffff  }
0x227: {  	v9 =	vadd.f32 v9, v18;
	v17 =	vmin.f32 v17, $6.199999620e+01;
	v18 =	vld.idx.msk [tilespmem:v13+s12+$0x0], $0xffff;
	v0 =	vmul.f32 v0, v19  }
0x228: {  	v19 =	vmax.f32 v15, $0.0e+00;
	v23 =	vld [tilespmem:s24+$0x6430];
	v1 =	vsub.f32 v1, v11;
	v11 =	vtrunc.f32 v17  }
0x229: {  	[tilespmem:s26+$0x12010] =	vst v9;
	v9 =	vcvt.s32.f32 v13;
	v13 =	vld.idx.msk [tilespmem:v13+s11+$0x0], $0xffff;
	v11 =	vcvt.f32.s32 v11;
	v17 =	vadd.f32 v0, v20  }
0x22a: {  	v19 =	vmin.f32 v19, $6.199999620e+01;
	v0 =	vadd.f32 $4.000000000e+00, v7;
	v20 =	vld.idx.msk [tilespmem:v22+s12+$0x0], $0xffff;
	v1 =	vmul.f32 v1, v12  }
0x22b: {  	v7 =	vmax.f32 v10, $0.0e+00;
	v12 =	vld [tilespmem:s26+$0x6040];
	v4 =	vsub.f32 v4, v9;
	v9 =	vtrunc.f32 v19;
	[tilespmem:s22+$0x12870] =	vst v17;
	s22 =	smov.u32 s23;
	s23 =	smov.u32 s24;
	s24 =	smov.u32 s26  }
0x22c: {  	v17 =	vcvt.s32.f32 v22;
	v19 =	vld.idx.msk [tilespmem:v22+s11+$0x0], $0xffff;
	v9 =	vcvt.f32.s32 v9;
	v1 =	vadd.f32 v1, v14  }
0x22d: {  	v7 =	vmin.f32 v7, $6.199999620e+01;
	v4 =	vmul.f32 v4, v18;
	v14 =	vld [tilespmem:s23+$0x6810];
	v18 =	vadd.f32 $4.000000000e+00, v21  }
0x22e: {  	v7 =	vtrunc.f32 v7;
	v8 =	vsub.f32 v8, v17;
	v17 =	vld [tilespmem:s23+$0x6800];
	[tilespmem:s22+$0x12800] =	vst v1;
	v1 =	vadd.f32 $4.000000000e+00, v2  }
0x22f: {  	v7 =	vcvt.f32.s32 v7;
	v4 =	vadd.f32 v4, v13;
	v13 =	vld.idx.msk [tilespmem:v11+s12+$0x0], $0xffff;
	v18 =	vmul.f32 $7.875000000e+00, v18  }
0x230: {  	v2 =	vadd.f32 $4.000000000e+00, v6;
	v8 =	vmul.f32 v8, v20;
	v20 =	vadd.f32 $4.000000000e+00, v23;
	v21 =	vld [tilespmem:s23+$0x6470]  }
0x231: {  	v6 =	vadd.f32 $4.000000000e+00, v12;
	[tilespmem:s23+$0x12410] =	vst v4;
	v4 =	vcvt.s32.f32 v11;
	v11 =	vld.idx.msk [tilespmem:v11+s11+$0x0], $0xffff;
	v12 =	vmax.f32 v18, $0.0e+00  }
0x232: {  	v8 =	vadd.f32 v8, v19;
	v20 =	vmul.f32 $7.875000000e+00, v20;
	v19 =	vld.idx.msk [tilespmem:v9+s12+$0x0], $0xffff;
	v12 =	vmin.f32 v12, $6.199999620e+01  }
0x233: {  	v22 =	vmul.f32 $7.875000000e+00, v6;
	v6 =	vld [tilespmem:s23+$0x6440];
	v3 =	vsub.f32 v3, v4;
	v4 =	vtrunc.f32 v12  }
0x234: {  	v12 =	vmax.f32 v20, $0.0e+00;
	[tilespmem:s24+$0x12020] =	vst v8;
	v8 =	vcvt.s32.f32 v9;
	v9 =	vld.idx.msk [tilespmem:v9+s11+$0x0], $0xffff;
	v4 =	vcvt.f32.s32 v4  }
0x235: {  	v5 =	vadd.f32 $4.000000000e+00, v5;
	v12 =	vmin.f32 v12, $6.199999620e+01;
	v23 =	vld.idx.msk [tilespmem:v7+s12+$0x0], $0xffff;
	v3 =	vmul.f32 v3, v13  }
0x236: {  	v13 =	vmax.f32 v22, $0.0e+00;
	v12 =	vtrunc.f32 v12;
	v24 =	vld [tilespmem:s24+$0x6050];
	v8 =	vsub.f32 v15, v8  }
0x237: {  	v15 =	vcvt.s32.f32 v7;
	v12 =	vcvt.f32.s32 v12;
	v7 =	vld.idx.msk [tilespmem:v7+s11+$0x0], $0xffff;
	v11 =	vadd.f32 v3, v11  }
0x238: {  	v16 =	vadd.f32 $4.000000000e+00, v16;
	v3 =	vmin.f32 v13, $6.199999620e+01;
	v8 =	vmul.f32 v8, v19;
	v13 =	vld [tilespmem:s23+$0x6460]  }
0x239: {  	v10 =	vsub.f32 v10, v15;
	v15 =	vtrunc.f32 v3;
	v3 =	vadd.f32 $4.000000000e+00, v14;
	v19 =	vld [tilespmem:s23+$0x6450];
	[tilespmem:s22+$0x12810] =	vst v11  }
0x23a: {  	v11 =	vcvt.f32.s32 v15;
	v15 =	vmul.f32 $7.875000000e+00, v16;
	v8 =	vadd.f32 v8, v9;
	v9 =	vld.idx.msk [tilespmem:v4+s12+$0x0], $0xffff  }
0x23b: {  	v14 =	vadd.f32 $4.000000000e+00, v6;
	v6 =	vadd.f32 $4.000000000e+00, v17;
	v10 =	vmul.f32 v10, v23;
	v16 =	vld [tilespmem:s24+$0x6410]  }
0x23c: {  	v17 =	vadd.f32 $4.000000000e+00, v24;
	v23 =	vmax.f32 v15, $0.0e+00;
	[tilespmem:s23+$0x12420] =	vst v8;
	v8 =	vcvt.s32.f32 v4;
	v4 =	vld.idx.msk [tilespmem:v4+s11+$0x0], $0xffff  }
0x23d: {  	v26 =	vmul.f32 $7.875000000e+00, v14;
	v7 =	vadd.f32 v10, v7;
	v23 =	vmin.f32 v23, $6.199999620e+01;
	v10 =	vld.idx.msk [tilespmem:v12+s12+$0x0], $0xffff  }
0x23e: {  	v14 =	vmul.f32 $7.875000000e+00, v17;
	v17 =	vld [tilespmem:s24+$0x6400];
	v8 =	vsub.f32 v18, v8;
	v18 =	vtrunc.f32 v23  }
0x23f: {  	v23 =	vcvt.s32.f32 v12;
	[tilespmem:s24+$0x12030] =	vst v7;
	v12 =	vld.idx.msk [tilespmem:v12+s11+$0x0], $0xffff;
	v7 =	vmax.f32 v26, $0.0e+00;
	v18 =	vcvt.f32.s32 v18  }
0x240: {  	v24 =	vld.idx.msk [tilespmem:v11+s12+$0x0], $0xffff;
	v25 =	vmin.f32 v7, $6.199999620e+01;
	v7 =	vadd.f32 $4.000000000e+00, v21;
	v8 =	vmul.f32 v8, v9  }
0x241: {  	v9 =	vmax.f32 v14, $0.0e+00;
	v20 =	vsub.f32 v20, v23;
	v21 =	vld [tilespmem:s24+$0x6060];
	v23 =	vtrunc.f32 v25  }
0x242: {  	s26 =	sshrl.u32 s29, $0x3;
	v25 =	vcvt.s32.f32 v11;
	v27 =	vld.idx.msk [tilespmem:v11+s11+$0x0], $0xffff;
	v23 =	vcvt.f32.s32 v23;
	v4 =	vadd.f32 v8, v4  }
0x243: {  	s28 =	sadd.s32 $0x80, s28;
	s26 =	smul.u32 $0xC00, s26;
	v8 =	vmin.f32 v9, $6.199999620e+01;
	v10 =	vmul.f32 v20, v10;
	v9 =	vadd.f32 $4.000000000e+00, v13  }
0x244: {  	s30 =	sand.u32 $0x380, s28;
	v19 =	vadd.f32 $4.000000000e+00, v19;
	v11 =	vsub.f32 v22, v25;
	v8 =	vtrunc.f32 v8;
	v22 =	vld [tilespmem:s24+$0x6070];
	[tilespmem:s22+$0x12820] =	vst v4  }
0x245: {  	s26 =	sor.u32 s30, s26;
	v8 =	vcvt.f32.s32 v8;
	v10 =	vadd.f32 v10, v12;
	v4 =	vmul.f32 $7.875000000e+00, v5;
	v12 =	vld.idx.msk [tilespmem:v18+s12+$0x0], $0xffff  }
0x246: {  	v13 =	vadd.f32 $4.000000000e+00, v17;
	v5 =	vmul.f32 v11, v24;
	v11 =	vadd.f32 $4.000000000e+00, v16;
	v28 =	vld [tilespmem:s26+$0x6020]  }
0x247: {  	v17 =	vcvt.s32.f32 v18;
	v16 =	vadd.f32 $4.000000000e+00, v21;
	[tilespmem:s23+$0x12430] =	vst v10;
	v29 =	vld.idx.msk [tilespmem:v18+s11+$0x0], $0xffff;
	v18 =	vmax.f32 v4, $0.0e+00  }
0x248: {  	v5 =	vadd.f32 v5, v27;
	v10 =	vmul.f32 $7.875000000e+00, v19;
	v27 =	vld.idx.msk [tilespmem:v23+s12+$0x0], $0xffff;
	v18 =	vmin.f32 v18, $6.199999620e+01  }
0x249: {  	v17 =	vsub.f32 v15, v17;
	v16 =	vmul.f32 $7.875000000e+00, v16;
	v24 =	vld [tilespmem:s26+$0x6010];
	v18 =	vtrunc.f32 v18  }
.Ltmp5:
0x24a: {  	v19 =	vcvt.s32.f32 v23;
	v21 =	vmax.f32 v10, $0.0e+00;
	[tilespmem:s24+$0x12040] =	vst v5;
	v15 =	vld.idx.msk [tilespmem:v23+s11+$0x0], $0xffff;
	v5 =	vcvt.f32.s32 v18;
	(pc) =	sbr.rel @p0 .LBB2_7-.Ltmp5, $4  }
0x24b: {  	v18 =	vadd.f32 $4.000000000e+00, v22;
	v21 =	vmin.f32 v21, $6.199999620e+01;
	v17 =	vmul.f32 v17, v12;
	v20 =	vld.idx.msk [tilespmem:v8+s12+$0x0], $0xffff  }
0x24c: {  	v26 =	vsub.f32 v26, v19;
	v23 =	vmax.f32 v16, $0.0e+00;
	v12 =	vtrunc.f32 v21;
	v25 =	vld [tilespmem:s26+$0x6000]  }
0x24d: {  	v22 =	vcvt.s32.f32 v8;
	v12 =	vcvt.f32.s32 v12;
	v21 =	vld.idx.msk [tilespmem:v8+s11+$0x0], $0xffff;
	v8 =	vadd.f32 v17, v29  }
0x24e: {  	s29 =	sadd.s32 $0x1, s29;
	v19 =	vadd.f32 $4.000000000e+00, v28;
	v23 =	vmin.f32 v23, $6.199999620e+01;
	v17 =	vmul.f32 v26, v27  }
0x24f: {  	_ =	sdelay $0x1  }
0x250: {  	v25 =	vadd.f32 $4.000000000e+00, v25;
	_ =	sdelay $0x1  }
0x251: {  	v25 =	vmul.f32 $7.875000000e+00, v25;
	_ =	sdelay $0x1  }
0x252: {  	v26 =	vmax.f32 v25, $0.0e+00  }
0x253: {  	v26 =	vmin.f32 v26, $6.199999620e+01  }
0x254: {  	v26 =	vtrunc.f32 v26  }
0x255: {  	v26 =	vcvt.f32.s32 v26;
	_ =	sdelay $0x2  }
0x256: {  	v24 =	vadd.f32 $4.000000000e+00, v24;
	_ =	sdelay $0x1  }
0x257: {  	v24 =	vmul.f32 $7.875000000e+00, v24  }
0x258: {  	v27 =	vld.idx.msk [tilespmem:v26+s12+$0x0], $0xffff  }
0x259: {  	v28 =	vmax.f32 v24, $0.0e+00;
	v29 =	vcvt.s32.f32 v26  }
0x25a: {  	v28 =	vmin.f32 v28, $6.199999620e+01;
	v26 =	vld.idx.msk [tilespmem:v26+s11+$0x0], $0xffff  }
0x25b: {  	v28 =	vtrunc.f32 v28;
	v25 =	vsub.f32 v25, v29  }
0x25c: {  	v28 =	vcvt.f32.s32 v28  }
0x25d: {  	v25 =	vmul.f32 v25, v27;
	_ =	sdelay $0x1  }
0x25e: {  	v25 =	vadd.f32 v25, v26;
	_ =	sdelay $0x1  }
0x25f: {  	v19 =	vmul.f32 $7.875000000e+00, v19;
	[tilespmem:s26+$0x12000] =	vst v25  }
0x260: {  	v25 =	vld.idx.msk [tilespmem:v28+s12+$0x0], $0xffff  }
0x261: {  	v61 =	vld [tilespmem:s26+$0x6030];
	v62 =	vmax.f32 v19, $0.0e+00;
	v63 =	vcvt.s32.f32 v28  }
0x262: {  	v27 =	vmin.f32 v62, $6.199999620e+01;
	v28 =	vld.idx.msk [tilespmem:v28+s11+$0x0], $0xffff  }
0x263: {  	v24 =	vsub.f32 v24, v63;
	v27 =	vtrunc.f32 v27  }
0x264: {  	v27 =	vcvt.f32.s32 v27  }
0x265: {  	v24 =	vmul.f32 v24, v25;
	_ =	sdelay $0x1  }
0x266: {  	v32 =	vadd.f32 $4.000000000e+00, v61;
	v24 =	vadd.f32 v24, v28;
	_ =	sdelay $0x1  }
0x267: {  	v25 =	vmul.f32 $7.875000000e+00, v32;
	[tilespmem:s26+$0x12010] =	vst v24  }
0x268: {  	v24 =	vld.idx.msk [tilespmem:v27+s12+$0x0], $0xffff  }
0x269: {  	v34 =	vld [tilespmem:s26+$0x6040];
	v35 =	vcvt.s32.f32 v27;
	v33 =	vmax.f32 v25, $0.0e+00  }
0x26a: {  	v26 =	vmin.f32 v33, $6.199999620e+01;
	v27 =	vld.idx.msk [tilespmem:v27+s11+$0x0], $0xffff  }
0x26b: {  	v19 =	vsub.f32 v19, v35;
	v26 =	vtrunc.f32 v26  }
0x26c: {  	v26 =	vcvt.f32.s32 v26  }
0x26d: {  	v19 =	vmul.f32 v19, v24;
	_ =	sdelay $0x1  }
0x26e: {  	v36 =	vadd.f32 $4.000000000e+00, v34;
	v19 =	vadd.f32 v19, v27;
	_ =	sdelay $0x1  }
0x26f: {  	v24 =	vmul.f32 $7.875000000e+00, v36;
	[tilespmem:s26+$0x12020] =	vst v19  }
0x270: {  	v19 =	vld.idx.msk [tilespmem:v26+s12+$0x0], $0xffff  }
0x271: {  	v38 =	vld [tilespmem:s26+$0x6050];
	v39 =	vcvt.s32.f32 v26;
	v37 =	vmax.f32 v24, $0.0e+00  }
0x272: {  	v27 =	vmin.f32 v37, $6.199999620e+01;
	v26 =	vld.idx.msk [tilespmem:v26+s11+$0x0], $0xffff  }
0x273: {  	v25 =	vsub.f32 v25, v39;
	v27 =	vtrunc.f32 v27  }
0x274: {  	v27 =	vcvt.f32.s32 v27  }
0x275: {  	v19 =	vmul.f32 v25, v19;
	_ =	sdelay $0x1  }
0x276: {  	v28 =	vadd.f32 $4.000000000e+00, v38;
	v19 =	vadd.f32 v19, v26;
	_ =	sdelay $0x1  }
0x277: {  	v28 =	vmul.f32 $7.875000000e+00, v28;
	[tilespmem:s26+$0x12030] =	vst v19  }
0x278: {  	v42 =	vld.idx.msk [tilespmem:v27+s12+$0x0], $0xffff  }
0x279: {  	v44 =	vld [tilespmem:s26+$0x6060];
	v43 =	vmax.f32 v28, $0.0e+00;
	v30 =	vcvt.s32.f32 v27  }
0x27a: {  	v14 =	vsub.f32 v14, v22;
	v41 =	vtrunc.f32 v23;
	v23 =	vmin.f32 v43, $6.199999620e+01;
	v45 =	vld.idx.msk [tilespmem:v27+s11+$0x0], $0xffff  }
0x27b: {  	v23 =	vtrunc.f32 v23;
	v24 =	vsub.f32 v24, v30;
	v19 =	vcvt.f32.s32 v41  }
0x27c: {  	v14 =	vmul.f32 v14, v20;
	v46 =	vcvt.f32.s32 v23  }
0x27d: {  	v22 =	vmul.f32 v24, v42  }
0x27e: {  	v14 =	vadd.f32 v14, v21  }
0x27f: {  	v47 =	vadd.f32 $4.000000000e+00, v44;
	v20 =	vadd.f32 v22, v45  }
0x280: {  	v18 =	vmul.f32 $7.875000000e+00, v18;
	v50 =	vld [tilespmem:s26+$0x6070];
	[tilespmem:s24+$0x12050] =	vst v14  }
0x281: {  	v23 =	vmul.f32 $7.875000000e+00, v47;
	v14 =	vld.idx.msk [tilespmem:v19+s12+$0x0], $0xffff;
	[tilespmem:s26+$0x12040] =	vst v20  }
0x282: {  	v48 =	vmax.f32 v18, $0.0e+00;
	v49 =	vcvt.s32.f32 v19;
	v52 =	vld.idx.msk [tilespmem:v46+s12+$0x0], $0xffff  }
0x283: {  	v53 =	vmax.f32 v23, $0.0e+00;
	v54 =	vcvt.s32.f32 v46;
	v19 =	vld.idx.msk [tilespmem:v19+s11+$0x0], $0xffff;
	v22 =	vmin.f32 v48, $6.199999620e+01  }
0x284: {  	v56 =	vmin.f32 v53, $6.199999620e+01;
	v16 =	vsub.f32 v16, v49;
	v51 =	vtrunc.f32 v22;
	v55 =	vld.idx.msk [tilespmem:v46+s11+$0x0], $0xffff  }
0x285: {  	v57 =	vsub.f32 v28, v54;
	v21 =	vtrunc.f32 v56;
	v20 =	vcvt.f32.s32 v51  }
0x286: {  	v58 =	vcvt.f32.s32 v21;
	v14 =	vmul.f32 v16, v14  }
0x287: {  	v59 =	vmul.f32 v57, v52  }
0x288: {  	v14 =	vadd.f32 v14, v19  }
0x289: {  	v60 =	vadd.f32 $4.000000000e+00, v50;
	v16 =	vadd.f32 v59, v55  }
0x28a: {  	v40 =	vld [tilespmem:s26+$0x6400];
	v13 =	vmul.f32 $7.875000000e+00, v13;
	[tilespmem:s24+$0x12060] =	vst v14  }
0x28b: {  	v22 =	vmul.f32 $7.875000000e+00, v60;
	v14 =	vld.idx.msk [tilespmem:v20+s12+$0x0], $0xffff;
	[tilespmem:s26+$0x12050] =	vst v16  }
0x28c: {  	v61 =	vmax.f32 v13, $0.0e+00;
	v62 =	vcvt.s32.f32 v20;
	v30 =	vld.idx.msk [tilespmem:v58+s12+$0x0], $0xffff  }
0x28d: {  	v21 =	vmin.f32 v61, $6.199999620e+01;
	v32 =	vcvt.s32.f32 v58;
	v31 =	vmax.f32 v22, $0.0e+00;
	v20 =	vld.idx.msk [tilespmem:v20+s11+$0x0], $0xffff  }
0x28e: {  	v29 =	vtrunc.f32 v21;
	v34 =	vmin.f32 v31, $6.199999620e+01;
	v63 =	vsub.f32 v18, v62;
	v33 =	vld.idx.msk [tilespmem:v58+s11+$0x0], $0xffff  }
0x28f: {  	v23 =	vsub.f32 v23, v32;
	v19 =	vtrunc.f32 v34;
	v18 =	vcvt.f32.s32 v29  }
0x290: {  	v19 =	vcvt.f32.s32 v19;
	v14 =	vmul.f32 v63, v14  }
0x291: {  	v21 =	vmul.f32 v23, v30  }
0x292: {  	v14 =	vadd.f32 v14, v20  }
0x293: {  	v35 =	vld [tilespmem:s24+$0x6420];
	v36 =	vadd.f32 $4.000000000e+00, v40;
	v16 =	vadd.f32 v21, v33  }
0x294: {  	v11 =	vmul.f32 $7.875000000e+00, v11;
	v25 =	vld [tilespmem:s26+$0x6410];
	[tilespmem:s24+$0x12070] =	vst v14  }
0x295: {  	v14 =	vld.idx.msk [tilespmem:v18+s12+$0x0], $0xffff;
	v23 =	vmul.f32 $7.875000000e+00, v36;
	[tilespmem:s26+$0x12060] =	vst v16  }
0x296: {  	v37 =	vmax.f32 v11, $0.0e+00;
	v38 =	vcvt.s32.f32 v18;
	v40 =	vld.idx.msk [tilespmem:v19+s12+$0x0], $0xffff  }
0x297: {  	v42 =	vcvt.s32.f32 v19;
	v18 =	vld.idx.msk [tilespmem:v18+s11+$0x0], $0xffff;
	v21 =	vmin.f32 v37, $6.199999620e+01;
	v41 =	vmax.f32 v23, $0.0e+00  }
0x298: {  	v13 =	vsub.f32 v13, v38;
	v39 =	vtrunc.f32 v21;
	v44 =	vmin.f32 v41, $6.199999620e+01;
	v43 =	vld.idx.msk [tilespmem:v19+s11+$0x0], $0xffff  }
0x299: {  	v22 =	vsub.f32 v22, v42;
	v16 =	vcvt.f32.s32 v39;
	v19 =	vtrunc.f32 v44  }
0x29a: {  	v13 =	vmul.f32 v13, v14;
	v45 =	vcvt.f32.s32 v19  }
0x29b: {  	v47 =	vmul.f32 v22, v40  }
0x29c: {  	v50 =	vadd.f32 $4.000000000e+00, v25;
	v13 =	vadd.f32 v13, v18  }
0x29d: {  	v46 =	vadd.f32 $4.000000000e+00, v35;
	v52 =	vld [tilespmem:s26+$0x6420];
	v14 =	vadd.f32 v47, v43  }
0x29e: {  	v58 =	vld [tilespmem:s24+$0x6430];
	[tilespmem:s24+$0x12400] =	vst v13  }
0x29f: {  	v48 =	vmul.f32 $7.875000000e+00, v46;
	v21 =	vmul.f32 $7.875000000e+00, v50;
	v49 =	vld.idx.msk [tilespmem:v16+s12+$0x0], $0xffff;
	[tilespmem:s26+$0x12070] =	vst v14  }
0x2a0: {  	v57 =	vld.idx.msk [tilespmem:v45+s12+$0x0], $0xffff  }
0x2a1: {  	v53 =	vmax.f32 v48, $0.0e+00;
	v59 =	vmax.f32 v21, $0.0e+00;
	v60 =	vcvt.s32.f32 v45;
	v54 =	vld.idx.msk [tilespmem:v16+s11+$0x0], $0xffff  }
0x2a2: {  	v56 =	vmin.f32 v53, $6.199999620e+01;
	v51 =	vcvt.s32.f32 v16;
	v16 =	vmin.f32 v59, $6.199999620e+01;
	v62 =	vld.idx.msk [tilespmem:v45+s11+$0x0], $0xffff  }
0x2a3: {  	v55 =	vadd.f32 v17, v15;
	v34 =	vsub.f32 v23, v60;
	v35 =	vtrunc.f32 v16  }
0x2a4: {  	v15 =	vtrunc.f32 v56;
	v11 =	vsub.f32 v11, v51;
	v36 =	vcvt.f32.s32 v35  }
0x2a5: {  	v61 =	vcvt.f32.s32 v15;
	v18 =	vmul.f32 v34, v57  }
0x2a6: {  	v38 =	vadd.f32 $4.000000000e+00, v58;
	v11 =	vmul.f32 v11, v49  }
0x2a7: {  	v22 =	vadd.f32 $4.000000000e+00, v52;
	v15 =	vadd.f32 v18, v62  }
0x2a8: {  	v37 =	vadd.f32 v11, v54  }
0x2a9: {  	v20 =	vmul.f32 $7.875000000e+00, v38;
	v44 =	vld [tilespmem:s26+$0x6430];
	v22 =	vmul.f32 $7.875000000e+00, v22;
	[tilespmem:s26+$0x12400] =	vst v15  }
0x2aa: {  	v14 =	vcvt.s32.f32 v61;
	[tilespmem:s24+$0x12410] =	vst v37;
	v42 =	vld.idx.msk [tilespmem:v36+s12+$0x0], $0xffff  }
0x2ab: {  	v41 =	vmax.f32 v20, $0.0e+00;
	v43 =	vmax.f32 v22, $0.0e+00;
	v45 =	vcvt.s32.f32 v36;
	v40 =	vld.idx.msk [tilespmem:v61+s12+$0x0], $0xffff  }
0x2ac: {  	v13 =	vsub.f32 v48, v14;
	v48 =	vmin.f32 v43, $6.199999620e+01;
	v15 =	vmin.f32 v41, $6.199999620e+01;
	v47 =	vld.idx.msk [tilespmem:v36+s11+$0x0], $0xffff  }
0x2ad: {  	v50 =	vsub.f32 v21, v45;
	v46 =	vtrunc.f32 v15;
	v15 =	vtrunc.f32 v48  }
0x2ae: {  	v23 =	vld.idx.msk [tilespmem:v61+s11+$0x0], $0xffff;
	v51 =	vcvt.f32.s32 v15  }
0x2af: {  	v52 =	vmul.f32 v50, v42  }
0x2b0: {  	v31 =	vmul.f32 $7.875000000e+00, v9;
	[tilespmem:s23+$0x12440] =	vst v55;
	v49 =	vld [tilespmem:s24+$0x6440]  }
0x2b1: {  	v63 =	vld.idx.msk [tilespmem:v12+s12+$0x0], $0xffff;
	v55 =	vadd.f32 $4.000000000e+00, v44;
	v13 =	vmul.f32 v13, v40;
	v9 =	vadd.f32 v52, v47  }
0x2b2: {  	v53 =	vcvt.s32.f32 v12;
	v14 =	vcvt.f32.s32 v46  }
0x2b3: {  	v39 =	vld.idx.msk [tilespmem:v12+s11+$0x0], $0xffff;
	v13 =	vadd.f32 v13, v23;
	v23 =	vmul.f32 $7.875000000e+00, v55;
	[tilespmem:s26+$0x12410] =	vst v9  }
0x2b4: {  	v10 =	vsub.f32 v10, v53;
	v9 =	vld.idx.msk [tilespmem:v51+s12+$0x0], $0xffff  }
0x2b5: {  	v59 =	vld [tilespmem:s26+$0x6440];
	v27 =	vadd.f32 $4.000000000e+00, v49;
	v60 =	vcvt.s32.f32 v51;
	v61 =	vmax.f32 v23, $0.0e+00  }
0x2b6: {  	v10 =	vmul.f32 v10, v63;
	v28 =	vmin.f32 v61, $6.199999620e+01;
	v29 =	vld.idx.msk [tilespmem:v51+s11+$0x0], $0xffff  }
0x2b7: {  	v58 =	vmul.f32 $7.875000000e+00, v27;
	[tilespmem:s24+$0x12420] =	vst v13;
	v22 =	vsub.f32 v22, v60;
	v63 =	vtrunc.f32 v28  }
0x2b8: {  	v10 =	vadd.f32 v10, v39;
	v13 =	vld.idx.msk [tilespmem:v14+s12+$0x0], $0xffff;
	v27 =	vcvt.f32.s32 v63  }
0x2b9: {  	v32 =	vld [tilespmem:s24+$0x6450];
	v33 =	vmax.f32 v58, $0.0e+00;
	v62 =	vcvt.s32.f32 v14;
	v22 =	vmul.f32 v22, v9  }
0x2ba: {  	v35 =	vadd.f32 $4.000000000e+00, v59;
	v54 =	vmax.f32 v31, $0.0e+00;
	v33 =	vmin.f32 v33, $6.199999620e+01;
	v14 =	vld.idx.msk [tilespmem:v14+s11+$0x0], $0xffff  }
0x2bb: {  	v34 =	vtrunc.f32 v33;
	v20 =	vsub.f32 v20, v62;
	v22 =	vadd.f32 v22, v29  }
0x2bc: {  	v39 =	vmul.f32 $7.875000000e+00, v35;
	v56 =	vmin.f32 v54, $6.199999620e+01;
	v28 =	vcvt.f32.s32 v34  }
0x2bd: {  	v21 =	vld [tilespmem:s24+$0x6460];
	v57 =	vtrunc.f32 v56;
	v13 =	vmul.f32 v20, v13;
	[tilespmem:s26+$0x12420] =	vst v22  }
0x2be: {  	v45 =	vmax.f32 v39, $0.0e+00;
	v12 =	vcvt.f32.s32 v57;
	v41 =	vld.idx.msk [tilespmem:v27+s12+$0x0], $0xffff  }
0x2bf: {  	v37 =	vld [tilespmem:s26+$0x6450];
	v36 =	vadd.f32 $4.000000000e+00, v32;
	v44 =	vcvt.s32.f32 v27;
	v13 =	vadd.f32 v13, v14  }
0x2c0: {  	[tilespmem:s23+$0x12450] =	vst v10;
	v33 =	vmin.f32 v45, $6.199999620e+01;
	v27 =	vld.idx.msk [tilespmem:v27+s11+$0x0], $0xffff  }
0x2c1: {  	v10 =	vmul.f32 $7.875000000e+00, v36;
	v46 =	vtrunc.f32 v33;
	v23 =	vsub.f32 v23, v44;
	[tilespmem:s24+$0x12430] =	vst v13  }
0x2c2: {  	v32 =	vcvt.f32.s32 v46;
	v34 =	vcvt.s32.f32 v28;
	v43 =	vld.idx.msk [tilespmem:v28+s12+$0x0], $0xffff  }
0x2c3: {  	v26 =	vmul.f32 $7.875000000e+00, v7;
	v35 =	vmax.f32 v10, $0.0e+00;
	v13 =	vmul.f32 v23, v41  }
0x2c4: {  	v21 =	vadd.f32 $4.000000000e+00, v21;
	v35 =	vmin.f32 v35, $6.199999620e+01;
	v25 =	vsub.f32 v58, v34;
	v28 =	vld.idx.msk [tilespmem:v28+s11+$0x0], $0xffff  }
0x2c5: {  	v38 =	vld.idx.msk [tilespmem:v12+s12+$0x0], $0xffff;
	v47 =	vtrunc.f32 v35;
	v14 =	vadd.f32 $4.000000000e+00, v37;
	v27 =	vadd.f32 v13, v27  }
0x2c6: {  	v7 =	vld [tilespmem:s23+$0x6860];
	v40 =	vcvt.s32.f32 v12;
	v42 =	vmax.f32 v26, $0.0e+00;
	v50 =	vcvt.f32.s32 v47  }
0x2c7: {  	v48 =	vld.idx.msk [tilespmem:v12+s11+$0x0], $0xffff;
	v49 =	vmin.f32 v42, $6.199999620e+01;
	v14 =	vmul.f32 $7.875000000e+00, v14;
	v25 =	vmul.f32 v25, v43;
	[tilespmem:s26+$0x12430] =	vst v27  }
0x2c8: {  	v57 =	vcvt.s32.f32 v32;
	v12 =	vtrunc.f32 v49;
	v51 =	vsub.f32 v31, v40;
	v54 =	vld.idx.msk [tilespmem:v32+s12+$0x0], $0xffff  }
0x2c9: {  	v52 =	vcvt.f32.s32 v12;
	v20 =	vld [tilespmem:s26+$0x6460];
	v58 =	vmax.f32 v14, $0.0e+00;
	v25 =	vadd.f32 v25, v28  }
0x2ca: {  	v2 =	vmul.f32 $7.875000000e+00, v2;
	v31 =	vmin.f32 v58, $6.199999620e+01;
	v23 =	vmul.f32 v51, v38;
	v32 =	vld.idx.msk [tilespmem:v32+s11+$0x0], $0xffff  }
0x2cb: {  	v17 =	vld [tilespmem:s24+$0x6800];
	v21 =	vmul.f32 $7.875000000e+00, v21;
	v22 =	vsub.f32 v39, v57;
	v62 =	vtrunc.f32 v31;
	[tilespmem:s24+$0x12440] =	vst v25  }
0x2cc: {  	v33 =	vcvt.s32.f32 v50;
	v29 =	vcvt.f32.s32 v62;
	v53 =	vadd.f32 v23, v48;
	v56 =	vld.idx.msk [tilespmem:v50+s12+$0x0], $0xffff  }
0x2cd: {  	v1 =	vmul.f32 $7.875000000e+00, v1;
	v11 =	vld [tilespmem:s24+$0x6470];
	v59 =	vmax.f32 v21, $0.0e+00;
	v22 =	vmul.f32 v22, v54  }
0x2ce: {  	v0 =	vmul.f32 $7.875000000e+00, v0;
	v61 =	vmin.f32 v59, $6.199999620e+01;
	v10 =	vsub.f32 v10, v33;
	v60 =	vld.idx.msk [tilespmem:v50+s11+$0x0], $0xffff;
	[tilespmem:s23+$0x12460] =	vst v53  }
0x2cf: {  	v24 =	vtrunc.f32 v61;
	v40 =	vadd.f32 $4.000000000e+00, v20;
	v63 =	vld.idx.msk [tilespmem:v52+s12+$0x0], $0xffff;
	v22 =	vadd.f32 v22, v32  }
0x2d0: {  	v7 =	vadd.f32 $4.000000000e+00, v7;
	v16 =	vld [tilespmem:s24+$0x6810];
	v24 =	vcvt.f32.s32 v24;
	v55 =	vcvt.s32.f32 v52  }
0x2d1: {  	v41 =	vmul.f32 $7.875000000e+00, v40;
	v37 =	vld.idx.msk [tilespmem:v52+s11+$0x0], $0xffff;
	v10 =	vmul.f32 v10, v56;
	[tilespmem:s26+$0x12440] =	vst v22  }
0x2d2: {  	v7 =	vmul.f32 $7.875000000e+00, v7;
	v11 =	vadd.f32 $4.000000000e+00, v11;
	v25 =	vsub.f32 v26, v55;
	v43 =	vld.idx.msk [tilespmem:v29+s12+$0x0], $0xffff  }
0x2d3: {  	v18 =	vld [tilespmem:s26+$0x6470];
	v46 =	vcvt.s32.f32 v29;
	v47 =	vmax.f32 v41, $0.0e+00;
	v10 =	vadd.f32 v10, v60  }
0x2d4: {  	v17 =	vadd.f32 $4.000000000e+00, v17;
	v30 =	vmin.f32 v47, $6.199999620e+01;
	v25 =	vmul.f32 v25, v63;
	v29 =	vld.idx.msk [tilespmem:v29+s11+$0x0], $0xffff  }
0x2d5: {  	v15 =	vld [tilespmem:s26+$0x6810];
	v42 =	vmul.f32 $7.875000000e+00, v11;
	v14 =	vsub.f32 v14, v46;
	v50 =	vtrunc.f32 v30;
	[tilespmem:s24+$0x12450] =	vst v10  }
0x2d6: {  	v48 =	vcvt.s32.f32 v24;
	v44 =	vadd.f32 v25, v37;
	v45 =	vld.idx.msk [tilespmem:v24+s12+$0x0], $0xffff;
	v25 =	vcvt.f32.s32 v50  }
0x2d7: {  	v16 =	vadd.f32 $4.000000000e+00, v16;
	v11 =	vld [tilespmem:s24+$0x6860];
	v49 =	vmax.f32 v42, $0.0e+00;
	v10 =	vmul.f32 v14, v43  }
0x2d8: {  	v27 =	vmul.f32 $7.875000000e+00, v6;
	v21 =	vsub.f32 v21, v48;
	v24 =	vld.idx.msk [tilespmem:v24+s11+$0x0], $0xffff;
	v32 =	vmin.f32 v49, $6.199999620e+01  }
0x2d9: {  	v54 =	vadd.f32 $4.000000000e+00, v18;
	v51 =	vtrunc.f32 v32;
	v29 =	vadd.f32 v10, v29  }
0x2da: {  	v16 =	vmul.f32 $7.875000000e+00, v16;
	v15 =	vadd.f32 $4.000000000e+00, v15;
	v53 =	vcvt.f32.s32 v51  }
0x2db: {  	v12 =	vld [tilespmem:s23+$0x6850];
	v36 =	vmax.f32 v27, $0.0e+00;
	v23 =	vmul.f32 $7.875000000e+00, v54;
	v21 =	vmul.f32 v21, v45;
	[tilespmem:s26+$0x12450] =	vst v29  }
0x2dc: {  	v15 =	vmul.f32 $7.875000000e+00, v15;
	v11 =	vadd.f32 $4.000000000e+00, v11;
	v38 =	vmin.f32 v36, $6.199999620e+01;
	v56 =	vld.idx.msk [tilespmem:v25+s12+$0x0], $0xffff  }
0x2dd: {  	v19 =	vld [tilespmem:s26+$0x6800];
	v58 =	vcvt.s32.f32 v25;
	v59 =	vmax.f32 v23, $0.0e+00;
	v21 =	vadd.f32 v21, v24  }
0x2de: {  	v55 =	vmul.f32 $7.875000000e+00, v17;
	v39 =	vtrunc.f32 v38;
	v33 =	vmin.f32 v59, $6.199999620e+01;
	v25 =	vld.idx.msk [tilespmem:v25+s11+$0x0], $0xffff  }
0x2df: {  	v9 =	vld [tilespmem:s23+$0x6870];
	v26 =	vcvt.f32.s32 v39;
	v22 =	vsub.f32 v41, v58;
	v62 =	vtrunc.f32 v33;
	[tilespmem:s24+$0x12460] =	vst v21  }
0x2e0: {  	v12 =	vadd.f32 $4.000000000e+00, v12;
	v61 =	vmax.f32 v55, $0.0e+00;
	v32 =	vcvt.f32.s32 v62;
	v21 =	vld.idx.msk [tilespmem:v53+s12+$0x0], $0xffff  }
0x2e1: {  	v20 =	vld [tilespmem:s23+$0x6830];
	v35 =	vmin.f32 v61, $6.199999620e+01;
	v60 =	vcvt.s32.f32 v53;
	v22 =	vmul.f32 v22, v56  }
0x2e2: {  	v11 =	vmul.f32 $7.875000000e+00, v11;
	v36 =	vtrunc.f32 v35;
	v39 =	vadd.f32 $4.000000000e+00, v19;
	v31 =	vld.idx.msk [tilespmem:v53+s11+$0x0], $0xffff  }
0x2e3: {  	v17 =	vld [tilespmem:s26+$0x6850];
	v34 =	vcvt.f32.s32 v36;
	v28 =	vsub.f32 v42, v60;
	v22 =	vadd.f32 v22, v25  }
0x2e4: {  	v63 =	vld [tilespmem:s23+$0x6820];
	[tilespmem:s23+$0x12470] =	vst v44;
	v41 =	vmul.f32 $7.875000000e+00, v39;
	v24 =	vmul.f32 $7.875000000e+00, v3  }
0x2e5: {  	v12 =	vmul.f32 $7.875000000e+00, v12;
	v9 =	vadd.f32 $4.000000000e+00, v9;
	v52 =	vld.idx.msk [tilespmem:v26+s12+$0x0], $0xffff;
	v21 =	vmul.f32 v28, v21;
	[tilespmem:s26+$0x12460] =	vst v22  }
0x2e6: {  	v57 =	vcvt.s32.f32 v26;
	v46 =	vmax.f32 v41, $0.0e+00;
	v37 =	vmax.f32 v24, $0.0e+00;
	v43 =	vld.idx.msk [tilespmem:v32+s12+$0x0], $0xffff  }
0x2e7: {  	v26 =	vld.idx.msk [tilespmem:v26+s11+$0x0], $0xffff;
	v45 =	vcvt.s32.f32 v32;
	v38 =	vmin.f32 v37, $6.199999620e+01;
	v21 =	vadd.f32 v21, v31  }
0x2e8: {  	v27 =	vsub.f32 v27, v57;
	v40 =	vtrunc.f32 v38;
	v31 =	vmin.f32 v46, $6.199999620e+01;
	v32 =	vld.idx.msk [tilespmem:v32+s11+$0x0], $0xffff  }
0x2e9: {  	v23 =	vsub.f32 v23, v45;
	v31 =	vtrunc.f32 v31;
	[tilespmem:s24+$0x12470] =	vst v21;
	v25 =	vcvt.f32.s32 v40  }
0x2ea: {  	v20 =	vadd.f32 $4.000000000e+00, v20;
	v27 =	vmul.f32 v27, v52;
	v31 =	vcvt.f32.s32 v31;
	v44 =	vld.idx.msk [tilespmem:v34+s12+$0x0], $0xffff  }
0x2eb: {  	v13 =	vld [tilespmem:s23+$0x6840];
	v17 =	vadd.f32 $4.000000000e+00, v17;
	v47 =	vcvt.s32.f32 v34;
	v21 =	vmul.f32 v23, v43  }
0x2ec: {  	v9 =	vmul.f32 $7.875000000e+00, v9;
	v33 =	vadd.f32 $4.000000000e+00, v63;
	v42 =	vadd.f32 v27, v26;
	v50 =	vld.idx.msk [tilespmem:v34+s11+$0x0], $0xffff  }
0x2ed: {  	v20 =	vmul.f32 $7.875000000e+00, v20;
	v36 =	vld [tilespmem:s26+$0x6820];
	v29 =	vsub.f32 v55, v47;
	v21 =	vadd.f32 v21, v32  }
0x2ee: {  	v48 =	vmax.f32 v16, $0.0e+00;
	v17 =	vmul.f32 $7.875000000e+00, v17;
	v57 =	vld [tilespmem:s24+$0x6820];
	v49 =	vmul.f32 $7.875000000e+00, v33;
	[tilespmem:s23+$0x12800] =	vst v42  }
0x2ef: {  	v62 =	vmax.f32 v15, $0.0e+00;
	v27 =	vmin.f32 v48, $6.199999620e+01;
	v26 =	vmul.f32 v29, v44;
	v51 =	vld.idx.msk [tilespmem:v25+s12+$0x0], $0xffff;
	[tilespmem:s26+$0x12470] =	vst v21  }
0x2f0: {  	v54 =	vmax.f32 v49, $0.0e+00;
	v27 =	vtrunc.f32 v27;
	v53 =	vcvt.s32.f32 v25;
	v58 =	vld.idx.msk [tilespmem:v31+s12+$0x0], $0xffff  }
0x2f1: {  	v27 =	vcvt.f32.s32 v27;
	v59 =	vcvt.s32.f32 v31;
	v25 =	vld.idx.msk [tilespmem:v25+s11+$0x0], $0xffff;
	v26 =	vadd.f32 v26, v50  }
0x2f2: {  	[tilespmem:s22+$0x12830] =	vst v8;
	v18 =	vld [tilespmem:s24+$0x6840];
	v55 =	vcvt.s32.f32 v5;
	v24 =	vsub.f32 v24, v53;
	v29 =	vmin.f32 v54, $6.199999620e+01  }
0x2f3: {  	v29 =	vtrunc.f32 v29;
	[tilespmem:s24+$0x12800] =	vst v26;
	v26 =	vsub.f32 v41, v59;
	v32 =	vmin.f32 v62, $6.199999620e+01;
	v31 =	vld.idx.msk [tilespmem:v31+s11+$0x0], $0xffff  }
0x2f4: {  	v52 =	vld.idx.msk [tilespmem:v5+s12+$0x0], $0xffff;
	v8 =	vmul.f32 v24, v51;
	v37 =	vtrunc.f32 v32;
	v21 =	vadd.f32 $4.000000000e+00, v57  }
0x2f5: {  	v13 =	vadd.f32 $4.000000000e+00, v13;
	v42 =	vld.idx.msk [tilespmem:v5+s11+$0x0], $0xffff;
	v35 =	vmul.f32 v26, v58;
	v26 =	vcvt.f32.s32 v37  }
0x2f6: {  	v28 =	vld [tilespmem:s24+$0x6830];
	v29 =	vcvt.f32.s32 v29;
	v8 =	vadd.f32 v8, v25;
	v21 =	vmul.f32 $7.875000000e+00, v21  }
0x2f7: {  	v13 =	vmul.f32 $7.875000000e+00, v13;
	v4 =	vsub.f32 v4, v55;
	v63 =	vcvt.s32.f32 v27;
	v60 =	vld.idx.msk [tilespmem:v27+s12+$0x0], $0xffff  }
0x2f8: {  	v24 =	vadd.f32 $4.000000000e+00, v36;
	[tilespmem:s23+$0x12810] =	vst v8;
	v40 =	vmax.f32 v21, $0.0e+00;
	v8 =	vadd.f32 v35, v31  }
0x2f9: {  	v18 =	vadd.f32 $4.000000000e+00, v18;
	v4 =	vmul.f32 v4, v52;
	v39 =	vld.idx.msk [tilespmem:v27+s11+$0x0], $0xffff;
	v23 =	vmin.f32 v40, $6.199999620e+01  }
0x2fa: {  	v16 =	vsub.f32 v16, v63;
	v56 =	vld [tilespmem:s26+$0x6830];
	v24 =	vmul.f32 $7.875000000e+00, v24;
	v23 =	vtrunc.f32 v23;
	[tilespmem:s26+$0x12800] =	vst v8  }
0x2fb: {  	v4 =	vadd.f32 v4, v42;
	v28 =	vadd.f32 $4.000000000e+00, v28;
	v23 =	vcvt.f32.s32 v23;
	v45 =	vld.idx.msk [tilespmem:v26+s12+$0x0], $0xffff  }
0x2fc: {  	v16 =	vmul.f32 v16, v60;
	v47 =	vmax.f32 v24, $0.0e+00;
	v38 =	vld.idx.msk [tilespmem:v29+s12+$0x0], $0xffff;
	v46 =	vcvt.s32.f32 v26  }
0x2fd: {  	v28 =	vmul.f32 $7.875000000e+00, v28;
	v61 =	vcvt.s32.f32 v29;
	v25 =	vmin.f32 v47, $6.199999620e+01;
	v26 =	vld.idx.msk [tilespmem:v26+s11+$0x0], $0xffff  }
0x2fe: {  	v29 =	vld.idx.msk [tilespmem:v29+s11+$0x0], $0xffff;
	v44 =	vadd.f32 v16, v39;
	v25 =	vtrunc.f32 v25;
	v15 =	vsub.f32 v15, v46  }
0x2ff: {  	v55 =	vadd.f32 $4.000000000e+00, v56;
	v22 =	vsub.f32 v49, v61;
	v48 =	vcvt.f32.s32 v25  }
0x300: {  	v53 =	vmax.f32 v28, $0.0e+00;
	v43 =	vmax.f32 v20, $0.0e+00;
	[tilespmem:s24+$0x12810] =	vst v44;
	v15 =	vmul.f32 v15, v45  }
0x301: {  	v41 =	vmax.f32 v2, $0.0e+00;
	v30 =	vmin.f32 v43, $6.199999620e+01;
	v22 =	vmul.f32 v22, v38;
	v51 =	vld.idx.msk [tilespmem:v23+s12+$0x0], $0xffff  }
0x302: {  	v30 =	vtrunc.f32 v30;
	v52 =	vcvt.s32.f32 v23;
	v15 =	vadd.f32 v15, v26  }
0x303: {  	v49 =	vcvt.f32.s32 v30;
	v50 =	vadd.f32 v22, v29;
	v29 =	vmin.f32 v53, $6.199999620e+01;
	v23 =	vld.idx.msk [tilespmem:v23+s11+$0x0], $0xffff  }
0x304: {  	v14 =	vld [tilespmem:s24+$0x6850];
	v60 =	vmul.f32 $7.875000000e+00, v55;
	v56 =	vsub.f32 v21, v52;
	v58 =	vtrunc.f32 v29;
	[tilespmem:s26+$0x12810] =	vst v15  }
0x305: {  	v33 =	vmax.f32 v13, $0.0e+00;
	v27 =	vmin.f32 v41, $6.199999620e+01;
	v25 =	vcvt.f32.s32 v58;
	v61 =	vld.idx.msk [tilespmem:v48+s12+$0x0], $0xffff  }
0x306: {  	v19 =	vld [tilespmem:s26+$0x6840];
	[tilespmem:s22+$0x12840] =	vst v4;
	v30 =	vmax.f32 v60, $0.0e+00;
	v62 =	vcvt.s32.f32 v48;
	v4 =	vmul.f32 v56, v51  }
0x307: {  	v27 =	vtrunc.f32 v27;
	v57 =	vcvt.s32.f32 v49;
	v21 =	vmin.f32 v30, $6.199999620e+01;
	v8 =	vld.idx.msk [tilespmem:v48+s11+$0x0], $0xffff  }
0x308: {  	v22 =	vsub.f32 v24, v62;
	v21 =	vtrunc.f32 v21;
	v4 =	vadd.f32 v4, v23  }
0x309: {  	v6 =	vld [tilespmem:s24+$0x6870];
	v14 =	vadd.f32 $4.000000000e+00, v14;
	v39 =	vmul.f32 $7.875000000e+00, v18;
	[tilespmem:s23+$0x12820] =	vst v50;
	v21 =	vcvt.f32.s32 v21  }
0x30a: {  	v34 =	vmin.f32 v33, $6.199999620e+01;
	v27 =	vcvt.f32.s32 v27;
	v63 =	vld.idx.msk [tilespmem:v49+s12+$0x0], $0xffff;
	[tilespmem:s24+$0x12820] =	vst v4;
	v16 =	vmul.f32 v22, v61  }
0x30b: {  	v20 =	vsub.f32 v20, v57;
	v40 =	vadd.f32 $4.000000000e+00, v19;
	v44 =	vmax.f32 v39, $0.0e+00;
	v35 =	vld.idx.msk [tilespmem:v25+s12+$0x0], $0xffff  }
0x30c: {  	v31 =	vmax.f32 v1, $0.0e+00;
	v5 =	vld.idx.msk [tilespmem:v49+s11+$0x0], $0xffff;
	v36 =	vcvt.s32.f32 v25;
	v8 =	vadd.f32 v16, v8  }
0x30d: {  	v18 =	vmul.f32 $7.875000000e+00, v40;
	v23 =	vmin.f32 v31, $6.199999620e+01;
	v15 =	vtrunc.f32 v34;
	v38 =	vld.idx.msk [tilespmem:v25+s11+$0x0], $0xffff  }
0x30e: {  	v3 =	vld [tilespmem:s26+$0x6860];
	v32 =	vtrunc.f32 v23;
	v23 =	vsub.f32 v28, v36;
	v15 =	vcvt.f32.s32 v15;
	[tilespmem:s26+$0x12820] =	vst v8  }
0x30f: {  	v47 =	vmax.f32 v18, $0.0e+00;
	v42 =	vcvt.s32.f32 v21;
	v20 =	vmul.f32 v20, v63;
	v41 =	vld.idx.msk [tilespmem:v21+s12+$0x0], $0xffff  }
0x310: {  	v49 =	vmin.f32 v47, $6.199999620e+01;
	v22 =	vmul.f32 v23, v35;
	v23 =	vmin.f32 v44, $6.199999620e+01  }
0x311: {  	v5 =	vadd.f32 v20, v5;
	v25 =	vsub.f32 v60, v42;
	v46 =	vtrunc.f32 v23;
	v21 =	vld.idx.msk [tilespmem:v21+s11+$0x0], $0xffff  }
0x312: {  	v59 =	vld.idx.msk [tilespmem:v27+s12+$0x0], $0xffff;
	v48 =	vadd.f32 v22, v38;
	v20 =	vcvt.f32.s32 v46;
	v22 =	vtrunc.f32 v49  }
0x313: {  	v6 =	vadd.f32 $4.000000000e+00, v6;
	v54 =	vcvt.s32.f32 v27;
	v52 =	vld.idx.msk [tilespmem:v27+s11+$0x0], $0xffff;
	[tilespmem:s23+$0x12830] =	vst v5;
	v22 =	vcvt.f32.s32 v22  }
0x314: {  	v3 =	vadd.f32 $4.000000000e+00, v3;
	v14 =	vmul.f32 $7.875000000e+00, v14;
	v50 =	vld.idx.msk [tilespmem:v15+s12+$0x0], $0xffff;
	v19 =	vmul.f32 v25, v41  }
0x315: {  	v57 =	vmax.f32 v17, $0.0e+00;
	v2 =	vsub.f32 v2, v54;
	v43 =	vcvt.s32.f32 v15  }
0x316: {  	v54 =	vmax.f32 v14, $0.0e+00;
	v51 =	vmax.f32 v12, $0.0e+00;
	v15 =	vld.idx.msk [tilespmem:v15+s11+$0x0], $0xffff;
	v19 =	vadd.f32 v19, v21  }
0x317: {  	v10 =	vld [tilespmem:s26+$0x6870];
	v2 =	vmul.f32 v2, v59;
	v24 =	vmin.f32 v51, $6.199999620e+01;
	v13 =	vsub.f32 v13, v43;
	[tilespmem:s24+$0x12830] =	vst v48  }
0x318: {  	v55 =	vmin.f32 v54, $6.199999620e+01;
	v24 =	vtrunc.f32 v24;
	v53 =	vcvt.s32.f32 v20;
	v5 =	vld.idx.msk [tilespmem:v20+s12+$0x0], $0xffff;
	[tilespmem:s26+$0x12830] =	vst v19  }
0x319: {  	v2 =	vadd.f32 v2, v52;
	v4 =	vcvt.f32.s32 v32;
	v13 =	vmul.f32 v13, v50;
	v19 =	vld.idx.msk [tilespmem:v22+s12+$0x0], $0xffff  }
0x31a: {  	v24 =	vcvt.f32.s32 v24;
	v56 =	vcvt.s32.f32 v22;
	v8 =	vsub.f32 v39, v53;
	v20 =	vld.idx.msk [tilespmem:v20+s11+$0x0], $0xffff  }
0x31b: {  	v13 =	vadd.f32 v13, v15;
	v15 =	vtrunc.f32 v55;
	v25 =	vmin.f32 v57, $6.199999620e+01;
	v22 =	vld.idx.msk [tilespmem:v22+s11+$0x0], $0xffff  }
0x31c: {  	v18 =	vsub.f32 v18, v56;
	v15 =	vcvt.f32.s32 v15;
	v25 =	vtrunc.f32 v25  }
0x31d: {  	v10 =	vadd.f32 $4.000000000e+00, v10;
	v60 =	vcvt.f32.s32 v25;
	v5 =	vmul.f32 v8, v5  }
0x31e: {  	v6 =	vmul.f32 $7.875000000e+00, v6;
	[tilespmem:s22+$0x12850] =	vst v2;
	v63 =	vmul.f32 v18, v19  }
0x31f: {  	v3 =	vmul.f32 $7.875000000e+00, v3;
	v10 =	vmul.f32 $7.875000000e+00, v10;
	v27 =	vld.idx.msk [tilespmem:v4+s12+$0x0], $0xffff;
	[tilespmem:s23+$0x12840] =	vst v13;
	v5 =	vadd.f32 v5, v20  }
0x320: {  	v37 =	vmax.f32 v0, $0.0e+00;
	v62 =	vmax.f32 v7, $0.0e+00;
	v59 =	vld.idx.msk [tilespmem:v24+s12+$0x0], $0xffff;
	v13 =	vadd.f32 v63, v22  }
0x321: {  	v29 =	vmax.f32 v11, $0.0e+00;
	v32 =	vmax.f32 v3, $0.0e+00;
	v58 =	vcvt.s32.f32 v24;
	v61 =	vld.idx.msk [tilespmem:v24+s11+$0x0], $0xffff;
	[tilespmem:s24+$0x12840] =	vst v5  }
0x322: {  	v34 =	vmin.f32 v32, $6.199999620e+01;
	v45 =	vcvt.s32.f32 v4;
	v24 =	vmin.f32 v62, $6.199999620e+01;
	v5 =	vld.idx.msk [tilespmem:v15+s12+$0x0], $0xffff;
	[tilespmem:s26+$0x12840] =	vst v13  }
0x323: {  	v12 =	vsub.f32 v12, v58;
	v28 =	vcvt.s32.f32 v15;
	v25 =	vtrunc.f32 v24;
	v30 =	vld.idx.msk [tilespmem:v60+s12+$0x0], $0xffff  }
0x324: {  	v2 =	vcvt.f32.s32 v25;
	v31 =	vcvt.s32.f32 v60;
	v15 =	vld.idx.msk [tilespmem:v15+s11+$0x0], $0xffff;
	v19 =	vmin.f32 v29, $6.199999620e+01  }
0x325: {  	v12 =	vmul.f32 v12, v59;
	v33 =	vtrunc.f32 v19;
	v13 =	vsub.f32 v14, v28;
	v8 =	vld.idx.msk [tilespmem:v60+s11+$0x0], $0xffff  }
0x326: {  	v17 =	vsub.f32 v17, v31;
	v19 =	vtrunc.f32 v34;
	v14 =	vcvt.f32.s32 v33  }
0x327: {  	v4 =	vld.idx.msk [tilespmem:v4+s11+$0x0], $0xffff;
	v12 =	vadd.f32 v12, v61;
	v35 =	vcvt.f32.s32 v19;
	v5 =	vmul.f32 v13, v5  }
0x328: {  	v1 =	vsub.f32 v1, v45;
	v44 =	vmax.f32 v10, $0.0e+00;
	v17 =	vmul.f32 v17, v30  }
0x329: {  	v16 =	vmin.f32 v37, $6.199999620e+01;
	v37 =	vmax.f32 v9, $0.0e+00;
	[tilespmem:s23+$0x12850] =	vst v12;
	v5 =	vadd.f32 v5, v15  }
0x32a: {  	v16 =	vtrunc.f32 v16;
	v1 =	vmul.f32 v1, v27;
	v36 =	vld.idx.msk [tilespmem:v2+s12+$0x0], $0xffff;
	v8 =	vadd.f32 v17, v8  }
0x32b: {  	v46 =	vmin.f32 v44, $6.199999620e+01;
	v16 =	vcvt.f32.s32 v16;
	v38 =	vcvt.s32.f32 v2;
	v2 =	vld.idx.msk [tilespmem:v2+s11+$0x0], $0xffff;
	[tilespmem:s24+$0x12850] =	vst v5  }
0x32c: {  	v39 =	vmin.f32 v37, $6.199999620e+01;
	v1 =	vadd.f32 v1, v4;
	v41 =	vmax.f32 v6, $0.0e+00;
	v5 =	vld.idx.msk [tilespmem:v14+s12+$0x0], $0xffff;
	[tilespmem:s26+$0x12850] =	vst v8  }
0x32d: {  	v7 =	vsub.f32 v7, v38;
	v42 =	vcvt.s32.f32 v14;
	v15 =	vtrunc.f32 v39;
	v43 =	vld.idx.msk [tilespmem:v35+s12+$0x0], $0xffff  }
0x32e: {  	v45 =	vcvt.s32.f32 v35;
	v40 =	vcvt.f32.s32 v15;
	v14 =	vld.idx.msk [tilespmem:v14+s11+$0x0], $0xffff;
	v8 =	vmin.f32 v41, $6.199999620e+01  }
0x32f: {  	v7 =	vmul.f32 v7, v36;
	v11 =	vsub.f32 v11, v42;
	v8 =	vtrunc.f32 v8;
	v12 =	vld.idx.msk [tilespmem:v35+s11+$0x0], $0xffff  }
0x330: {  	v3 =	vsub.f32 v3, v45;
	v13 =	vtrunc.f32 v46;
	v8 =	vcvt.f32.s32 v8  }
0x331: {  	[tilespmem:s22+$0x12860] =	vst v1;
	v49 =	vcvt.f32.s32 v13;
	v47 =	vadd.f32 v7, v2;
	v48 =	vmul.f32 v11, v5  }
0x332: {  	v50 =	vld.idx.msk [tilespmem:v16+s12+$0x0], $0xffff;
	v3 =	vmul.f32 v3, v43  }
0x333: {  	v51 =	vld.idx.msk [tilespmem:v16+s11+$0x0], $0xffff;
	[tilespmem:s23+$0x12860] =	vst v47;
	v52 =	vadd.f32 v48, v14  }
0x334: {  	v53 =	vld.idx.msk [tilespmem:v40+s12+$0x0], $0xffff;
	v3 =	vadd.f32 v3, v12  }
0x335: {  	v54 =	vcvt.s32.f32 v16;
	v55 =	vld.idx.msk [tilespmem:v40+s11+$0x0], $0xffff;
	[tilespmem:s24+$0x12860] =	vst v52  }
0x336: {  	v56 =	vcvt.s32.f32 v40;
	v57 =	vld.idx.msk [tilespmem:v8+s12+$0x0], $0xffff;
	[tilespmem:s26+$0x12860] =	vst v3  }
0x337: {  	v0 =	vsub.f32 v0, v54;
	v58 =	vcvt.s32.f32 v8;
	v59 =	vld.idx.msk [tilespmem:v49+s12+$0x0], $0xffff  }
0x338: {  	v60 =	vcvt.s32.f32 v49;
	v1 =	vsub.f32 v9, v56;
	v8 =	vld.idx.msk [tilespmem:v8+s11+$0x0], $0xffff  }
0x339: {  	v0 =	vmul.f32 v0, v50;
	v3 =	vsub.f32 v6, v58;
	v5 =	vld.idx.msk [tilespmem:v49+s11+$0x0], $0xffff  }
0x33a: {  	v61 =	vsub.f32 v10, v60;
	v1 =	vmul.f32 v1, v53  }
0x33b: {  	s25 =	smul.u32 $0x24000, s25;
	v0 =	vadd.f32 v0, v51;
	v3 =	vmul.f32 v3, v57  }
0x33c: {  	s21 =	smul.u32 $0x6000, s21;
	v1 =	vadd.f32 v1, v55;
	v2 =	vmul.f32 v61, v59  }
.Ltmp6:
0x33d: {  	[tilespmem:s22+$0x12870] =	vst v0;
	v62 =	vadd.f32 v3, v8;
	(pc) =	sbr.rel .LBB2_9-.Ltmp6, $4  }
0x33e: {  	s21 =	sadd.s32 s21, s25;
	[tilespmem:s23+$0x12870] =	vst v1;
	v63 =	vadd.f32 v2, v5  }
0x33f: {  	s21 =	sshrl.u32 s21, $0x3;
	[tilespmem:s24+$0x12870] =	vst v62  }
0x340: {  	s21 =	sadd.s32 s3, s21;
	[tilespmem:s26+$0x12870] =	vst v63  }
0x341: {  	[hbm4b:s21+s4] =	stream.linear.scatter [tilespmem:s13], [sflag:$0x4], $0x6000, $0x38;
	[tilespmem:$0x18100] =	vst v63  }
.LBB2_3:
0x342: {  	s22 =	sor.u32 $0x1, s20  }
0x343: {  	s23 =	sand.u32 $0xFF, s22  }
0x344: {  	s23 =	smul.u32 $0xAB, s23;
	_ =	sdelay $0x1  }
0x345: {  	s23 =	sshrl.u32 s23, $0xA  }
0x346: {  	s23 =	smul.u32 $0x6, s23;
	_ =	sdelay $0x1  }
0x347: {  	s24 =	sadd.s32 s25, s7;
	s23 =	ssub.s32 s22, s23  }
0x348: {  	s22 =	smul.u32 $0x24000, s24;
	s23 =	sand.u32 $0xFF, s23  }
0x349: {  	s23 =	smul.u32 $0x6000, s23;
	_ =	sdelay $0x1  }
0x34a: {  	s23 =	sadd.s32 s23, s22  }
0x34b: {  	s23 =	sshrl.u32 s23, $0x3  }
0x34c: {  	s23 =	sadd.s32 s1, s23  }
0x34d: {  	[tilespmem:s16], [sflag:$0x2] =	stream.linear.gather [hbm4b:s23+s4], $0x6000, $0x38;
	[tilespmem:$0x18100] =	vst v63  }
0x34e: {  	_ =	swait.ge [sflag:s17], $0x6000  }
0x34f: {  	p0 =	slt.u32 s20, $0x2;
	[sflag:s17] =	ssyncset.done $0x0  }
0x350: {  	s30 =	simm.s32 $0x0;
	s23 =	simm.s32 @!p0 $0x3;
	[sflag:s17] =	ssyncadd.s32 $0xFFFFA000  }
0x351: {  	s31 =	simm.s32 $0x0;
	s24 =	smul.u32 $0xC00, s30;
	_ =	swait.ge @!p0 [sflag:s23], $0x6000  }
0x352: {  	s25 =	sand.u32 $0x380, s31;
	[sflag:s23] =	ssyncset.done @!p0 $0x0  }
0x353: {  	[sflag:s23] =	ssyncadd.s32 @!p0 $0xFFFFA000;
	s23 =	sor.u32 s25, s24  }
0x354: {  	v0 =	vld [tilespmem:s23+$0x0];
	_ =	sdelay $0x4  }
0x355: {  	v0 =	vadd.f32 $4.000000000e+00, v0;
	_ =	sdelay $0x1  }
0x356: {  	v0 =	vmul.f32 $7.875000000e+00, v0;
	_ =	sdelay $0x1  }
0x357: {  	v1 =	vmax.f32 v0, $0.0e+00  }
0x358: {  	v2 =	vld [tilespmem:s23+$0x10];
	v1 =	vmin.f32 v1, $6.199999620e+01  }
0x359: {  	v1 =	vtrunc.f32 v1  }
0x35a: {  	v1 =	vcvt.f32.s32 v1;
	_ =	sdelay $0x2  }
0x35b: {  	v2 =	vadd.f32 $4.000000000e+00, v2;
	_ =	sdelay $0x1  }
0x35c: {  	v2 =	vmul.f32 $7.875000000e+00, v2  }
0x35d: {  	v3 =	vld.idx.msk [tilespmem:v1+s12+$0x0], $0xffff  }
0x35e: {  	v4 =	vld [tilespmem:s23+$0x20];
	v5 =	vmax.f32 v2, $0.0e+00;
	v6 =	vcvt.s32.f32 v1  }
0x35f: {  	v5 =	vmin.f32 v5, $6.199999620e+01;
	v1 =	vld.idx.msk [tilespmem:v1+s11+$0x0], $0xffff  }
0x360: {  	v5 =	vtrunc.f32 v5;
	v0 =	vsub.f32 v0, v6  }
0x361: {  	v5 =	vcvt.f32.s32 v5  }
0x362: {  	v0 =	vmul.f32 v0, v3;
	_ =	sdelay $0x1  }
0x363: {  	v3 =	vadd.f32 $4.000000000e+00, v4;
	v0 =	vadd.f32 v0, v1;
	_ =	sdelay $0x1  }
0x364: {  	v3 =	vmul.f32 $7.875000000e+00, v3;
	[tilespmem:s23+$0xC000] =	vst v0  }
0x365: {  	v0 =	vld.idx.msk [tilespmem:v5+s12+$0x0], $0xffff  }
0x366: {  	v6 =	vcvt.s32.f32 v5;
	v1 =	vld [tilespmem:s23+$0x30];
	v4 =	vmax.f32 v3, $0.0e+00  }
0x367: {  	v5 =	vld.idx.msk [tilespmem:v5+s11+$0x0], $0xffff;
	v4 =	vmin.f32 v4, $6.199999620e+01  }
0x368: {  	v2 =	vsub.f32 v2, v6;
	v4 =	vtrunc.f32 v4  }
0x369: {  	v4 =	vcvt.f32.s32 v4  }
0x36a: {  	v0 =	vmul.f32 v2, v0;
	_ =	sdelay $0x1  }
0x36b: {  	v1 =	vadd.f32 $4.000000000e+00, v1;
	v0 =	vadd.f32 v0, v5;
	_ =	sdelay $0x1  }
0x36c: {  	v1 =	vmul.f32 $7.875000000e+00, v1;
	[tilespmem:s23+$0xC010] =	vst v0  }
0x36d: {  	v0 =	vld.idx.msk [tilespmem:v4+s12+$0x0], $0xffff  }
0x36e: {  	v6 =	vcvt.s32.f32 v4;
	v2 =	vmax.f32 v1, $0.0e+00;
	v5 =	vld [tilespmem:s23+$0x40]  }
0x36f: {  	v2 =	vmin.f32 v2, $6.199999620e+01;
	v4 =	vld.idx.msk [tilespmem:v4+s11+$0x0], $0xffff  }
0x370: {  	v3 =	vsub.f32 v3, v6;
	v2 =	vtrunc.f32 v2  }
0x371: {  	v2 =	vcvt.f32.s32 v2  }
0x372: {  	v0 =	vmul.f32 v3, v0;
	_ =	sdelay $0x1  }
0x373: {  	v3 =	vadd.f32 $4.000000000e+00, v5;
	v0 =	vadd.f32 v0, v4;
	_ =	sdelay $0x1  }
0x374: {  	v3 =	vmul.f32 $7.875000000e+00, v3;
	[tilespmem:s23+$0xC020] =	vst v0  }
0x375: {  	v0 =	vld.idx.msk [tilespmem:v2+s12+$0x0], $0xffff  }
0x376: {  	v6 =	vcvt.s32.f32 v2;
	v5 =	vld [tilespmem:s23+$0x50];
	v4 =	vmax.f32 v3, $0.0e+00  }
0x377: {  	v2 =	vld.idx.msk [tilespmem:v2+s11+$0x0], $0xffff;
	v4 =	vmin.f32 v4, $6.199999620e+01  }
0x378: {  	v1 =	vsub.f32 v1, v6;
	v4 =	vtrunc.f32 v4  }
0x379: {  	v4 =	vcvt.f32.s32 v4  }
0x37a: {  	v0 =	vmul.f32 v1, v0;
	_ =	sdelay $0x1  }
0x37b: {  	v5 =	vadd.f32 $4.000000000e+00, v5;
	v0 =	vadd.f32 v0, v2;
	_ =	sdelay $0x1  }
0x37c: {  	v5 =	vmul.f32 $7.875000000e+00, v5;
	[tilespmem:s23+$0xC030] =	vst v0  }
0x37d: {  	v0 =	vld.idx.msk [tilespmem:v4+s12+$0x0], $0xffff  }
0x37e: {  	v7 =	vld [tilespmem:s23+$0x60];
	v6 =	vmax.f32 v5, $0.0e+00;
	v8 =	vcvt.s32.f32 v4  }
0x37f: {  	v6 =	vmin.f32 v6, $6.199999620e+01;
	v4 =	vld.idx.msk [tilespmem:v4+s11+$0x0], $0xffff  }
0x380: {  	v3 =	vsub.f32 v3, v8;
	v6 =	vtrunc.f32 v6  }
0x381: {  	v6 =	vcvt.f32.s32 v6  }
0x382: {  	v0 =	vmul.f32 v3, v0;
	_ =	sdelay $0x1  }
0x383: {  	v3 =	vadd.f32 $4.000000000e+00, v7;
	v0 =	vadd.f32 v0, v4;
	_ =	sdelay $0x1  }
0x384: {  	v3 =	vmul.f32 $7.875000000e+00, v3;
	[tilespmem:s23+$0xC040] =	vst v0  }
0x385: {  	v0 =	vld.idx.msk [tilespmem:v6+s12+$0x0], $0xffff  }
0x386: {  	s25 =	simm.s32 $0x0;
	v8 =	vcvt.s32.f32 v6;
	v4 =	vld [tilespmem:s23+$0x70];
	v7 =	vmax.f32 v3, $0.0e+00  }
0x387: {  	s26 =	simm.s32 $0x80;
	s24 =	smul.u32 $0xC00, s25;
	v6 =	vld.idx.msk [tilespmem:v6+s11+$0x0], $0xffff;
	v7 =	vmin.f32 v7, $6.199999620e+01  }
0x388: {  	s25 =	sand.u32 $0x380, s26;
	v5 =	vsub.f32 v5, v8;
	v7 =	vtrunc.f32 v7  }
0x389: {  	s24 =	sor.u32 s25, s24;
	v7 =	vcvt.f32.s32 v7  }
0x38a: {  	v8 =	vld [tilespmem:s24+$0x0];
	v0 =	vmul.f32 v5, v0;
	_ =	sdelay $0x1  }
0x38b: {  	v4 =	vadd.f32 $4.000000000e+00, v4;
	v0 =	vadd.f32 v0, v6;
	_ =	sdelay $0x1  }
0x38c: {  	v4 =	vmul.f32 $7.875000000e+00, v4;
	[tilespmem:s23+$0xC050] =	vst v0  }
0x38d: {  	v0 =	vadd.f32 $4.000000000e+00, v8;
	v5 =	vld.idx.msk [tilespmem:v7+s12+$0x0], $0xffff  }
0x38e: {  	v2 =	vld [tilespmem:s23+$0x400];
	v6 =	vmax.f32 v4, $0.0e+00;
	v8 =	vcvt.s32.f32 v7  }
0x38f: {  	v6 =	vmin.f32 v6, $6.199999620e+01;
	v7 =	vld.idx.msk [tilespmem:v7+s11+$0x0], $0xffff;
	v0 =	vmul.f32 $7.875000000e+00, v0  }
0x390: {  	v6 =	vtrunc.f32 v6;
	v3 =	vsub.f32 v3, v8  }
0x391: {  	v6 =	vcvt.f32.s32 v6;
	v8 =	vmax.f32 v0, $0.0e+00  }
0x392: {  	v9 =	vld [tilespmem:s24+$0x10];
	v8 =	vmin.f32 v8, $6.199999620e+01;
	v3 =	vmul.f32 v3, v5  }
0x393: {  	v5 =	vtrunc.f32 v8  }
0x394: {  	v2 =	vadd.f32 $4.000000000e+00, v2;
	v5 =	vcvt.f32.s32 v5;
	v3 =	vadd.f32 v3, v7;
	_ =	sdelay $0x1  }
0x395: {  	v2 =	vmul.f32 $7.875000000e+00, v2;
	[tilespmem:s23+$0xC060] =	vst v3  }
0x396: {  	v3 =	vadd.f32 $4.000000000e+00, v9;
	v7 =	vld.idx.msk [tilespmem:v6+s12+$0x0], $0xffff  }
0x397: {  	v1 =	vld [tilespmem:s23+$0x410];
	v8 =	vmax.f32 v2, $0.0e+00;
	v9 =	vcvt.s32.f32 v6  }
0x398: {  	v8 =	vmin.f32 v8, $6.199999620e+01;
	v6 =	vld.idx.msk [tilespmem:v6+s11+$0x0], $0xffff;
	v3 =	vmul.f32 $7.875000000e+00, v3  }
0x399: {  	v8 =	vtrunc.f32 v8;
	v4 =	vsub.f32 v4, v9;
	v10 =	vld.idx.msk [tilespmem:v5+s12+$0x0], $0xffff  }
0x39a: {  	v12 =	vcvt.s32.f32 v5;
	v8 =	vcvt.f32.s32 v8;
	v9 =	vld [tilespmem:s24+$0x20];
	v11 =	vmax.f32 v3, $0.0e+00  }
0x39b: {  	v5 =	vld.idx.msk [tilespmem:v5+s11+$0x0], $0xffff;
	v11 =	vmin.f32 v11, $6.199999620e+01;
	v4 =	vmul.f32 v4, v7  }
0x39c: {  	v0 =	vsub.f32 v0, v12;
	v7 =	vtrunc.f32 v11  }
0x39d: {  	v1 =	vadd.f32 $4.000000000e+00, v1;
	v7 =	vcvt.f32.s32 v7;
	v4 =	vadd.f32 v4, v6  }
0x39e: {  	v0 =	vmul.f32 v0, v10  }
0x39f: {  	v1 =	vmul.f32 $7.875000000e+00, v1;
	[tilespmem:s23+$0xC070] =	vst v4  }
0x3a0: {  	v4 =	vadd.f32 $4.000000000e+00, v9;
	v0 =	vadd.f32 v0, v5;
	v5 =	vld.idx.msk [tilespmem:v8+s12+$0x0], $0xffff  }
0x3a1: {  	v11 =	vcvt.s32.f32 v8;
	v6 =	vld [tilespmem:s23+$0x420];
	v10 =	vmax.f32 v1, $0.0e+00  }
0x3a2: {  	v4 =	vmul.f32 $7.875000000e+00, v4;
	[tilespmem:s24+$0xC000] =	vst v0;
	v0 =	vld.idx.msk [tilespmem:v8+s11+$0x0], $0xffff;
	v8 =	vmin.f32 v10, $6.199999620e+01  }
0x3a3: {  	v2 =	vsub.f32 v2, v11;
	v10 =	vld.idx.msk [tilespmem:v7+s12+$0x0], $0xffff;
	v8 =	vtrunc.f32 v8  }
0x3a4: {  	v12 =	vcvt.s32.f32 v7;
	v9 =	vld [tilespmem:s24+$0x30];
	v11 =	vmax.f32 v4, $0.0e+00;
	v8 =	vcvt.f32.s32 v8  }
0x3a5: {  	v7 =	vld.idx.msk [tilespmem:v7+s11+$0x0], $0xffff;
	v11 =	vmin.f32 v11, $6.199999620e+01;
	v2 =	vmul.f32 v2, v5  }
0x3a6: {  	v3 =	vsub.f32 v3, v12;
	v5 =	vtrunc.f32 v11  }
0x3a7: {  	v6 =	vadd.f32 $4.000000000e+00, v6;
	v5 =	vcvt.f32.s32 v5;
	v0 =	vadd.f32 v2, v0  }
0x3a8: {  	v2 =	vmul.f32 v3, v10  }
0x3a9: {  	v3 =	vmul.f32 $7.875000000e+00, v6;
	[tilespmem:s23+$0xC400] =	vst v0  }
0x3aa: {  	v0 =	vadd.f32 $4.000000000e+00, v9;
	v2 =	vadd.f32 v2, v7;
	v6 =	vld.idx.msk [tilespmem:v8+s12+$0x0], $0xffff  }
0x3ab: {  	v10 =	vcvt.s32.f32 v8;
	v7 =	vmax.f32 v3, $0.0e+00;
	v9 =	vld [tilespmem:s23+$0x430]  }
0x3ac: {  	v11 =	vmul.f32 $7.875000000e+00, v0;
	[tilespmem:s24+$0xC010] =	vst v2;
	v2 =	vld.idx.msk [tilespmem:v8+s11+$0x0], $0xffff;
	v0 =	vmin.f32 v7, $6.199999620e+01  }
0x3ad: {  	v1 =	vsub.f32 v1, v10;
	v7 =	vld.idx.msk [tilespmem:v5+s12+$0x0], $0xffff;
	v0 =	vtrunc.f32 v0  }
0x3ae: {  	v12 =	vcvt.s32.f32 v5;
	v10 =	vld [tilespmem:s24+$0x40];
	v8 =	vmax.f32 v11, $0.0e+00;
	v13 =	vcvt.f32.s32 v0  }
0x3af: {  	v5 =	vld.idx.msk [tilespmem:v5+s11+$0x0], $0xffff;
	v8 =	vmin.f32 v8, $6.199999620e+01;
	v6 =	vmul.f32 v1, v6  }
0x3b0: {  	v4 =	vsub.f32 v4, v12;
	v8 =	vtrunc.f32 v8  }
0x3b1: {  	v8 =	vcvt.f32.s32 v8;
	v2 =	vadd.f32 v6, v2;
	v6 =	vadd.f32 $4.000000000e+00, v9  }
0x3b2: {  	v4 =	vmul.f32 v4, v7  }
0x3b3: {  	[tilespmem:s23+$0xC410] =	vst v2;
	v6 =	vmul.f32 $7.875000000e+00, v6  }
0x3b4: {  	v2 =	vadd.f32 $4.000000000e+00, v10;
	v4 =	vadd.f32 v4, v5;
	v5 =	vld.idx.msk [tilespmem:v13+s12+$0x0], $0xffff  }
0x3b5: {  	v9 =	vld [tilespmem:s23+$0x440];
	v10 =	vcvt.s32.f32 v13;
	v12 =	vmax.f32 v6, $0.0e+00  }
0x3b6: {  	v14 =	vmul.f32 $7.875000000e+00, v2;
	[tilespmem:s24+$0xC020] =	vst v4;
	v2 =	vld.idx.msk [tilespmem:v13+s11+$0x0], $0xffff;
	v4 =	vmin.f32 v12, $6.199999620e+01  }
0x3b7: {  	v3 =	vsub.f32 v3, v10;
	v12 =	vld.idx.msk [tilespmem:v8+s12+$0x0], $0xffff;
	v4 =	vtrunc.f32 v4  }
0x3b8: {  	v15 =	vcvt.s32.f32 v8;
	v13 =	vld [tilespmem:s24+$0x50];
	v10 =	vmax.f32 v14, $0.0e+00;
	v4 =	vcvt.f32.s32 v4  }
0x3b9: {  	v8 =	vld.idx.msk [tilespmem:v8+s11+$0x0], $0xffff;
	v10 =	vmin.f32 v10, $6.199999620e+01;
	v3 =	vmul.f32 v3, v5  }
0x3ba: {  	v5 =	vsub.f32 v11, v15;
	v10 =	vtrunc.f32 v10  }
0x3bb: {  	v9 =	vadd.f32 $4.000000000e+00, v9;
	v10 =	vcvt.f32.s32 v10;
	v3 =	vadd.f32 v3, v2  }
0x3bc: {  	v5 =	vmul.f32 v5, v12  }
0x3bd: {  	[tilespmem:s23+$0xC420] =	vst v3;
	v3 =	vmul.f32 $7.875000000e+00, v9  }
0x3be: {  	v9 =	vadd.f32 $4.000000000e+00, v13;
	v5 =	vadd.f32 v5, v8;
	v8 =	vld.idx.msk [tilespmem:v4+s12+$0x0], $0xffff  }
0x3bf: {  	v15 =	vld [tilespmem:s23+$0x450];
	v13 =	vcvt.s32.f32 v4;
	v16 =	vmax.f32 v3, $0.0e+00  }
0x3c0: {  	v4 =	vld.idx.msk [tilespmem:v4+s11+$0x0], $0xffff;
	v9 =	vmul.f32 $7.875000000e+00, v9;
	[tilespmem:s24+$0xC030] =	vst v5;
	v5 =	vmin.f32 v16, $6.199999620e+01  }
0x3c1: {  	v6 =	vsub.f32 v6, v13;
	v16 =	vld.idx.msk [tilespmem:v10+s12+$0x0], $0xffff;
	v5 =	vtrunc.f32 v5  }
0x3c2: {  	v17 =	vld [tilespmem:s24+$0x60];
	v18 =	vcvt.s32.f32 v10;
	v13 =	vmax.f32 v9, $0.0e+00;
	v5 =	vcvt.f32.s32 v5  }
0x3c3: {  	v10 =	vld.idx.msk [tilespmem:v10+s11+$0x0], $0xffff;
	v13 =	vmin.f32 v13, $6.199999620e+01;
	v6 =	vmul.f32 v6, v8  }
0x3c4: {  	v8 =	vsub.f32 v14, v18;
	v13 =	vtrunc.f32 v13  }
0x3c5: {  	v14 =	vadd.f32 $4.000000000e+00, v15;
	v13 =	vcvt.f32.s32 v13;
	v4 =	vadd.f32 v6, v4  }
0x3c6: {  	v6 =	vmul.f32 v8, v16  }
0x3c7: {  	[tilespmem:s23+$0xC430] =	vst v4;
	v4 =	vmul.f32 $7.875000000e+00, v14  }
0x3c8: {  	v8 =	vadd.f32 $4.000000000e+00, v17;
	v6 =	vadd.f32 v6, v10;
	v10 =	vld.idx.msk [tilespmem:v5+s12+$0x0], $0xffff  }
0x3c9: {  	v11 =	vld [tilespmem:s23+$0x460];
	v15 =	vcvt.s32.f32 v5;
	v16 =	vmax.f32 v4, $0.0e+00  }
0x3ca: {  	v8 =	vmul.f32 $7.875000000e+00, v8;
	v5 =	vld.idx.msk [tilespmem:v5+s11+$0x0], $0xffff;
	[tilespmem:s24+$0xC040] =	vst v6;
	v6 =	vmin.f32 v16, $6.199999620e+01  }
0x3cb: {  	v3 =	vsub.f32 v3, v15;
	v16 =	vld.idx.msk [tilespmem:v13+s12+$0x0], $0xffff;
	v6 =	vtrunc.f32 v6  }
0x3cc: {  	s30 =	simm.s32 $0x0;
	v17 =	vcvt.s32.f32 v13;
	v14 =	vld [tilespmem:s24+$0x70];
	v15 =	vmax.f32 v8, $0.0e+00;
	v6 =	vcvt.f32.s32 v6  }
0x3cd: {  	s26 =	simm.s32 $0x100;
	s25 =	smul.u32 $0xC00, s30;
	v13 =	vld.idx.msk [tilespmem:v13+s11+$0x0], $0xffff;
	v15 =	vmin.f32 v15, $6.199999620e+01;
	v3 =	vmul.f32 v3, v10  }
0x3ce: {  	s26 =	sand.u32 $0x380, s26;
	v9 =	vsub.f32 v9, v17;
	v10 =	vtrunc.f32 v15  }
0x3cf: {  	s25 =	sor.u32 s26, s25;
	v11 =	vadd.f32 $4.000000000e+00, v11;
	v10 =	vcvt.f32.s32 v10;
	v3 =	vadd.f32 v3, v5  }
0x3d0: {  	v5 =	vld [tilespmem:s25+$0x0];
	v9 =	vmul.f32 v9, v16  }
0x3d1: {  	[tilespmem:s23+$0xC440] =	vst v3;
	v3 =	vmul.f32 $7.875000000e+00, v11  }
0x3d2: {  	v11 =	vadd.f32 $4.000000000e+00, v14;
	v9 =	vadd.f32 v9, v13;
	v13 =	vld.idx.msk [tilespmem:v6+s12+$0x0], $0xffff  }
0x3d3: {  	v7 =	vld [tilespmem:s23+$0x470];
	v14 =	vcvt.s32.f32 v6;
	v15 =	vmax.f32 v3, $0.0e+00  }
0x3d4: {  	v6 =	vld.idx.msk [tilespmem:v6+s11+$0x0], $0xffff;
	v11 =	vmul.f32 $7.875000000e+00, v11;
	[tilespmem:s24+$0xC050] =	vst v9;
	v9 =	vmin.f32 v15, $6.199999620e+01  }
0x3d5: {  	v4 =	vsub.f32 v4, v14;
	v5 =	vadd.f32 $4.000000000e+00, v5;
	v15 =	vld.idx.msk [tilespmem:v10+s12+$0x0], $0xffff;
	v9 =	vtrunc.f32 v9  }
0x3d6: {  	v12 =	vld [tilespmem:s24+$0x400];
	v16 =	vcvt.s32.f32 v10;
	v14 =	vmax.f32 v11, $0.0e+00;
	v9 =	vcvt.f32.s32 v9  }
0x3d7: {  	v10 =	vld.idx.msk [tilespmem:v10+s11+$0x0], $0xffff;
	v5 =	vmul.f32 $7.875000000e+00, v5;
	v14 =	vmin.f32 v14, $6.199999620e+01;
	v4 =	vmul.f32 v4, v13  }
0x3d8: {  	v7 =	vadd.f32 $4.000000000e+00, v7;
	v8 =	vsub.f32 v8, v16;
	v14 =	vtrunc.f32 v14  }
0x3d9: {  	v13 =	vld [tilespmem:s25+$0x10];
	v16 =	vmax.f32 v5, $0.0e+00;
	v14 =	vcvt.f32.s32 v14;
	v4 =	vadd.f32 v4, v6  }
0x3da: {  	v19 =	vld [tilespmem:s23+$0x850];
	v6 =	vmin.f32 v16, $6.199999620e+01;
	v8 =	vmul.f32 v8, v15  }
0x3db: {  	v1 =	vld [tilespmem:s23+$0x800];
	v7 =	vmul.f32 $7.875000000e+00, v7;
	v6 =	vtrunc.f32 v6;
	[tilespmem:s23+$0xC450] =	vst v4  }
0x3dc: {  	v4 =	vadd.f32 $4.000000000e+00, v12;
	v6 =	vcvt.f32.s32 v6;
	v8 =	vadd.f32 v8, v10;
	v10 =	vld.idx.msk [tilespmem:v9+s12+$0x0], $0xffff  }
0x3dd: {  	v2 =	vld [tilespmem:s24+$0x410];
	v18 =	vmax.f32 v7, $0.0e+00;
	v17 =	vcvt.s32.f32 v9  }
0x3de: {  	v12 =	vadd.f32 $4.000000000e+00, v13;
	v4 =	vmul.f32 $7.875000000e+00, v4;
	[tilespmem:s24+$0xC060] =	vst v8;
	v8 =	vld.idx.msk [tilespmem:v9+s11+$0x0], $0xffff;
	v9 =	vmin.f32 v18, $6.199999620e+01  }
0x3df: {  	v3 =	vsub.f32 v3, v17;
	v20 =	vcvt.s32.f32 v14;
	v18 =	vld.idx.msk [tilespmem:v14+s12+$0x0], $0xffff;
	v9 =	vtrunc.f32 v9  }
0x3e0: {  	v16 =	vld [tilespmem:s25+$0x20];
	v12 =	vmul.f32 $7.875000000e+00, v12;
	v17 =	vmax.f32 v4, $0.0e+00;
	v9 =	vcvt.f32.s32 v9  }
0x3e1: {  	v1 =	vadd.f32 $4.000000000e+00, v1;
	v14 =	vld.idx.msk [tilespmem:v14+s11+$0x0], $0xffff;
	v17 =	vmin.f32 v17, $6.199999620e+01;
	v3 =	vmul.f32 v3, v10  }
0x3e2: {  	v11 =	vsub.f32 v11, v20;
	v21 =	vmax.f32 v12, $0.0e+00;
	v10 =	vld.idx.msk [tilespmem:v6+s12+$0x0], $0xffff;
	v17 =	vtrunc.f32 v17  }
0x3e3: {  	v20 =	vld.idx.msk [tilespmem:v6+s11+$0x0], $0xffff;
	v6 =	vcvt.s32.f32 v6;
	v17 =	vcvt.f32.s32 v17;
	v3 =	vadd.f32 v3, v8  }
0x3e4: {  	v0 =	vld [tilespmem:s23+$0x810];
	v1 =	vmul.f32 $7.875000000e+00, v1;
	v8 =	vmin.f32 v21, $6.199999620e+01;
	v11 =	vmul.f32 v11, v18  }
0x3e5: {  	v2 =	vadd.f32 $4.000000000e+00, v2;
	v15 =	vld [tilespmem:s23+$0x870];
	v5 =	vsub.f32 v5, v6;
	v6 =	vtrunc.f32 v8;
	[tilespmem:s23+$0xC460] =	vst v3  }
0x3e6: {  	v3 =	vadd.f32 $4.000000000e+00, v16;
	v6 =	vcvt.f32.s32 v6;
	v8 =	vadd.f32 v11, v14;
	v11 =	vld.idx.msk [tilespmem:v9+s12+$0x0], $0xffff  }
0x3e7: {  	v14 =	vcvt.s32.f32 v9;
	v16 =	vmax.f32 v1, $0.0e+00;
	v5 =	vmul.f32 v5, v10;
	v10 =	vld [tilespmem:s24+$0x420]  }
0x3e8: {  	v2 =	vmul.f32 $7.875000000e+00, v2;
	v21 =	vcvt.s32.f32 v17;
	[tilespmem:s24+$0xC070] =	vst v8;
	v8 =	vld.idx.msk [tilespmem:v9+s11+$0x0], $0xffff;
	v9 =	vmin.f32 v16, $6.199999620e+01  }
0x3e9: {  	v7 =	vsub.f32 v7, v14;
	v5 =	vadd.f32 v5, v20;
	v16 =	vld.idx.msk [tilespmem:v17+s12+$0x0], $0xffff;
	v9 =	vtrunc.f32 v9  }
0x3ea: {  	v3 =	vmul.f32 $7.875000000e+00, v3;
	v14 =	vld [tilespmem:s25+$0x30];
	v20 =	vmax.f32 v2, $0.0e+00;
	v9 =	vcvt.f32.s32 v9  }
0x3eb: {  	v0 =	vadd.f32 $4.000000000e+00, v0;
	[tilespmem:s25+$0xC000] =	vst v5;
	v5 =	vld.idx.msk [tilespmem:v17+s11+$0x0], $0xffff;
	v17 =	vmin.f32 v20, $6.199999620e+01;
	v7 =	vmul.f32 v7, v11  }
0x3ec: {  	v4 =	vsub.f32 v4, v21;
	v20 =	vmax.f32 v3, $0.0e+00;
	v11 =	vld.idx.msk [tilespmem:v6+s12+$0x0], $0xffff;
	v17 =	vtrunc.f32 v17  }
0x3ed: {  	v21 =	vld.idx.msk [tilespmem:v6+s11+$0x0], $0xffff;
	v6 =	vcvt.s32.f32 v6;
	v17 =	vcvt.f32.s32 v17;
	v7 =	vadd.f32 v7, v8  }
0x3ee: {  	v13 =	vld [tilespmem:s23+$0x860];
	v8 =	vadd.f32 $4.000000000e+00, v10;
	v10 =	vmin.f32 v20, $6.199999620e+01;
	v4 =	vmul.f32 v4, v16  }
0x3ef: {  	v18 =	vld [tilespmem:s23+$0x840];
	v6 =	vsub.f32 v12, v6;
	v12 =	vcvt.s32.f32 v9;
	v10 =	vtrunc.f32 v10;
	[tilespmem:s23+$0xC470] =	vst v7  }
0x3f0: {  	v7 =	vmul.f32 $7.875000000e+00, v0;
	v10 =	vcvt.f32.s32 v10;
	v4 =	vadd.f32 v4, v5;
	v5 =	vld.idx.msk [tilespmem:v9+s12+$0x0], $0xffff  }
0x3f1: {  	v0 =	vadd.f32 $4.000000000e+00, v14;
	v8 =	vmul.f32 $7.875000000e+00, v8;
	v6 =	vmul.f32 v6, v11;
	v11 =	vld [tilespmem:s23+$0x820]  }
0x3f2: {  	v1 =	vsub.f32 v1, v12;
	v14 =	vmax.f32 v7, $0.0e+00;
	[tilespmem:s24+$0xC400] =	vst v4;
	v4 =	vld.idx.msk [tilespmem:v9+s11+$0x0], $0xffff  }
0x3f3: {  	v20 =	vmul.f32 $7.875000000e+00, v0;
	v12 =	vmax.f32 v8, $0.0e+00;
	v6 =	vadd.f32 v6, v21;
	v9 =	vld.idx.msk [tilespmem:v17+s12+$0x0], $0xffff  }
0x3f4: {  	v0 =	vmin.f32 v14, $6.199999620e+01;
	v14 =	vld [tilespmem:s24+$0x430];
	v21 =	vcvt.s32.f32 v17;
	v12 =	vmin.f32 v12, $6.199999620e+01  }
0x3f5: {  	v0 =	vtrunc.f32 v0;
	v12 =	vtrunc.f32 v12;
	[tilespmem:s25+$0xC010] =	vst v6;
	v6 =	vld.idx.msk [tilespmem:v17+s11+$0x0], $0xffff  }
0x3f6: {  	v22 =	vcvt.f32.s32 v0;
	v0 =	vadd.f32 $4.000000000e+00, v15;
	v17 =	vld [tilespmem:s25+$0x40];
	v1 =	vmul.f32 v1, v5  }
0x3f7: {  	v15 =	vmax.f32 v20, $0.0e+00;
	v2 =	vsub.f32 v2, v21;
	v21 =	vcvt.s32.f32 v10;
	v5 =	vld.idx.msk [tilespmem:v10+s12+$0x0], $0xffff  }
0x3f8: {  	v16 =	vld [tilespmem:s23+$0x830];
	v12 =	vcvt.f32.s32 v12;
	v4 =	vadd.f32 v1, v4;
	v1 =	vmin.f32 v15, $6.199999620e+01  }
0x3f9: {  	v10 =	vld.idx.msk [tilespmem:v10+s11+$0x0], $0xffff;
	v2 =	vmul.f32 v2, v9;
	v9 =	vadd.f32 $4.000000000e+00, v11;
	v15 =	vtrunc.f32 v1  }
0x3fa: {  	v3 =	vsub.f32 v3, v21;
	v11 =	vld [tilespmem:s24+$0x810];
	v1 =	vadd.f32 $4.000000000e+00, v13;
	[tilespmem:s23+$0xC800] =	vst v4;
	v4 =	vcvt.f32.s32 v15  }
0x3fb: {  	v13 =	vld [tilespmem:s24+$0x800];
	v6 =	vadd.f32 v2, v6;
	v9 =	vmul.f32 $7.875000000e+00, v9;
	v2 =	vadd.f32 $4.000000000e+00, v19  }
0x3fc: {  	v15 =	vld.idx.msk [tilespmem:v22+s12+$0x0], $0xffff;
	v3 =	vmul.f32 v3, v5;
	v5 =	vadd.f32 $4.000000000e+00, v14;
	v14 =	vadd.f32 $4.000000000e+00, v17  }
0x3fd: {  	v19 =	vld [tilespmem:s24+$0x470];
	v17 =	vcvt.s32.f32 v22;
	v21 =	vmax.f32 v9, $0.0e+00;
	v24 =	vcvt.s32.f32 v4  }
0x3fe: {  	[tilespmem:s24+$0xC410] =	vst v6;
	v6 =	vld.idx.msk [tilespmem:v22+s11+$0x0], $0xffff;
	v3 =	vadd.f32 v3, v10;
	v5 =	vmul.f32 $7.875000000e+00, v5;
	v10 =	vmin.f32 v21, $6.199999620e+01  }
0x3ff: {  	v21 =	vld.idx.msk [tilespmem:v12+s12+$0x0], $0xffff;
	v22 =	vmul.f32 $7.875000000e+00, v14;
	v7 =	vsub.f32 v7, v17;
	v17 =	vcvt.s32.f32 v12  }
0x400: {  	v14 =	vld [tilespmem:s24+$0x440];
	v10 =	vtrunc.f32 v10;
	v20 =	vsub.f32 v20, v24;
	v23 =	vmax.f32 v5, $0.0e+00  }
0x401: {  	v12 =	vld.idx.msk [tilespmem:v12+s11+$0x0], $0xffff;
	v10 =	vcvt.f32.s32 v10;
	[tilespmem:s25+$0xC020] =	vst v3;
	v3 =	vmin.f32 v23, $6.199999620e+01;
	v7 =	vmul.f32 v7, v15  }
0x402: {  	v8 =	vsub.f32 v8, v17;
	v17 =	vld [tilespmem:s25+$0x50];
	v15 =	vadd.f32 $4.000000000e+00, v18;
	v3 =	vtrunc.f32 v3  }
0x403: {  	v18 =	vld.idx.msk [tilespmem:v4+s12+$0x0], $0xffff;
	v23 =	vmax.f32 v22, $0.0e+00;
	v25 =	vcvt.f32.s32 v3;
	v6 =	vadd.f32 v7, v6  }
0x404: {  	v4 =	vld.idx.msk [tilespmem:v4+s11+$0x0], $0xffff;
	v3 =	vmin.f32 v23, $6.199999620e+01;
	v7 =	vmul.f32 v8, v21;
	v8 =	vadd.f32 $4.000000000e+00, v16  }
0x405: {  	v16 =	vld [tilespmem:s24+$0x460];
	v14 =	vadd.f32 $4.000000000e+00, v14;
	v21 =	vtrunc.f32 v3;
	v3 =	vadd.f32 $4.000000000e+00, v11  }
0x406: {  	v11 =	vld [tilespmem:s24+$0x450];
	[tilespmem:s23+$0xC810] =	vst v6;
	v21 =	vcvt.f32.s32 v21;
	v7 =	vadd.f32 v7, v12;
	v8 =	vmul.f32 $7.875000000e+00, v8  }
0x407: {  	v6 =	vadd.f32 $4.000000000e+00, v13;
	v13 =	vadd.f32 $4.000000000e+00, v17;
	v17 =	vcvt.s32.f32 v10;
	v12 =	vld.idx.msk [tilespmem:v10+s12+$0x0], $0xffff  }
0x408: {  	v26 =	vmul.f32 $7.875000000e+00, v14;
	v18 =	vmul.f32 v20, v18;
	v10 =	vld.idx.msk [tilespmem:v10+s11+$0x0], $0xffff;
	v23 =	vmax.f32 v8, $0.0e+00  }
0x409: {  	[tilespmem:s24+$0xC420] =	vst v7;
	v14 =	vmul.f32 $7.875000000e+00, v13;
	v9 =	vsub.f32 v9, v17;
	v13 =	vld [tilespmem:s25+$0x400];
	v17 =	vcvt.s32.f32 v25  }
0x40a: {  	v4 =	vadd.f32 v18, v4;
	v7 =	vmin.f32 v23, $6.199999620e+01;
	v23 =	vmax.f32 v26, $0.0e+00;
	v18 =	vld.idx.msk [tilespmem:v25+s12+$0x0], $0xffff  }
0x40b: {  	v20 =	vld [tilespmem:s25+$0x410];
	v7 =	vtrunc.f32 v7;
	v23 =	vmin.f32 v23, $6.199999620e+01  }
0x40c: {  	s31 =	simm.s32 $0x0;
	v5 =	vsub.f32 v5, v17;
	v24 =	vcvt.f32.s32 v7;
	[tilespmem:s25+$0xC030] =	vst v4;
	v4 =	vld.idx.msk [tilespmem:v25+s11+$0x0], $0xffff;
	v7 =	vadd.f32 $4.000000000e+00, v19  }
0x40d: {  	s28 =	simm.s32 $0x180;
	s26 =	smul.u32 $0xC00, s31;
	v19 =	vmax.f32 v14, $0.0e+00;
	v17 =	vtrunc.f32 v23;
	v9 =	vmul.f32 v9, v12;
	v12 =	vld.idx.msk [tilespmem:v21+s12+$0x0], $0xffff  }
0x40e: {  	s29 =	sand.u32 $0x380, s28;
	v23 =	vld [tilespmem:s25+$0x60];
	v25 =	vcvt.s32.f32 v21;
	v17 =	vcvt.f32.s32 v17;
	v19 =	vmin.f32 v19, $6.199999620e+01  }
0x40f: {  	s26 =	sor.u32 s29, s26;
	v21 =	vld.idx.msk [tilespmem:v21+s11+$0x0], $0xffff;
	v13 =	vadd.f32 $4.000000000e+00, v13;
	v10 =	vadd.f32 v9, v10;
	v5 =	vmul.f32 v5, v18  }
0x410: {  	v28 =	vld [tilespmem:s26+$0x20];
	v9 =	vadd.f32 $4.000000000e+00, v16;
	v16 =	vsub.f32 v22, v25;
	v18 =	vtrunc.f32 v19  }
0x411: {  	v22 =	vld [tilespmem:s25+$0x70];
	[tilespmem:s23+$0xC820] =	vst v10;
	v27 =	vcvt.f32.s32 v18;
	v5 =	vadd.f32 v5, v4;
	v4 =	vmul.f32 $7.875000000e+00, v15  }
0x412: {  	v19 =	vadd.f32 $4.000000000e+00, v11;
	v11 =	vadd.f32 $4.000000000e+00, v20;
	v25 =	vld.idx.msk [tilespmem:v24+s12+$0x0], $0xffff;
	v10 =	vmul.f32 v16, v12  }
0x413: {  	v12 =	vadd.f32 $4.000000000e+00, v23;
	v15 =	vcvt.s32.f32 v24;
	v23 =	vld.idx.msk [tilespmem:v24+s11+$0x0], $0xffff;
	v16 =	vmax.f32 v4, $0.0e+00  }
0x414: {  	v24 =	vld [tilespmem:s26+$0x10];
	[tilespmem:s24+$0xC430] =	vst v5;
	v18 =	vadd.f32 v10, v21;
	v10 =	vmul.f32 $7.875000000e+00, v19;
	v5 =	vmin.f32 v16, $6.199999620e+01  }
0x415: {  	v8 =	vsub.f32 v8, v15;
	v29 =	vld.idx.msk [tilespmem:v17+s12+$0x0], $0xffff;
	v16 =	vmul.f32 $7.875000000e+00, v12;
	v5 =	vtrunc.f32 v5  }
0x416: {  	v12 =	vcvt.s32.f32 v17;
	v15 =	vld.idx.msk [tilespmem:v17+s11+$0x0], $0xffff;
	v19 =	vmax.f32 v10, $0.0e+00;
	[tilespmem:s25+$0xC040] =	vst v18;
	v5 =	vcvt.f32.s32 v5  }
0x417: {  	v18 =	vadd.f32 $4.000000000e+00, v22;
	v17 =	vmin.f32 v19, $6.199999620e+01;
	v8 =	vmul.f32 v8, v25;
	v20 =	vld.idx.msk [tilespmem:v27+s12+$0x0], $0xffff  }
0x418: {  	v22 =	vcvt.s32.f32 v27;
	v26 =	vsub.f32 v26, v12;
	v25 =	vld [tilespmem:s26+$0x0];
	v12 =	vtrunc.f32 v17  }
0x419: {  	v30 =	vmax.f32 v16, $0.0e+00;
	v12 =	vcvt.f32.s32 v12;
	v8 =	vadd.f32 v8, v23  }
0x41a: {  	s29 =	simm.s32 $0x4;
	v21 =	vld.idx.msk [tilespmem:v27+s11+$0x0], $0xffff;
	v19 =	vadd.f32 $4.000000000e+00, v28;
	v23 =	vmin.f32 v30, $6.199999620e+01;
	v17 =	vmul.f32 v26, v29  }
.LBB2_4:
0x41b: {  	p0 =	sne.s32 s29, $0x3F;
	v24 =	vadd.f32 $4.000000000e+00, v24;
	v14 =	vsub.f32 v14, v22;
	v22 =	vtrunc.f32 v23;
	[tilespmem:s23+$0xC830] =	vst v8  }
0x41c: {  	v15 =	vadd.f32 v17, v15;
	v8 =	vcvt.f32.s32 v22;
	v17 =	vld.idx.msk [tilespmem:v5+s12+$0x0], $0xffff;
	v22 =	vmul.f32 $7.875000000e+00, v2  }
0x41d: {  	v0 =	vmul.f32 $7.875000000e+00, v0;
	v2 =	vadd.f32 $4.000000000e+00, v25;
	v14 =	vmul.f32 v14, v20  }
0x41e: {  	v23 =	vmul.f32 $7.875000000e+00, v1;
	[tilespmem:s24+$0xC440] =	vst v15;
	v15 =	vcvt.s32.f32 v5;
	v5 =	vld.idx.msk [tilespmem:v5+s11+$0x0], $0xffff;
	v20 =	vmax.f32 v22, $0.0e+00  }
0x41f: {  	v9 =	vmul.f32 $7.875000000e+00, v9;
	v1 =	vadd.f32 v14, v21;
	v14 =	vld.idx.msk [tilespmem:v12+s12+$0x0], $0xffff;
	v20 =	vmin.f32 v20, $6.199999620e+01  }
0x420: {  	v18 =	vmul.f32 $7.875000000e+00, v18;
	v4 =	vsub.f32 v4, v15;
	v15 =	vtrunc.f32 v20  }
0x421: {  	v20 =	vcvt.s32.f32 v12;
	[tilespmem:s25+$0xC050] =	vst v1;
	v12 =	vld.idx.msk [tilespmem:v12+s11+$0x0], $0xffff;
	v1 =	vmax.f32 v9, $0.0e+00;
	v15 =	vcvt.f32.s32 v15  }
0x422: {  	v21 =	vld.idx.msk [tilespmem:v8+s12+$0x0], $0xffff;
	v25 =	vmin.f32 v1, $6.199999620e+01;
	v1 =	vmul.f32 $7.875000000e+00, v6;
	v4 =	vmul.f32 v4, v17  }
0x423: {  	v6 =	vmax.f32 v18, $0.0e+00;
	v10 =	vsub.f32 v10, v20;
	v17 =	vtrunc.f32 v25  }
0x424: {  	v20 =	vcvt.s32.f32 v8;
	v8 =	vld.idx.msk [tilespmem:v8+s11+$0x0], $0xffff;
	v17 =	vcvt.f32.s32 v17;
	v4 =	vadd.f32 v4, v5  }
0x425: {  	v25 =	vmul.f32 $7.875000000e+00, v2;
	v2 =	vmin.f32 v6, $6.199999620e+01;
	v5 =	vmul.f32 v10, v14  }
0x426: {  	v6 =	vsub.f32 v16, v20;
	v2 =	vtrunc.f32 v2;
	v10 =	vmul.f32 $7.875000000e+00, v7;
	[tilespmem:s23+$0xC840] =	vst v4  }
0x427: {  	v14 =	vcvt.f32.s32 v2;
	v4 =	vmax.f32 v25, $0.0e+00;
	v2 =	vadd.f32 v5, v12;
	v5 =	vld.idx.msk [tilespmem:v15+s12+$0x0], $0xffff  }
0x428: {  	v12 =	vmin.f32 v4, $6.199999620e+01;
	v6 =	vmul.f32 v6, v21;
	v4 =	vmul.f32 $7.875000000e+00, v11;
	v7 =	vld [tilespmem:s24+$0x870]  }
0x429: {  	v11 =	vtrunc.f32 v12;
	v12 =	vcvt.s32.f32 v15;
	[tilespmem:s24+$0xC450] =	vst v2;
	v15 =	vld.idx.msk [tilespmem:v15+s11+$0x0], $0xffff;
	v2 =	vmax.f32 v23, $0.0e+00  }
0x42a: {  	v11 =	vcvt.f32.s32 v11;
	v6 =	vadd.f32 v6, v8;
	v16 =	vld.idx.msk [tilespmem:v17+s12+$0x0], $0xffff;
	v8 =	vmin.f32 v2, $6.199999620e+01  }
0x42b: {  	v13 =	vmul.f32 $7.875000000e+00, v13;
	v12 =	vsub.f32 v22, v12;
	v2 =	vld [tilespmem:s24+$0x860];
	v8 =	vtrunc.f32 v8  }
0x42c: {  	v20 =	vmax.f32 v10, $0.0e+00;
	[tilespmem:s25+$0xC060] =	vst v6;
	v6 =	vcvt.s32.f32 v17;
	v17 =	vld.idx.msk [tilespmem:v17+s11+$0x0], $0xffff;
	v21 =	vcvt.f32.s32 v8  }
0x42d: {  	v22 =	vmul.f32 $7.875000000e+00, v24;
	v8 =	vmin.f32 v20, $6.199999620e+01;
	v5 =	vmul.f32 v12, v5;
	v24 =	vld.idx.msk [tilespmem:v14+s12+$0x0], $0xffff  }
0x42e: {  	v12 =	vmax.f32 v13, $0.0e+00;
	v8 =	vtrunc.f32 v8;
	v9 =	vsub.f32 v9, v6;
	v6 =	vld [tilespmem:s24+$0x850]  }
0x42f: {  	v20 =	vcvt.s32.f32 v14;
	v26 =	vcvt.f32.s32 v8;
	v5 =	vadd.f32 v5, v15;
	v14 =	vld.idx.msk [tilespmem:v14+s11+$0x0], $0xffff  }
0x430: {  	v12 =	vmin.f32 v12, $6.199999620e+01;
	v8 =	vmul.f32 $7.875000000e+00, v19;
	v15 =	vld.idx.msk [tilespmem:v11+s12+$0x0], $0xffff;
	v9 =	vmul.f32 v9, v16  }
0x431: {  	v19 =	vmax.f32 v22, $0.0e+00;
	v18 =	vsub.f32 v18, v20;
	v12 =	vtrunc.f32 v12;
	v16 =	vld.idx.msk [tilespmem:v11+s11+$0x0], $0xffff;
	[tilespmem:s23+$0xC850] =	vst v5  }
0x432: {  	v12 =	vcvt.f32.s32 v12;
	v11 =	vcvt.s32.f32 v11;
	v9 =	vadd.f32 v9, v17;
	v17 =	vld.idx.msk [tilespmem:v21+s12+$0x0], $0xffff  }
0x433: {  	v20 =	vmax.f32 v0, $0.0e+00;
	v19 =	vmin.f32 v19, $6.199999620e+01;
	v18 =	vmul.f32 v18, v24;
	v5 =	vld [tilespmem:s24+$0x840]  }
0x434: {  	v19 =	vtrunc.f32 v19;
	v11 =	vsub.f32 v25, v11;
	[tilespmem:s24+$0xC460] =	vst v9;
	v9 =	vcvt.s32.f32 v21;
	v21 =	vld.idx.msk [tilespmem:v21+s11+$0x0], $0xffff  }
0x435: {  	v20 =	vmin.f32 v20, $6.199999620e+01;
	v19 =	vcvt.f32.s32 v19;
	v14 =	vadd.f32 v18, v14;
	v18 =	vld.idx.msk [tilespmem:v26+s12+$0x0], $0xffff  }
0x436: {  	v20 =	vtrunc.f32 v20;
	v11 =	vmul.f32 v11, v15;
	v15 =	vld [tilespmem:s25+$0x420];
	v9 =	vsub.f32 v23, v9  }
0x437: {  	v20 =	vcvt.f32.s32 v20;
	v24 =	vmax.f32 v1, $0.0e+00;
	[tilespmem:s25+$0xC070] =	vst v14;
	v14 =	vcvt.s32.f32 v26;
	v23 =	vld.idx.msk [tilespmem:v26+s11+$0x0], $0xffff  }
0x438: {  	v24 =	vmin.f32 v24, $6.199999620e+01;
	v11 =	vadd.f32 v11, v16;
	v16 =	vld.idx.msk [tilespmem:v12+s12+$0x0], $0xffff;
	v9 =	vmul.f32 v9, v17  }
0x439: {  	v25 =	vmax.f32 v4, $0.0e+00;
	v17 =	vld [tilespmem:s26+$0x30];
	v10 =	vsub.f32 v10, v14;
	v14 =	vtrunc.f32 v24  }
0x43a: {  	[tilespmem:s26+$0xC000] =	vst v11;
	v11 =	vcvt.s32.f32 v12;
	v12 =	vld.idx.msk [tilespmem:v12+s11+$0x0], $0xffff;
	v14 =	vcvt.f32.s32 v14;
	v9 =	vadd.f32 v9, v21  }
0x43b: {  	v24 =	vmin.f32 v25, $6.199999620e+01;
	v21 =	vld.idx.msk [tilespmem:v19+s12+$0x0], $0xffff;
	v15 =	vadd.f32 $4.000000000e+00, v15;
	v10 =	vmul.f32 v10, v18  }
0x43c: {  	v25 =	vmax.f32 v8, $0.0e+00;
	v18 =	vld.idx.msk [tilespmem:v19+s11+$0x0], $0xffff;
	v11 =	vsub.f32 v13, v11;
	v13 =	vtrunc.f32 v24;
	[tilespmem:s23+$0xC860] =	vst v9  }
0x43d: {  	v9 =	vcvt.s32.f32 v19;
	v13 =	vcvt.f32.s32 v13;
	v10 =	vadd.f32 v10, v23;
	v19 =	vld.idx.msk [tilespmem:v20+s12+$0x0], $0xffff  }
0x43e: {  	v23 =	vmin.f32 v25, $6.199999620e+01;
	v17 =	vadd.f32 $4.000000000e+00, v17;
	v11 =	vmul.f32 v11, v16;
	v16 =	vld [tilespmem:s24+$0x830]  }
0x43f: {  	v9 =	vsub.f32 v22, v9;
	v22 =	vtrunc.f32 v23;
	[tilespmem:s24+$0xC470] =	vst v10;
	v10 =	vcvt.s32.f32 v20;
	v20 =	vld.idx.msk [tilespmem:v20+s11+$0x0], $0xffff  }
0x440: {  	v3 =	vmul.f32 $7.875000000e+00, v3;
	v22 =	vcvt.f32.s32 v22;
	v11 =	vadd.f32 v11, v12;
	v12 =	vld.idx.msk [tilespmem:v14+s12+$0x0], $0xffff  }
0x441: {  	v15 =	vmul.f32 $7.875000000e+00, v15;
	v9 =	vmul.f32 v9, v21;
	v21 =	vld [tilespmem:s24+$0x820];
	v0 =	vsub.f32 v0, v10  }
0x442: {  	v10 =	vmul.f32 $7.875000000e+00, v17;
	v17 =	vmax.f32 v3, $0.0e+00;
	[tilespmem:s25+$0xC400] =	vst v11;
	v11 =	vcvt.s32.f32 v14;
	v14 =	vld.idx.msk [tilespmem:v14+s11+$0x0], $0xffff  }
0x443: {  	v9 =	vadd.f32 v9, v18;
	v17 =	vmin.f32 v17, $6.199999620e+01;
	v18 =	vld.idx.msk [tilespmem:v13+s12+$0x0], $0xffff;
	v0 =	vmul.f32 v0, v19  }
0x444: {  	v19 =	vmax.f32 v15, $0.0e+00;
	v23 =	vld [tilespmem:s25+$0x430];
	v1 =	vsub.f32 v1, v11;
	v11 =	vtrunc.f32 v17  }
0x445: {  	[tilespmem:s26+$0xC010] =	vst v9;
	v9 =	vcvt.s32.f32 v13;
	v13 =	vld.idx.msk [tilespmem:v13+s11+$0x0], $0xffff;
	v11 =	vcvt.f32.s32 v11;
	v17 =	vadd.f32 v0, v20  }
0x446: {  	v19 =	vmin.f32 v19, $6.199999620e+01;
	v0 =	vadd.f32 $4.000000000e+00, v7;
	v20 =	vld.idx.msk [tilespmem:v22+s12+$0x0], $0xffff;
	v1 =	vmul.f32 v1, v12  }
0x447: {  	v7 =	vmax.f32 v10, $0.0e+00;
	v12 =	vld [tilespmem:s26+$0x40];
	v4 =	vsub.f32 v4, v9;
	v9 =	vtrunc.f32 v19;
	[tilespmem:s23+$0xC870] =	vst v17;
	s23 =	smov.u32 s24;
	s24 =	smov.u32 s25;
	s25 =	smov.u32 s26  }
0x448: {  	v17 =	vcvt.s32.f32 v22;
	v19 =	vld.idx.msk [tilespmem:v22+s11+$0x0], $0xffff;
	v9 =	vcvt.f32.s32 v9;
	v1 =	vadd.f32 v1, v14  }
0x449: {  	v7 =	vmin.f32 v7, $6.199999620e+01;
	v4 =	vmul.f32 v4, v18;
	v14 =	vld [tilespmem:s24+$0x810];
	v18 =	vadd.f32 $4.000000000e+00, v21  }
0x44a: {  	v7 =	vtrunc.f32 v7;
	v8 =	vsub.f32 v8, v17;
	v17 =	vld [tilespmem:s24+$0x800];
	[tilespmem:s23+$0xC800] =	vst v1;
	v1 =	vadd.f32 $4.000000000e+00, v2  }
0x44b: {  	v7 =	vcvt.f32.s32 v7;
	v4 =	vadd.f32 v4, v13;
	v13 =	vld.idx.msk [tilespmem:v11+s12+$0x0], $0xffff;
	v18 =	vmul.f32 $7.875000000e+00, v18  }
0x44c: {  	v2 =	vadd.f32 $4.000000000e+00, v6;
	v8 =	vmul.f32 v8, v20;
	v20 =	vadd.f32 $4.000000000e+00, v23;
	v21 =	vld [tilespmem:s24+$0x470]  }
0x44d: {  	v6 =	vadd.f32 $4.000000000e+00, v12;
	[tilespmem:s24+$0xC410] =	vst v4;
	v4 =	vcvt.s32.f32 v11;
	v11 =	vld.idx.msk [tilespmem:v11+s11+$0x0], $0xffff;
	v12 =	vmax.f32 v18, $0.0e+00  }
0x44e: {  	v8 =	vadd.f32 v8, v19;
	v20 =	vmul.f32 $7.875000000e+00, v20;
	v19 =	vld.idx.msk [tilespmem:v9+s12+$0x0], $0xffff;
	v12 =	vmin.f32 v12, $6.199999620e+01  }
0x44f: {  	v22 =	vmul.f32 $7.875000000e+00, v6;
	v6 =	vld [tilespmem:s24+$0x440];
	v3 =	vsub.f32 v3, v4;
	v4 =	vtrunc.f32 v12  }
0x450: {  	v12 =	vmax.f32 v20, $0.0e+00;
	[tilespmem:s25+$0xC020] =	vst v8;
	v8 =	vcvt.s32.f32 v9;
	v9 =	vld.idx.msk [tilespmem:v9+s11+$0x0], $0xffff;
	v4 =	vcvt.f32.s32 v4  }
0x451: {  	v5 =	vadd.f32 $4.000000000e+00, v5;
	v12 =	vmin.f32 v12, $6.199999620e+01;
	v23 =	vld.idx.msk [tilespmem:v7+s12+$0x0], $0xffff;
	v3 =	vmul.f32 v3, v13  }
0x452: {  	v13 =	vmax.f32 v22, $0.0e+00;
	v12 =	vtrunc.f32 v12;
	v24 =	vld [tilespmem:s25+$0x50];
	v8 =	vsub.f32 v15, v8  }
0x453: {  	v15 =	vcvt.s32.f32 v7;
	v12 =	vcvt.f32.s32 v12;
	v7 =	vld.idx.msk [tilespmem:v7+s11+$0x0], $0xffff;
	v11 =	vadd.f32 v3, v11  }
0x454: {  	v16 =	vadd.f32 $4.000000000e+00, v16;
	v3 =	vmin.f32 v13, $6.199999620e+01;
	v8 =	vmul.f32 v8, v19;
	v13 =	vld [tilespmem:s24+$0x460]  }
0x455: {  	v10 =	vsub.f32 v10, v15;
	v15 =	vtrunc.f32 v3;
	v3 =	vadd.f32 $4.000000000e+00, v14;
	v19 =	vld [tilespmem:s24+$0x450];
	[tilespmem:s23+$0xC810] =	vst v11  }
0x456: {  	v11 =	vcvt.f32.s32 v15;
	v15 =	vmul.f32 $7.875000000e+00, v16;
	v8 =	vadd.f32 v8, v9;
	v9 =	vld.idx.msk [tilespmem:v4+s12+$0x0], $0xffff  }
0x457: {  	v14 =	vadd.f32 $4.000000000e+00, v6;
	v6 =	vadd.f32 $4.000000000e+00, v17;
	v10 =	vmul.f32 v10, v23;
	v16 =	vld [tilespmem:s25+$0x410]  }
0x458: {  	v17 =	vadd.f32 $4.000000000e+00, v24;
	v23 =	vmax.f32 v15, $0.0e+00;
	[tilespmem:s24+$0xC420] =	vst v8;
	v8 =	vcvt.s32.f32 v4;
	v4 =	vld.idx.msk [tilespmem:v4+s11+$0x0], $0xffff  }
0x459: {  	v26 =	vmul.f32 $7.875000000e+00, v14;
	v7 =	vadd.f32 v10, v7;
	v23 =	vmin.f32 v23, $6.199999620e+01;
	v10 =	vld.idx.msk [tilespmem:v12+s12+$0x0], $0xffff  }
0x45a: {  	v14 =	vmul.f32 $7.875000000e+00, v17;
	v17 =	vld [tilespmem:s25+$0x400];
	v8 =	vsub.f32 v18, v8;
	v18 =	vtrunc.f32 v23  }
0x45b: {  	v23 =	vcvt.s32.f32 v12;
	[tilespmem:s25+$0xC030] =	vst v7;
	v12 =	vld.idx.msk [tilespmem:v12+s11+$0x0], $0xffff;
	v7 =	vmax.f32 v26, $0.0e+00;
	v18 =	vcvt.f32.s32 v18  }
0x45c: {  	v24 =	vld.idx.msk [tilespmem:v11+s12+$0x0], $0xffff;
	v25 =	vmin.f32 v7, $6.199999620e+01;
	v7 =	vadd.f32 $4.000000000e+00, v21;
	v8 =	vmul.f32 v8, v9  }
0x45d: {  	v9 =	vmax.f32 v14, $0.0e+00;
	v20 =	vsub.f32 v20, v23;
	v21 =	vld [tilespmem:s25+$0x60];
	v23 =	vtrunc.f32 v25  }
0x45e: {  	s26 =	sshrl.u32 s29, $0x3;
	v25 =	vcvt.s32.f32 v11;
	v27 =	vld.idx.msk [tilespmem:v11+s11+$0x0], $0xffff;
	v23 =	vcvt.f32.s32 v23;
	v4 =	vadd.f32 v8, v4  }
0x45f: {  	s28 =	sadd.s32 $0x80, s28;
	s26 =	smul.u32 $0xC00, s26;
	v8 =	vmin.f32 v9, $6.199999620e+01;
	v10 =	vmul.f32 v20, v10;
	v9 =	vadd.f32 $4.000000000e+00, v13  }
0x460: {  	s30 =	sand.u32 $0x380, s28;
	v19 =	vadd.f32 $4.000000000e+00, v19;
	v11 =	vsub.f32 v22, v25;
	v8 =	vtrunc.f32 v8;
	v22 =	vld [tilespmem:s25+$0x70];
	[tilespmem:s23+$0xC820] =	vst v4  }
0x461: {  	s26 =	sor.u32 s30, s26;
	v8 =	vcvt.f32.s32 v8;
	v10 =	vadd.f32 v10, v12;
	v4 =	vmul.f32 $7.875000000e+00, v5;
	v12 =	vld.idx.msk [tilespmem:v18+s12+$0x0], $0xffff  }
0x462: {  	v13 =	vadd.f32 $4.000000000e+00, v17;
	v5 =	vmul.f32 v11, v24;
	v11 =	vadd.f32 $4.000000000e+00, v16;
	v28 =	vld [tilespmem:s26+$0x20]  }
0x463: {  	v17 =	vcvt.s32.f32 v18;
	v16 =	vadd.f32 $4.000000000e+00, v21;
	[tilespmem:s24+$0xC430] =	vst v10;
	v29 =	vld.idx.msk [tilespmem:v18+s11+$0x0], $0xffff;
	v18 =	vmax.f32 v4, $0.0e+00  }
0x464: {  	v5 =	vadd.f32 v5, v27;
	v10 =	vmul.f32 $7.875000000e+00, v19;
	v27 =	vld.idx.msk [tilespmem:v23+s12+$0x0], $0xffff;
	v18 =	vmin.f32 v18, $6.199999620e+01  }
0x465: {  	v17 =	vsub.f32 v15, v17;
	v16 =	vmul.f32 $7.875000000e+00, v16;
	v24 =	vld [tilespmem:s26+$0x10];
	v18 =	vtrunc.f32 v18  }
.Ltmp7:
0x466: {  	v19 =	vcvt.s32.f32 v23;
	v21 =	vmax.f32 v10, $0.0e+00;
	[tilespmem:s25+$0xC040] =	vst v5;
	v15 =	vld.idx.msk [tilespmem:v23+s11+$0x0], $0xffff;
	v5 =	vcvt.f32.s32 v18;
	(pc) =	sbr.rel @p0 .LBB2_4-.Ltmp7, $4  }
0x467: {  	v18 =	vadd.f32 $4.000000000e+00, v22;
	v21 =	vmin.f32 v21, $6.199999620e+01;
	v17 =	vmul.f32 v17, v12;
	v20 =	vld.idx.msk [tilespmem:v8+s12+$0x0], $0xffff  }
0x468: {  	v26 =	vsub.f32 v26, v19;
	v23 =	vmax.f32 v16, $0.0e+00;
	v12 =	vtrunc.f32 v21;
	v25 =	vld [tilespmem:s26+$0x0]  }
0x469: {  	v22 =	vcvt.s32.f32 v8;
	v12 =	vcvt.f32.s32 v12;
	v21 =	vld.idx.msk [tilespmem:v8+s11+$0x0], $0xffff;
	v8 =	vadd.f32 v17, v29  }
0x46a: {  	s29 =	sadd.s32 $0x1, s29;
	v19 =	vadd.f32 $4.000000000e+00, v28;
	v23 =	vmin.f32 v23, $6.199999620e+01;
	v17 =	vmul.f32 v26, v27  }
.Ltmp8:
0x46b: {  	_ = 	snop;
	(pc) =	sbr.rel .LBB2_5-.Ltmp8, $1  }
0x46c: {  	_ =	sdelay $0x3  }
.LBB2_11:
0x46d: {  	_ =	sfence.sel $0x180000  }
0x46e: {  	[bflag:$0x0] =	sbarrier.arrive $0xFFFF  }
0x46f: {  	p0 =	sne.s32 s2, $0x0;
	_ =	strace $0x90000047  }
0x470: {  	s0 =	sadd.s32 @!p0 $0x100000, s0;
	[bflag:$0x2] =	sbarrier.arrive $0xFFFF  }
0x471: {  	[sflag:s0] =	ssyncadd.tile.s32 @!p0 $0x1;
	_ =	shalt  }
.Lfunc_end2:
_tile_overlayer_lowered:
.L_overlay_start_2:
0x472: {  	(tag) =	ssettag $0x2  }
0x473: {  	s0 =	rddreg [dreg:$0x0];
	s2 =	stileid.u32  }
0x474: {  	s1 =	rddreg [dreg:$0x1];
	p0 =	sne.s32 s2, $0x0  }
0x475: {  	s3 =	rddreg [dreg:$0x2];
	[bflag:$0x3] =	sbarrier.arrive $0xFFFF;
	s2 =	simm.s32 @!p0 $0x1C05  }
0x476: {  	[timem:s3], [sflag:s2] =	dma.local @!p0 [hbm:s0], s1  }
0x477: {  	s0 =	simm.s32 @!p0 $0x5  }
0x478: {  	_ =	swait.ge @!p0 [sflag:s0], s1  }
0x479: {  	s1 =	ssub.s32 @!p0 $0x0, s1;
	[sflag:s0] =	ssyncset.done @!p0 $0x0  }
0x47a: {  	[sflag:s0] =	ssyncadd.s32 @!p0 s1  }
0x47b: {  	[bflag:$0x3] =	sbarrier.arrive $0xFFFF  }
0x47c: {  	_ =	shalt  }

</sc_bundles>
